<compile_context>
chip_gen: v7x
topology: tpu7x:2x2x1
jax: 0.10.2.dev20260603
libtpu: 0.0.44.dev20260713+nightly
codegen_flags: <defaults>
</compile_context>

<pallas_src>
import functools

import jax
import jax.numpy as jnp
from jax import lax
from jax.experimental import pallas as pl
from jax.experimental.pallas import tpu as pltpu
from jax.experimental.pallas import tpu_sc as plsc

_CAP = 1_000_000
_DIM = 64
_NW = 32
_RPW = 31248
_CH = 208
_NCH = 150
_TAILMAX = 112
_SCMAX = 31312
_NEG = -3e38


def _sc_scores(keys, qvec):
    mesh = plsc.VectorSubcoreMesh(core_axis_name="c", subcore_axis_name="s")

    @functools.partial(
        pl.kernel,
        mesh=mesh,
        out_type=[
            jax.ShapeDtypeStruct((_NW, 8, 16), jnp.float32),
            jax.ShapeDtypeStruct((_NW, 8, 16), jnp.float32),
            jax.ShapeDtypeStruct((_NW, 8, 16), jnp.int32),
        ],
        scratch_types=[
            pltpu.VMEM((_CH, _DIM), jnp.float32),
            pltpu.VMEM((_CH, _DIM), jnp.float32),
            pltpu.VMEM((_DIM,), jnp.float32),
            pltpu.VMEM((_SCMAX,), jnp.float32),
            pltpu.VMEM((8, 16), jnp.float32),
            pltpu.VMEM((8, 16), jnp.int32),
            pltpu.SemaphoreType.DMA,
            pltpu.SemaphoreType.DMA,
            pltpu.SemaphoreType.DMA,
        ],
        compiler_params=pltpu.CompilerParams(needs_layout_passes=False),
    )
    def sck(keys_hbm, q_hbm, pm_hbm, ps_hbm, pidx_hbm,
            kb0, kb1, qv, scores, st_f, st_i, sem0, sem1, semq):
        cid = lax.axis_index("c")
        sid = lax.axis_index("s")
        wid = sid * 2 + cid
        base = wid * _RPW
        is_last = wid == _NW - 1
        ntail_blk = jnp.where(is_last, 7, 3)
        nblk = jnp.where(is_last, _SCMAX // 16, _RPW // 16)

        pltpu.make_async_copy(q_hbm, qv, semq).start()
        pltpu.make_async_copy(q_hbm, qv, semq).wait()

        def chunk_dma(c, kb, sem):
            return pltpu.make_async_copy(
                keys_hbm.at[pl.ds(base + c * _CH, _CH), :], kb, sem)

        chunk_dma(0, kb0, sem0).start()
        chunk_dma(1, kb1, sem1).start()

        lane = lax.iota(jnp.int32, 16)
        qs = []
        for j in range(_DIM // 16):
            qvj = qv[pl.ds(j * 16, 16)]
            for k in range(16):
                qs.append(qvj[k])

        def compute_chunk(kb, c):
            def blk_body(b, _):
                rowv = b * 16 + lane
                colv = jnp.zeros((16,), jnp.int32)
                acc = jnp.zeros((16,), jnp.float32)
                for d in range(_DIM):
                    kcol = plsc.load_gather(kb, [rowv, colv])
                    acc = acc + kcol * qs[d]
                    if d != _DIM - 1:
                        colv = colv + 1
                scores[pl.ds(c * _CH + b * 16, 16)] = acc
                return 0
            lax.fori_loop(0, _CH // 16, blk_body, 0)

        def pair_body(t, _):
            c0 = t * 2
            chunk_dma(c0, kb0, sem0).wait()
            compute_chunk(kb0, c0)

            @pl.when(c0 + 2 < _NCH)
            def _():
                chunk_dma(c0 + 2, kb0, sem0).start()

            chunk_dma(c0 + 1, kb1, sem1).wait()
            compute_chunk(kb1, c0 + 1)

            @pl.when(c0 + 3 < _NCH)
            def _():
                chunk_dma(c0 + 3, kb1, sem1).start()
            return 0

        lax.fori_loop(0, _NCH // 2, pair_body, 0)

        pltpu.make_async_copy(
            keys_hbm.at[pl.ds(base + _NCH * _CH, _TAILMAX), :],
            kb0.at[pl.ds(0, _TAILMAX), :], sem0).start()
        pltpu.make_async_copy(
            keys_hbm.at[pl.ds(base + _NCH * _CH, _TAILMAX), :],
            kb0.at[pl.ds(0, _TAILMAX), :], sem0).wait()

        def tail_blk(b, _):
            rowv = b * 16 + lane
            colv = jnp.zeros((16,), jnp.int32)
            acc = jnp.zeros((16,), jnp.float32)
            for d in range(_DIM):
                kcol = plsc.load_gather(kb0, [rowv, colv])
                acc = acc + kcol * qs[d]
                if d != _DIM - 1:
                    colv = colv + 1
            scores[pl.ds(_NCH * _CH + b * 16, 16)] = acc
            return 0
        lax.fori_loop(0, ntail_blk, tail_blk, 0)

        def max_body(k, m16):
            return jnp.maximum(m16, scores[pl.ds(k * 16, 16)])
        m16 = lax.fori_loop(0, nblk, max_body, jnp.full((16,), _NEG))
        m = lax.reduce_max_p.bind(m16, axes=(0,))

        big = jnp.int32(2_000_000_000)

        def se_body(k, carry):
            s16, idx16 = carry
            v = scores[pl.ds(k * 16, 16)]
            s16 = s16 + jnp.exp(v - m)
            cand = jnp.where(v >= m, base + k * 16 + lane, big)
            idx16 = jnp.minimum(idx16, cand)
            return (s16, idx16)
        s16, idx16 = lax.fori_loop(
            0, nblk, se_body,
            (jnp.zeros((16,), jnp.float32), jnp.full((16,), big, jnp.int32)))
        s = lax.reduce_sum_p.bind(s16, axes=(0,))
        idx = lax.reduce_min_p.bind(idx16, axes=(0,))

        for j in range(8):
            st_f[j, :] = jnp.full((16,), m, jnp.float32)
        pltpu.sync_copy(st_f, pm_hbm.at[wid])
        for j in range(8):
            st_f[j, :] = jnp.full((16,), s, jnp.float32)
        pltpu.sync_copy(st_f, ps_hbm.at[wid])
        for j in range(8):
            st_i[j, :] = jnp.full((16,), idx, jnp.int32)
        pltpu.sync_copy(st_i, pidx_hbm.at[wid])

    return sck(keys, qvec)


def _comb_body(pm_ref, ps_ref, pidx_ref, idx_out, scale_out):
    pm = pm_ref[...].reshape(_NW * 8, 16)
    ps = ps_ref[...].reshape(_NW * 8, 16)
    pidx = pidx_ref[...].reshape(_NW * 8, 16)
    m = jnp.max(pm, keepdims=True)
    s = jnp.sum(ps * jnp.exp(pm - m), keepdims=True) / 128.0
    big = jnp.int32(2_000_000_000)
    idx = jnp.min(jnp.where(pm >= m, pidx, big), keepdims=True)
    idx_out[...] = jnp.broadcast_to(idx, (1, 16))
    scale_out[...] = 1.0 / s


def _combine(pm, ps, pidx):
    return pl.pallas_call(
        _comb_body,
        out_shape=[
            jax.ShapeDtypeStruct((1, 16), jnp.int32),
            jax.ShapeDtypeStruct((1, 1), jnp.float32),
        ],
    )(pm, ps, pidx)


def _g_body(idx_ref, v_ref, scale_ref, out_ref):
    r = idx_ref[0] % 8
    rows = lax.broadcasted_iota(jnp.int32, (8, _DIM), 0)
    sel = jnp.where(rows == r, v_ref[...], 0.0)
    out_ref[...] = jnp.sum(sel, axis=0, keepdims=True) * scale_ref[0, 0]


def _gather(idx, values, scale):
    grid_spec = pltpu.PrefetchScalarGridSpec(
        num_scalar_prefetch=1,
        grid=(1,),
        in_specs=[
            pl.BlockSpec((8, _DIM), lambda i, idx_ref: (idx_ref[0] // 8, 0)),
            pl.BlockSpec(memory_space=pltpu.SMEM),
        ],
        out_specs=pl.BlockSpec((1, _DIM), lambda i, idx_ref: (0, 0)),
    )
    return pl.pallas_call(
        _g_body,
        grid_spec=grid_spec,
        out_shape=jax.ShapeDtypeStruct((1, _DIM), jnp.float32),
    )(idx, values, scale)


def kernel(query, keys, values):
    pm, ps, pidx = _sc_scores(keys, query)
    idx, scale = _combine(pm, ps, pidx)
    out = _gather(idx.reshape(16), values, scale)
    return out.reshape(_DIM)

# --- scband reference (transcript-rebuilt; emitter-appended) ---
"""Pipeline reference for scband-neural-dictionary-v15-38594576121970 (READ-ONLY COPY).

The authoritative reference and input builder live on the scoring server;
editing this copy changes nothing except your own understanding.
"""

import jax, jax.numpy as jnp
import numpy as np

CAPACITY = 1000000
DIM = 64

def setup_inputs(seed: int = 0) -> dict:
    key = jax.random.key(seed)
    k1, k2, k3 = jax.random.split(key, 3)
    query = jax.random.normal(k1, (DIM,), dtype=jnp.float32)
    keys = jax.random.normal(k2, (CAPACITY, DIM), dtype=jnp.float32)
    values = jax.random.normal(k3, (CAPACITY, DIM), dtype=jnp.float32)
    return {"query": query, "keys": keys, "values": values}

def reference(query, keys, values):
    # attention = keys @ query  -> [capacity]
    attention = jnp.matmul(keys, query)
    attention = jax.nn.softmax(attention, axis=0)
    # keep only the max attention entry (hard winner-take-all), faithful to
    # (attention >= torch.max(attention)) * attention
    attention = (attention >= jnp.max(attention)).astype(attention.dtype) * attention
    out = jnp.matmul(attention, values)
    return out

if __name__ == "__main__":
    import jax
    _d = setup_inputs()
    print(jax.jit(kernel)(*tuple(_d.values())))

</pallas_src>

<mosaic_0001>
#map = affine_map<(d0, d1) -> (0, 0)>
#map1 = affine_map<(d0, d1) -> (0)>
#map2 = affine_map<(d0, d1) -> (0, 0, 0)>
module attributes {stable_mosaic.version = 14 : i64} {
  func.func @sck(%arg0: i32, %arg1: i32, %arg2: memref<1000000x64xf32, #tpu.memory_space<hbm>>, %arg3: memref<64xf32, #tpu.memory_space<hbm>>, %arg4: memref<32x8x16xf32, #tpu.memory_space<hbm>>, %arg5: memref<32x8x16xf32, #tpu.memory_space<hbm>>, %arg6: memref<32x8x16xi32, #tpu.memory_space<hbm>>, %arg7: memref<208x64xf32, #tpu.memory_space<vmem>>, %arg8: memref<208x64xf32, #tpu.memory_space<vmem>>, %arg9: memref<64xf32, #tpu.memory_space<vmem>>, %arg10: memref<31312xf32, #tpu.memory_space<vmem>>, %arg11: memref<8x16xf32, #tpu.memory_space<vmem>>, %arg12: memref<8x16xi32, #tpu.memory_space<vmem>>, %arg13: memref<!tpu.dma_semaphore, #tpu.memory_space<semaphore_mem>>, %arg14: memref<!tpu.dma_semaphore, #tpu.memory_space<semaphore_mem>>, %arg15: memref<!tpu.dma_semaphore, #tpu.memory_space<semaphore_mem>>) attributes {dimension_semantics = [#tpu.dimension_semantics<core_parallel>, #tpu.dimension_semantics<subcore_parallel>], iteration_bounds = array<i64: 2, 16>, scalar_prefetch = 0 : i64, scratch_operands = 9 : i64, tpu.core_type = #tpu.core_type<sc_vector_subcore>, window_params = [{transform_indices = #map}, {transform_indices = #map1}, {transform_indices = #map2}, {transform_indices = #map2}, {transform_indices = #map2}]} {
    %mul3A = arith.constant 2 : i32
    %mul3A_0 = arith.muli %arg1, %mul3A : i32
    %add3A = arith.addi %mul3A_0, %arg0 : i32
    %mul3A_1 = arith.constant 31248 : i32
    %mul3A_2 = arith.muli %add3A, %mul3A_1 : i32
    %eq3A = arith.constant 31 : i32
    %eq3A_3 = arith.cmpi eq, %add3A, %eq3A : i32
    %jit3A = arith.constant 7 : i32
    %jit3A_4 = arith.constant 3 : i32
    %select_n3A = arith.select %eq3A_3, %jit3A, %jit3A_4 : i32
    %jit3A_5 = arith.constant 1957 : i32
    %jit3A_6 = arith.constant 1953 : i32
    %select_n3A_7 = arith.select %eq3A_3, %jit3A_5, %jit3A_6 : i32
    tpu.enqueue_dma source(%arg3 : memref<64xf32, #tpu.memory_space<hbm>>) target(%arg9 : memref<64xf32, #tpu.memory_space<vmem>>) target_semaphore(%arg15 : memref<!tpu.dma_semaphore, #tpu.memory_space<semaphore_mem>>)
    tpu.wait_dma2 semaphore(%arg15 : memref<!tpu.dma_semaphore, #tpu.memory_space<semaphore_mem>>) src(%arg3 : memref<64xf32, #tpu.memory_space<hbm>>) dst(%arg9 : memref<64xf32, #tpu.memory_space<vmem>>)
    %add3A_8 = arith.constant 0 : i32
    %add3A_9 = arith.addi %mul3A_2, %add3A_8 : i32
    %dma_start3A = arith.constant 0 : i32
    %dma_start3A_10 = tpu.memref_slice %arg2[%add3A_9, %dma_start3A] : memref<1000000x64xf32, #tpu.memory_space<hbm>> -> memref<208x64xf32, #tpu.memory_space<hbm>>
    %dma_start3A_11 = arith.constant 0 : i32
    %dma_start3A_12 = tpu.memref_slice %arg2[%add3A_9, %dma_start3A_11] : memref<1000000x64xf32, #tpu.memory_space<hbm>> -> memref<208x64xf32, #tpu.memory_space<hbm>>
    tpu.enqueue_dma source(%dma_start3A_12 : memref<208x64xf32, #tpu.memory_space<hbm>>) target(%arg7 : memref<208x64xf32, #tpu.memory_space<vmem>>) target_semaphore(%arg13 : memref<!tpu.dma_semaphore, #tpu.memory_space<semaphore_mem>>)
    %add3A_13 = arith.constant 208 : i32
    %add3A_14 = arith.addi %mul3A_2, %add3A_13 : i32
    %dma_start3A_15 = arith.constant 0 : i32
    %dma_start3A_16 = tpu.memref_slice %arg2[%add3A_14, %dma_start3A_15] : memref<1000000x64xf32, #tpu.memory_space<hbm>> -> memref<208x64xf32, #tpu.memory_space<hbm>>
    %dma_start3A_17 = arith.constant 0 : i32
    %dma_start3A_18 = tpu.memref_slice %arg2[%add3A_14, %dma_start3A_17] : memref<1000000x64xf32, #tpu.memory_space<hbm>> -> memref<208x64xf32, #tpu.memory_space<hbm>>
    tpu.enqueue_dma source(%dma_start3A_18 : memref<208x64xf32, #tpu.memory_space<hbm>>) target(%arg8 : memref<208x64xf32, #tpu.memory_space<vmem>>) target_semaphore(%arg14 : memref<!tpu.dma_semaphore, #tpu.memory_space<semaphore_mem>>)
    %iota3A = tpu.iota {dimensions = array<i32: 0>} : vector<16xi32>
    %get3A = arith.constant 0 : index
    %get3A_19 = tpu.vector_load %arg9[%get3A] {strides = array<i32>} : memref<64xf32, #tpu.memory_space<vmem>>, vector<16xf32>,
    %slice3A = vector.extract_strided_slice %get3A_19 {offsets = [0], sizes = [1], strides = [1]} : vector<16xf32> to vector<1xf32>
    %squeeze3A = vector.extract %slice3A[0] : f32 from vector<1xf32>
    %slice3A_20 = vector.extract_strided_slice %get3A_19 {offsets = [1], sizes = [1], strides = [1]} : vector<16xf32> to vector<1xf32>
    %squeeze3A_21 = vector.extract %slice3A_20[0] : f32 from vector<1xf32>
    %slice3A_22 = vector.extract_strided_slice %get3A_19 {offsets = [2], sizes = [1], strides = [1]} : vector<16xf32> to vector<1xf32>
    %squeeze3A_23 = vector.extract %slice3A_22[0] : f32 from vector<1xf32>
    %slice3A_24 = vector.extract_strided_slice %get3A_19 {offsets = [3], sizes = [1], strides = [1]} : vector<16xf32> to vector<1xf32>
    %squeeze3A_25 = vector.extract %slice3A_24[0] : f32 from vector<1xf32>
    %slice3A_26 = vector.extract_strided_slice %get3A_19 {offsets = [4], sizes = [1], strides = [1]} : vector<16xf32> to vector<1xf32>
    %squeeze3A_27 = vector.extract %slice3A_26[0] : f32 from vector<1xf32>
    %slice3A_28 = vector.extract_strided_slice %get3A_19 {offsets = [5], sizes = [1], strides = [1]} : vector<16xf32> to vector<1xf32>
    %squeeze3A_29 = vector.extract %slice3A_28[0] : f32 from vector<1xf32>
    %slice3A_30 = vector.extract_strided_slice %get3A_19 {offsets = [6], sizes = [1], strides = [1]} : vector<16xf32> to vector<1xf32>
    %squeeze3A_31 = vector.extract %slice3A_30[0] : f32 from vector<1xf32>
    %slice3A_32 = vector.extract_strided_slice %get3A_19 {offsets = [7], sizes = [1], strides = [1]} : vector<16xf32> to vector<1xf32>
    %squeeze3A_33 = vector.extract %slice3A_32[0] : f32 from vector<1xf32>
    %slice3A_34 = vector.extract_strided_slice %get3A_19 {offsets = [8], sizes = [1], strides = [1]} : vector<16xf32> to vector<1xf32>
    %squeeze3A_35 = vector.extract %slice3A_34[0] : f32 from vector<1xf32>
    %slice3A_36 = vector.extract_strided_slice %get3A_19 {offsets = [9], sizes = [1], strides = [1]} : vector<16xf32> to vector<1xf32>
    %squeeze3A_37 = vector.extract %slice3A_36[0] : f32 from vector<1xf32>
    %slice3A_38 = vector.extract_strided_slice %get3A_19 {offsets = [10], sizes = [1], strides = [1]} : vector<16xf32> to vector<1xf32>
    %squeeze3A_39 = vector.extract %slice3A_38[0] : f32 from vector<1xf32>
    %slice3A_40 = vector.extract_strided_slice %get3A_19 {offsets = [11], sizes = [1], strides = [1]} : vector<16xf32> to vector<1xf32>
    %squeeze3A_41 = vector.extract %slice3A_40[0] : f32 from vector<1xf32>
    %slice3A_42 = vector.extract_strided_slice %get3A_19 {offsets = [12], sizes = [1], strides = [1]} : vector<16xf32> to vector<1xf32>
    %squeeze3A_43 = vector.extract %slice3A_42[0] : f32 from vector<1xf32>
    %slice3A_44 = vector.extract_strided_slice %get3A_19 {offsets = [13], sizes = [1], strides = [1]} : vector<16xf32> to vector<1xf32>
    %squeeze3A_45 = vector.extract %slice3A_44[0] : f32 from vector<1xf32>
    %slice3A_46 = vector.extract_strided_slice %get3A_19 {offsets = [14], sizes = [1], strides = [1]} : vector<16xf32> to vector<1xf32>
    %squeeze3A_47 = vector.extract %slice3A_46[0] : f32 from vector<1xf32>
    %slice3A_48 = vector.extract_strided_slice %get3A_19 {offsets = [15], sizes = [1], strides = [1]} : vector<16xf32> to vector<1xf32>
    %squeeze3A_49 = vector.extract %slice3A_48[0] : f32 from vector<1xf32>
    %get3A_50 = arith.constant 16 : index
    %get3A_51 = tpu.vector_load %arg9[%get3A_50] {strides = array<i32>} : memref<64xf32, #tpu.memory_space<vmem>>, vector<16xf32>,
    %slice3A_52 = vector.extract_strided_slice %get3A_51 {offsets = [0], sizes = [1], strides = [1]} : vector<16xf32> to vector<1xf32>
    %squeeze3A_53 = vector.extract %slice3A_52[0] : f32 from vector<1xf32>
    %slice3A_54 = vector.extract_strided_slice %get3A_51 {offsets = [1], sizes = [1], strides = [1]} : vector<16xf32> to vector<1xf32>
    %squeeze3A_55 = vector.extract %slice3A_54[0] : f32 from vector<1xf32>
    %slice3A_56 = vector.extract_strided_slice %get3A_51 {offsets = [2], sizes = [1], strides = [1]} : vector<16xf32> to vector<1xf32>
    %squeeze3A_57 = vector.extract %slice3A_56[0] : f32 from vector<1xf32>
    %slice3A_58 = vector.extract_strided_slice %get3A_51 {offsets = [3], sizes = [1], strides = [1]} : vector<16xf32> to vector<1xf32>
    %squeeze3A_59 = vector.extract %slice3A_58[0] : f32 from vector<1xf32>
    %slice3A_60 = vector.extract_strided_slice %get3A_51 {offsets = [4], sizes = [1], strides = [1]} : vector<16xf32> to vector<1xf32>
    %squeeze3A_61 = vector.extract %slice3A_60[0] : f32 from vector<1xf32>
    %slice3A_62 = vector.extract_strided_slice %get3A_51 {offsets = [5], sizes = [1], strides = [1]} : vector<16xf32> to vector<1xf32>
    %squeeze3A_63 = vector.extract %slice3A_62[0] : f32 from vector<1xf32>
    %slice3A_64 = vector.extract_strided_slice %get3A_51 {offsets = [6], sizes = [1], strides = [1]} : vector<16xf32> to vector<1xf32>
    %squeeze3A_65 = vector.extract %slice3A_64[0] : f32 from vector<1xf32>
    %slice3A_66 = vector.extract_strided_slice %get3A_51 {offsets = [7], sizes = [1], strides = [1]} : vector<16xf32> to vector<1xf32>
    %squeeze3A_67 = vector.extract %slice3A_66[0] : f32 from vector<1xf32>
    %slice3A_68 = vector.extract_strided_slice %get3A_51 {offsets = [8], sizes = [1], strides = [1]} : vector<16xf32> to vector<1xf32>
    %squeeze3A_69 = vector.extract %slice3A_68[0] : f32 from vector<1xf32>
    %slice3A_70 = vector.extract_strided_slice %get3A_51 {offsets = [9], sizes = [1], strides = [1]} : vector<16xf32> to vector<1xf32>
    %squeeze3A_71 = vector.extract %slice3A_70[0] : f32 from vector<1xf32>
    %slice3A_72 = vector.extract_strided_slice %get3A_51 {offsets = [10], sizes = [1], strides = [1]} : vector<16xf32> to vector<1xf32>
    %squeeze3A_73 = vector.extract %slice3A_72[0] : f32 from vector<1xf32>
    %slice3A_74 = vector.extract_strided_slice %get3A_51 {offsets = [11], sizes = [1], strides = [1]} : vector<16xf32> to vector<1xf32>
    %squeeze3A_75 = vector.extract %slice3A_74[0] : f32 from vector<1xf32>
    %slice3A_76 = vector.extract_strided_slice %get3A_51 {offsets = [12], sizes = [1], strides = [1]} : vector<16xf32> to vector<1xf32>
    %squeeze3A_77 = vector.extract %slice3A_76[0] : f32 from vector<1xf32>
    %slice3A_78 = vector.extract_strided_slice %get3A_51 {offsets = [13], sizes = [1], strides = [1]} : vector<16xf32> to vector<1xf32>
    %squeeze3A_79 = vector.extract %slice3A_78[0] : f32 from vector<1xf32>
    %slice3A_80 = vector.extract_strided_slice %get3A_51 {offsets = [14], sizes = [1], strides = [1]} : vector<16xf32> to vector<1xf32>
    %squeeze3A_81 = vector.extract %slice3A_80[0] : f32 from vector<1xf32>
    %slice3A_82 = vector.extract_strided_slice %get3A_51 {offsets = [15], sizes = [1], strides = [1]} : vector<16xf32> to vector<1xf32>
    %squeeze3A_83 = vector.extract %slice3A_82[0] : f32 from vector<1xf32>
    %get3A_84 = arith.constant 32 : index
    %get3A_85 = tpu.vector_load %arg9[%get3A_84] {strides = array<i32>} : memref<64xf32, #tpu.memory_space<vmem>>, vector<16xf32>,
    %slice3A_86 = vector.extract_strided_slice %get3A_85 {offsets = [0], sizes = [1], strides = [1]} : vector<16xf32> to vector<1xf32>
    %squeeze3A_87 = vector.extract %slice3A_86[0] : f32 from vector<1xf32>
    %slice3A_88 = vector.extract_strided_slice %get3A_85 {offsets = [1], sizes = [1], strides = [1]} : vector<16xf32> to vector<1xf32>
    %squeeze3A_89 = vector.extract %slice3A_88[0] : f32 from vector<1xf32>
    %slice3A_90 = vector.extract_strided_slice %get3A_85 {offsets = [2], sizes = [1], strides = [1]} : vector<16xf32> to vector<1xf32>
    %squeeze3A_91 = vector.extract %slice3A_90[0] : f32 from vector<1xf32>
    %slice3A_92 = vector.extract_strided_slice %get3A_85 {offsets = [3], sizes = [1], strides = [1]} : vector<16xf32> to vector<1xf32>
    %squeeze3A_93 = vector.extract %slice3A_92[0] : f32 from vector<1xf32>
    %slice3A_94 = vector.extract_strided_slice %get3A_85 {offsets = [4], sizes = [1], strides = [1]} : vector<16xf32> to vector<1xf32>
    %squeeze3A_95 = vector.extract %slice3A_94[0] : f32 from vector<1xf32>
    %slice3A_96 = vector.extract_strided_slice %get3A_85 {offsets = [5], sizes = [1], strides = [1]} : vector<16xf32> to vector<1xf32>
    %squeeze3A_97 = vector.extract %slice3A_96[0] : f32 from vector<1xf32>
    %slice3A_98 = vector.extract_strided_slice %get3A_85 {offsets = [6], sizes = [1], strides = [1]} : vector<16xf32> to vector<1xf32>
    %squeeze3A_99 = vector.extract %slice3A_98[0] : f32 from vector<1xf32>
    %slice3A_100 = vector.extract_strided_slice %get3A_85 {offsets = [7], sizes = [1], strides = [1]} : vector<16xf32> to vector<1xf32>
    %squeeze3A_101 = vector.extract %slice3A_100[0] : f32 from vector<1xf32>
    %slice3A_102 = vector.extract_strided_slice %get3A_85 {offsets = [8], sizes = [1], strides = [1]} : vector<16xf32> to vector<1xf32>
    %squeeze3A_103 = vector.extract %slice3A_102[0] : f32 from vector<1xf32>
    %slice3A_104 = vector.extract_strided_slice %get3A_85 {offsets = [9], sizes = [1], strides = [1]} : vector<16xf32> to vector<1xf32>
    %squeeze3A_105 = vector.extract %slice3A_104[0] : f32 from vector<1xf32>
    %slice3A_106 = vector.extract_strided_slice %get3A_85 {offsets = [10], sizes = [1], strides = [1]} : vector<16xf32> to vector<1xf32>
    %squeeze3A_107 = vector.extract %slice3A_106[0] : f32 from vector<1xf32>
    %slice3A_108 = vector.extract_strided_slice %get3A_85 {offsets = [11], sizes = [1], strides = [1]} : vector<16xf32> to vector<1xf32>
    %squeeze3A_109 = vector.extract %slice3A_108[0] : f32 from vector<1xf32>
    %slice3A_110 = vector.extract_strided_slice %get3A_85 {offsets = [12], sizes = [1], strides = [1]} : vector<16xf32> to vector<1xf32>
    %squeeze3A_111 = vector.extract %slice3A_110[0] : f32 from vector<1xf32>
    %slice3A_112 = vector.extract_strided_slice %get3A_85 {offsets = [13], sizes = [1], strides = [1]} : vector<16xf32> to vector<1xf32>
    %squeeze3A_113 = vector.extract %slice3A_112[0] : f32 from vector<1xf32>
    %slice3A_114 = vector.extract_strided_slice %get3A_85 {offsets = [14], sizes = [1], strides = [1]} : vector<16xf32> to vector<1xf32>
    %squeeze3A_115 = vector.extract %slice3A_114[0] : f32 from vector<1xf32>
    %slice3A_116 = vector.extract_strided_slice %get3A_85 {offsets = [15], sizes = [1], strides = [1]} : vector<16xf32> to vector<1xf32>
    %squeeze3A_117 = vector.extract %slice3A_116[0] : f32 from vector<1xf32>
    %get3A_118 = arith.constant 48 : index
    %get3A_119 = tpu.vector_load %arg9[%get3A_118] {strides = array<i32>} : memref<64xf32, #tpu.memory_space<vmem>>, vector<16xf32>,
    %slice3A_120 = vector.extract_strided_slice %get3A_119 {offsets = [0], sizes = [1], strides = [1]} : vector<16xf32> to vector<1xf32>
    %squeeze3A_121 = vector.extract %slice3A_120[0] : f32 from vector<1xf32>
    %slice3A_122 = vector.extract_strided_slice %get3A_119 {offsets = [1], sizes = [1], strides = [1]} : vector<16xf32> to vector<1xf32>
    %squeeze3A_123 = vector.extract %slice3A_122[0] : f32 from vector<1xf32>
    %slice3A_124 = vector.extract_strided_slice %get3A_119 {offsets = [2], sizes = [1], strides = [1]} : vector<16xf32> to vector<1xf32>
    %squeeze3A_125 = vector.extract %slice3A_124[0] : f32 from vector<1xf32>
    %slice3A_126 = vector.extract_strided_slice %get3A_119 {offsets = [3], sizes = [1], strides = [1]} : vector<16xf32> to vector<1xf32>
    %squeeze3A_127 = vector.extract %slice3A_126[0] : f32 from vector<1xf32>
    %slice3A_128 = vector.extract_strided_slice %get3A_119 {offsets = [4], sizes = [1], strides = [1]} : vector<16xf32> to vector<1xf32>
    %squeeze3A_129 = vector.extract %slice3A_128[0] : f32 from vector<1xf32>
    %slice3A_130 = vector.extract_strided_slice %get3A_119 {offsets = [5], sizes = [1], strides = [1]} : vector<16xf32> to vector<1xf32>
    %squeeze3A_131 = vector.extract %slice3A_130[0] : f32 from vector<1xf32>
    %slice3A_132 = vector.extract_strided_slice %get3A_119 {offsets = [6], sizes = [1], strides = [1]} : vector<16xf32> to vector<1xf32>
    %squeeze3A_133 = vector.extract %slice3A_132[0] : f32 from vector<1xf32>
    %slice3A_134 = vector.extract_strided_slice %get3A_119 {offsets = [7], sizes = [1], strides = [1]} : vector<16xf32> to vector<1xf32>
    %squeeze3A_135 = vector.extract %slice3A_134[0] : f32 from vector<1xf32>
    %slice3A_136 = vector.extract_strided_slice %get3A_119 {offsets = [8], sizes = [1], strides = [1]} : vector<16xf32> to vector<1xf32>
    %squeeze3A_137 = vector.extract %slice3A_136[0] : f32 from vector<1xf32>
    %slice3A_138 = vector.extract_strided_slice %get3A_119 {offsets = [9], sizes = [1], strides = [1]} : vector<16xf32> to vector<1xf32>
    %squeeze3A_139 = vector.extract %slice3A_138[0] : f32 from vector<1xf32>
    %slice3A_140 = vector.extract_strided_slice %get3A_119 {offsets = [10], sizes = [1], strides = [1]} : vector<16xf32> to vector<1xf32>
    %squeeze3A_141 = vector.extract %slice3A_140[0] : f32 from vector<1xf32>
    %slice3A_142 = vector.extract_strided_slice %get3A_119 {offsets = [11], sizes = [1], strides = [1]} : vector<16xf32> to vector<1xf32>
    %squeeze3A_143 = vector.extract %slice3A_142[0] : f32 from vector<1xf32>
    %slice3A_144 = vector.extract_strided_slice %get3A_119 {offsets = [12], sizes = [1], strides = [1]} : vector<16xf32> to vector<1xf32>
    %squeeze3A_145 = vector.extract %slice3A_144[0] : f32 from vector<1xf32>
    %slice3A_146 = vector.extract_strided_slice %get3A_119 {offsets = [13], sizes = [1], strides = [1]} : vector<16xf32> to vector<1xf32>
    %squeeze3A_147 = vector.extract %slice3A_146[0] : f32 from vector<1xf32>
    %slice3A_148 = vector.extract_strided_slice %get3A_119 {offsets = [14], sizes = [1], strides = [1]} : vector<16xf32> to vector<1xf32>
    %squeeze3A_149 = vector.extract %slice3A_148[0] : f32 from vector<1xf32>
    %slice3A_150 = vector.extract_strided_slice %get3A_119 {offsets = [15], sizes = [1], strides = [1]} : vector<16xf32> to vector<1xf32>
    %squeeze3A_151 = vector.extract %slice3A_150[0] : f32 from vector<1xf32>
    %scan3A = arith.constant 0 : i32
    %scan3A_152 = arith.constant 0 : i32
    %scan3A_153 = arith.constant 75 : i32
    %scan3A_154 = arith.addi %scan3A_152, %scan3A_153 : i32
    %scan3A_155 = arith.constant 1 : i32
    %scan3A_156 = scf.for %scan3A_352 = %scan3A_152 to %scan3A_154 step %scan3A_155 iter_args(%scan3A_353 = %scan3A) -> (i32)  : i32 {
      %mul3A_354 = arith.constant 2 : i32
      %mul3A_355 = arith.muli %scan3A_352, %mul3A_354 : i32
      %mul3A_356 = arith.constant 208 : i32
      %mul3A_357 = arith.muli %mul3A_355, %mul3A_356 : i32
      %add3A_358 = arith.addi %mul3A_2, %mul3A_357 : i32
      %dma_wait3A_359 = arith.constant 0 : i32
      %dma_wait3A_360 = tpu.memref_slice %arg2[%add3A_358, %dma_wait3A_359] : memref<1000000x64xf32, #tpu.memory_space<hbm>> -> memref<208x64xf32, #tpu.memory_space<hbm>>
      %dma_wait3A_361 = arith.constant 0 : i32
      %dma_wait3A_362 = tpu.memref_slice %arg2[%add3A_358, %dma_wait3A_361] : memref<1000000x64xf32, #tpu.memory_space<hbm>> -> memref<208x64xf32, #tpu.memory_space<hbm>>
      tpu.wait_dma2 semaphore(%arg13 : memref<!tpu.dma_semaphore, #tpu.memory_space<semaphore_mem>>) src(%dma_wait3A_362 : memref<208x64xf32, #tpu.memory_space<hbm>>) dst(%arg7 : memref<208x64xf32, #tpu.memory_space<vmem>>)
      %scan3A_363 = arith.constant 0 : i32
      %scan3A_364 = arith.constant 0 : i32
      %scan3A_365 = arith.constant 13 : i32
      %scan3A_366 = arith.addi %scan3A_364, %scan3A_365 : i32
      %scan3A_367 = arith.constant 1 : i32
      %scan3A_368 = scf.for %scan3A_400 = %scan3A_364 to %scan3A_366 step %scan3A_367 iter_args(%scan3A_401 = %scan3A_363) -> (i32)  : i32 {
        %mul3A_402 = arith.constant 16 : i32
        %mul3A_403 = arith.muli %scan3A_400, %mul3A_402 : i32
        %add3A_404 = vector.broadcast %mul3A_403 : i32 to vector<16xi32>
        %add3A_405 = arith.addi %add3A_404, %iota3A : vector<16xi32>
        %broadcast_in_dim3A_406 = arith.constant 0 : i32
        %broadcast_in_dim3A_407 = vector.broadcast %broadcast_in_dim3A_406 : i32 to vector<16xi32>
        %broadcast_in_dim3A_408 = arith.constant 0.000000e+00 : f32
        %broadcast_in_dim3A_409 = vector.broadcast %broadcast_in_dim3A_408 : f32 to vector<16xf32>
        %gather3A = tpu.vector_load_idx %arg7[%add3A_405, %broadcast_in_dim3A_407] : memref<208x64xf32, #tpu.memory_space<vmem>>[vector<16xi32>, vector<16xi32>], vector<16xf32>,
        %mul3A_410 = vector.broadcast %squeeze3A : f32 to vector<16xf32>
        %mul3A_411 = arith.mulf %gather3A, %mul3A_410 : vector<16xf32>
        %add3A_412 = arith.addf %broadcast_in_dim3A_409, %mul3A_411 : vector<16xf32>
        %add3A_413 = arith.constant 1 : i32
        %add3A_414 = vector.broadcast %add3A_413 : i32 to vector<16xi32>
        %add3A_415 = arith.addi %broadcast_in_dim3A_407, %add3A_414 : vector<16xi32>
        %gather3A_416 = tpu.vector_load_idx %arg7[%add3A_405, %add3A_415] : memref<208x64xf32, #tpu.memory_space<vmem>>[vector<16xi32>, vector<16xi32>], vector<16xf32>,
        %mul3A_417 = vector.broadcast %squeeze3A_21 : f32 to vector<16xf32>
        %mul3A_418 = arith.mulf %gather3A_416, %mul3A_417 : vector<16xf32>
        %add3A_419 = arith.addf %add3A_412, %mul3A_418 : vector<16xf32>
        %add3A_420 = arith.constant 1 : i32
        %add3A_421 = vector.broadcast %add3A_420 : i32 to vector<16xi32>
        %add3A_422 = arith.addi %add3A_415, %add3A_421 : vector<16xi32>
        %gather3A_423 = tpu.vector_load_idx %arg7[%add3A_405, %add3A_422] : memref<208x64xf32, #tpu.memory_space<vmem>>[vector<16xi32>, vector<16xi32>], vector<16xf32>,
        %mul3A_424 = vector.broadcast %squeeze3A_23 : f32 to vector<16xf32>
        %mul3A_425 = arith.mulf %gather3A_423, %mul3A_424 : vector<16xf32>
        %add3A_426 = arith.addf %add3A_419, %mul3A_425 : vector<16xf32>
        %add3A_427 = arith.constant 1 : i32
        %add3A_428 = vector.broadcast %add3A_427 : i32 to vector<16xi32>
        %add3A_429 = arith.addi %add3A_422, %add3A_428 : vector<16xi32>
        %gather3A_430 = tpu.vector_load_idx %arg7[%add3A_405, %add3A_429] : memref<208x64xf32, #tpu.memory_space<vmem>>[vector<16xi32>, vector<16xi32>], vector<16xf32>,
        %mul3A_431 = vector.broadcast %squeeze3A_25 : f32 to vector<16xf32>
        %mul3A_432 = arith.mulf %gather3A_430, %mul3A_431 : vector<16xf32>
        %add3A_433 = arith.addf %add3A_426, %mul3A_432 : vector<16xf32>
        %add3A_434 = arith.constant 1 : i32
        %add3A_435 = vector.broadcast %add3A_434 : i32 to vector<16xi32>
        %add3A_436 = arith.addi %add3A_429, %add3A_435 : vector<16xi32>
        %gather3A_437 = tpu.vector_load_idx %arg7[%add3A_405, %add3A_436] : memref<208x64xf32, #tpu.memory_space<vmem>>[vector<16xi32>, vector<16xi32>], vector<16xf32>,
        %mul3A_438 = vector.broadcast %squeeze3A_27 : f32 to vector<16xf32>
        %mul3A_439 = arith.mulf %gather3A_437, %mul3A_438 : vector<16xf32>
        %add3A_440 = arith.addf %add3A_433, %mul3A_439 : vector<16xf32>
        %add3A_441 = arith.constant 1 : i32
        %add3A_442 = vector.broadcast %add3A_441 : i32 to vector<16xi32>
        %add3A_443 = arith.addi %add3A_436, %add3A_442 : vector<16xi32>
        %gather3A_444 = tpu.vector_load_idx %arg7[%add3A_405, %add3A_443] : memref<208x64xf32, #tpu.memory_space<vmem>>[vector<16xi32>, vector<16xi32>], vector<16xf32>,
        %mul3A_445 = vector.broadcast %squeeze3A_29 : f32 to vector<16xf32>
        %mul3A_446 = arith.mulf %gather3A_444, %mul3A_445 : vector<16xf32>
        %add3A_447 = arith.addf %add3A_440, %mul3A_446 : vector<16xf32>
        %add3A_448 = arith.constant 1 : i32
        %add3A_449 = vector.broadcast %add3A_448 : i32 to vector<16xi32>
        %add3A_450 = arith.addi %add3A_443, %add3A_449 : vector<16xi32>
        %gather3A_451 = tpu.vector_load_idx %arg7[%add3A_405, %add3A_450] : memref<208x64xf32, #tpu.memory_space<vmem>>[vector<16xi32>, vector<16xi32>], vector<16xf32>,
        %mul3A_452 = vector.broadcast %squeeze3A_31 : f32 to vector<16xf32>
        %mul3A_453 = arith.mulf %gather3A_451, %mul3A_452 : vector<16xf32>
        %add3A_454 = arith.addf %add3A_447, %mul3A_453 : vector<16xf32>
        %add3A_455 = arith.constant 1 : i32
        %add3A_456 = vector.broadcast %add3A_455 : i32 to vector<16xi32>
        %add3A_457 = arith.addi %add3A_450, %add3A_456 : vector<16xi32>
        %gather3A_458 = tpu.vector_load_idx %arg7[%add3A_405, %add3A_457] : memref<208x64xf32, #tpu.memory_space<vmem>>[vector<16xi32>, vector<16xi32>], vector<16xf32>,
        %mul3A_459 = vector.broadcast %squeeze3A_33 : f32 to vector<16xf32>
        %mul3A_460 = arith.mulf %gather3A_458, %mul3A_459 : vector<16xf32>
        %add3A_461 = arith.addf %add3A_454, %mul3A_460 : vector<16xf32>
        %add3A_462 = arith.constant 1 : i32
        %add3A_463 = vector.broadcast %add3A_462 : i32 to vector<16xi32>
        %add3A_464 = arith.addi %add3A_457, %add3A_463 : vector<16xi32>
        %gather3A_465 = tpu.vector_load_idx %arg7[%add3A_405, %add3A_464] : memref<208x64xf32, #tpu.memory_space<vmem>>[vector<16xi32>, vector<16xi32>], vector<16xf32>,
        %mul3A_466 = vector.broadcast %squeeze3A_35 : f32 to vector<16xf32>
        %mul3A_467 = arith.mulf %gather3A_465, %mul3A_466 : vector<16xf32>
        %add3A_468 = arith.addf %add3A_461, %mul3A_467 : vector<16xf32>
        %add3A_469 = arith.constant 1 : i32
        %add3A_470 = vector.broadcast %add3A_469 : i32 to vector<16xi32>
        %add3A_471 = arith.addi %add3A_464, %add3A_470 : vector<16xi32>
        %gather3A_472 = tpu.vector_load_idx %arg7[%add3A_405, %add3A_471] : memref<208x64xf32, #tpu.memory_space<vmem>>[vector<16xi32>, vector<16xi32>], vector<16xf32>,
        %mul3A_473 = vector.broadcast %squeeze3A_37 : f32 to vector<16xf32>
        %mul3A_474 = arith.mulf %gather3A_472, %mul3A_473 : vector<16xf32>
        %add3A_475 = arith.addf %add3A_468, %mul3A_474 : vector<16xf32>
        %add3A_476 = arith.constant 1 : i32
        %add3A_477 = vector.broadcast %add3A_476 : i32 to vector<16xi32>
        %add3A_478 = arith.addi %add3A_471, %add3A_477 : vector<16xi32>
        %gather3A_479 = tpu.vector_load_idx %arg7[%add3A_405, %add3A_478] : memref<208x64xf32, #tpu.memory_space<vmem>>[vector<16xi32>, vector<16xi32>], vector<16xf32>,
        %mul3A_480 = vector.broadcast %squeeze3A_39 : f32 to vector<16xf32>
        %mul3A_481 = arith.mulf %gather3A_479, %mul3A_480 : vector<16xf32>
        %add3A_482 = arith.addf %add3A_475, %mul3A_481 : vector<16xf32>
        %add3A_483 = arith.constant 1 : i32
        %add3A_484 = vector.broadcast %add3A_483 : i32 to vector<16xi32>
        %add3A_485 = arith.addi %add3A_478, %add3A_484 : vector<16xi32>
        %gather3A_486 = tpu.vector_load_idx %arg7[%add3A_405, %add3A_485] : memref<208x64xf32, #tpu.memory_space<vmem>>[vector<16xi32>, vector<16xi32>], vector<16xf32>,
        %mul3A_487 = vector.broadcast %squeeze3A_41 : f32 to vector<16xf32>
        %mul3A_488 = arith.mulf %gather3A_486, %mul3A_487 : vector<16xf32>
        %add3A_489 = arith.addf %add3A_482, %mul3A_488 : vector<16xf32>
        %add3A_490 = arith.constant 1 : i32
        %add3A_491 = vector.broadcast %add3A_490 : i32 to vector<16xi32>
        %add3A_492 = arith.addi %add3A_485, %add3A_491 : vector<16xi32>
        %gather3A_493 = tpu.vector_load_idx %arg7[%add3A_405, %add3A_492] : memref<208x64xf32, #tpu.memory_space<vmem>>[vector<16xi32>, vector<16xi32>], vector<16xf32>,
        %mul3A_494 = vector.broadcast %squeeze3A_43 : f32 to vector<16xf32>
        %mul3A_495 = arith.mulf %gather3A_493, %mul3A_494 : vector<16xf32>
        %add3A_496 = arith.addf %add3A_489, %mul3A_495 : vector<16xf32>
        %add3A_497 = arith.constant 1 : i32
        %add3A_498 = vector.broadcast %add3A_497 : i32 to vector<16xi32>
        %add3A_499 = arith.addi %add3A_492, %add3A_498 : vector<16xi32>
        %gather3A_500 = tpu.vector_load_idx %arg7[%add3A_405, %add3A_499] : memref<208x64xf32, #tpu.memory_space<vmem>>[vector<16xi32>, vector<16xi32>], vector<16xf32>,
        %mul3A_501 = vector.broadcast %squeeze3A_45 : f32 to vector<16xf32>
        %mul3A_502 = arith.mulf %gather3A_500, %mul3A_501 : vector<16xf32>
        %add3A_503 = arith.addf %add3A_496, %mul3A_502 : vector<16xf32>
        %add3A_504 = arith.constant 1 : i32
        %add3A_505 = vector.broadcast %add3A_504 : i32 to vector<16xi32>
        %add3A_506 = arith.addi %add3A_499, %add3A_505 : vector<16xi32>
        %gather3A_507 = tpu.vector_load_idx %arg7[%add3A_405, %add3A_506] : memref<208x64xf32, #tpu.memory_space<vmem>>[vector<16xi32>, vector<16xi32>], vector<16xf32>,
        %mul3A_508 = vector.broadcast %squeeze3A_47 : f32 to vector<16xf32>
        %mul3A_509 = arith.mulf %gather3A_507, %mul3A_508 : vector<16xf32>
        %add3A_510 = arith.addf %add3A_503, %mul3A_509 : vector<16xf32>
        %add3A_511 = arith.constant 1 : i32
        %add3A_512 = vector.broadcast %add3A_511 : i32 to vector<16xi32>
        %add3A_513 = arith.addi %add3A_506, %add3A_512 : vector<16xi32>
        %gather3A_514 = tpu.vector_load_idx %arg7[%add3A_405, %add3A_513] : memref<208x64xf32, #tpu.memory_space<vmem>>[vector<16xi32>, vector<16xi32>], vector<16xf32>,
        %mul3A_515 = vector.broadcast %squeeze3A_49 : f32 to vector<16xf32>
        %mul3A_516 = arith.mulf %gather3A_514, %mul3A_515 : vector<16xf32>
        %add3A_517 = arith.addf %add3A_510, %mul3A_516 : vector<16xf32>
        %add3A_518 = arith.constant 1 : i32
        %add3A_519 = vector.broadcast %add3A_518 : i32 to vector<16xi32>
        %add3A_520 = arith.addi %add3A_513, %add3A_519 : vector<16xi32>
        %gather3A_521 = tpu.vector_load_idx %arg7[%add3A_405, %add3A_520] : memref<208x64xf32, #tpu.memory_space<vmem>>[vector<16xi32>, vector<16xi32>], vector<16xf32>,
        %mul3A_522 = vector.broadcast %squeeze3A_53 : f32 to vector<16xf32>
        %mul3A_523 = arith.mulf %gather3A_521, %mul3A_522 : vector<16xf32>
        %add3A_524 = arith.addf %add3A_517, %mul3A_523 : vector<16xf32>
        %add3A_525 = arith.constant 1 : i32
        %add3A_526 = vector.broadcast %add3A_525 : i32 to vector<16xi32>
        %add3A_527 = arith.addi %add3A_520, %add3A_526 : vector<16xi32>
        %gather3A_528 = tpu.vector_load_idx %arg7[%add3A_405, %add3A_527] : memref<208x64xf32, #tpu.memory_space<vmem>>[vector<16xi32>, vector<16xi32>], vector<16xf32>,
        %mul3A_529 = vector.broadcast %squeeze3A_55 : f32 to vector<16xf32>
        %mul3A_530 = arith.mulf %gather3A_528, %mul3A_529 : vector<16xf32>
        %add3A_531 = arith.addf %add3A_524, %mul3A_530 : vector<16xf32>
        %add3A_532 = arith.constant 1 : i32
        %add3A_533 = vector.broadcast %add3A_532 : i32 to vector<16xi32>
        %add3A_534 = arith.addi %add3A_527, %add3A_533 : vector<16xi32>
        %gather3A_535 = tpu.vector_load_idx %arg7[%add3A_405, %add3A_534] : memref<208x64xf32, #tpu.memory_space<vmem>>[vector<16xi32>, vector<16xi32>], vector<16xf32>,
        %mul3A_536 = vector.broadcast %squeeze3A_57 : f32 to vector<16xf32>
        %mul3A_537 = arith.mulf %gather3A_535, %mul3A_536 : vector<16xf32>
        %add3A_538 = arith.addf %add3A_531, %mul3A_537 : vector<16xf32>
        %add3A_539 = arith.constant 1 : i32
        %add3A_540 = vector.broadcast %add3A_539 : i32 to vector<16xi32>
        %add3A_541 = arith.addi %add3A_534, %add3A_540 : vector<16xi32>
        %gather3A_542 = tpu.vector_load_idx %arg7[%add3A_405, %add3A_541] : memref<208x64xf32, #tpu.memory_space<vmem>>[vector<16xi32>, vector<16xi32>], vector<16xf32>,
        %mul3A_543 = vector.broadcast %squeeze3A_59 : f32 to vector<16xf32>
        %mul3A_544 = arith.mulf %gather3A_542, %mul3A_543 : vector<16xf32>
        %add3A_545 = arith.addf %add3A_538, %mul3A_544 : vector<16xf32>
        %add3A_546 = arith.constant 1 : i32
        %add3A_547 = vector.broadcast %add3A_546 : i32 to vector<16xi32>
        %add3A_548 = arith.addi %add3A_541, %add3A_547 : vector<16xi32>
        %gather3A_549 = tpu.vector_load_idx %arg7[%add3A_405, %add3A_548] : memref<208x64xf32, #tpu.memory_space<vmem>>[vector<16xi32>, vector<16xi32>], vector<16xf32>,
        %mul3A_550 = vector.broadcast %squeeze3A_61 : f32 to vector<16xf32>
        %mul3A_551 = arith.mulf %gather3A_549, %mul3A_550 : vector<16xf32>
        %add3A_552 = arith.addf %add3A_545, %mul3A_551 : vector<16xf32>
        %add3A_553 = arith.constant 1 : i32
        %add3A_554 = vector.broadcast %add3A_553 : i32 to vector<16xi32>
        %add3A_555 = arith.addi %add3A_548, %add3A_554 : vector<16xi32>
        %gather3A_556 = tpu.vector_load_idx %arg7[%add3A_405, %add3A_555] : memref<208x64xf32, #tpu.memory_space<vmem>>[vector<16xi32>, vector<16xi32>], vector<16xf32>,
        %mul3A_557 = vector.broadcast %squeeze3A_63 : f32 to vector<16xf32>
        %mul3A_558 = arith.mulf %gather3A_556, %mul3A_557 : vector<16xf32>
        %add3A_559 = arith.addf %add3A_552, %mul3A_558 : vector<16xf32>
        %add3A_560 = arith.constant 1 : i32
        %add3A_561 = vector.broadcast %add3A_560 : i32 to vector<16xi32>
        %add3A_562 = arith.addi %add3A_555, %add3A_561 : vector<16xi32>
        %gather3A_563 = tpu.vector_load_idx %arg7[%add3A_405, %add3A_562] : memref<208x64xf32, #tpu.memory_space<vmem>>[vector<16xi32>, vector<16xi32>], vector<16xf32>,
        %mul3A_564 = vector.broadcast %squeeze3A_65 : f32 to vector<16xf32>
        %mul3A_565 = arith.mulf %gather3A_563, %mul3A_564 : vector<16xf32>
        %add3A_566 = arith.addf %add3A_559, %mul3A_565 : vector<16xf32>
        %add3A_567 = arith.constant 1 : i32
        %add3A_568 = vector.broadcast %add3A_567 : i32 to vector<16xi32>
        %add3A_569 = arith.addi %add3A_562, %add3A_568 : vector<16xi32>
        %gather3A_570 = tpu.vector_load_idx %arg7[%add3A_405, %add3A_569] : memref<208x64xf32, #tpu.memory_space<vmem>>[vector<16xi32>, vector<16xi32>], vector<16xf32>,
        %mul3A_571 = vector.broadcast %squeeze3A_67 : f32 to vector<16xf32>
        %mul3A_572 = arith.mulf %gather3A_570, %mul3A_571 : vector<16xf32>
        %add3A_573 = arith.addf %add3A_566, %mul3A_572 : vector<16xf32>
        %add3A_574 = arith.constant 1 : i32
        %add3A_575 = vector.broadcast %add3A_574 : i32 to vector<16xi32>
        %add3A_576 = arith.addi %add3A_569, %add3A_575 : vector<16xi32>
        %gather3A_577 = tpu.vector_load_idx %arg7[%add3A_405, %add3A_576] : memref<208x64xf32, #tpu.memory_space<vmem>>[vector<16xi32>, vector<16xi32>], vector<16xf32>,
        %mul3A_578 = vector.broadcast %squeeze3A_69 : f32 to vector<16xf32>
        %mul3A_579 = arith.mulf %gather3A_577, %mul3A_578 : vector<16xf32>
        %add3A_580 = arith.addf %add3A_573, %mul3A_579 : vector<16xf32>
        %add3A_581 = arith.constant 1 : i32
        %add3A_582 = vector.broadcast %add3A_581 : i32 to vector<16xi32>
        %add3A_583 = arith.addi %add3A_576, %add3A_582 : vector<16xi32>
        %gather3A_584 = tpu.vector_load_idx %arg7[%add3A_405, %add3A_583] : memref<208x64xf32, #tpu.memory_space<vmem>>[vector<16xi32>, vector<16xi32>], vector<16xf32>,
        %mul3A_585 = vector.broadcast %squeeze3A_71 : f32 to vector<16xf32>
        %mul3A_586 = arith.mulf %gather3A_584, %mul3A_585 : vector<16xf32>
        %add3A_587 = arith.addf %add3A_580, %mul3A_586 : vector<16xf32>
        %add3A_588 = arith.constant 1 : i32
        %add3A_589 = vector.broadcast %add3A_588 : i32 to vector<16xi32>
        %add3A_590 = arith.addi %add3A_583, %add3A_589 : vector<16xi32>
        %gather3A_591 = tpu.vector_load_idx %arg7[%add3A_405, %add3A_590] : memref<208x64xf32, #tpu.memory_space<vmem>>[vector<16xi32>, vector<16xi32>], vector<16xf32>,
        %mul3A_592 = vector.broadcast %squeeze3A_73 : f32 to vector<16xf32>
        %mul3A_593 = arith.mulf %gather3A_591, %mul3A_592 : vector<16xf32>
        %add3A_594 = arith.addf %add3A_587, %mul3A_593 : vector<16xf32>
        %add3A_595 = arith.constant 1 : i32
        %add3A_596 = vector.broadcast %add3A_595 : i32 to vector<16xi32>
        %add3A_597 = arith.addi %add3A_590, %add3A_596 : vector<16xi32>
        %gather3A_598 = tpu.vector_load_idx %arg7[%add3A_405, %add3A_597] : memref<208x64xf32, #tpu.memory_space<vmem>>[vector<16xi32>, vector<16xi32>], vector<16xf32>,
        %mul3A_599 = vector.broadcast %squeeze3A_75 : f32 to vector<16xf32>
        %mul3A_600 = arith.mulf %gather3A_598, %mul3A_599 : vector<16xf32>
        %add3A_601 = arith.addf %add3A_594, %mul3A_600 : vector<16xf32>
        %add3A_602 = arith.constant 1 : i32
        %add3A_603 = vector.broadcast %add3A_602 : i32 to vector<16xi32>
        %add3A_604 = arith.addi %add3A_597, %add3A_603 : vector<16xi32>
        %gather3A_605 = tpu.vector_load_idx %arg7[%add3A_405, %add3A_604] : memref<208x64xf32, #tpu.memory_space<vmem>>[vector<16xi32>, vector<16xi32>], vector<16xf32>,
        %mul3A_606 = vector.broadcast %squeeze3A_77 : f32 to vector<16xf32>
        %mul3A_607 = arith.mulf %gather3A_605, %mul3A_606 : vector<16xf32>
        %add3A_608 = arith.addf %add3A_601, %mul3A_607 : vector<16xf32>
        %add3A_609 = arith.constant 1 : i32
        %add3A_610 = vector.broadcast %add3A_609 : i32 to vector<16xi32>
        %add3A_611 = arith.addi %add3A_604, %add3A_610 : vector<16xi32>
        %gather3A_612 = tpu.vector_load_idx %arg7[%add3A_405, %add3A_611] : memref<208x64xf32, #tpu.memory_space<vmem>>[vector<16xi32>, vector<16xi32>], vector<16xf32>,
        %mul3A_613 = vector.broadcast %squeeze3A_79 : f32 to vector<16xf32>
        %mul3A_614 = arith.mulf %gather3A_612, %mul3A_613 : vector<16xf32>
        %add3A_615 = arith.addf %add3A_608, %mul3A_614 : vector<16xf32>
        %add3A_616 = arith.constant 1 : i32
        %add3A_617 = vector.broadcast %add3A_616 : i32 to vector<16xi32>
        %add3A_618 = arith.addi %add3A_611, %add3A_617 : vector<16xi32>
        %gather3A_619 = tpu.vector_load_idx %arg7[%add3A_405, %add3A_618] : memref<208x64xf32, #tpu.memory_space<vmem>>[vector<16xi32>, vector<16xi32>], vector<16xf32>,
        %mul3A_620 = vector.broadcast %squeeze3A_81 : f32 to vector<16xf32>
        %mul3A_621 = arith.mulf %gather3A_619, %mul3A_620 : vector<16xf32>
        %add3A_622 = arith.addf %add3A_615, %mul3A_621 : vector<16xf32>
        %add3A_623 = arith.constant 1 : i32
        %add3A_624 = vector.broadcast %add3A_623 : i32 to vector<16xi32>
        %add3A_625 = arith.addi %add3A_618, %add3A_624 : vector<16xi32>
        %gather3A_626 = tpu.vector_load_idx %arg7[%add3A_405, %add3A_625] : memref<208x64xf32, #tpu.memory_space<vmem>>[vector<16xi32>, vector<16xi32>], vector<16xf32>,
        %mul3A_627 = vector.broadcast %squeeze3A_83 : f32 to vector<16xf32>
        %mul3A_628 = arith.mulf %gather3A_626, %mul3A_627 : vector<16xf32>
        %add3A_629 = arith.addf %add3A_622, %mul3A_628 : vector<16xf32>
        %add3A_630 = arith.constant 1 : i32
        %add3A_631 = vector.broadcast %add3A_630 : i32 to vector<16xi32>
        %add3A_632 = arith.addi %add3A_625, %add3A_631 : vector<16xi32>
        %gather3A_633 = tpu.vector_load_idx %arg7[%add3A_405, %add3A_632] : memref<208x64xf32, #tpu.memory_space<vmem>>[vector<16xi32>, vector<16xi32>], vector<16xf32>,
        %mul3A_634 = vector.broadcast %squeeze3A_87 : f32 to vector<16xf32>
        %mul3A_635 = arith.mulf %gather3A_633, %mul3A_634 : vector<16xf32>
        %add3A_636 = arith.addf %add3A_629, %mul3A_635 : vector<16xf32>
        %add3A_637 = arith.constant 1 : i32
        %add3A_638 = vector.broadcast %add3A_637 : i32 to vector<16xi32>
        %add3A_639 = arith.addi %add3A_632, %add3A_638 : vector<16xi32>
        %gather3A_640 = tpu.vector_load_idx %arg7[%add3A_405, %add3A_639] : memref<208x64xf32, #tpu.memory_space<vmem>>[vector<16xi32>, vector<16xi32>], vector<16xf32>,
        %mul3A_641 = vector.broadcast %squeeze3A_89 : f32 to vector<16xf32>
        %mul3A_642 = arith.mulf %gather3A_640, %mul3A_641 : vector<16xf32>
        %add3A_643 = arith.addf %add3A_636, %mul3A_642 : vector<16xf32>
        %add3A_644 = arith.constant 1 : i32
        %add3A_645 = vector.broadcast %add3A_644 : i32 to vector<16xi32>
        %add3A_646 = arith.addi %add3A_639, %add3A_645 : vector<16xi32>
        %gather3A_647 = tpu.vector_load_idx %arg7[%add3A_405, %add3A_646] : memref<208x64xf32, #tpu.memory_space<vmem>>[vector<16xi32>, vector<16xi32>], vector<16xf32>,
        %mul3A_648 = vector.broadcast %squeeze3A_91 : f32 to vector<16xf32>
        %mul3A_649 = arith.mulf %gather3A_647, %mul3A_648 : vector<16xf32>
        %add3A_650 = arith.addf %add3A_643, %mul3A_649 : vector<16xf32>
        %add3A_651 = arith.constant 1 : i32
        %add3A_652 = vector.broadcast %add3A_651 : i32 to vector<16xi32>
        %add3A_653 = arith.addi %add3A_646, %add3A_652 : vector<16xi32>
        %gather3A_654 = tpu.vector_load_idx %arg7[%add3A_405, %add3A_653] : memref<208x64xf32, #tpu.memory_space<vmem>>[vector<16xi32>, vector<16xi32>], vector<16xf32>,
        %mul3A_655 = vector.broadcast %squeeze3A_93 : f32 to vector<16xf32>
        %mul3A_656 = arith.mulf %gather3A_654, %mul3A_655 : vector<16xf32>
        %add3A_657 = arith.addf %add3A_650, %mul3A_656 : vector<16xf32>
        %add3A_658 = arith.constant 1 : i32
        %add3A_659 = vector.broadcast %add3A_658 : i32 to vector<16xi32>
        %add3A_660 = arith.addi %add3A_653, %add3A_659 : vector<16xi32>
        %gather3A_661 = tpu.vector_load_idx %arg7[%add3A_405, %add3A_660] : memref<208x64xf32, #tpu.memory_space<vmem>>[vector<16xi32>, vector<16xi32>], vector<16xf32>,
        %mul3A_662 = vector.broadcast %squeeze3A_95 : f32 to vector<16xf32>
        %mul3A_663 = arith.mulf %gather3A_661, %mul3A_662 : vector<16xf32>
        %add3A_664 = arith.addf %add3A_657, %mul3A_663 : vector<16xf32>
        %add3A_665 = arith.constant 1 : i32
        %add3A_666 = vector.broadcast %add3A_665 : i32 to vector<16xi32>
        %add3A_667 = arith.addi %add3A_660, %add3A_666 : vector<16xi32>
        %gather3A_668 = tpu.vector_load_idx %arg7[%add3A_405, %add3A_667] : memref<208x64xf32, #tpu.memory_space<vmem>>[vector<16xi32>, vector<16xi32>], vector<16xf32>,
        %mul3A_669 = vector.broadcast %squeeze3A_97 : f32 to vector<16xf32>
        %mul3A_670 = arith.mulf %gather3A_668, %mul3A_669 : vector<16xf32>
        %add3A_671 = arith.addf %add3A_664, %mul3A_670 : vector<16xf32>
        %add3A_672 = arith.constant 1 : i32
        %add3A_673 = vector.broadcast %add3A_672 : i32 to vector<16xi32>
        %add3A_674 = arith.addi %add3A_667, %add3A_673 : vector<16xi32>
        %gather3A_675 = tpu.vector_load_idx %arg7[%add3A_405, %add3A_674] : memref<208x64xf32, #tpu.memory_space<vmem>>[vector<16xi32>, vector<16xi32>], vector<16xf32>,
        %mul3A_676 = vector.broadcast %squeeze3A_99 : f32 to vector<16xf32>
        %mul3A_677 = arith.mulf %gather3A_675, %mul3A_676 : vector<16xf32>
        %add3A_678 = arith.addf %add3A_671, %mul3A_677 : vector<16xf32>
        %add3A_679 = arith.constant 1 : i32
        %add3A_680 = vector.broadcast %add3A_679 : i32 to vector<16xi32>
        %add3A_681 = arith.addi %add3A_674, %add3A_680 : vector<16xi32>
        %gather3A_682 = tpu.vector_load_idx %arg7[%add3A_405, %add3A_681] : memref<208x64xf32, #tpu.memory_space<vmem>>[vector<16xi32>, vector<16xi32>], vector<16xf32>,
        %mul3A_683 = vector.broadcast %squeeze3A_101 : f32 to vector<16xf32>
        %mul3A_684 = arith.mulf %gather3A_682, %mul3A_683 : vector<16xf32>
        %add3A_685 = arith.addf %add3A_678, %mul3A_684 : vector<16xf32>
        %add3A_686 = arith.constant 1 : i32
        %add3A_687 = vector.broadcast %add3A_686 : i32 to vector<16xi32>
        %add3A_688 = arith.addi %add3A_681, %add3A_687 : vector<16xi32>
        %gather3A_689 = tpu.vector_load_idx %arg7[%add3A_405, %add3A_688] : memref<208x64xf32, #tpu.memory_space<vmem>>[vector<16xi32>, vector<16xi32>], vector<16xf32>,
        %mul3A_690 = vector.broadcast %squeeze3A_103 : f32 to vector<16xf32>
        %mul3A_691 = arith.mulf %gather3A_689, %mul3A_690 : vector<16xf32>
        %add3A_692 = arith.addf %add3A_685, %mul3A_691 : vector<16xf32>
        %add3A_693 = arith.constant 1 : i32
        %add3A_694 = vector.broadcast %add3A_693 : i32 to vector<16xi32>
        %add3A_695 = arith.addi %add3A_688, %add3A_694 : vector<16xi32>
        %gather3A_696 = tpu.vector_load_idx %arg7[%add3A_405, %add3A_695] : memref<208x64xf32, #tpu.memory_space<vmem>>[vector<16xi32>, vector<16xi32>], vector<16xf32>,
        %mul3A_697 = vector.broadcast %squeeze3A_105 : f32 to vector<16xf32>
        %mul3A_698 = arith.mulf %gather3A_696, %mul3A_697 : vector<16xf32>
        %add3A_699 = arith.addf %add3A_692, %mul3A_698 : vector<16xf32>
        %add3A_700 = arith.constant 1 : i32
        %add3A_701 = vector.broadcast %add3A_700 : i32 to vector<16xi32>
        %add3A_702 = arith.addi %add3A_695, %add3A_701 : vector<16xi32>
        %gather3A_703 = tpu.vector_load_idx %arg7[%add3A_405, %add3A_702] : memref<208x64xf32, #tpu.memory_space<vmem>>[vector<16xi32>, vector<16xi32>], vector<16xf32>,
        %mul3A_704 = vector.broadcast %squeeze3A_107 : f32 to vector<16xf32>
        %mul3A_705 = arith.mulf %gather3A_703, %mul3A_704 : vector<16xf32>
        %add3A_706 = arith.addf %add3A_699, %mul3A_705 : vector<16xf32>
        %add3A_707 = arith.constant 1 : i32
        %add3A_708 = vector.broadcast %add3A_707 : i32 to vector<16xi32>
        %add3A_709 = arith.addi %add3A_702, %add3A_708 : vector<16xi32>
        %gather3A_710 = tpu.vector_load_idx %arg7[%add3A_405, %add3A_709] : memref<208x64xf32, #tpu.memory_space<vmem>>[vector<16xi32>, vector<16xi32>], vector<16xf32>,
        %mul3A_711 = vector.broadcast %squeeze3A_109 : f32 to vector<16xf32>
        %mul3A_712 = arith.mulf %gather3A_710, %mul3A_711 : vector<16xf32>
        %add3A_713 = arith.addf %add3A_706, %mul3A_712 : vector<16xf32>
        %add3A_714 = arith.constant 1 : i32
        %add3A_715 = vector.broadcast %add3A_714 : i32 to vector<16xi32>
        %add3A_716 = arith.addi %add3A_709, %add3A_715 : vector<16xi32>
        %gather3A_717 = tpu.vector_load_idx %arg7[%add3A_405, %add3A_716] : memref<208x64xf32, #tpu.memory_space<vmem>>[vector<16xi32>, vector<16xi32>], vector<16xf32>,
        %mul3A_718 = vector.broadcast %squeeze3A_111 : f32 to vector<16xf32>
        %mul3A_719 = arith.mulf %gather3A_717, %mul3A_718 : vector<16xf32>
        %add3A_720 = arith.addf %add3A_713, %mul3A_719 : vector<16xf32>
        %add3A_721 = arith.constant 1 : i32
        %add3A_722 = vector.broadcast %add3A_721 : i32 to vector<16xi32>
        %add3A_723 = arith.addi %add3A_716, %add3A_722 : vector<16xi32>
        %gather3A_724 = tpu.vector_load_idx %arg7[%add3A_405, %add3A_723] : memref<208x64xf32, #tpu.memory_space<vmem>>[vector<16xi32>, vector<16xi32>], vector<16xf32>,
        %mul3A_725 = vector.broadcast %squeeze3A_113 : f32 to vector<16xf32>
        %mul3A_726 = arith.mulf %gather3A_724, %mul3A_725 : vector<16xf32>
        %add3A_727 = arith.addf %add3A_720, %mul3A_726 : vector<16xf32>
        %add3A_728 = arith.constant 1 : i32
        %add3A_729 = vector.broadcast %add3A_728 : i32 to vector<16xi32>
        %add3A_730 = arith.addi %add3A_723, %add3A_729 : vector<16xi32>
        %gather3A_731 = tpu.vector_load_idx %arg7[%add3A_405, %add3A_730] : memref<208x64xf32, #tpu.memory_space<vmem>>[vector<16xi32>, vector<16xi32>], vector<16xf32>,
        %mul3A_732 = vector.broadcast %squeeze3A_115 : f32 to vector<16xf32>
        %mul3A_733 = arith.mulf %gather3A_731, %mul3A_732 : vector<16xf32>
        %add3A_734 = arith.addf %add3A_727, %mul3A_733 : vector<16xf32>
        %add3A_735 = arith.constant 1 : i32
        %add3A_736 = vector.broadcast %add3A_735 : i32 to vector<16xi32>
        %add3A_737 = arith.addi %add3A_730, %add3A_736 : vector<16xi32>
        %gather3A_738 = tpu.vector_load_idx %arg7[%add3A_405, %add3A_737] : memref<208x64xf32, #tpu.memory_space<vmem>>[vector<16xi32>, vector<16xi32>], vector<16xf32>,
        %mul3A_739 = vector.broadcast %squeeze3A_117 : f32 to vector<16xf32>
        %mul3A_740 = arith.mulf %gather3A_738, %mul3A_739 : vector<16xf32>
        %add3A_741 = arith.addf %add3A_734, %mul3A_740 : vector<16xf32>
        %add3A_742 = arith.constant 1 : i32
        %add3A_743 = vector.broadcast %add3A_742 : i32 to vector<16xi32>
        %add3A_744 = arith.addi %add3A_737, %add3A_743 : vector<16xi32>
        %gather3A_745 = tpu.vector_load_idx %arg7[%add3A_405, %add3A_744] : memref<208x64xf32, #tpu.memory_space<vmem>>[vector<16xi32>, vector<16xi32>], vector<16xf32>,
        %mul3A_746 = vector.broadcast %squeeze3A_121 : f32 to vector<16xf32>
        %mul3A_747 = arith.mulf %gather3A_745, %mul3A_746 : vector<16xf32>
        %add3A_748 = arith.addf %add3A_741, %mul3A_747 : vector<16xf32>
        %add3A_749 = arith.constant 1 : i32
        %add3A_750 = vector.broadcast %add3A_749 : i32 to vector<16xi32>
        %add3A_751 = arith.addi %add3A_744, %add3A_750 : vector<16xi32>
        %gather3A_752 = tpu.vector_load_idx %arg7[%add3A_405, %add3A_751] : memref<208x64xf32, #tpu.memory_space<vmem>>[vector<16xi32>, vector<16xi32>], vector<16xf32>,
        %mul3A_753 = vector.broadcast %squeeze3A_123 : f32 to vector<16xf32>
        %mul3A_754 = arith.mulf %gather3A_752, %mul3A_753 : vector<16xf32>
        %add3A_755 = arith.addf %add3A_748, %mul3A_754 : vector<16xf32>
        %add3A_756 = arith.constant 1 : i32
        %add3A_757 = vector.broadcast %add3A_756 : i32 to vector<16xi32>
        %add3A_758 = arith.addi %add3A_751, %add3A_757 : vector<16xi32>
        %gather3A_759 = tpu.vector_load_idx %arg7[%add3A_405, %add3A_758] : memref<208x64xf32, #tpu.memory_space<vmem>>[vector<16xi32>, vector<16xi32>], vector<16xf32>,
        %mul3A_760 = vector.broadcast %squeeze3A_125 : f32 to vector<16xf32>
        %mul3A_761 = arith.mulf %gather3A_759, %mul3A_760 : vector<16xf32>
        %add3A_762 = arith.addf %add3A_755, %mul3A_761 : vector<16xf32>
        %add3A_763 = arith.constant 1 : i32
        %add3A_764 = vector.broadcast %add3A_763 : i32 to vector<16xi32>
        %add3A_765 = arith.addi %add3A_758, %add3A_764 : vector<16xi32>
        %gather3A_766 = tpu.vector_load_idx %arg7[%add3A_405, %add3A_765] : memref<208x64xf32, #tpu.memory_space<vmem>>[vector<16xi32>, vector<16xi32>], vector<16xf32>,
        %mul3A_767 = vector.broadcast %squeeze3A_127 : f32 to vector<16xf32>
        %mul3A_768 = arith.mulf %gather3A_766, %mul3A_767 : vector<16xf32>
        %add3A_769 = arith.addf %add3A_762, %mul3A_768 : vector<16xf32>
        %add3A_770 = arith.constant 1 : i32
        %add3A_771 = vector.broadcast %add3A_770 : i32 to vector<16xi32>
        %add3A_772 = arith.addi %add3A_765, %add3A_771 : vector<16xi32>
        %gather3A_773 = tpu.vector_load_idx %arg7[%add3A_405, %add3A_772] : memref<208x64xf32, #tpu.memory_space<vmem>>[vector<16xi32>, vector<16xi32>], vector<16xf32>,
        %mul3A_774 = vector.broadcast %squeeze3A_129 : f32 to vector<16xf32>
        %mul3A_775 = arith.mulf %gather3A_773, %mul3A_774 : vector<16xf32>
        %add3A_776 = arith.addf %add3A_769, %mul3A_775 : vector<16xf32>
        %add3A_777 = arith.constant 1 : i32
        %add3A_778 = vector.broadcast %add3A_777 : i32 to vector<16xi32>
        %add3A_779 = arith.addi %add3A_772, %add3A_778 : vector<16xi32>
        %gather3A_780 = tpu.vector_load_idx %arg7[%add3A_405, %add3A_779] : memref<208x64xf32, #tpu.memory_space<vmem>>[vector<16xi32>, vector<16xi32>], vector<16xf32>,
        %mul3A_781 = vector.broadcast %squeeze3A_131 : f32 to vector<16xf32>
        %mul3A_782 = arith.mulf %gather3A_780, %mul3A_781 : vector<16xf32>
        %add3A_783 = arith.addf %add3A_776, %mul3A_782 : vector<16xf32>
        %add3A_784 = arith.constant 1 : i32
        %add3A_785 = vector.broadcast %add3A_784 : i32 to vector<16xi32>
        %add3A_786 = arith.addi %add3A_779, %add3A_785 : vector<16xi32>
        %gather3A_787 = tpu.vector_load_idx %arg7[%add3A_405, %add3A_786] : memref<208x64xf32, #tpu.memory_space<vmem>>[vector<16xi32>, vector<16xi32>], vector<16xf32>,
        %mul3A_788 = vector.broadcast %squeeze3A_133 : f32 to vector<16xf32>
        %mul3A_789 = arith.mulf %gather3A_787, %mul3A_788 : vector<16xf32>
        %add3A_790 = arith.addf %add3A_783, %mul3A_789 : vector<16xf32>
        %add3A_791 = arith.constant 1 : i32
        %add3A_792 = vector.broadcast %add3A_791 : i32 to vector<16xi32>
        %add3A_793 = arith.addi %add3A_786, %add3A_792 : vector<16xi32>
        %gather3A_794 = tpu.vector_load_idx %arg7[%add3A_405, %add3A_793] : memref<208x64xf32, #tpu.memory_space<vmem>>[vector<16xi32>, vector<16xi32>], vector<16xf32>,
        %mul3A_795 = vector.broadcast %squeeze3A_135 : f32 to vector<16xf32>
        %mul3A_796 = arith.mulf %gather3A_794, %mul3A_795 : vector<16xf32>
        %add3A_797 = arith.addf %add3A_790, %mul3A_796 : vector<16xf32>
        %add3A_798 = arith.constant 1 : i32
        %add3A_799 = vector.broadcast %add3A_798 : i32 to vector<16xi32>
        %add3A_800 = arith.addi %add3A_793, %add3A_799 : vector<16xi32>
        %gather3A_801 = tpu.vector_load_idx %arg7[%add3A_405, %add3A_800] : memref<208x64xf32, #tpu.memory_space<vmem>>[vector<16xi32>, vector<16xi32>], vector<16xf32>,
        %mul3A_802 = vector.broadcast %squeeze3A_137 : f32 to vector<16xf32>
        %mul3A_803 = arith.mulf %gather3A_801, %mul3A_802 : vector<16xf32>
        %add3A_804 = arith.addf %add3A_797, %mul3A_803 : vector<16xf32>
        %add3A_805 = arith.constant 1 : i32
        %add3A_806 = vector.broadcast %add3A_805 : i32 to vector<16xi32>
        %add3A_807 = arith.addi %add3A_800, %add3A_806 : vector<16xi32>
        %gather3A_808 = tpu.vector_load_idx %arg7[%add3A_405, %add3A_807] : memref<208x64xf32, #tpu.memory_space<vmem>>[vector<16xi32>, vector<16xi32>], vector<16xf32>,
        %mul3A_809 = vector.broadcast %squeeze3A_139 : f32 to vector<16xf32>
        %mul3A_810 = arith.mulf %gather3A_808, %mul3A_809 : vector<16xf32>
        %add3A_811 = arith.addf %add3A_804, %mul3A_810 : vector<16xf32>
        %add3A_812 = arith.constant 1 : i32
        %add3A_813 = vector.broadcast %add3A_812 : i32 to vector<16xi32>
        %add3A_814 = arith.addi %add3A_807, %add3A_813 : vector<16xi32>
        %gather3A_815 = tpu.vector_load_idx %arg7[%add3A_405, %add3A_814] : memref<208x64xf32, #tpu.memory_space<vmem>>[vector<16xi32>, vector<16xi32>], vector<16xf32>,
        %mul3A_816 = vector.broadcast %squeeze3A_141 : f32 to vector<16xf32>
        %mul3A_817 = arith.mulf %gather3A_815, %mul3A_816 : vector<16xf32>
        %add3A_818 = arith.addf %add3A_811, %mul3A_817 : vector<16xf32>
        %add3A_819 = arith.constant 1 : i32
        %add3A_820 = vector.broadcast %add3A_819 : i32 to vector<16xi32>
        %add3A_821 = arith.addi %add3A_814, %add3A_820 : vector<16xi32>
        %gather3A_822 = tpu.vector_load_idx %arg7[%add3A_405, %add3A_821] : memref<208x64xf32, #tpu.memory_space<vmem>>[vector<16xi32>, vector<16xi32>], vector<16xf32>,
        %mul3A_823 = vector.broadcast %squeeze3A_143 : f32 to vector<16xf32>
        %mul3A_824 = arith.mulf %gather3A_822, %mul3A_823 : vector<16xf32>
        %add3A_825 = arith.addf %add3A_818, %mul3A_824 : vector<16xf32>
        %add3A_826 = arith.constant 1 : i32
        %add3A_827 = vector.broadcast %add3A_826 : i32 to vector<16xi32>
        %add3A_828 = arith.addi %add3A_821, %add3A_827 : vector<16xi32>
        %gather3A_829 = tpu.vector_load_idx %arg7[%add3A_405, %add3A_828] : memref<208x64xf32, #tpu.memory_space<vmem>>[vector<16xi32>, vector<16xi32>], vector<16xf32>,
        %mul3A_830 = vector.broadcast %squeeze3A_145 : f32 to vector<16xf32>
        %mul3A_831 = arith.mulf %gather3A_829, %mul3A_830 : vector<16xf32>
        %add3A_832 = arith.addf %add3A_825, %mul3A_831 : vector<16xf32>
        %add3A_833 = arith.constant 1 : i32
        %add3A_834 = vector.broadcast %add3A_833 : i32 to vector<16xi32>
        %add3A_835 = arith.addi %add3A_828, %add3A_834 : vector<16xi32>
        %gather3A_836 = tpu.vector_load_idx %arg7[%add3A_405, %add3A_835] : memref<208x64xf32, #tpu.memory_space<vmem>>[vector<16xi32>, vector<16xi32>], vector<16xf32>,
        %mul3A_837 = vector.broadcast %squeeze3A_147 : f32 to vector<16xf32>
        %mul3A_838 = arith.mulf %gather3A_836, %mul3A_837 : vector<16xf32>
        %add3A_839 = arith.addf %add3A_832, %mul3A_838 : vector<16xf32>
        %add3A_840 = arith.constant 1 : i32
        %add3A_841 = vector.broadcast %add3A_840 : i32 to vector<16xi32>
        %add3A_842 = arith.addi %add3A_835, %add3A_841 : vector<16xi32>
        %gather3A_843 = tpu.vector_load_idx %arg7[%add3A_405, %add3A_842] : memref<208x64xf32, #tpu.memory_space<vmem>>[vector<16xi32>, vector<16xi32>], vector<16xf32>,
        %mul3A_844 = vector.broadcast %squeeze3A_149 : f32 to vector<16xf32>
        %mul3A_845 = arith.mulf %gather3A_843, %mul3A_844 : vector<16xf32>
        %add3A_846 = arith.addf %add3A_839, %mul3A_845 : vector<16xf32>
        %add3A_847 = arith.constant 1 : i32
        %add3A_848 = vector.broadcast %add3A_847 : i32 to vector<16xi32>
        %add3A_849 = arith.addi %add3A_842, %add3A_848 : vector<16xi32>
        %gather3A_850 = tpu.vector_load_idx %arg7[%add3A_405, %add3A_849] : memref<208x64xf32, #tpu.memory_space<vmem>>[vector<16xi32>, vector<16xi32>], vector<16xf32>,
        %mul3A_851 = vector.broadcast %squeeze3A_151 : f32 to vector<16xf32>
        %mul3A_852 = arith.mulf %gather3A_850, %mul3A_851 : vector<16xf32>
        %add3A_853 = arith.addf %add3A_846, %mul3A_852 : vector<16xf32>
        %mul3A_854 = arith.constant 208 : i32
        %mul3A_855 = arith.muli %mul3A_355, %mul3A_854 : i32
        %mul3A_856 = arith.constant 16 : i32
        %mul3A_857 = arith.muli %scan3A_400, %mul3A_856 : i32
        %add3A_858 = arith.addi %mul3A_855, %mul3A_857 : i32
        %swap3A_859 = arith.index_cast %add3A_858 : i32 to index
        %swap3A_860 = tpu.vector_load %arg10[%swap3A_859] {strides = array<i32>} : memref<31312xf32, #tpu.memory_space<vmem>>, vector<16xf32>,
        tpu.vector_store %arg10[%swap3A_859], %add3A_853 {strides = array<i32>} : memref<31312xf32, #tpu.memory_space<vmem>>, vector<16xf32>,
        %scan3A_861 = arith.constant 0 : i32
        scf.yield %scan3A_861 : i32
      }
      %scan3A_369 = arith.constant 13 : i32
      %add3A_370 = arith.constant 2 : i32
      %add3A_371 = arith.addi %mul3A_355, %add3A_370 : i32
      %lt3A = arith.constant 150 : i32
      %lt3A_372 = arith.cmpi slt, %add3A_371, %lt3A : i32
      %convert_element_type3A = arith.extui %lt3A_372 : i1 to i32
      %cond3A = arith.constant 0 : i32
      %cond3A_373 = arith.cmpi ne, %convert_element_type3A, %cond3A : i32
      scf.if %cond3A_373 {
        %add3A_400 = arith.constant 2 : i32
        %add3A_401 = arith.addi %mul3A_355, %add3A_400 : i32
        %mul3A_402 = arith.constant 208 : i32
        %mul3A_403 = arith.muli %add3A_401, %mul3A_402 : i32
        %add3A_404 = arith.addi %mul3A_2, %mul3A_403 : i32
        %dma_start3A_405 = arith.constant 0 : i32
        %dma_start3A_406 = tpu.memref_slice %arg2[%add3A_404, %dma_start3A_405] : memref<1000000x64xf32, #tpu.memory_space<hbm>> -> memref<208x64xf32, #tpu.memory_space<hbm>>
        %dma_start3A_407 = arith.constant 0 : i32
        %dma_start3A_408 = tpu.memref_slice %arg2[%add3A_404, %dma_start3A_407] : memref<1000000x64xf32, #tpu.memory_space<hbm>> -> memref<208x64xf32, #tpu.memory_space<hbm>>
        tpu.enqueue_dma source(%dma_start3A_408 : memref<208x64xf32, #tpu.memory_space<hbm>>) target(%arg7 : memref<208x64xf32, #tpu.memory_space<vmem>>) target_semaphore(%arg13 : memref<!tpu.dma_semaphore, #tpu.memory_space<semaphore_mem>>)
      } else {
      }
      %add3A_374 = arith.constant 1 : i32
      %add3A_375 = arith.addi %mul3A_355, %add3A_374 : i32
      %mul3A_376 = arith.constant 208 : i32
      %mul3A_377 = arith.muli %add3A_375, %mul3A_376 : i32
      %add3A_378 = arith.addi %mul3A_2, %mul3A_377 : i32
      %dma_wait3A_379 = arith.constant 0 : i32
      %dma_wait3A_380 = tpu.memref_slice %arg2[%add3A_378, %dma_wait3A_379] : memref<1000000x64xf32, #tpu.memory_space<hbm>> -> memref<208x64xf32, #tpu.memory_space<hbm>>
      %dma_wait3A_381 = arith.constant 0 : i32
      %dma_wait3A_382 = tpu.memref_slice %arg2[%add3A_378, %dma_wait3A_381] : memref<1000000x64xf32, #tpu.memory_space<hbm>> -> memref<208x64xf32, #tpu.memory_space<hbm>>
      tpu.wait_dma2 semaphore(%arg14 : memref<!tpu.dma_semaphore, #tpu.memory_space<semaphore_mem>>) src(%dma_wait3A_382 : memref<208x64xf32, #tpu.memory_space<hbm>>) dst(%arg8 : memref<208x64xf32, #tpu.memory_space<vmem>>)
      %add3A_383 = arith.constant 1 : i32
      %add3A_384 = arith.addi %mul3A_355, %add3A_383 : i32
      %scan3A_385 = arith.constant 0 : i32
      %scan3A_386 = arith.constant 0 : i32
      %scan3A_387 = arith.constant 13 : i32
      %scan3A_388 = arith.addi %scan3A_386, %scan3A_387 : i32
      %scan3A_389 = arith.constant 1 : i32
      %scan3A_390 = scf.for %scan3A_400 = %scan3A_386 to %scan3A_388 step %scan3A_389 iter_args(%scan3A_401 = %scan3A_385) -> (i32)  : i32 {
        %mul3A_402 = arith.constant 16 : i32
        %mul3A_403 = arith.muli %scan3A_400, %mul3A_402 : i32
        %add3A_404 = vector.broadcast %mul3A_403 : i32 to vector<16xi32>
        %add3A_405 = arith.addi %add3A_404, %iota3A : vector<16xi32>
        %broadcast_in_dim3A_406 = arith.constant 0 : i32
        %broadcast_in_dim3A_407 = vector.broadcast %broadcast_in_dim3A_406 : i32 to vector<16xi32>
        %broadcast_in_dim3A_408 = arith.constant 0.000000e+00 : f32
        %broadcast_in_dim3A_409 = vector.broadcast %broadcast_in_dim3A_408 : f32 to vector<16xf32>
        %gather3A = tpu.vector_load_idx %arg8[%add3A_405, %broadcast_in_dim3A_407] : memref<208x64xf32, #tpu.memory_space<vmem>>[vector<16xi32>, vector<16xi32>], vector<16xf32>,
        %mul3A_410 = vector.broadcast %squeeze3A : f32 to vector<16xf32>
        %mul3A_411 = arith.mulf %gather3A, %mul3A_410 : vector<16xf32>
        %add3A_412 = arith.addf %broadcast_in_dim3A_409, %mul3A_411 : vector<16xf32>
        %add3A_413 = arith.constant 1 : i32
        %add3A_414 = vector.broadcast %add3A_413 : i32 to vector<16xi32>
        %add3A_415 = arith.addi %broadcast_in_dim3A_407, %add3A_414 : vector<16xi32>
        %gather3A_416 = tpu.vector_load_idx %arg8[%add3A_405, %add3A_415] : memref<208x64xf32, #tpu.memory_space<vmem>>[vector<16xi32>, vector<16xi32>], vector<16xf32>,
        %mul3A_417 = vector.broadcast %squeeze3A_21 : f32 to vector<16xf32>
        %mul3A_418 = arith.mulf %gather3A_416, %mul3A_417 : vector<16xf32>
        %add3A_419 = arith.addf %add3A_412, %mul3A_418 : vector<16xf32>
        %add3A_420 = arith.constant 1 : i32
        %add3A_421 = vector.broadcast %add3A_420 : i32 to vector<16xi32>
        %add3A_422 = arith.addi %add3A_415, %add3A_421 : vector<16xi32>
        %gather3A_423 = tpu.vector_load_idx %arg8[%add3A_405, %add3A_422] : memref<208x64xf32, #tpu.memory_space<vmem>>[vector<16xi32>, vector<16xi32>], vector<16xf32>,
        %mul3A_424 = vector.broadcast %squeeze3A_23 : f32 to vector<16xf32>
        %mul3A_425 = arith.mulf %gather3A_423, %mul3A_424 : vector<16xf32>
        %add3A_426 = arith.addf %add3A_419, %mul3A_425 : vector<16xf32>
        %add3A_427 = arith.constant 1 : i32
        %add3A_428 = vector.broadcast %add3A_427 : i32 to vector<16xi32>
        %add3A_429 = arith.addi %add3A_422, %add3A_428 : vector<16xi32>
        %gather3A_430 = tpu.vector_load_idx %arg8[%add3A_405, %add3A_429] : memref<208x64xf32, #tpu.memory_space<vmem>>[vector<16xi32>, vector<16xi32>], vector<16xf32>,
        %mul3A_431 = vector.broadcast %squeeze3A_25 : f32 to vector<16xf32>
        %mul3A_432 = arith.mulf %gather3A_430, %mul3A_431 : vector<16xf32>
        %add3A_433 = arith.addf %add3A_426, %mul3A_432 : vector<16xf32>
        %add3A_434 = arith.constant 1 : i32
        %add3A_435 = vector.broadcast %add3A_434 : i32 to vector<16xi32>
        %add3A_436 = arith.addi %add3A_429, %add3A_435 : vector<16xi32>
        %gather3A_437 = tpu.vector_load_idx %arg8[%add3A_405, %add3A_436] : memref<208x64xf32, #tpu.memory_space<vmem>>[vector<16xi32>, vector<16xi32>], vector<16xf32>,
        %mul3A_438 = vector.broadcast %squeeze3A_27 : f32 to vector<16xf32>
        %mul3A_439 = arith.mulf %gather3A_437, %mul3A_438 : vector<16xf32>
        %add3A_440 = arith.addf %add3A_433, %mul3A_439 : vector<16xf32>
        %add3A_441 = arith.constant 1 : i32
        %add3A_442 = vector.broadcast %add3A_441 : i32 to vector<16xi32>
        %add3A_443 = arith.addi %add3A_436, %add3A_442 : vector<16xi32>
        %gather3A_444 = tpu.vector_load_idx %arg8[%add3A_405, %add3A_443] : memref<208x64xf32, #tpu.memory_space<vmem>>[vector<16xi32>, vector<16xi32>], vector<16xf32>,
        %mul3A_445 = vector.broadcast %squeeze3A_29 : f32 to vector<16xf32>
        %mul3A_446 = arith.mulf %gather3A_444, %mul3A_445 : vector<16xf32>
        %add3A_447 = arith.addf %add3A_440, %mul3A_446 : vector<16xf32>
        %add3A_448 = arith.constant 1 : i32
        %add3A_449 = vector.broadcast %add3A_448 : i32 to vector<16xi32>
        %add3A_450 = arith.addi %add3A_443, %add3A_449 : vector<16xi32>
        %gather3A_451 = tpu.vector_load_idx %arg8[%add3A_405, %add3A_450] : memref<208x64xf32, #tpu.memory_space<vmem>>[vector<16xi32>, vector<16xi32>], vector<16xf32>,
        %mul3A_452 = vector.broadcast %squeeze3A_31 : f32 to vector<16xf32>
        %mul3A_453 = arith.mulf %gather3A_451, %mul3A_452 : vector<16xf32>
        %add3A_454 = arith.addf %add3A_447, %mul3A_453 : vector<16xf32>
        %add3A_455 = arith.constant 1 : i32
        %add3A_456 = vector.broadcast %add3A_455 : i32 to vector<16xi32>
        %add3A_457 = arith.addi %add3A_450, %add3A_456 : vector<16xi32>
        %gather3A_458 = tpu.vector_load_idx %arg8[%add3A_405, %add3A_457] : memref<208x64xf32, #tpu.memory_space<vmem>>[vector<16xi32>, vector<16xi32>], vector<16xf32>,
        %mul3A_459 = vector.broadcast %squeeze3A_33 : f32 to vector<16xf32>
        %mul3A_460 = arith.mulf %gather3A_458, %mul3A_459 : vector<16xf32>
        %add3A_461 = arith.addf %add3A_454, %mul3A_460 : vector<16xf32>
        %add3A_462 = arith.constant 1 : i32
        %add3A_463 = vector.broadcast %add3A_462 : i32 to vector<16xi32>
        %add3A_464 = arith.addi %add3A_457, %add3A_463 : vector<16xi32>
        %gather3A_465 = tpu.vector_load_idx %arg8[%add3A_405, %add3A_464] : memref<208x64xf32, #tpu.memory_space<vmem>>[vector<16xi32>, vector<16xi32>], vector<16xf32>,
        %mul3A_466 = vector.broadcast %squeeze3A_35 : f32 to vector<16xf32>
        %mul3A_467 = arith.mulf %gather3A_465, %mul3A_466 : vector<16xf32>
        %add3A_468 = arith.addf %add3A_461, %mul3A_467 : vector<16xf32>
        %add3A_469 = arith.constant 1 : i32
        %add3A_470 = vector.broadcast %add3A_469 : i32 to vector<16xi32>
        %add3A_471 = arith.addi %add3A_464, %add3A_470 : vector<16xi32>
        %gather3A_472 = tpu.vector_load_idx %arg8[%add3A_405, %add3A_471] : memref<208x64xf32, #tpu.memory_space<vmem>>[vector<16xi32>, vector<16xi32>], vector<16xf32>,
        %mul3A_473 = vector.broadcast %squeeze3A_37 : f32 to vector<16xf32>
        %mul3A_474 = arith.mulf %gather3A_472, %mul3A_473 : vector<16xf32>
        %add3A_475 = arith.addf %add3A_468, %mul3A_474 : vector<16xf32>
        %add3A_476 = arith.constant 1 : i32
        %add3A_477 = vector.broadcast %add3A_476 : i32 to vector<16xi32>
        %add3A_478 = arith.addi %add3A_471, %add3A_477 : vector<16xi32>
        %gather3A_479 = tpu.vector_load_idx %arg8[%add3A_405, %add3A_478] : memref<208x64xf32, #tpu.memory_space<vmem>>[vector<16xi32>, vector<16xi32>], vector<16xf32>,
        %mul3A_480 = vector.broadcast %squeeze3A_39 : f32 to vector<16xf32>
        %mul3A_481 = arith.mulf %gather3A_479, %mul3A_480 : vector<16xf32>
        %add3A_482 = arith.addf %add3A_475, %mul3A_481 : vector<16xf32>
        %add3A_483 = arith.constant 1 : i32
        %add3A_484 = vector.broadcast %add3A_483 : i32 to vector<16xi32>
        %add3A_485 = arith.addi %add3A_478, %add3A_484 : vector<16xi32>
        %gather3A_486 = tpu.vector_load_idx %arg8[%add3A_405, %add3A_485] : memref<208x64xf32, #tpu.memory_space<vmem>>[vector<16xi32>, vector<16xi32>], vector<16xf32>,
        %mul3A_487 = vector.broadcast %squeeze3A_41 : f32 to vector<16xf32>
        %mul3A_488 = arith.mulf %gather3A_486, %mul3A_487 : vector<16xf32>
        %add3A_489 = arith.addf %add3A_482, %mul3A_488 : vector<16xf32>
        %add3A_490 = arith.constant 1 : i32
        %add3A_491 = vector.broadcast %add3A_490 : i32 to vector<16xi32>
        %add3A_492 = arith.addi %add3A_485, %add3A_491 : vector<16xi32>
        %gather3A_493 = tpu.vector_load_idx %arg8[%add3A_405, %add3A_492] : memref<208x64xf32, #tpu.memory_space<vmem>>[vector<16xi32>, vector<16xi32>], vector<16xf32>,
        %mul3A_494 = vector.broadcast %squeeze3A_43 : f32 to vector<16xf32>
        %mul3A_495 = arith.mulf %gather3A_493, %mul3A_494 : vector<16xf32>
        %add3A_496 = arith.addf %add3A_489, %mul3A_495 : vector<16xf32>
        %add3A_497 = arith.constant 1 : i32
        %add3A_498 = vector.broadcast %add3A_497 : i32 to vector<16xi32>
        %add3A_499 = arith.addi %add3A_492, %add3A_498 : vector<16xi32>
        %gather3A_500 = tpu.vector_load_idx %arg8[%add3A_405, %add3A_499] : memref<208x64xf32, #tpu.memory_space<vmem>>[vector<16xi32>, vector<16xi32>], vector<16xf32>,
        %mul3A_501 = vector.broadcast %squeeze3A_45 : f32 to vector<16xf32>
        %mul3A_502 = arith.mulf %gather3A_500, %mul3A_501 : vector<16xf32>
        %add3A_503 = arith.addf %add3A_496, %mul3A_502 : vector<16xf32>
        %add3A_504 = arith.constant 1 : i32
        %add3A_505 = vector.broadcast %add3A_504 : i32 to vector<16xi32>
        %add3A_506 = arith.addi %add3A_499, %add3A_505 : vector<16xi32>
        %gather3A_507 = tpu.vector_load_idx %arg8[%add3A_405, %add3A_506] : memref<208x64xf32, #tpu.memory_space<vmem>>[vector<16xi32>, vector<16xi32>], vector<16xf32>,
        %mul3A_508 = vector.broadcast %squeeze3A_47 : f32 to vector<16xf32>
        %mul3A_509 = arith.mulf %gather3A_507, %mul3A_508 : vector<16xf32>
        %add3A_510 = arith.addf %add3A_503, %mul3A_509 : vector<16xf32>
        %add3A_511 = arith.constant 1 : i32
        %add3A_512 = vector.broadcast %add3A_511 : i32 to vector<16xi32>
        %add3A_513 = arith.addi %add3A_506, %add3A_512 : vector<16xi32>
        %gather3A_514 = tpu.vector_load_idx %arg8[%add3A_405, %add3A_513] : memref<208x64xf32, #tpu.memory_space<vmem>>[vector<16xi32>, vector<16xi32>], vector<16xf32>,
        %mul3A_515 = vector.broadcast %squeeze3A_49 : f32 to vector<16xf32>
        %mul3A_516 = arith.mulf %gather3A_514, %mul3A_515 : vector<16xf32>
        %add3A_517 = arith.addf %add3A_510, %mul3A_516 : vector<16xf32>
        %add3A_518 = arith.constant 1 : i32
        %add3A_519 = vector.broadcast %add3A_518 : i32 to vector<16xi32>
        %add3A_520 = arith.addi %add3A_513, %add3A_519 : vector<16xi32>
        %gather3A_521 = tpu.vector_load_idx %arg8[%add3A_405, %add3A_520] : memref<208x64xf32, #tpu.memory_space<vmem>>[vector<16xi32>, vector<16xi32>], vector<16xf32>,
        %mul3A_522 = vector.broadcast %squeeze3A_53 : f32 to vector<16xf32>
        %mul3A_523 = arith.mulf %gather3A_521, %mul3A_522 : vector<16xf32>
        %add3A_524 = arith.addf %add3A_517, %mul3A_523 : vector<16xf32>
        %add3A_525 = arith.constant 1 : i32
        %add3A_526 = vector.broadcast %add3A_525 : i32 to vector<16xi32>
        %add3A_527 = arith.addi %add3A_520, %add3A_526 : vector<16xi32>
        %gather3A_528 = tpu.vector_load_idx %arg8[%add3A_405, %add3A_527] : memref<208x64xf32, #tpu.memory_space<vmem>>[vector<16xi32>, vector<16xi32>], vector<16xf32>,
        %mul3A_529 = vector.broadcast %squeeze3A_55 : f32 to vector<16xf32>
        %mul3A_530 = arith.mulf %gather3A_528, %mul3A_529 : vector<16xf32>
        %add3A_531 = arith.addf %add3A_524, %mul3A_530 : vector<16xf32>
        %add3A_532 = arith.constant 1 : i32
        %add3A_533 = vector.broadcast %add3A_532 : i32 to vector<16xi32>
        %add3A_534 = arith.addi %add3A_527, %add3A_533 : vector<16xi32>
        %gather3A_535 = tpu.vector_load_idx %arg8[%add3A_405, %add3A_534] : memref<208x64xf32, #tpu.memory_space<vmem>>[vector<16xi32>, vector<16xi32>], vector<16xf32>,
        %mul3A_536 = vector.broadcast %squeeze3A_57 : f32 to vector<16xf32>
        %mul3A_537 = arith.mulf %gather3A_535, %mul3A_536 : vector<16xf32>
        %add3A_538 = arith.addf %add3A_531, %mul3A_537 : vector<16xf32>
        %add3A_539 = arith.constant 1 : i32
        %add3A_540 = vector.broadcast %add3A_539 : i32 to vector<16xi32>
        %add3A_541 = arith.addi %add3A_534, %add3A_540 : vector<16xi32>
        %gather3A_542 = tpu.vector_load_idx %arg8[%add3A_405, %add3A_541] : memref<208x64xf32, #tpu.memory_space<vmem>>[vector<16xi32>, vector<16xi32>], vector<16xf32>,
        %mul3A_543 = vector.broadcast %squeeze3A_59 : f32 to vector<16xf32>
        %mul3A_544 = arith.mulf %gather3A_542, %mul3A_543 : vector<16xf32>
        %add3A_545 = arith.addf %add3A_538, %mul3A_544 : vector<16xf32>
        %add3A_546 = arith.constant 1 : i32
        %add3A_547 = vector.broadcast %add3A_546 : i32 to vector<16xi32>
        %add3A_548 = arith.addi %add3A_541, %add3A_547 : vector<16xi32>
        %gather3A_549 = tpu.vector_load_idx %arg8[%add3A_405, %add3A_548] : memref<208x64xf32, #tpu.memory_space<vmem>>[vector<16xi32>, vector<16xi32>], vector<16xf32>,
        %mul3A_550 = vector.broadcast %squeeze3A_61 : f32 to vector<16xf32>
        %mul3A_551 = arith.mulf %gather3A_549, %mul3A_550 : vector<16xf32>
        %add3A_552 = arith.addf %add3A_545, %mul3A_551 : vector<16xf32>
        %add3A_553 = arith.constant 1 : i32
        %add3A_554 = vector.broadcast %add3A_553 : i32 to vector<16xi32>
        %add3A_555 = arith.addi %add3A_548, %add3A_554 : vector<16xi32>
        %gather3A_556 = tpu.vector_load_idx %arg8[%add3A_405, %add3A_555] : memref<208x64xf32, #tpu.memory_space<vmem>>[vector<16xi32>, vector<16xi32>], vector<16xf32>,
        %mul3A_557 = vector.broadcast %squeeze3A_63 : f32 to vector<16xf32>
        %mul3A_558 = arith.mulf %gather3A_556, %mul3A_557 : vector<16xf32>
        %add3A_559 = arith.addf %add3A_552, %mul3A_558 : vector<16xf32>
        %add3A_560 = arith.constant 1 : i32
        %add3A_561 = vector.broadcast %add3A_560 : i32 to vector<16xi32>
        %add3A_562 = arith.addi %add3A_555, %add3A_561 : vector<16xi32>
        %gather3A_563 = tpu.vector_load_idx %arg8[%add3A_405, %add3A_562] : memref<208x64xf32, #tpu.memory_space<vmem>>[vector<16xi32>, vector<16xi32>], vector<16xf32>,
        %mul3A_564 = vector.broadcast %squeeze3A_65 : f32 to vector<16xf32>
        %mul3A_565 = arith.mulf %gather3A_563, %mul3A_564 : vector<16xf32>
        %add3A_566 = arith.addf %add3A_559, %mul3A_565 : vector<16xf32>
        %add3A_567 = arith.constant 1 : i32
        %add3A_568 = vector.broadcast %add3A_567 : i32 to vector<16xi32>
        %add3A_569 = arith.addi %add3A_562, %add3A_568 : vector<16xi32>
        %gather3A_570 = tpu.vector_load_idx %arg8[%add3A_405, %add3A_569] : memref<208x64xf32, #tpu.memory_space<vmem>>[vector<16xi32>, vector<16xi32>], vector<16xf32>,
        %mul3A_571 = vector.broadcast %squeeze3A_67 : f32 to vector<16xf32>
        %mul3A_572 = arith.mulf %gather3A_570, %mul3A_571 : vector<16xf32>
        %add3A_573 = arith.addf %add3A_566, %mul3A_572 : vector<16xf32>
        %add3A_574 = arith.constant 1 : i32
        %add3A_575 = vector.broadcast %add3A_574 : i32 to vector<16xi32>
        %add3A_576 = arith.addi %add3A_569, %add3A_575 : vector<16xi32>
        %gather3A_577 = tpu.vector_load_idx %arg8[%add3A_405, %add3A_576] : memref<208x64xf32, #tpu.memory_space<vmem>>[vector<16xi32>, vector<16xi32>], vector<16xf32>,
        %mul3A_578 = vector.broadcast %squeeze3A_69 : f32 to vector<16xf32>
        %mul3A_579 = arith.mulf %gather3A_577, %mul3A_578 : vector<16xf32>
        %add3A_580 = arith.addf %add3A_573, %mul3A_579 : vector<16xf32>
        %add3A_581 = arith.constant 1 : i32
        %add3A_582 = vector.broadcast %add3A_581 : i32 to vector<16xi32>
        %add3A_583 = arith.addi %add3A_576, %add3A_582 : vector<16xi32>
        %gather3A_584 = tpu.vector_load_idx %arg8[%add3A_405, %add3A_583] : memref<208x64xf32, #tpu.memory_space<vmem>>[vector<16xi32>, vector<16xi32>], vector<16xf32>,
        %mul3A_585 = vector.broadcast %squeeze3A_71 : f32 to vector<16xf32>
        %mul3A_586 = arith.mulf %gather3A_584, %mul3A_585 : vector<16xf32>
        %add3A_587 = arith.addf %add3A_580, %mul3A_586 : vector<16xf32>
        %add3A_588 = arith.constant 1 : i32
        %add3A_589 = vector.broadcast %add3A_588 : i32 to vector<16xi32>
        %add3A_590 = arith.addi %add3A_583, %add3A_589 : vector<16xi32>
        %gather3A_591 = tpu.vector_load_idx %arg8[%add3A_405, %add3A_590] : memref<208x64xf32, #tpu.memory_space<vmem>>[vector<16xi32>, vector<16xi32>], vector<16xf32>,
        %mul3A_592 = vector.broadcast %squeeze3A_73 : f32 to vector<16xf32>
        %mul3A_593 = arith.mulf %gather3A_591, %mul3A_592 : vector<16xf32>
        %add3A_594 = arith.addf %add3A_587, %mul3A_593 : vector<16xf32>
        %add3A_595 = arith.constant 1 : i32
        %add3A_596 = vector.broadcast %add3A_595 : i32 to vector<16xi32>
        %add3A_597 = arith.addi %add3A_590, %add3A_596 : vector<16xi32>
        %gather3A_598 = tpu.vector_load_idx %arg8[%add3A_405, %add3A_597] : memref<208x64xf32, #tpu.memory_space<vmem>>[vector<16xi32>, vector<16xi32>], vector<16xf32>,
        %mul3A_599 = vector.broadcast %squeeze3A_75 : f32 to vector<16xf32>
        %mul3A_600 = arith.mulf %gather3A_598, %mul3A_599 : vector<16xf32>
        %add3A_601 = arith.addf %add3A_594, %mul3A_600 : vector<16xf32>
        %add3A_602 = arith.constant 1 : i32
        %add3A_603 = vector.broadcast %add3A_602 : i32 to vector<16xi32>
        %add3A_604 = arith.addi %add3A_597, %add3A_603 : vector<16xi32>
        %gather3A_605 = tpu.vector_load_idx %arg8[%add3A_405, %add3A_604] : memref<208x64xf32, #tpu.memory_space<vmem>>[vector<16xi32>, vector<16xi32>], vector<16xf32>,
        %mul3A_606 = vector.broadcast %squeeze3A_77 : f32 to vector<16xf32>
        %mul3A_607 = arith.mulf %gather3A_605, %mul3A_606 : vector<16xf32>
        %add3A_608 = arith.addf %add3A_601, %mul3A_607 : vector<16xf32>
        %add3A_609 = arith.constant 1 : i32
        %add3A_610 = vector.broadcast %add3A_609 : i32 to vector<16xi32>
        %add3A_611 = arith.addi %add3A_604, %add3A_610 : vector<16xi32>
        %gather3A_612 = tpu.vector_load_idx %arg8[%add3A_405, %add3A_611] : memref<208x64xf32, #tpu.memory_space<vmem>>[vector<16xi32>, vector<16xi32>], vector<16xf32>,
        %mul3A_613 = vector.broadcast %squeeze3A_79 : f32 to vector<16xf32>
        %mul3A_614 = arith.mulf %gather3A_612, %mul3A_613 : vector<16xf32>
        %add3A_615 = arith.addf %add3A_608, %mul3A_614 : vector<16xf32>
        %add3A_616 = arith.constant 1 : i32
        %add3A_617 = vector.broadcast %add3A_616 : i32 to vector<16xi32>
        %add3A_618 = arith.addi %add3A_611, %add3A_617 : vector<16xi32>
        %gather3A_619 = tpu.vector_load_idx %arg8[%add3A_405, %add3A_618] : memref<208x64xf32, #tpu.memory_space<vmem>>[vector<16xi32>, vector<16xi32>], vector<16xf32>,
        %mul3A_620 = vector.broadcast %squeeze3A_81 : f32 to vector<16xf32>
        %mul3A_621 = arith.mulf %gather3A_619, %mul3A_620 : vector<16xf32>
        %add3A_622 = arith.addf %add3A_615, %mul3A_621 : vector<16xf32>
        %add3A_623 = arith.constant 1 : i32
        %add3A_624 = vector.broadcast %add3A_623 : i32 to vector<16xi32>
        %add3A_625 = arith.addi %add3A_618, %add3A_624 : vector<16xi32>
        %gather3A_626 = tpu.vector_load_idx %arg8[%add3A_405, %add3A_625] : memref<208x64xf32, #tpu.memory_space<vmem>>[vector<16xi32>, vector<16xi32>], vector<16xf32>,
        %mul3A_627 = vector.broadcast %squeeze3A_83 : f32 to vector<16xf32>
        %mul3A_628 = arith.mulf %gather3A_626, %mul3A_627 : vector<16xf32>
        %add3A_629 = arith.addf %add3A_622, %mul3A_628 : vector<16xf32>
        %add3A_630 = arith.constant 1 : i32
        %add3A_631 = vector.broadcast %add3A_630 : i32 to vector<16xi32>
        %add3A_632 = arith.addi %add3A_625, %add3A_631 : vector<16xi32>
        %gather3A_633 = tpu.vector_load_idx %arg8[%add3A_405, %add3A_632] : memref<208x64xf32, #tpu.memory_space<vmem>>[vector<16xi32>, vector<16xi32>], vector<16xf32>,
        %mul3A_634 = vector.broadcast %squeeze3A_87 : f32 to vector<16xf32>
        %mul3A_635 = arith.mulf %gather3A_633, %mul3A_634 : vector<16xf32>
        %add3A_636 = arith.addf %add3A_629, %mul3A_635 : vector<16xf32>
        %add3A_637 = arith.constant 1 : i32
        %add3A_638 = vector.broadcast %add3A_637 : i32 to vector<16xi32>
        %add3A_639 = arith.addi %add3A_632, %add3A_638 : vector<16xi32>
        %gather3A_640 = tpu.vector_load_idx %arg8[%add3A_405, %add3A_639] : memref<208x64xf32, #tpu.memory_space<vmem>>[vector<16xi32>, vector<16xi32>], vector<16xf32>,
        %mul3A_641 = vector.broadcast %squeeze3A_89 : f32 to vector<16xf32>
        %mul3A_642 = arith.mulf %gather3A_640, %mul3A_641 : vector<16xf32>
        %add3A_643 = arith.addf %add3A_636, %mul3A_642 : vector<16xf32>
        %add3A_644 = arith.constant 1 : i32
        %add3A_645 = vector.broadcast %add3A_644 : i32 to vector<16xi32>
        %add3A_646 = arith.addi %add3A_639, %add3A_645 : vector<16xi32>
        %gather3A_647 = tpu.vector_load_idx %arg8[%add3A_405, %add3A_646] : memref<208x64xf32, #tpu.memory_space<vmem>>[vector<16xi32>, vector<16xi32>], vector<16xf32>,
        %mul3A_648 = vector.broadcast %squeeze3A_91 : f32 to vector<16xf32>
        %mul3A_649 = arith.mulf %gather3A_647, %mul3A_648 : vector<16xf32>
        %add3A_650 = arith.addf %add3A_643, %mul3A_649 : vector<16xf32>
        %add3A_651 = arith.constant 1 : i32
        %add3A_652 = vector.broadcast %add3A_651 : i32 to vector<16xi32>
        %add3A_653 = arith.addi %add3A_646, %add3A_652 : vector<16xi32>
        %gather3A_654 = tpu.vector_load_idx %arg8[%add3A_405, %add3A_653] : memref<208x64xf32, #tpu.memory_space<vmem>>[vector<16xi32>, vector<16xi32>], vector<16xf32>,
        %mul3A_655 = vector.broadcast %squeeze3A_93 : f32 to vector<16xf32>
        %mul3A_656 = arith.mulf %gather3A_654, %mul3A_655 : vector<16xf32>
        %add3A_657 = arith.addf %add3A_650, %mul3A_656 : vector<16xf32>
        %add3A_658 = arith.constant 1 : i32
        %add3A_659 = vector.broadcast %add3A_658 : i32 to vector<16xi32>
        %add3A_660 = arith.addi %add3A_653, %add3A_659 : vector<16xi32>
        %gather3A_661 = tpu.vector_load_idx %arg8[%add3A_405, %add3A_660] : memref<208x64xf32, #tpu.memory_space<vmem>>[vector<16xi32>, vector<16xi32>], vector<16xf32>,
        %mul3A_662 = vector.broadcast %squeeze3A_95 : f32 to vector<16xf32>
        %mul3A_663 = arith.mulf %gather3A_661, %mul3A_662 : vector<16xf32>
        %add3A_664 = arith.addf %add3A_657, %mul3A_663 : vector<16xf32>
        %add3A_665 = arith.constant 1 : i32
        %add3A_666 = vector.broadcast %add3A_665 : i32 to vector<16xi32>
        %add3A_667 = arith.addi %add3A_660, %add3A_666 : vector<16xi32>
        %gather3A_668 = tpu.vector_load_idx %arg8[%add3A_405, %add3A_667] : memref<208x64xf32, #tpu.memory_space<vmem>>[vector<16xi32>, vector<16xi32>], vector<16xf32>,
        %mul3A_669 = vector.broadcast %squeeze3A_97 : f32 to vector<16xf32>
        %mul3A_670 = arith.mulf %gather3A_668, %mul3A_669 : vector<16xf32>
        %add3A_671 = arith.addf %add3A_664, %mul3A_670 : vector<16xf32>
        %add3A_672 = arith.constant 1 : i32
        %add3A_673 = vector.broadcast %add3A_672 : i32 to vector<16xi32>
        %add3A_674 = arith.addi %add3A_667, %add3A_673 : vector<16xi32>
        %gather3A_675 = tpu.vector_load_idx %arg8[%add3A_405, %add3A_674] : memref<208x64xf32, #tpu.memory_space<vmem>>[vector<16xi32>, vector<16xi32>], vector<16xf32>,
        %mul3A_676 = vector.broadcast %squeeze3A_99 : f32 to vector<16xf32>
        %mul3A_677 = arith.mulf %gather3A_675, %mul3A_676 : vector<16xf32>
        %add3A_678 = arith.addf %add3A_671, %mul3A_677 : vector<16xf32>
        %add3A_679 = arith.constant 1 : i32
        %add3A_680 = vector.broadcast %add3A_679 : i32 to vector<16xi32>
        %add3A_681 = arith.addi %add3A_674, %add3A_680 : vector<16xi32>
        %gather3A_682 = tpu.vector_load_idx %arg8[%add3A_405, %add3A_681] : memref<208x64xf32, #tpu.memory_space<vmem>>[vector<16xi32>, vector<16xi32>], vector<16xf32>,
        %mul3A_683 = vector.broadcast %squeeze3A_101 : f32 to vector<16xf32>
        %mul3A_684 = arith.mulf %gather3A_682, %mul3A_683 : vector<16xf32>
        %add3A_685 = arith.addf %add3A_678, %mul3A_684 : vector<16xf32>
        %add3A_686 = arith.constant 1 : i32
        %add3A_687 = vector.broadcast %add3A_686 : i32 to vector<16xi32>
        %add3A_688 = arith.addi %add3A_681, %add3A_687 : vector<16xi32>
        %gather3A_689 = tpu.vector_load_idx %arg8[%add3A_405, %add3A_688] : memref<208x64xf32, #tpu.memory_space<vmem>>[vector<16xi32>, vector<16xi32>], vector<16xf32>,
        %mul3A_690 = vector.broadcast %squeeze3A_103 : f32 to vector<16xf32>
        %mul3A_691 = arith.mulf %gather3A_689, %mul3A_690 : vector<16xf32>
        %add3A_692 = arith.addf %add3A_685, %mul3A_691 : vector<16xf32>
        %add3A_693 = arith.constant 1 : i32
        %add3A_694 = vector.broadcast %add3A_693 : i32 to vector<16xi32>
        %add3A_695 = arith.addi %add3A_688, %add3A_694 : vector<16xi32>
        %gather3A_696 = tpu.vector_load_idx %arg8[%add3A_405, %add3A_695] : memref<208x64xf32, #tpu.memory_space<vmem>>[vector<16xi32>, vector<16xi32>], vector<16xf32>,
        %mul3A_697 = vector.broadcast %squeeze3A_105 : f32 to vector<16xf32>
        %mul3A_698 = arith.mulf %gather3A_696, %mul3A_697 : vector<16xf32>
        %add3A_699 = arith.addf %add3A_692, %mul3A_698 : vector<16xf32>
        %add3A_700 = arith.constant 1 : i32
        %add3A_701 = vector.broadcast %add3A_700 : i32 to vector<16xi32>
        %add3A_702 = arith.addi %add3A_695, %add3A_701 : vector<16xi32>
        %gather3A_703 = tpu.vector_load_idx %arg8[%add3A_405, %add3A_702] : memref<208x64xf32, #tpu.memory_space<vmem>>[vector<16xi32>, vector<16xi32>], vector<16xf32>,
        %mul3A_704 = vector.broadcast %squeeze3A_107 : f32 to vector<16xf32>
        %mul3A_705 = arith.mulf %gather3A_703, %mul3A_704 : vector<16xf32>
        %add3A_706 = arith.addf %add3A_699, %mul3A_705 : vector<16xf32>
        %add3A_707 = arith.constant 1 : i32
        %add3A_708 = vector.broadcast %add3A_707 : i32 to vector<16xi32>
        %add3A_709 = arith.addi %add3A_702, %add3A_708 : vector<16xi32>
        %gather3A_710 = tpu.vector_load_idx %arg8[%add3A_405, %add3A_709] : memref<208x64xf32, #tpu.memory_space<vmem>>[vector<16xi32>, vector<16xi32>], vector<16xf32>,
        %mul3A_711 = vector.broadcast %squeeze3A_109 : f32 to vector<16xf32>
        %mul3A_712 = arith.mulf %gather3A_710, %mul3A_711 : vector<16xf32>
        %add3A_713 = arith.addf %add3A_706, %mul3A_712 : vector<16xf32>
        %add3A_714 = arith.constant 1 : i32
        %add3A_715 = vector.broadcast %add3A_714 : i32 to vector<16xi32>
        %add3A_716 = arith.addi %add3A_709, %add3A_715 : vector<16xi32>
        %gather3A_717 = tpu.vector_load_idx %arg8[%add3A_405, %add3A_716] : memref<208x64xf32, #tpu.memory_space<vmem>>[vector<16xi32>, vector<16xi32>], vector<16xf32>,
        %mul3A_718 = vector.broadcast %squeeze3A_111 : f32 to vector<16xf32>
        %mul3A_719 = arith.mulf %gather3A_717, %mul3A_718 : vector<16xf32>
        %add3A_720 = arith.addf %add3A_713, %mul3A_719 : vector<16xf32>
        %add3A_721 = arith.constant 1 : i32
        %add3A_722 = vector.broadcast %add3A_721 : i32 to vector<16xi32>
        %add3A_723 = arith.addi %add3A_716, %add3A_722 : vector<16xi32>
        %gather3A_724 = tpu.vector_load_idx %arg8[%add3A_405, %add3A_723] : memref<208x64xf32, #tpu.memory_space<vmem>>[vector<16xi32>, vector<16xi32>], vector<16xf32>,
        %mul3A_725 = vector.broadcast %squeeze3A_113 : f32 to vector<16xf32>
        %mul3A_726 = arith.mulf %gather3A_724, %mul3A_725 : vector<16xf32>
        %add3A_727 = arith.addf %add3A_720, %mul3A_726 : vector<16xf32>
        %add3A_728 = arith.constant 1 : i32
        %add3A_729 = vector.broadcast %add3A_728 : i32 to vector<16xi32>
        %add3A_730 = arith.addi %add3A_723, %add3A_729 : vector<16xi32>
        %gather3A_731 = tpu.vector_load_idx %arg8[%add3A_405, %add3A_730] : memref<208x64xf32, #tpu.memory_space<vmem>>[vector<16xi32>, vector<16xi32>], vector<16xf32>,
        %mul3A_732 = vector.broadcast %squeeze3A_115 : f32 to vector<16xf32>
        %mul3A_733 = arith.mulf %gather3A_731, %mul3A_732 : vector<16xf32>
        %add3A_734 = arith.addf %add3A_727, %mul3A_733 : vector<16xf32>
        %add3A_735 = arith.constant 1 : i32
        %add3A_736 = vector.broadcast %add3A_735 : i32 to vector<16xi32>
        %add3A_737 = arith.addi %add3A_730, %add3A_736 : vector<16xi32>
        %gather3A_738 = tpu.vector_load_idx %arg8[%add3A_405, %add3A_737] : memref<208x64xf32, #tpu.memory_space<vmem>>[vector<16xi32>, vector<16xi32>], vector<16xf32>,
        %mul3A_739 = vector.broadcast %squeeze3A_117 : f32 to vector<16xf32>
        %mul3A_740 = arith.mulf %gather3A_738, %mul3A_739 : vector<16xf32>
        %add3A_741 = arith.addf %add3A_734, %mul3A_740 : vector<16xf32>
        %add3A_742 = arith.constant 1 : i32
        %add3A_743 = vector.broadcast %add3A_742 : i32 to vector<16xi32>
        %add3A_744 = arith.addi %add3A_737, %add3A_743 : vector<16xi32>
        %gather3A_745 = tpu.vector_load_idx %arg8[%add3A_405, %add3A_744] : memref<208x64xf32, #tpu.memory_space<vmem>>[vector<16xi32>, vector<16xi32>], vector<16xf32>,
        %mul3A_746 = vector.broadcast %squeeze3A_121 : f32 to vector<16xf32>
        %mul3A_747 = arith.mulf %gather3A_745, %mul3A_746 : vector<16xf32>
        %add3A_748 = arith.addf %add3A_741, %mul3A_747 : vector<16xf32>
        %add3A_749 = arith.constant 1 : i32
        %add3A_750 = vector.broadcast %add3A_749 : i32 to vector<16xi32>
        %add3A_751 = arith.addi %add3A_744, %add3A_750 : vector<16xi32>
        %gather3A_752 = tpu.vector_load_idx %arg8[%add3A_405, %add3A_751] : memref<208x64xf32, #tpu.memory_space<vmem>>[vector<16xi32>, vector<16xi32>], vector<16xf32>,
        %mul3A_753 = vector.broadcast %squeeze3A_123 : f32 to vector<16xf32>
        %mul3A_754 = arith.mulf %gather3A_752, %mul3A_753 : vector<16xf32>
        %add3A_755 = arith.addf %add3A_748, %mul3A_754 : vector<16xf32>
        %add3A_756 = arith.constant 1 : i32
        %add3A_757 = vector.broadcast %add3A_756 : i32 to vector<16xi32>
        %add3A_758 = arith.addi %add3A_751, %add3A_757 : vector<16xi32>
        %gather3A_759 = tpu.vector_load_idx %arg8[%add3A_405, %add3A_758] : memref<208x64xf32, #tpu.memory_space<vmem>>[vector<16xi32>, vector<16xi32>], vector<16xf32>,
        %mul3A_760 = vector.broadcast %squeeze3A_125 : f32 to vector<16xf32>
        %mul3A_761 = arith.mulf %gather3A_759, %mul3A_760 : vector<16xf32>
        %add3A_762 = arith.addf %add3A_755, %mul3A_761 : vector<16xf32>
        %add3A_763 = arith.constant 1 : i32
        %add3A_764 = vector.broadcast %add3A_763 : i32 to vector<16xi32>
        %add3A_765 = arith.addi %add3A_758, %add3A_764 : vector<16xi32>
        %gather3A_766 = tpu.vector_load_idx %arg8[%add3A_405, %add3A_765] : memref<208x64xf32, #tpu.memory_space<vmem>>[vector<16xi32>, vector<16xi32>], vector<16xf32>,
        %mul3A_767 = vector.broadcast %squeeze3A_127 : f32 to vector<16xf32>
        %mul3A_768 = arith.mulf %gather3A_766, %mul3A_767 : vector<16xf32>
        %add3A_769 = arith.addf %add3A_762, %mul3A_768 : vector<16xf32>
        %add3A_770 = arith.constant 1 : i32
        %add3A_771 = vector.broadcast %add3A_770 : i32 to vector<16xi32>
        %add3A_772 = arith.addi %add3A_765, %add3A_771 : vector<16xi32>
        %gather3A_773 = tpu.vector_load_idx %arg8[%add3A_405, %add3A_772] : memref<208x64xf32, #tpu.memory_space<vmem>>[vector<16xi32>, vector<16xi32>], vector<16xf32>,
        %mul3A_774 = vector.broadcast %squeeze3A_129 : f32 to vector<16xf32>
        %mul3A_775 = arith.mulf %gather3A_773, %mul3A_774 : vector<16xf32>
        %add3A_776 = arith.addf %add3A_769, %mul3A_775 : vector<16xf32>
        %add3A_777 = arith.constant 1 : i32
        %add3A_778 = vector.broadcast %add3A_777 : i32 to vector<16xi32>
        %add3A_779 = arith.addi %add3A_772, %add3A_778 : vector<16xi32>
        %gather3A_780 = tpu.vector_load_idx %arg8[%add3A_405, %add3A_779] : memref<208x64xf32, #tpu.memory_space<vmem>>[vector<16xi32>, vector<16xi32>], vector<16xf32>,
        %mul3A_781 = vector.broadcast %squeeze3A_131 : f32 to vector<16xf32>
        %mul3A_782 = arith.mulf %gather3A_780, %mul3A_781 : vector<16xf32>
        %add3A_783 = arith.addf %add3A_776, %mul3A_782 : vector<16xf32>
        %add3A_784 = arith.constant 1 : i32
        %add3A_785 = vector.broadcast %add3A_784 : i32 to vector<16xi32>
        %add3A_786 = arith.addi %add3A_779, %add3A_785 : vector<16xi32>
        %gather3A_787 = tpu.vector_load_idx %arg8[%add3A_405, %add3A_786] : memref<208x64xf32, #tpu.memory_space<vmem>>[vector<16xi32>, vector<16xi32>], vector<16xf32>,
        %mul3A_788 = vector.broadcast %squeeze3A_133 : f32 to vector<16xf32>
        %mul3A_789 = arith.mulf %gather3A_787, %mul3A_788 : vector<16xf32>
        %add3A_790 = arith.addf %add3A_783, %mul3A_789 : vector<16xf32>
        %add3A_791 = arith.constant 1 : i32
        %add3A_792 = vector.broadcast %add3A_791 : i32 to vector<16xi32>
        %add3A_793 = arith.addi %add3A_786, %add3A_792 : vector<16xi32>
        %gather3A_794 = tpu.vector_load_idx %arg8[%add3A_405, %add3A_793] : memref<208x64xf32, #tpu.memory_space<vmem>>[vector<16xi32>, vector<16xi32>], vector<16xf32>,
        %mul3A_795 = vector.broadcast %squeeze3A_135 : f32 to vector<16xf32>
        %mul3A_796 = arith.mulf %gather3A_794, %mul3A_795 : vector<16xf32>
        %add3A_797 = arith.addf %add3A_790, %mul3A_796 : vector<16xf32>
        %add3A_798 = arith.constant 1 : i32
        %add3A_799 = vector.broadcast %add3A_798 : i32 to vector<16xi32>
        %add3A_800 = arith.addi %add3A_793, %add3A_799 : vector<16xi32>
        %gather3A_801 = tpu.vector_load_idx %arg8[%add3A_405, %add3A_800] : memref<208x64xf32, #tpu.memory_space<vmem>>[vector<16xi32>, vector<16xi32>], vector<16xf32>,
        %mul3A_802 = vector.broadcast %squeeze3A_137 : f32 to vector<16xf32>
        %mul3A_803 = arith.mulf %gather3A_801, %mul3A_802 : vector<16xf32>
        %add3A_804 = arith.addf %add3A_797, %mul3A_803 : vector<16xf32>
        %add3A_805 = arith.constant 1 : i32
        %add3A_806 = vector.broadcast %add3A_805 : i32 to vector<16xi32>
        %add3A_807 = arith.addi %add3A_800, %add3A_806 : vector<16xi32>
        %gather3A_808 = tpu.vector_load_idx %arg8[%add3A_405, %add3A_807] : memref<208x64xf32, #tpu.memory_space<vmem>>[vector<16xi32>, vector<16xi32>], vector<16xf32>,
        %mul3A_809 = vector.broadcast %squeeze3A_139 : f32 to vector<16xf32>
        %mul3A_810 = arith.mulf %gather3A_808, %mul3A_809 : vector<16xf32>
        %add3A_811 = arith.addf %add3A_804, %mul3A_810 : vector<16xf32>
        %add3A_812 = arith.constant 1 : i32
        %add3A_813 = vector.broadcast %add3A_812 : i32 to vector<16xi32>
        %add3A_814 = arith.addi %add3A_807, %add3A_813 : vector<16xi32>
        %gather3A_815 = tpu.vector_load_idx %arg8[%add3A_405, %add3A_814] : memref<208x64xf32, #tpu.memory_space<vmem>>[vector<16xi32>, vector<16xi32>], vector<16xf32>,
        %mul3A_816 = vector.broadcast %squeeze3A_141 : f32 to vector<16xf32>
        %mul3A_817 = arith.mulf %gather3A_815, %mul3A_816 : vector<16xf32>
        %add3A_818 = arith.addf %add3A_811, %mul3A_817 : vector<16xf32>
        %add3A_819 = arith.constant 1 : i32
        %add3A_820 = vector.broadcast %add3A_819 : i32 to vector<16xi32>
        %add3A_821 = arith.addi %add3A_814, %add3A_820 : vector<16xi32>
        %gather3A_822 = tpu.vector_load_idx %arg8[%add3A_405, %add3A_821] : memref<208x64xf32, #tpu.memory_space<vmem>>[vector<16xi32>, vector<16xi32>], vector<16xf32>,
        %mul3A_823 = vector.broadcast %squeeze3A_143 : f32 to vector<16xf32>
        %mul3A_824 = arith.mulf %gather3A_822, %mul3A_823 : vector<16xf32>
        %add3A_825 = arith.addf %add3A_818, %mul3A_824 : vector<16xf32>
        %add3A_826 = arith.constant 1 : i32
        %add3A_827 = vector.broadcast %add3A_826 : i32 to vector<16xi32>
        %add3A_828 = arith.addi %add3A_821, %add3A_827 : vector<16xi32>
        %gather3A_829 = tpu.vector_load_idx %arg8[%add3A_405, %add3A_828] : memref<208x64xf32, #tpu.memory_space<vmem>>[vector<16xi32>, vector<16xi32>], vector<16xf32>,
        %mul3A_830 = vector.broadcast %squeeze3A_145 : f32 to vector<16xf32>
        %mul3A_831 = arith.mulf %gather3A_829, %mul3A_830 : vector<16xf32>
        %add3A_832 = arith.addf %add3A_825, %mul3A_831 : vector<16xf32>
        %add3A_833 = arith.constant 1 : i32
        %add3A_834 = vector.broadcast %add3A_833 : i32 to vector<16xi32>
        %add3A_835 = arith.addi %add3A_828, %add3A_834 : vector<16xi32>
        %gather3A_836 = tpu.vector_load_idx %arg8[%add3A_405, %add3A_835] : memref<208x64xf32, #tpu.memory_space<vmem>>[vector<16xi32>, vector<16xi32>], vector<16xf32>,
        %mul3A_837 = vector.broadcast %squeeze3A_147 : f32 to vector<16xf32>
        %mul3A_838 = arith.mulf %gather3A_836, %mul3A_837 : vector<16xf32>
        %add3A_839 = arith.addf %add3A_832, %mul3A_838 : vector<16xf32>
        %add3A_840 = arith.constant 1 : i32
        %add3A_841 = vector.broadcast %add3A_840 : i32 to vector<16xi32>
        %add3A_842 = arith.addi %add3A_835, %add3A_841 : vector<16xi32>
        %gather3A_843 = tpu.vector_load_idx %arg8[%add3A_405, %add3A_842] : memref<208x64xf32, #tpu.memory_space<vmem>>[vector<16xi32>, vector<16xi32>], vector<16xf32>,
        %mul3A_844 = vector.broadcast %squeeze3A_149 : f32 to vector<16xf32>
        %mul3A_845 = arith.mulf %gather3A_843, %mul3A_844 : vector<16xf32>
        %add3A_846 = arith.addf %add3A_839, %mul3A_845 : vector<16xf32>
        %add3A_847 = arith.constant 1 : i32
        %add3A_848 = vector.broadcast %add3A_847 : i32 to vector<16xi32>
        %add3A_849 = arith.addi %add3A_842, %add3A_848 : vector<16xi32>
        %gather3A_850 = tpu.vector_load_idx %arg8[%add3A_405, %add3A_849] : memref<208x64xf32, #tpu.memory_space<vmem>>[vector<16xi32>, vector<16xi32>], vector<16xf32>,
        %mul3A_851 = vector.broadcast %squeeze3A_151 : f32 to vector<16xf32>
        %mul3A_852 = arith.mulf %gather3A_850, %mul3A_851 : vector<16xf32>
        %add3A_853 = arith.addf %add3A_846, %mul3A_852 : vector<16xf32>
        %mul3A_854 = arith.constant 208 : i32
        %mul3A_855 = arith.muli %add3A_384, %mul3A_854 : i32
        %mul3A_856 = arith.constant 16 : i32
        %mul3A_857 = arith.muli %scan3A_400, %mul3A_856 : i32
        %add3A_858 = arith.addi %mul3A_855, %mul3A_857 : i32
        %swap3A_859 = arith.index_cast %add3A_858 : i32 to index
        %swap3A_860 = tpu.vector_load %arg10[%swap3A_859] {strides = array<i32>} : memref<31312xf32, #tpu.memory_space<vmem>>, vector<16xf32>,
        tpu.vector_store %arg10[%swap3A_859], %add3A_853 {strides = array<i32>} : memref<31312xf32, #tpu.memory_space<vmem>>, vector<16xf32>,
        %scan3A_861 = arith.constant 0 : i32
        scf.yield %scan3A_861 : i32
      }
      %scan3A_391 = arith.constant 13 : i32
      %add3A_392 = arith.constant 3 : i32
      %add3A_393 = arith.addi %mul3A_355, %add3A_392 : i32
      %lt3A_394 = arith.constant 150 : i32
      %lt3A_395 = arith.cmpi slt, %add3A_393, %lt3A_394 : i32
      %convert_element_type3A_396 = arith.extui %lt3A_395 : i1 to i32
      %cond3A_397 = arith.constant 0 : i32
      %cond3A_398 = arith.cmpi ne, %convert_element_type3A_396, %cond3A_397 : i32
      scf.if %cond3A_398 {
        %add3A_400 = arith.constant 3 : i32
        %add3A_401 = arith.addi %mul3A_355, %add3A_400 : i32
        %mul3A_402 = arith.constant 208 : i32
        %mul3A_403 = arith.muli %add3A_401, %mul3A_402 : i32
        %add3A_404 = arith.addi %mul3A_2, %mul3A_403 : i32
        %dma_start3A_405 = arith.constant 0 : i32
        %dma_start3A_406 = tpu.memref_slice %arg2[%add3A_404, %dma_start3A_405] : memref<1000000x64xf32, #tpu.memory_space<hbm>> -> memref<208x64xf32, #tpu.memory_space<hbm>>
        %dma_start3A_407 = arith.constant 0 : i32
        %dma_start3A_408 = tpu.memref_slice %arg2[%add3A_404, %dma_start3A_407] : memref<1000000x64xf32, #tpu.memory_space<hbm>> -> memref<208x64xf32, #tpu.memory_space<hbm>>
        tpu.enqueue_dma source(%dma_start3A_408 : memref<208x64xf32, #tpu.memory_space<hbm>>) target(%arg8 : memref<208x64xf32, #tpu.memory_space<vmem>>) target_semaphore(%arg14 : memref<!tpu.dma_semaphore, #tpu.memory_space<semaphore_mem>>)
      } else {
      }
      %scan3A_399 = arith.constant 0 : i32
      scf.yield %scan3A_399 : i32
    }
    %scan3A_157 = arith.constant 75 : i32
    %add3A_158 = arith.constant 31200 : i32
    %add3A_159 = arith.addi %mul3A_2, %add3A_158 : i32
    %dma_start3A_160 = arith.constant 0 : i32
    %dma_start3A_161 = arith.constant 0 : i32
    %dma_start3A_162 = tpu.memref_slice %arg7[%dma_start3A_160, %dma_start3A_161] : memref<208x64xf32, #tpu.memory_space<vmem>> -> memref<112x64xf32, #tpu.memory_space<vmem>>
    %dma_start3A_163 = arith.constant 0 : i32
    %dma_start3A_164 = tpu.memref_slice %arg2[%add3A_159, %dma_start3A_163] : memref<1000000x64xf32, #tpu.memory_space<hbm>> -> memref<112x64xf32, #tpu.memory_space<hbm>>
    %dma_start3A_165 = arith.constant 0 : i32
    %dma_start3A_166 = arith.constant 0 : i32
    %dma_start3A_167 = tpu.memref_slice %arg7[%dma_start3A_165, %dma_start3A_166] : memref<208x64xf32, #tpu.memory_space<vmem>> -> memref<112x64xf32, #tpu.memory_space<vmem>>
    %dma_start3A_168 = arith.constant 0 : i32
    %dma_start3A_169 = tpu.memref_slice %arg2[%add3A_159, %dma_start3A_168] : memref<1000000x64xf32, #tpu.memory_space<hbm>> -> memref<112x64xf32, #tpu.memory_space<hbm>>
    tpu.enqueue_dma source(%dma_start3A_169 : memref<112x64xf32, #tpu.memory_space<hbm>>) target(%dma_start3A_167 : memref<112x64xf32, #tpu.memory_space<vmem>>) target_semaphore(%arg13 : memref<!tpu.dma_semaphore, #tpu.memory_space<semaphore_mem>>)
    %add3A_170 = arith.constant 31200 : i32
    %add3A_171 = arith.addi %mul3A_2, %add3A_170 : i32
    %dma_wait3A = arith.constant 0 : i32
    %dma_wait3A_172 = arith.constant 0 : i32
    %dma_wait3A_173 = tpu.memref_slice %arg7[%dma_wait3A, %dma_wait3A_172] : memref<208x64xf32, #tpu.memory_space<vmem>> -> memref<112x64xf32, #tpu.memory_space<vmem>>
    %dma_wait3A_174 = arith.constant 0 : i32
    %dma_wait3A_175 = tpu.memref_slice %arg2[%add3A_171, %dma_wait3A_174] : memref<1000000x64xf32, #tpu.memory_space<hbm>> -> memref<112x64xf32, #tpu.memory_space<hbm>>
    %dma_wait3A_176 = arith.constant 0 : i32
    %dma_wait3A_177 = arith.constant 0 : i32
    %dma_wait3A_178 = tpu.memref_slice %arg7[%dma_wait3A_176, %dma_wait3A_177] : memref<208x64xf32, #tpu.memory_space<vmem>> -> memref<112x64xf32, #tpu.memory_space<vmem>>
    %dma_wait3A_179 = arith.constant 0 : i32
    %dma_wait3A_180 = tpu.memref_slice %arg2[%add3A_171, %dma_wait3A_179] : memref<1000000x64xf32, #tpu.memory_space<hbm>> -> memref<112x64xf32, #tpu.memory_space<hbm>>
    tpu.wait_dma2 semaphore(%arg13 : memref<!tpu.dma_semaphore, #tpu.memory_space<semaphore_mem>>) src(%dma_wait3A_180 : memref<112x64xf32, #tpu.memory_space<hbm>>) dst(%dma_wait3A_178 : memref<112x64xf32, #tpu.memory_space<vmem>>)
    %while3A = arith.constant 0 : i32
    %while3A_181 = arith.constant 0 : i32
    %while3A_182 = arith.subi %select_n3A, %while3A : i32
    %while3A_183 = arith.addi %while3A, %while3A_182 : i32
    %while3A_184 = arith.constant 1 : i32
    %while3A_185 = arith.divsi %while3A_182, %while3A_184 : i32
    %while3A_186 = arith.muli %while3A_185, %while3A_184 : i32
    %while3A_187 = arith.addi %while3A, %while3A_186 : i32
    %while3A_188 = arith.constant 1 : i32
    %while3A_189 = scf.for %while3A_352 = %while3A to %while3A_187 step %while3A_188 iter_args(%while3A_353 = %while3A_181) -> (i32)  : i32 {
      %mul3A_354 = arith.constant 16 : i32
      %mul3A_355 = arith.muli %while3A_352, %mul3A_354 : i32
      %add3A_356 = vector.broadcast %mul3A_355 : i32 to vector<16xi32>
      %add3A_357 = arith.addi %add3A_356, %iota3A : vector<16xi32>
      %broadcast_in_dim3A_358 = arith.constant 0 : i32
      %broadcast_in_dim3A_359 = vector.broadcast %broadcast_in_dim3A_358 : i32 to vector<16xi32>
      %broadcast_in_dim3A_360 = arith.constant 0.000000e+00 : f32
      %broadcast_in_dim3A_361 = vector.broadcast %broadcast_in_dim3A_360 : f32 to vector<16xf32>
      %gather3A = tpu.vector_load_idx %arg7[%add3A_357, %broadcast_in_dim3A_359] : memref<208x64xf32, #tpu.memory_space<vmem>>[vector<16xi32>, vector<16xi32>], vector<16xf32>,
      %mul3A_362 = vector.broadcast %squeeze3A : f32 to vector<16xf32>
      %mul3A_363 = arith.mulf %gather3A, %mul3A_362 : vector<16xf32>
      %add3A_364 = arith.addf %broadcast_in_dim3A_361, %mul3A_363 : vector<16xf32>
      %add3A_365 = arith.constant 1 : i32
      %add3A_366 = vector.broadcast %add3A_365 : i32 to vector<16xi32>
      %add3A_367 = arith.addi %broadcast_in_dim3A_359, %add3A_366 : vector<16xi32>
      %gather3A_368 = tpu.vector_load_idx %arg7[%add3A_357, %add3A_367] : memref<208x64xf32, #tpu.memory_space<vmem>>[vector<16xi32>, vector<16xi32>], vector<16xf32>,
      %mul3A_369 = vector.broadcast %squeeze3A_21 : f32 to vector<16xf32>
      %mul3A_370 = arith.mulf %gather3A_368, %mul3A_369 : vector<16xf32>
      %add3A_371 = arith.addf %add3A_364, %mul3A_370 : vector<16xf32>
      %add3A_372 = arith.constant 1 : i32
      %add3A_373 = vector.broadcast %add3A_372 : i32 to vector<16xi32>
      %add3A_374 = arith.addi %add3A_367, %add3A_373 : vector<16xi32>
      %gather3A_375 = tpu.vector_load_idx %arg7[%add3A_357, %add3A_374] : memref<208x64xf32, #tpu.memory_space<vmem>>[vector<16xi32>, vector<16xi32>], vector<16xf32>,
      %mul3A_376 = vector.broadcast %squeeze3A_23 : f32 to vector<16xf32>
      %mul3A_377 = arith.mulf %gather3A_375, %mul3A_376 : vector<16xf32>
      %add3A_378 = arith.addf %add3A_371, %mul3A_377 : vector<16xf32>
      %add3A_379 = arith.constant 1 : i32
      %add3A_380 = vector.broadcast %add3A_379 : i32 to vector<16xi32>
      %add3A_381 = arith.addi %add3A_374, %add3A_380 : vector<16xi32>
      %gather3A_382 = tpu.vector_load_idx %arg7[%add3A_357, %add3A_381] : memref<208x64xf32, #tpu.memory_space<vmem>>[vector<16xi32>, vector<16xi32>], vector<16xf32>,
      %mul3A_383 = vector.broadcast %squeeze3A_25 : f32 to vector<16xf32>
      %mul3A_384 = arith.mulf %gather3A_382, %mul3A_383 : vector<16xf32>
      %add3A_385 = arith.addf %add3A_378, %mul3A_384 : vector<16xf32>
      %add3A_386 = arith.constant 1 : i32
      %add3A_387 = vector.broadcast %add3A_386 : i32 to vector<16xi32>
      %add3A_388 = arith.addi %add3A_381, %add3A_387 : vector<16xi32>
      %gather3A_389 = tpu.vector_load_idx %arg7[%add3A_357, %add3A_388] : memref<208x64xf32, #tpu.memory_space<vmem>>[vector<16xi32>, vector<16xi32>], vector<16xf32>,
      %mul3A_390 = vector.broadcast %squeeze3A_27 : f32 to vector<16xf32>
      %mul3A_391 = arith.mulf %gather3A_389, %mul3A_390 : vector<16xf32>
      %add3A_392 = arith.addf %add3A_385, %mul3A_391 : vector<16xf32>
      %add3A_393 = arith.constant 1 : i32
      %add3A_394 = vector.broadcast %add3A_393 : i32 to vector<16xi32>
      %add3A_395 = arith.addi %add3A_388, %add3A_394 : vector<16xi32>
      %gather3A_396 = tpu.vector_load_idx %arg7[%add3A_357, %add3A_395] : memref<208x64xf32, #tpu.memory_space<vmem>>[vector<16xi32>, vector<16xi32>], vector<16xf32>,
      %mul3A_397 = vector.broadcast %squeeze3A_29 : f32 to vector<16xf32>
      %mul3A_398 = arith.mulf %gather3A_396, %mul3A_397 : vector<16xf32>
      %add3A_399 = arith.addf %add3A_392, %mul3A_398 : vector<16xf32>
      %add3A_400 = arith.constant 1 : i32
      %add3A_401 = vector.broadcast %add3A_400 : i32 to vector<16xi32>
      %add3A_402 = arith.addi %add3A_395, %add3A_401 : vector<16xi32>
      %gather3A_403 = tpu.vector_load_idx %arg7[%add3A_357, %add3A_402] : memref<208x64xf32, #tpu.memory_space<vmem>>[vector<16xi32>, vector<16xi32>], vector<16xf32>,
      %mul3A_404 = vector.broadcast %squeeze3A_31 : f32 to vector<16xf32>
      %mul3A_405 = arith.mulf %gather3A_403, %mul3A_404 : vector<16xf32>
      %add3A_406 = arith.addf %add3A_399, %mul3A_405 : vector<16xf32>
      %add3A_407 = arith.constant 1 : i32
      %add3A_408 = vector.broadcast %add3A_407 : i32 to vector<16xi32>
      %add3A_409 = arith.addi %add3A_402, %add3A_408 : vector<16xi32>
      %gather3A_410 = tpu.vector_load_idx %arg7[%add3A_357, %add3A_409] : memref<208x64xf32, #tpu.memory_space<vmem>>[vector<16xi32>, vector<16xi32>], vector<16xf32>,
      %mul3A_411 = vector.broadcast %squeeze3A_33 : f32 to vector<16xf32>
      %mul3A_412 = arith.mulf %gather3A_410, %mul3A_411 : vector<16xf32>
      %add3A_413 = arith.addf %add3A_406, %mul3A_412 : vector<16xf32>
      %add3A_414 = arith.constant 1 : i32
      %add3A_415 = vector.broadcast %add3A_414 : i32 to vector<16xi32>
      %add3A_416 = arith.addi %add3A_409, %add3A_415 : vector<16xi32>
      %gather3A_417 = tpu.vector_load_idx %arg7[%add3A_357, %add3A_416] : memref<208x64xf32, #tpu.memory_space<vmem>>[vector<16xi32>, vector<16xi32>], vector<16xf32>,
      %mul3A_418 = vector.broadcast %squeeze3A_35 : f32 to vector<16xf32>
      %mul3A_419 = arith.mulf %gather3A_417, %mul3A_418 : vector<16xf32>
      %add3A_420 = arith.addf %add3A_413, %mul3A_419 : vector<16xf32>
      %add3A_421 = arith.constant 1 : i32
      %add3A_422 = vector.broadcast %add3A_421 : i32 to vector<16xi32>
      %add3A_423 = arith.addi %add3A_416, %add3A_422 : vector<16xi32>
      %gather3A_424 = tpu.vector_load_idx %arg7[%add3A_357, %add3A_423] : memref<208x64xf32, #tpu.memory_space<vmem>>[vector<16xi32>, vector<16xi32>], vector<16xf32>,
      %mul3A_425 = vector.broadcast %squeeze3A_37 : f32 to vector<16xf32>
      %mul3A_426 = arith.mulf %gather3A_424, %mul3A_425 : vector<16xf32>
      %add3A_427 = arith.addf %add3A_420, %mul3A_426 : vector<16xf32>
      %add3A_428 = arith.constant 1 : i32
      %add3A_429 = vector.broadcast %add3A_428 : i32 to vector<16xi32>
      %add3A_430 = arith.addi %add3A_423, %add3A_429 : vector<16xi32>
      %gather3A_431 = tpu.vector_load_idx %arg7[%add3A_357, %add3A_430] : memref<208x64xf32, #tpu.memory_space<vmem>>[vector<16xi32>, vector<16xi32>], vector<16xf32>,
      %mul3A_432 = vector.broadcast %squeeze3A_39 : f32 to vector<16xf32>
      %mul3A_433 = arith.mulf %gather3A_431, %mul3A_432 : vector<16xf32>
      %add3A_434 = arith.addf %add3A_427, %mul3A_433 : vector<16xf32>
      %add3A_435 = arith.constant 1 : i32
      %add3A_436 = vector.broadcast %add3A_435 : i32 to vector<16xi32>
      %add3A_437 = arith.addi %add3A_430, %add3A_436 : vector<16xi32>
      %gather3A_438 = tpu.vector_load_idx %arg7[%add3A_357, %add3A_437] : memref<208x64xf32, #tpu.memory_space<vmem>>[vector<16xi32>, vector<16xi32>], vector<16xf32>,
      %mul3A_439 = vector.broadcast %squeeze3A_41 : f32 to vector<16xf32>
      %mul3A_440 = arith.mulf %gather3A_438, %mul3A_439 : vector<16xf32>
      %add3A_441 = arith.addf %add3A_434, %mul3A_440 : vector<16xf32>
      %add3A_442 = arith.constant 1 : i32
      %add3A_443 = vector.broadcast %add3A_442 : i32 to vector<16xi32>
      %add3A_444 = arith.addi %add3A_437, %add3A_443 : vector<16xi32>
      %gather3A_445 = tpu.vector_load_idx %arg7[%add3A_357, %add3A_444] : memref<208x64xf32, #tpu.memory_space<vmem>>[vector<16xi32>, vector<16xi32>], vector<16xf32>,
      %mul3A_446 = vector.broadcast %squeeze3A_43 : f32 to vector<16xf32>
      %mul3A_447 = arith.mulf %gather3A_445, %mul3A_446 : vector<16xf32>
      %add3A_448 = arith.addf %add3A_441, %mul3A_447 : vector<16xf32>
      %add3A_449 = arith.constant 1 : i32
      %add3A_450 = vector.broadcast %add3A_449 : i32 to vector<16xi32>
      %add3A_451 = arith.addi %add3A_444, %add3A_450 : vector<16xi32>
      %gather3A_452 = tpu.vector_load_idx %arg7[%add3A_357, %add3A_451] : memref<208x64xf32, #tpu.memory_space<vmem>>[vector<16xi32>, vector<16xi32>], vector<16xf32>,
      %mul3A_453 = vector.broadcast %squeeze3A_45 : f32 to vector<16xf32>
      %mul3A_454 = arith.mulf %gather3A_452, %mul3A_453 : vector<16xf32>
      %add3A_455 = arith.addf %add3A_448, %mul3A_454 : vector<16xf32>
      %add3A_456 = arith.constant 1 : i32
      %add3A_457 = vector.broadcast %add3A_456 : i32 to vector<16xi32>
      %add3A_458 = arith.addi %add3A_451, %add3A_457 : vector<16xi32>
      %gather3A_459 = tpu.vector_load_idx %arg7[%add3A_357, %add3A_458] : memref<208x64xf32, #tpu.memory_space<vmem>>[vector<16xi32>, vector<16xi32>], vector<16xf32>,
      %mul3A_460 = vector.broadcast %squeeze3A_47 : f32 to vector<16xf32>
      %mul3A_461 = arith.mulf %gather3A_459, %mul3A_460 : vector<16xf32>
      %add3A_462 = arith.addf %add3A_455, %mul3A_461 : vector<16xf32>
      %add3A_463 = arith.constant 1 : i32
      %add3A_464 = vector.broadcast %add3A_463 : i32 to vector<16xi32>
      %add3A_465 = arith.addi %add3A_458, %add3A_464 : vector<16xi32>
      %gather3A_466 = tpu.vector_load_idx %arg7[%add3A_357, %add3A_465] : memref<208x64xf32, #tpu.memory_space<vmem>>[vector<16xi32>, vector<16xi32>], vector<16xf32>,
      %mul3A_467 = vector.broadcast %squeeze3A_49 : f32 to vector<16xf32>
      %mul3A_468 = arith.mulf %gather3A_466, %mul3A_467 : vector<16xf32>
      %add3A_469 = arith.addf %add3A_462, %mul3A_468 : vector<16xf32>
      %add3A_470 = arith.constant 1 : i32
      %add3A_471 = vector.broadcast %add3A_470 : i32 to vector<16xi32>
      %add3A_472 = arith.addi %add3A_465, %add3A_471 : vector<16xi32>
      %gather3A_473 = tpu.vector_load_idx %arg7[%add3A_357, %add3A_472] : memref<208x64xf32, #tpu.memory_space<vmem>>[vector<16xi32>, vector<16xi32>], vector<16xf32>,
      %mul3A_474 = vector.broadcast %squeeze3A_53 : f32 to vector<16xf32>
      %mul3A_475 = arith.mulf %gather3A_473, %mul3A_474 : vector<16xf32>
      %add3A_476 = arith.addf %add3A_469, %mul3A_475 : vector<16xf32>
      %add3A_477 = arith.constant 1 : i32
      %add3A_478 = vector.broadcast %add3A_477 : i32 to vector<16xi32>
      %add3A_479 = arith.addi %add3A_472, %add3A_478 : vector<16xi32>
      %gather3A_480 = tpu.vector_load_idx %arg7[%add3A_357, %add3A_479] : memref<208x64xf32, #tpu.memory_space<vmem>>[vector<16xi32>, vector<16xi32>], vector<16xf32>,
      %mul3A_481 = vector.broadcast %squeeze3A_55 : f32 to vector<16xf32>
      %mul3A_482 = arith.mulf %gather3A_480, %mul3A_481 : vector<16xf32>
      %add3A_483 = arith.addf %add3A_476, %mul3A_482 : vector<16xf32>
      %add3A_484 = arith.constant 1 : i32
      %add3A_485 = vector.broadcast %add3A_484 : i32 to vector<16xi32>
      %add3A_486 = arith.addi %add3A_479, %add3A_485 : vector<16xi32>
      %gather3A_487 = tpu.vector_load_idx %arg7[%add3A_357, %add3A_486] : memref<208x64xf32, #tpu.memory_space<vmem>>[vector<16xi32>, vector<16xi32>], vector<16xf32>,
      %mul3A_488 = vector.broadcast %squeeze3A_57 : f32 to vector<16xf32>
      %mul3A_489 = arith.mulf %gather3A_487, %mul3A_488 : vector<16xf32>
      %add3A_490 = arith.addf %add3A_483, %mul3A_489 : vector<16xf32>
      %add3A_491 = arith.constant 1 : i32
      %add3A_492 = vector.broadcast %add3A_491 : i32 to vector<16xi32>
      %add3A_493 = arith.addi %add3A_486, %add3A_492 : vector<16xi32>
      %gather3A_494 = tpu.vector_load_idx %arg7[%add3A_357, %add3A_493] : memref<208x64xf32, #tpu.memory_space<vmem>>[vector<16xi32>, vector<16xi32>], vector<16xf32>,
      %mul3A_495 = vector.broadcast %squeeze3A_59 : f32 to vector<16xf32>
      %mul3A_496 = arith.mulf %gather3A_494, %mul3A_495 : vector<16xf32>
      %add3A_497 = arith.addf %add3A_490, %mul3A_496 : vector<16xf32>
      %add3A_498 = arith.constant 1 : i32
      %add3A_499 = vector.broadcast %add3A_498 : i32 to vector<16xi32>
      %add3A_500 = arith.addi %add3A_493, %add3A_499 : vector<16xi32>
      %gather3A_501 = tpu.vector_load_idx %arg7[%add3A_357, %add3A_500] : memref<208x64xf32, #tpu.memory_space<vmem>>[vector<16xi32>, vector<16xi32>], vector<16xf32>,
      %mul3A_502 = vector.broadcast %squeeze3A_61 : f32 to vector<16xf32>
      %mul3A_503 = arith.mulf %gather3A_501, %mul3A_502 : vector<16xf32>
      %add3A_504 = arith.addf %add3A_497, %mul3A_503 : vector<16xf32>
      %add3A_505 = arith.constant 1 : i32
      %add3A_506 = vector.broadcast %add3A_505 : i32 to vector<16xi32>
      %add3A_507 = arith.addi %add3A_500, %add3A_506 : vector<16xi32>
      %gather3A_508 = tpu.vector_load_idx %arg7[%add3A_357, %add3A_507] : memref<208x64xf32, #tpu.memory_space<vmem>>[vector<16xi32>, vector<16xi32>], vector<16xf32>,
      %mul3A_509 = vector.broadcast %squeeze3A_63 : f32 to vector<16xf32>
      %mul3A_510 = arith.mulf %gather3A_508, %mul3A_509 : vector<16xf32>
      %add3A_511 = arith.addf %add3A_504, %mul3A_510 : vector<16xf32>
      %add3A_512 = arith.constant 1 : i32
      %add3A_513 = vector.broadcast %add3A_512 : i32 to vector<16xi32>
      %add3A_514 = arith.addi %add3A_507, %add3A_513 : vector<16xi32>
      %gather3A_515 = tpu.vector_load_idx %arg7[%add3A_357, %add3A_514] : memref<208x64xf32, #tpu.memory_space<vmem>>[vector<16xi32>, vector<16xi32>], vector<16xf32>,
      %mul3A_516 = vector.broadcast %squeeze3A_65 : f32 to vector<16xf32>
      %mul3A_517 = arith.mulf %gather3A_515, %mul3A_516 : vector<16xf32>
      %add3A_518 = arith.addf %add3A_511, %mul3A_517 : vector<16xf32>
      %add3A_519 = arith.constant 1 : i32
      %add3A_520 = vector.broadcast %add3A_519 : i32 to vector<16xi32>
      %add3A_521 = arith.addi %add3A_514, %add3A_520 : vector<16xi32>
      %gather3A_522 = tpu.vector_load_idx %arg7[%add3A_357, %add3A_521] : memref<208x64xf32, #tpu.memory_space<vmem>>[vector<16xi32>, vector<16xi32>], vector<16xf32>,
      %mul3A_523 = vector.broadcast %squeeze3A_67 : f32 to vector<16xf32>
      %mul3A_524 = arith.mulf %gather3A_522, %mul3A_523 : vector<16xf32>
      %add3A_525 = arith.addf %add3A_518, %mul3A_524 : vector<16xf32>
      %add3A_526 = arith.constant 1 : i32
      %add3A_527 = vector.broadcast %add3A_526 : i32 to vector<16xi32>
      %add3A_528 = arith.addi %add3A_521, %add3A_527 : vector<16xi32>
      %gather3A_529 = tpu.vector_load_idx %arg7[%add3A_357, %add3A_528] : memref<208x64xf32, #tpu.memory_space<vmem>>[vector<16xi32>, vector<16xi32>], vector<16xf32>,
      %mul3A_530 = vector.broadcast %squeeze3A_69 : f32 to vector<16xf32>
      %mul3A_531 = arith.mulf %gather3A_529, %mul3A_530 : vector<16xf32>
      %add3A_532 = arith.addf %add3A_525, %mul3A_531 : vector<16xf32>
      %add3A_533 = arith.constant 1 : i32
      %add3A_534 = vector.broadcast %add3A_533 : i32 to vector<16xi32>
      %add3A_535 = arith.addi %add3A_528, %add3A_534 : vector<16xi32>
      %gather3A_536 = tpu.vector_load_idx %arg7[%add3A_357, %add3A_535] : memref<208x64xf32, #tpu.memory_space<vmem>>[vector<16xi32>, vector<16xi32>], vector<16xf32>,
      %mul3A_537 = vector.broadcast %squeeze3A_71 : f32 to vector<16xf32>
      %mul3A_538 = arith.mulf %gather3A_536, %mul3A_537 : vector<16xf32>
      %add3A_539 = arith.addf %add3A_532, %mul3A_538 : vector<16xf32>
      %add3A_540 = arith.constant 1 : i32
      %add3A_541 = vector.broadcast %add3A_540 : i32 to vector<16xi32>
      %add3A_542 = arith.addi %add3A_535, %add3A_541 : vector<16xi32>
      %gather3A_543 = tpu.vector_load_idx %arg7[%add3A_357, %add3A_542] : memref<208x64xf32, #tpu.memory_space<vmem>>[vector<16xi32>, vector<16xi32>], vector<16xf32>,
      %mul3A_544 = vector.broadcast %squeeze3A_73 : f32 to vector<16xf32>
      %mul3A_545 = arith.mulf %gather3A_543, %mul3A_544 : vector<16xf32>
      %add3A_546 = arith.addf %add3A_539, %mul3A_545 : vector<16xf32>
      %add3A_547 = arith.constant 1 : i32
      %add3A_548 = vector.broadcast %add3A_547 : i32 to vector<16xi32>
      %add3A_549 = arith.addi %add3A_542, %add3A_548 : vector<16xi32>
      %gather3A_550 = tpu.vector_load_idx %arg7[%add3A_357, %add3A_549] : memref<208x64xf32, #tpu.memory_space<vmem>>[vector<16xi32>, vector<16xi32>], vector<16xf32>,
      %mul3A_551 = vector.broadcast %squeeze3A_75 : f32 to vector<16xf32>
      %mul3A_552 = arith.mulf %gather3A_550, %mul3A_551 : vector<16xf32>
      %add3A_553 = arith.addf %add3A_546, %mul3A_552 : vector<16xf32>
      %add3A_554 = arith.constant 1 : i32
      %add3A_555 = vector.broadcast %add3A_554 : i32 to vector<16xi32>
      %add3A_556 = arith.addi %add3A_549, %add3A_555 : vector<16xi32>
      %gather3A_557 = tpu.vector_load_idx %arg7[%add3A_357, %add3A_556] : memref<208x64xf32, #tpu.memory_space<vmem>>[vector<16xi32>, vector<16xi32>], vector<16xf32>,
      %mul3A_558 = vector.broadcast %squeeze3A_77 : f32 to vector<16xf32>
      %mul3A_559 = arith.mulf %gather3A_557, %mul3A_558 : vector<16xf32>
      %add3A_560 = arith.addf %add3A_553, %mul3A_559 : vector<16xf32>
      %add3A_561 = arith.constant 1 : i32
      %add3A_562 = vector.broadcast %add3A_561 : i32 to vector<16xi32>
      %add3A_563 = arith.addi %add3A_556, %add3A_562 : vector<16xi32>
      %gather3A_564 = tpu.vector_load_idx %arg7[%add3A_357, %add3A_563] : memref<208x64xf32, #tpu.memory_space<vmem>>[vector<16xi32>, vector<16xi32>], vector<16xf32>,
      %mul3A_565 = vector.broadcast %squeeze3A_79 : f32 to vector<16xf32>
      %mul3A_566 = arith.mulf %gather3A_564, %mul3A_565 : vector<16xf32>
      %add3A_567 = arith.addf %add3A_560, %mul3A_566 : vector<16xf32>
      %add3A_568 = arith.constant 1 : i32
      %add3A_569 = vector.broadcast %add3A_568 : i32 to vector<16xi32>
      %add3A_570 = arith.addi %add3A_563, %add3A_569 : vector<16xi32>
      %gather3A_571 = tpu.vector_load_idx %arg7[%add3A_357, %add3A_570] : memref<208x64xf32, #tpu.memory_space<vmem>>[vector<16xi32>, vector<16xi32>], vector<16xf32>,
      %mul3A_572 = vector.broadcast %squeeze3A_81 : f32 to vector<16xf32>
      %mul3A_573 = arith.mulf %gather3A_571, %mul3A_572 : vector<16xf32>
      %add3A_574 = arith.addf %add3A_567, %mul3A_573 : vector<16xf32>
      %add3A_575 = arith.constant 1 : i32
      %add3A_576 = vector.broadcast %add3A_575 : i32 to vector<16xi32>
      %add3A_577 = arith.addi %add3A_570, %add3A_576 : vector<16xi32>
      %gather3A_578 = tpu.vector_load_idx %arg7[%add3A_357, %add3A_577] : memref<208x64xf32, #tpu.memory_space<vmem>>[vector<16xi32>, vector<16xi32>], vector<16xf32>,
      %mul3A_579 = vector.broadcast %squeeze3A_83 : f32 to vector<16xf32>
      %mul3A_580 = arith.mulf %gather3A_578, %mul3A_579 : vector<16xf32>
      %add3A_581 = arith.addf %add3A_574, %mul3A_580 : vector<16xf32>
      %add3A_582 = arith.constant 1 : i32
      %add3A_583 = vector.broadcast %add3A_582 : i32 to vector<16xi32>
      %add3A_584 = arith.addi %add3A_577, %add3A_583 : vector<16xi32>
      %gather3A_585 = tpu.vector_load_idx %arg7[%add3A_357, %add3A_584] : memref<208x64xf32, #tpu.memory_space<vmem>>[vector<16xi32>, vector<16xi32>], vector<16xf32>,
      %mul3A_586 = vector.broadcast %squeeze3A_87 : f32 to vector<16xf32>
      %mul3A_587 = arith.mulf %gather3A_585, %mul3A_586 : vector<16xf32>
      %add3A_588 = arith.addf %add3A_581, %mul3A_587 : vector<16xf32>
      %add3A_589 = arith.constant 1 : i32
      %add3A_590 = vector.broadcast %add3A_589 : i32 to vector<16xi32>
      %add3A_591 = arith.addi %add3A_584, %add3A_590 : vector<16xi32>
      %gather3A_592 = tpu.vector_load_idx %arg7[%add3A_357, %add3A_591] : memref<208x64xf32, #tpu.memory_space<vmem>>[vector<16xi32>, vector<16xi32>], vector<16xf32>,
      %mul3A_593 = vector.broadcast %squeeze3A_89 : f32 to vector<16xf32>
      %mul3A_594 = arith.mulf %gather3A_592, %mul3A_593 : vector<16xf32>
      %add3A_595 = arith.addf %add3A_588, %mul3A_594 : vector<16xf32>
      %add3A_596 = arith.constant 1 : i32
      %add3A_597 = vector.broadcast %add3A_596 : i32 to vector<16xi32>
      %add3A_598 = arith.addi %add3A_591, %add3A_597 : vector<16xi32>
      %gather3A_599 = tpu.vector_load_idx %arg7[%add3A_357, %add3A_598] : memref<208x64xf32, #tpu.memory_space<vmem>>[vector<16xi32>, vector<16xi32>], vector<16xf32>,
      %mul3A_600 = vector.broadcast %squeeze3A_91 : f32 to vector<16xf32>
      %mul3A_601 = arith.mulf %gather3A_599, %mul3A_600 : vector<16xf32>
      %add3A_602 = arith.addf %add3A_595, %mul3A_601 : vector<16xf32>
      %add3A_603 = arith.constant 1 : i32
      %add3A_604 = vector.broadcast %add3A_603 : i32 to vector<16xi32>
      %add3A_605 = arith.addi %add3A_598, %add3A_604 : vector<16xi32>
      %gather3A_606 = tpu.vector_load_idx %arg7[%add3A_357, %add3A_605] : memref<208x64xf32, #tpu.memory_space<vmem>>[vector<16xi32>, vector<16xi32>], vector<16xf32>,
      %mul3A_607 = vector.broadcast %squeeze3A_93 : f32 to vector<16xf32>
      %mul3A_608 = arith.mulf %gather3A_606, %mul3A_607 : vector<16xf32>
      %add3A_609 = arith.addf %add3A_602, %mul3A_608 : vector<16xf32>
      %add3A_610 = arith.constant 1 : i32
      %add3A_611 = vector.broadcast %add3A_610 : i32 to vector<16xi32>
      %add3A_612 = arith.addi %add3A_605, %add3A_611 : vector<16xi32>
      %gather3A_613 = tpu.vector_load_idx %arg7[%add3A_357, %add3A_612] : memref<208x64xf32, #tpu.memory_space<vmem>>[vector<16xi32>, vector<16xi32>], vector<16xf32>,
      %mul3A_614 = vector.broadcast %squeeze3A_95 : f32 to vector<16xf32>
      %mul3A_615 = arith.mulf %gather3A_613, %mul3A_614 : vector<16xf32>
      %add3A_616 = arith.addf %add3A_609, %mul3A_615 : vector<16xf32>
      %add3A_617 = arith.constant 1 : i32
      %add3A_618 = vector.broadcast %add3A_617 : i32 to vector<16xi32>
      %add3A_619 = arith.addi %add3A_612, %add3A_618 : vector<16xi32>
      %gather3A_620 = tpu.vector_load_idx %arg7[%add3A_357, %add3A_619] : memref<208x64xf32, #tpu.memory_space<vmem>>[vector<16xi32>, vector<16xi32>], vector<16xf32>,
      %mul3A_621 = vector.broadcast %squeeze3A_97 : f32 to vector<16xf32>
      %mul3A_622 = arith.mulf %gather3A_620, %mul3A_621 : vector<16xf32>
      %add3A_623 = arith.addf %add3A_616, %mul3A_622 : vector<16xf32>
      %add3A_624 = arith.constant 1 : i32
      %add3A_625 = vector.broadcast %add3A_624 : i32 to vector<16xi32>
      %add3A_626 = arith.addi %add3A_619, %add3A_625 : vector<16xi32>
      %gather3A_627 = tpu.vector_load_idx %arg7[%add3A_357, %add3A_626] : memref<208x64xf32, #tpu.memory_space<vmem>>[vector<16xi32>, vector<16xi32>], vector<16xf32>,
      %mul3A_628 = vector.broadcast %squeeze3A_99 : f32 to vector<16xf32>
      %mul3A_629 = arith.mulf %gather3A_627, %mul3A_628 : vector<16xf32>
      %add3A_630 = arith.addf %add3A_623, %mul3A_629 : vector<16xf32>
      %add3A_631 = arith.constant 1 : i32
      %add3A_632 = vector.broadcast %add3A_631 : i32 to vector<16xi32>
      %add3A_633 = arith.addi %add3A_626, %add3A_632 : vector<16xi32>
      %gather3A_634 = tpu.vector_load_idx %arg7[%add3A_357, %add3A_633] : memref<208x64xf32, #tpu.memory_space<vmem>>[vector<16xi32>, vector<16xi32>], vector<16xf32>,
      %mul3A_635 = vector.broadcast %squeeze3A_101 : f32 to vector<16xf32>
      %mul3A_636 = arith.mulf %gather3A_634, %mul3A_635 : vector<16xf32>
      %add3A_637 = arith.addf %add3A_630, %mul3A_636 : vector<16xf32>
      %add3A_638 = arith.constant 1 : i32
      %add3A_639 = vector.broadcast %add3A_638 : i32 to vector<16xi32>
      %add3A_640 = arith.addi %add3A_633, %add3A_639 : vector<16xi32>
      %gather3A_641 = tpu.vector_load_idx %arg7[%add3A_357, %add3A_640] : memref<208x64xf32, #tpu.memory_space<vmem>>[vector<16xi32>, vector<16xi32>], vector<16xf32>,
      %mul3A_642 = vector.broadcast %squeeze3A_103 : f32 to vector<16xf32>
      %mul3A_643 = arith.mulf %gather3A_641, %mul3A_642 : vector<16xf32>
      %add3A_644 = arith.addf %add3A_637, %mul3A_643 : vector<16xf32>
      %add3A_645 = arith.constant 1 : i32
      %add3A_646 = vector.broadcast %add3A_645 : i32 to vector<16xi32>
      %add3A_647 = arith.addi %add3A_640, %add3A_646 : vector<16xi32>
      %gather3A_648 = tpu.vector_load_idx %arg7[%add3A_357, %add3A_647] : memref<208x64xf32, #tpu.memory_space<vmem>>[vector<16xi32>, vector<16xi32>], vector<16xf32>,
      %mul3A_649 = vector.broadcast %squeeze3A_105 : f32 to vector<16xf32>
      %mul3A_650 = arith.mulf %gather3A_648, %mul3A_649 : vector<16xf32>
      %add3A_651 = arith.addf %add3A_644, %mul3A_650 : vector<16xf32>
      %add3A_652 = arith.constant 1 : i32
      %add3A_653 = vector.broadcast %add3A_652 : i32 to vector<16xi32>
      %add3A_654 = arith.addi %add3A_647, %add3A_653 : vector<16xi32>
      %gather3A_655 = tpu.vector_load_idx %arg7[%add3A_357, %add3A_654] : memref<208x64xf32, #tpu.memory_space<vmem>>[vector<16xi32>, vector<16xi32>], vector<16xf32>,
      %mul3A_656 = vector.broadcast %squeeze3A_107 : f32 to vector<16xf32>
      %mul3A_657 = arith.mulf %gather3A_655, %mul3A_656 : vector<16xf32>
      %add3A_658 = arith.addf %add3A_651, %mul3A_657 : vector<16xf32>
      %add3A_659 = arith.constant 1 : i32
      %add3A_660 = vector.broadcast %add3A_659 : i32 to vector<16xi32>
      %add3A_661 = arith.addi %add3A_654, %add3A_660 : vector<16xi32>
      %gather3A_662 = tpu.vector_load_idx %arg7[%add3A_357, %add3A_661] : memref<208x64xf32, #tpu.memory_space<vmem>>[vector<16xi32>, vector<16xi32>], vector<16xf32>,
      %mul3A_663 = vector.broadcast %squeeze3A_109 : f32 to vector<16xf32>
      %mul3A_664 = arith.mulf %gather3A_662, %mul3A_663 : vector<16xf32>
      %add3A_665 = arith.addf %add3A_658, %mul3A_664 : vector<16xf32>
      %add3A_666 = arith.constant 1 : i32
      %add3A_667 = vector.broadcast %add3A_666 : i32 to vector<16xi32>
      %add3A_668 = arith.addi %add3A_661, %add3A_667 : vector<16xi32>
      %gather3A_669 = tpu.vector_load_idx %arg7[%add3A_357, %add3A_668] : memref<208x64xf32, #tpu.memory_space<vmem>>[vector<16xi32>, vector<16xi32>], vector<16xf32>,
      %mul3A_670 = vector.broadcast %squeeze3A_111 : f32 to vector<16xf32>
      %mul3A_671 = arith.mulf %gather3A_669, %mul3A_670 : vector<16xf32>
      %add3A_672 = arith.addf %add3A_665, %mul3A_671 : vector<16xf32>
      %add3A_673 = arith.constant 1 : i32
      %add3A_674 = vector.broadcast %add3A_673 : i32 to vector<16xi32>
      %add3A_675 = arith.addi %add3A_668, %add3A_674 : vector<16xi32>
      %gather3A_676 = tpu.vector_load_idx %arg7[%add3A_357, %add3A_675] : memref<208x64xf32, #tpu.memory_space<vmem>>[vector<16xi32>, vector<16xi32>], vector<16xf32>,
      %mul3A_677 = vector.broadcast %squeeze3A_113 : f32 to vector<16xf32>
      %mul3A_678 = arith.mulf %gather3A_676, %mul3A_677 : vector<16xf32>
      %add3A_679 = arith.addf %add3A_672, %mul3A_678 : vector<16xf32>
      %add3A_680 = arith.constant 1 : i32
      %add3A_681 = vector.broadcast %add3A_680 : i32 to vector<16xi32>
      %add3A_682 = arith.addi %add3A_675, %add3A_681 : vector<16xi32>
      %gather3A_683 = tpu.vector_load_idx %arg7[%add3A_357, %add3A_682] : memref<208x64xf32, #tpu.memory_space<vmem>>[vector<16xi32>, vector<16xi32>], vector<16xf32>,
      %mul3A_684 = vector.broadcast %squeeze3A_115 : f32 to vector<16xf32>
      %mul3A_685 = arith.mulf %gather3A_683, %mul3A_684 : vector<16xf32>
      %add3A_686 = arith.addf %add3A_679, %mul3A_685 : vector<16xf32>
      %add3A_687 = arith.constant 1 : i32
      %add3A_688 = vector.broadcast %add3A_687 : i32 to vector<16xi32>
      %add3A_689 = arith.addi %add3A_682, %add3A_688 : vector<16xi32>
      %gather3A_690 = tpu.vector_load_idx %arg7[%add3A_357, %add3A_689] : memref<208x64xf32, #tpu.memory_space<vmem>>[vector<16xi32>, vector<16xi32>], vector<16xf32>,
      %mul3A_691 = vector.broadcast %squeeze3A_117 : f32 to vector<16xf32>
      %mul3A_692 = arith.mulf %gather3A_690, %mul3A_691 : vector<16xf32>
      %add3A_693 = arith.addf %add3A_686, %mul3A_692 : vector<16xf32>
      %add3A_694 = arith.constant 1 : i32
      %add3A_695 = vector.broadcast %add3A_694 : i32 to vector<16xi32>
      %add3A_696 = arith.addi %add3A_689, %add3A_695 : vector<16xi32>
      %gather3A_697 = tpu.vector_load_idx %arg7[%add3A_357, %add3A_696] : memref<208x64xf32, #tpu.memory_space<vmem>>[vector<16xi32>, vector<16xi32>], vector<16xf32>,
      %mul3A_698 = vector.broadcast %squeeze3A_121 : f32 to vector<16xf32>
      %mul3A_699 = arith.mulf %gather3A_697, %mul3A_698 : vector<16xf32>
      %add3A_700 = arith.addf %add3A_693, %mul3A_699 : vector<16xf32>
      %add3A_701 = arith.constant 1 : i32
      %add3A_702 = vector.broadcast %add3A_701 : i32 to vector<16xi32>
      %add3A_703 = arith.addi %add3A_696, %add3A_702 : vector<16xi32>
      %gather3A_704 = tpu.vector_load_idx %arg7[%add3A_357, %add3A_703] : memref<208x64xf32, #tpu.memory_space<vmem>>[vector<16xi32>, vector<16xi32>], vector<16xf32>,
      %mul3A_705 = vector.broadcast %squeeze3A_123 : f32 to vector<16xf32>
      %mul3A_706 = arith.mulf %gather3A_704, %mul3A_705 : vector<16xf32>
      %add3A_707 = arith.addf %add3A_700, %mul3A_706 : vector<16xf32>
      %add3A_708 = arith.constant 1 : i32
      %add3A_709 = vector.broadcast %add3A_708 : i32 to vector<16xi32>
      %add3A_710 = arith.addi %add3A_703, %add3A_709 : vector<16xi32>
      %gather3A_711 = tpu.vector_load_idx %arg7[%add3A_357, %add3A_710] : memref<208x64xf32, #tpu.memory_space<vmem>>[vector<16xi32>, vector<16xi32>], vector<16xf32>,
      %mul3A_712 = vector.broadcast %squeeze3A_125 : f32 to vector<16xf32>
      %mul3A_713 = arith.mulf %gather3A_711, %mul3A_712 : vector<16xf32>
      %add3A_714 = arith.addf %add3A_707, %mul3A_713 : vector<16xf32>
      %add3A_715 = arith.constant 1 : i32
      %add3A_716 = vector.broadcast %add3A_715 : i32 to vector<16xi32>
      %add3A_717 = arith.addi %add3A_710, %add3A_716 : vector<16xi32>
      %gather3A_718 = tpu.vector_load_idx %arg7[%add3A_357, %add3A_717] : memref<208x64xf32, #tpu.memory_space<vmem>>[vector<16xi32>, vector<16xi32>], vector<16xf32>,
      %mul3A_719 = vector.broadcast %squeeze3A_127 : f32 to vector<16xf32>
      %mul3A_720 = arith.mulf %gather3A_718, %mul3A_719 : vector<16xf32>
      %add3A_721 = arith.addf %add3A_714, %mul3A_720 : vector<16xf32>
      %add3A_722 = arith.constant 1 : i32
      %add3A_723 = vector.broadcast %add3A_722 : i32 to vector<16xi32>
      %add3A_724 = arith.addi %add3A_717, %add3A_723 : vector<16xi32>
      %gather3A_725 = tpu.vector_load_idx %arg7[%add3A_357, %add3A_724] : memref<208x64xf32, #tpu.memory_space<vmem>>[vector<16xi32>, vector<16xi32>], vector<16xf32>,
      %mul3A_726 = vector.broadcast %squeeze3A_129 : f32 to vector<16xf32>
      %mul3A_727 = arith.mulf %gather3A_725, %mul3A_726 : vector<16xf32>
      %add3A_728 = arith.addf %add3A_721, %mul3A_727 : vector<16xf32>
      %add3A_729 = arith.constant 1 : i32
      %add3A_730 = vector.broadcast %add3A_729 : i32 to vector<16xi32>
      %add3A_731 = arith.addi %add3A_724, %add3A_730 : vector<16xi32>
      %gather3A_732 = tpu.vector_load_idx %arg7[%add3A_357, %add3A_731] : memref<208x64xf32, #tpu.memory_space<vmem>>[vector<16xi32>, vector<16xi32>], vector<16xf32>,
      %mul3A_733 = vector.broadcast %squeeze3A_131 : f32 to vector<16xf32>
      %mul3A_734 = arith.mulf %gather3A_732, %mul3A_733 : vector<16xf32>
      %add3A_735 = arith.addf %add3A_728, %mul3A_734 : vector<16xf32>
      %add3A_736 = arith.constant 1 : i32
      %add3A_737 = vector.broadcast %add3A_736 : i32 to vector<16xi32>
      %add3A_738 = arith.addi %add3A_731, %add3A_737 : vector<16xi32>
      %gather3A_739 = tpu.vector_load_idx %arg7[%add3A_357, %add3A_738] : memref<208x64xf32, #tpu.memory_space<vmem>>[vector<16xi32>, vector<16xi32>], vector<16xf32>,
      %mul3A_740 = vector.broadcast %squeeze3A_133 : f32 to vector<16xf32>
      %mul3A_741 = arith.mulf %gather3A_739, %mul3A_740 : vector<16xf32>
      %add3A_742 = arith.addf %add3A_735, %mul3A_741 : vector<16xf32>
      %add3A_743 = arith.constant 1 : i32
      %add3A_744 = vector.broadcast %add3A_743 : i32 to vector<16xi32>
      %add3A_745 = arith.addi %add3A_738, %add3A_744 : vector<16xi32>
      %gather3A_746 = tpu.vector_load_idx %arg7[%add3A_357, %add3A_745] : memref<208x64xf32, #tpu.memory_space<vmem>>[vector<16xi32>, vector<16xi32>], vector<16xf32>,
      %mul3A_747 = vector.broadcast %squeeze3A_135 : f32 to vector<16xf32>
      %mul3A_748 = arith.mulf %gather3A_746, %mul3A_747 : vector<16xf32>
      %add3A_749 = arith.addf %add3A_742, %mul3A_748 : vector<16xf32>
      %add3A_750 = arith.constant 1 : i32
      %add3A_751 = vector.broadcast %add3A_750 : i32 to vector<16xi32>
      %add3A_752 = arith.addi %add3A_745, %add3A_751 : vector<16xi32>
      %gather3A_753 = tpu.vector_load_idx %arg7[%add3A_357, %add3A_752] : memref<208x64xf32, #tpu.memory_space<vmem>>[vector<16xi32>, vector<16xi32>], vector<16xf32>,
      %mul3A_754 = vector.broadcast %squeeze3A_137 : f32 to vector<16xf32>
      %mul3A_755 = arith.mulf %gather3A_753, %mul3A_754 : vector<16xf32>
      %add3A_756 = arith.addf %add3A_749, %mul3A_755 : vector<16xf32>
      %add3A_757 = arith.constant 1 : i32
      %add3A_758 = vector.broadcast %add3A_757 : i32 to vector<16xi32>
      %add3A_759 = arith.addi %add3A_752, %add3A_758 : vector<16xi32>
      %gather3A_760 = tpu.vector_load_idx %arg7[%add3A_357, %add3A_759] : memref<208x64xf32, #tpu.memory_space<vmem>>[vector<16xi32>, vector<16xi32>], vector<16xf32>,
      %mul3A_761 = vector.broadcast %squeeze3A_139 : f32 to vector<16xf32>
      %mul3A_762 = arith.mulf %gather3A_760, %mul3A_761 : vector<16xf32>
      %add3A_763 = arith.addf %add3A_756, %mul3A_762 : vector<16xf32>
      %add3A_764 = arith.constant 1 : i32
      %add3A_765 = vector.broadcast %add3A_764 : i32 to vector<16xi32>
      %add3A_766 = arith.addi %add3A_759, %add3A_765 : vector<16xi32>
      %gather3A_767 = tpu.vector_load_idx %arg7[%add3A_357, %add3A_766] : memref<208x64xf32, #tpu.memory_space<vmem>>[vector<16xi32>, vector<16xi32>], vector<16xf32>,
      %mul3A_768 = vector.broadcast %squeeze3A_141 : f32 to vector<16xf32>
      %mul3A_769 = arith.mulf %gather3A_767, %mul3A_768 : vector<16xf32>
      %add3A_770 = arith.addf %add3A_763, %mul3A_769 : vector<16xf32>
      %add3A_771 = arith.constant 1 : i32
      %add3A_772 = vector.broadcast %add3A_771 : i32 to vector<16xi32>
      %add3A_773 = arith.addi %add3A_766, %add3A_772 : vector<16xi32>
      %gather3A_774 = tpu.vector_load_idx %arg7[%add3A_357, %add3A_773] : memref<208x64xf32, #tpu.memory_space<vmem>>[vector<16xi32>, vector<16xi32>], vector<16xf32>,
      %mul3A_775 = vector.broadcast %squeeze3A_143 : f32 to vector<16xf32>
      %mul3A_776 = arith.mulf %gather3A_774, %mul3A_775 : vector<16xf32>
      %add3A_777 = arith.addf %add3A_770, %mul3A_776 : vector<16xf32>
      %add3A_778 = arith.constant 1 : i32
      %add3A_779 = vector.broadcast %add3A_778 : i32 to vector<16xi32>
      %add3A_780 = arith.addi %add3A_773, %add3A_779 : vector<16xi32>
      %gather3A_781 = tpu.vector_load_idx %arg7[%add3A_357, %add3A_780] : memref<208x64xf32, #tpu.memory_space<vmem>>[vector<16xi32>, vector<16xi32>], vector<16xf32>,
      %mul3A_782 = vector.broadcast %squeeze3A_145 : f32 to vector<16xf32>
      %mul3A_783 = arith.mulf %gather3A_781, %mul3A_782 : vector<16xf32>
      %add3A_784 = arith.addf %add3A_777, %mul3A_783 : vector<16xf32>
      %add3A_785 = arith.constant 1 : i32
      %add3A_786 = vector.broadcast %add3A_785 : i32 to vector<16xi32>
      %add3A_787 = arith.addi %add3A_780, %add3A_786 : vector<16xi32>
      %gather3A_788 = tpu.vector_load_idx %arg7[%add3A_357, %add3A_787] : memref<208x64xf32, #tpu.memory_space<vmem>>[vector<16xi32>, vector<16xi32>], vector<16xf32>,
      %mul3A_789 = vector.broadcast %squeeze3A_147 : f32 to vector<16xf32>
      %mul3A_790 = arith.mulf %gather3A_788, %mul3A_789 : vector<16xf32>
      %add3A_791 = arith.addf %add3A_784, %mul3A_790 : vector<16xf32>
      %add3A_792 = arith.constant 1 : i32
      %add3A_793 = vector.broadcast %add3A_792 : i32 to vector<16xi32>
      %add3A_794 = arith.addi %add3A_787, %add3A_793 : vector<16xi32>
      %gather3A_795 = tpu.vector_load_idx %arg7[%add3A_357, %add3A_794] : memref<208x64xf32, #tpu.memory_space<vmem>>[vector<16xi32>, vector<16xi32>], vector<16xf32>,
      %mul3A_796 = vector.broadcast %squeeze3A_149 : f32 to vector<16xf32>
      %mul3A_797 = arith.mulf %gather3A_795, %mul3A_796 : vector<16xf32>
      %add3A_798 = arith.addf %add3A_791, %mul3A_797 : vector<16xf32>
      %add3A_799 = arith.constant 1 : i32
      %add3A_800 = vector.broadcast %add3A_799 : i32 to vector<16xi32>
      %add3A_801 = arith.addi %add3A_794, %add3A_800 : vector<16xi32>
      %gather3A_802 = tpu.vector_load_idx %arg7[%add3A_357, %add3A_801] : memref<208x64xf32, #tpu.memory_space<vmem>>[vector<16xi32>, vector<16xi32>], vector<16xf32>,
      %mul3A_803 = vector.broadcast %squeeze3A_151 : f32 to vector<16xf32>
      %mul3A_804 = arith.mulf %gather3A_802, %mul3A_803 : vector<16xf32>
      %add3A_805 = arith.addf %add3A_798, %mul3A_804 : vector<16xf32>
      %mul3A_806 = arith.constant 16 : i32
      %mul3A_807 = arith.muli %while3A_352, %mul3A_806 : i32
      %add3A_808 = arith.constant 31200 : i32
      %add3A_809 = arith.addi %add3A_808, %mul3A_807 : i32
      %swap3A_810 = arith.index_cast %add3A_809 : i32 to index
      %swap3A_811 = tpu.vector_load %arg10[%swap3A_810] {strides = array<i32>} : memref<31312xf32, #tpu.memory_space<vmem>>, vector<16xf32>,
      tpu.vector_store %arg10[%swap3A_810], %add3A_805 {strides = array<i32>} : memref<31312xf32, #tpu.memory_space<vmem>>, vector<16xf32>,
      %while3A_812 = arith.constant 0 : i32
      scf.yield %while3A_812 : i32
    }
    %while3A_190 = arith.constant 1 : i32
    %while3A_191 = scf.for %while3A_352 = %while3A_187 to %while3A_183 step %while3A_190 iter_args(%while3A_353 = %while3A_189) -> (i32)  : i32 {
      %mul3A_354 = arith.constant 16 : i32
      %mul3A_355 = arith.muli %while3A_352, %mul3A_354 : i32
      %add3A_356 = vector.broadcast %mul3A_355 : i32 to vector<16xi32>
      %add3A_357 = arith.addi %add3A_356, %iota3A : vector<16xi32>
      %broadcast_in_dim3A_358 = arith.constant 0 : i32
      %broadcast_in_dim3A_359 = vector.broadcast %broadcast_in_dim3A_358 : i32 to vector<16xi32>
      %broadcast_in_dim3A_360 = arith.constant 0.000000e+00 : f32
      %broadcast_in_dim3A_361 = vector.broadcast %broadcast_in_dim3A_360 : f32 to vector<16xf32>
      %gather3A = tpu.vector_load_idx %arg7[%add3A_357, %broadcast_in_dim3A_359] : memref<208x64xf32, #tpu.memory_space<vmem>>[vector<16xi32>, vector<16xi32>], vector<16xf32>,
      %mul3A_362 = vector.broadcast %squeeze3A : f32 to vector<16xf32>
      %mul3A_363 = arith.mulf %gather3A, %mul3A_362 : vector<16xf32>
      %add3A_364 = arith.addf %broadcast_in_dim3A_361, %mul3A_363 : vector<16xf32>
      %add3A_365 = arith.constant 1 : i32
      %add3A_366 = vector.broadcast %add3A_365 : i32 to vector<16xi32>
      %add3A_367 = arith.addi %broadcast_in_dim3A_359, %add3A_366 : vector<16xi32>
      %gather3A_368 = tpu.vector_load_idx %arg7[%add3A_357, %add3A_367] : memref<208x64xf32, #tpu.memory_space<vmem>>[vector<16xi32>, vector<16xi32>], vector<16xf32>,
      %mul3A_369 = vector.broadcast %squeeze3A_21 : f32 to vector<16xf32>
      %mul3A_370 = arith.mulf %gather3A_368, %mul3A_369 : vector<16xf32>
      %add3A_371 = arith.addf %add3A_364, %mul3A_370 : vector<16xf32>
      %add3A_372 = arith.constant 1 : i32
      %add3A_373 = vector.broadcast %add3A_372 : i32 to vector<16xi32>
      %add3A_374 = arith.addi %add3A_367, %add3A_373 : vector<16xi32>
      %gather3A_375 = tpu.vector_load_idx %arg7[%add3A_357, %add3A_374] : memref<208x64xf32, #tpu.memory_space<vmem>>[vector<16xi32>, vector<16xi32>], vector<16xf32>,
      %mul3A_376 = vector.broadcast %squeeze3A_23 : f32 to vector<16xf32>
      %mul3A_377 = arith.mulf %gather3A_375, %mul3A_376 : vector<16xf32>
      %add3A_378 = arith.addf %add3A_371, %mul3A_377 : vector<16xf32>
      %add3A_379 = arith.constant 1 : i32
      %add3A_380 = vector.broadcast %add3A_379 : i32 to vector<16xi32>
      %add3A_381 = arith.addi %add3A_374, %add3A_380 : vector<16xi32>
      %gather3A_382 = tpu.vector_load_idx %arg7[%add3A_357, %add3A_381] : memref<208x64xf32, #tpu.memory_space<vmem>>[vector<16xi32>, vector<16xi32>], vector<16xf32>,
      %mul3A_383 = vector.broadcast %squeeze3A_25 : f32 to vector<16xf32>
      %mul3A_384 = arith.mulf %gather3A_382, %mul3A_383 : vector<16xf32>
      %add3A_385 = arith.addf %add3A_378, %mul3A_384 : vector<16xf32>
      %add3A_386 = arith.constant 1 : i32
      %add3A_387 = vector.broadcast %add3A_386 : i32 to vector<16xi32>
      %add3A_388 = arith.addi %add3A_381, %add3A_387 : vector<16xi32>
      %gather3A_389 = tpu.vector_load_idx %arg7[%add3A_357, %add3A_388] : memref<208x64xf32, #tpu.memory_space<vmem>>[vector<16xi32>, vector<16xi32>], vector<16xf32>,
      %mul3A_390 = vector.broadcast %squeeze3A_27 : f32 to vector<16xf32>
      %mul3A_391 = arith.mulf %gather3A_389, %mul3A_390 : vector<16xf32>
      %add3A_392 = arith.addf %add3A_385, %mul3A_391 : vector<16xf32>
      %add3A_393 = arith.constant 1 : i32
      %add3A_394 = vector.broadcast %add3A_393 : i32 to vector<16xi32>
      %add3A_395 = arith.addi %add3A_388, %add3A_394 : vector<16xi32>
      %gather3A_396 = tpu.vector_load_idx %arg7[%add3A_357, %add3A_395] : memref<208x64xf32, #tpu.memory_space<vmem>>[vector<16xi32>, vector<16xi32>], vector<16xf32>,
      %mul3A_397 = vector.broadcast %squeeze3A_29 : f32 to vector<16xf32>
      %mul3A_398 = arith.mulf %gather3A_396, %mul3A_397 : vector<16xf32>
      %add3A_399 = arith.addf %add3A_392, %mul3A_398 : vector<16xf32>
      %add3A_400 = arith.constant 1 : i32
      %add3A_401 = vector.broadcast %add3A_400 : i32 to vector<16xi32>
      %add3A_402 = arith.addi %add3A_395, %add3A_401 : vector<16xi32>
      %gather3A_403 = tpu.vector_load_idx %arg7[%add3A_357, %add3A_402] : memref<208x64xf32, #tpu.memory_space<vmem>>[vector<16xi32>, vector<16xi32>], vector<16xf32>,
      %mul3A_404 = vector.broadcast %squeeze3A_31 : f32 to vector<16xf32>
      %mul3A_405 = arith.mulf %gather3A_403, %mul3A_404 : vector<16xf32>
      %add3A_406 = arith.addf %add3A_399, %mul3A_405 : vector<16xf32>
      %add3A_407 = arith.constant 1 : i32
      %add3A_408 = vector.broadcast %add3A_407 : i32 to vector<16xi32>
      %add3A_409 = arith.addi %add3A_402, %add3A_408 : vector<16xi32>
      %gather3A_410 = tpu.vector_load_idx %arg7[%add3A_357, %add3A_409] : memref<208x64xf32, #tpu.memory_space<vmem>>[vector<16xi32>, vector<16xi32>], vector<16xf32>,
      %mul3A_411 = vector.broadcast %squeeze3A_33 : f32 to vector<16xf32>
      %mul3A_412 = arith.mulf %gather3A_410, %mul3A_411 : vector<16xf32>
      %add3A_413 = arith.addf %add3A_406, %mul3A_412 : vector<16xf32>
      %add3A_414 = arith.constant 1 : i32
      %add3A_415 = vector.broadcast %add3A_414 : i32 to vector<16xi32>
      %add3A_416 = arith.addi %add3A_409, %add3A_415 : vector<16xi32>
      %gather3A_417 = tpu.vector_load_idx %arg7[%add3A_357, %add3A_416] : memref<208x64xf32, #tpu.memory_space<vmem>>[vector<16xi32>, vector<16xi32>], vector<16xf32>,
      %mul3A_418 = vector.broadcast %squeeze3A_35 : f32 to vector<16xf32>
      %mul3A_419 = arith.mulf %gather3A_417, %mul3A_418 : vector<16xf32>
      %add3A_420 = arith.addf %add3A_413, %mul3A_419 : vector<16xf32>
      %add3A_421 = arith.constant 1 : i32
      %add3A_422 = vector.broadcast %add3A_421 : i32 to vector<16xi32>
      %add3A_423 = arith.addi %add3A_416, %add3A_422 : vector<16xi32>
      %gather3A_424 = tpu.vector_load_idx %arg7[%add3A_357, %add3A_423] : memref<208x64xf32, #tpu.memory_space<vmem>>[vector<16xi32>, vector<16xi32>], vector<16xf32>,
      %mul3A_425 = vector.broadcast %squeeze3A_37 : f32 to vector<16xf32>
      %mul3A_426 = arith.mulf %gather3A_424, %mul3A_425 : vector<16xf32>
      %add3A_427 = arith.addf %add3A_420, %mul3A_426 : vector<16xf32>
      %add3A_428 = arith.constant 1 : i32
      %add3A_429 = vector.broadcast %add3A_428 : i32 to vector<16xi32>
      %add3A_430 = arith.addi %add3A_423, %add3A_429 : vector<16xi32>
      %gather3A_431 = tpu.vector_load_idx %arg7[%add3A_357, %add3A_430] : memref<208x64xf32, #tpu.memory_space<vmem>>[vector<16xi32>, vector<16xi32>], vector<16xf32>,
      %mul3A_432 = vector.broadcast %squeeze3A_39 : f32 to vector<16xf32>
      %mul3A_433 = arith.mulf %gather3A_431, %mul3A_432 : vector<16xf32>
      %add3A_434 = arith.addf %add3A_427, %mul3A_433 : vector<16xf32>
      %add3A_435 = arith.constant 1 : i32
      %add3A_436 = vector.broadcast %add3A_435 : i32 to vector<16xi32>
      %add3A_437 = arith.addi %add3A_430, %add3A_436 : vector<16xi32>
      %gather3A_438 = tpu.vector_load_idx %arg7[%add3A_357, %add3A_437] : memref<208x64xf32, #tpu.memory_space<vmem>>[vector<16xi32>, vector<16xi32>], vector<16xf32>,
      %mul3A_439 = vector.broadcast %squeeze3A_41 : f32 to vector<16xf32>
      %mul3A_440 = arith.mulf %gather3A_438, %mul3A_439 : vector<16xf32>
      %add3A_441 = arith.addf %add3A_434, %mul3A_440 : vector<16xf32>
      %add3A_442 = arith.constant 1 : i32
      %add3A_443 = vector.broadcast %add3A_442 : i32 to vector<16xi32>
      %add3A_444 = arith.addi %add3A_437, %add3A_443 : vector<16xi32>
      %gather3A_445 = tpu.vector_load_idx %arg7[%add3A_357, %add3A_444] : memref<208x64xf32, #tpu.memory_space<vmem>>[vector<16xi32>, vector<16xi32>], vector<16xf32>,
      %mul3A_446 = vector.broadcast %squeeze3A_43 : f32 to vector<16xf32>
      %mul3A_447 = arith.mulf %gather3A_445, %mul3A_446 : vector<16xf32>
      %add3A_448 = arith.addf %add3A_441, %mul3A_447 : vector<16xf32>
      %add3A_449 = arith.constant 1 : i32
      %add3A_450 = vector.broadcast %add3A_449 : i32 to vector<16xi32>
      %add3A_451 = arith.addi %add3A_444, %add3A_450 : vector<16xi32>
      %gather3A_452 = tpu.vector_load_idx %arg7[%add3A_357, %add3A_451] : memref<208x64xf32, #tpu.memory_space<vmem>>[vector<16xi32>, vector<16xi32>], vector<16xf32>,
      %mul3A_453 = vector.broadcast %squeeze3A_45 : f32 to vector<16xf32>
      %mul3A_454 = arith.mulf %gather3A_452, %mul3A_453 : vector<16xf32>
      %add3A_455 = arith.addf %add3A_448, %mul3A_454 : vector<16xf32>
      %add3A_456 = arith.constant 1 : i32
      %add3A_457 = vector.broadcast %add3A_456 : i32 to vector<16xi32>
      %add3A_458 = arith.addi %add3A_451, %add3A_457 : vector<16xi32>
      %gather3A_459 = tpu.vector_load_idx %arg7[%add3A_357, %add3A_458] : memref<208x64xf32, #tpu.memory_space<vmem>>[vector<16xi32>, vector<16xi32>], vector<16xf32>,
      %mul3A_460 = vector.broadcast %squeeze3A_47 : f32 to vector<16xf32>
      %mul3A_461 = arith.mulf %gather3A_459, %mul3A_460 : vector<16xf32>
      %add3A_462 = arith.addf %add3A_455, %mul3A_461 : vector<16xf32>
      %add3A_463 = arith.constant 1 : i32
      %add3A_464 = vector.broadcast %add3A_463 : i32 to vector<16xi32>
      %add3A_465 = arith.addi %add3A_458, %add3A_464 : vector<16xi32>
      %gather3A_466 = tpu.vector_load_idx %arg7[%add3A_357, %add3A_465] : memref<208x64xf32, #tpu.memory_space<vmem>>[vector<16xi32>, vector<16xi32>], vector<16xf32>,
      %mul3A_467 = vector.broadcast %squeeze3A_49 : f32 to vector<16xf32>
      %mul3A_468 = arith.mulf %gather3A_466, %mul3A_467 : vector<16xf32>
      %add3A_469 = arith.addf %add3A_462, %mul3A_468 : vector<16xf32>
      %add3A_470 = arith.constant 1 : i32
      %add3A_471 = vector.broadcast %add3A_470 : i32 to vector<16xi32>
      %add3A_472 = arith.addi %add3A_465, %add3A_471 : vector<16xi32>
      %gather3A_473 = tpu.vector_load_idx %arg7[%add3A_357, %add3A_472] : memref<208x64xf32, #tpu.memory_space<vmem>>[vector<16xi32>, vector<16xi32>], vector<16xf32>,
      %mul3A_474 = vector.broadcast %squeeze3A_53 : f32 to vector<16xf32>
      %mul3A_475 = arith.mulf %gather3A_473, %mul3A_474 : vector<16xf32>
      %add3A_476 = arith.addf %add3A_469, %mul3A_475 : vector<16xf32>
      %add3A_477 = arith.constant 1 : i32
      %add3A_478 = vector.broadcast %add3A_477 : i32 to vector<16xi32>
      %add3A_479 = arith.addi %add3A_472, %add3A_478 : vector<16xi32>
      %gather3A_480 = tpu.vector_load_idx %arg7[%add3A_357, %add3A_479] : memref<208x64xf32, #tpu.memory_space<vmem>>[vector<16xi32>, vector<16xi32>], vector<16xf32>,
      %mul3A_481 = vector.broadcast %squeeze3A_55 : f32 to vector<16xf32>
      %mul3A_482 = arith.mulf %gather3A_480, %mul3A_481 : vector<16xf32>
      %add3A_483 = arith.addf %add3A_476, %mul3A_482 : vector<16xf32>
      %add3A_484 = arith.constant 1 : i32
      %add3A_485 = vector.broadcast %add3A_484 : i32 to vector<16xi32>
      %add3A_486 = arith.addi %add3A_479, %add3A_485 : vector<16xi32>
      %gather3A_487 = tpu.vector_load_idx %arg7[%add3A_357, %add3A_486] : memref<208x64xf32, #tpu.memory_space<vmem>>[vector<16xi32>, vector<16xi32>], vector<16xf32>,
      %mul3A_488 = vector.broadcast %squeeze3A_57 : f32 to vector<16xf32>
      %mul3A_489 = arith.mulf %gather3A_487, %mul3A_488 : vector<16xf32>
      %add3A_490 = arith.addf %add3A_483, %mul3A_489 : vector<16xf32>
      %add3A_491 = arith.constant 1 : i32
      %add3A_492 = vector.broadcast %add3A_491 : i32 to vector<16xi32>
      %add3A_493 = arith.addi %add3A_486, %add3A_492 : vector<16xi32>
      %gather3A_494 = tpu.vector_load_idx %arg7[%add3A_357, %add3A_493] : memref<208x64xf32, #tpu.memory_space<vmem>>[vector<16xi32>, vector<16xi32>], vector<16xf32>,
      %mul3A_495 = vector.broadcast %squeeze3A_59 : f32 to vector<16xf32>
      %mul3A_496 = arith.mulf %gather3A_494, %mul3A_495 : vector<16xf32>
      %add3A_497 = arith.addf %add3A_490, %mul3A_496 : vector<16xf32>
      %add3A_498 = arith.constant 1 : i32
      %add3A_499 = vector.broadcast %add3A_498 : i32 to vector<16xi32>
      %add3A_500 = arith.addi %add3A_493, %add3A_499 : vector<16xi32>
      %gather3A_501 = tpu.vector_load_idx %arg7[%add3A_357, %add3A_500] : memref<208x64xf32, #tpu.memory_space<vmem>>[vector<16xi32>, vector<16xi32>], vector<16xf32>,
      %mul3A_502 = vector.broadcast %squeeze3A_61 : f32 to vector<16xf32>
      %mul3A_503 = arith.mulf %gather3A_501, %mul3A_502 : vector<16xf32>
      %add3A_504 = arith.addf %add3A_497, %mul3A_503 : vector<16xf32>
      %add3A_505 = arith.constant 1 : i32
      %add3A_506 = vector.broadcast %add3A_505 : i32 to vector<16xi32>
      %add3A_507 = arith.addi %add3A_500, %add3A_506 : vector<16xi32>
      %gather3A_508 = tpu.vector_load_idx %arg7[%add3A_357, %add3A_507] : memref<208x64xf32, #tpu.memory_space<vmem>>[vector<16xi32>, vector<16xi32>], vector<16xf32>,
      %mul3A_509 = vector.broadcast %squeeze3A_63 : f32 to vector<16xf32>
      %mul3A_510 = arith.mulf %gather3A_508, %mul3A_509 : vector<16xf32>
      %add3A_511 = arith.addf %add3A_504, %mul3A_510 : vector<16xf32>
      %add3A_512 = arith.constant 1 : i32
      %add3A_513 = vector.broadcast %add3A_512 : i32 to vector<16xi32>
      %add3A_514 = arith.addi %add3A_507, %add3A_513 : vector<16xi32>
      %gather3A_515 = tpu.vector_load_idx %arg7[%add3A_357, %add3A_514] : memref<208x64xf32, #tpu.memory_space<vmem>>[vector<16xi32>, vector<16xi32>], vector<16xf32>,
      %mul3A_516 = vector.broadcast %squeeze3A_65 : f32 to vector<16xf32>
      %mul3A_517 = arith.mulf %gather3A_515, %mul3A_516 : vector<16xf32>
      %add3A_518 = arith.addf %add3A_511, %mul3A_517 : vector<16xf32>
      %add3A_519 = arith.constant 1 : i32
      %add3A_520 = vector.broadcast %add3A_519 : i32 to vector<16xi32>
      %add3A_521 = arith.addi %add3A_514, %add3A_520 : vector<16xi32>
      %gather3A_522 = tpu.vector_load_idx %arg7[%add3A_357, %add3A_521] : memref<208x64xf32, #tpu.memory_space<vmem>>[vector<16xi32>, vector<16xi32>], vector<16xf32>,
      %mul3A_523 = vector.broadcast %squeeze3A_67 : f32 to vector<16xf32>
      %mul3A_524 = arith.mulf %gather3A_522, %mul3A_523 : vector<16xf32>
      %add3A_525 = arith.addf %add3A_518, %mul3A_524 : vector<16xf32>
      %add3A_526 = arith.constant 1 : i32
      %add3A_527 = vector.broadcast %add3A_526 : i32 to vector<16xi32>
      %add3A_528 = arith.addi %add3A_521, %add3A_527 : vector<16xi32>
      %gather3A_529 = tpu.vector_load_idx %arg7[%add3A_357, %add3A_528] : memref<208x64xf32, #tpu.memory_space<vmem>>[vector<16xi32>, vector<16xi32>], vector<16xf32>,
      %mul3A_530 = vector.broadcast %squeeze3A_69 : f32 to vector<16xf32>
      %mul3A_531 = arith.mulf %gather3A_529, %mul3A_530 : vector<16xf32>
      %add3A_532 = arith.addf %add3A_525, %mul3A_531 : vector<16xf32>
      %add3A_533 = arith.constant 1 : i32
      %add3A_534 = vector.broadcast %add3A_533 : i32 to vector<16xi32>
      %add3A_535 = arith.addi %add3A_528, %add3A_534 : vector<16xi32>
      %gather3A_536 = tpu.vector_load_idx %arg7[%add3A_357, %add3A_535] : memref<208x64xf32, #tpu.memory_space<vmem>>[vector<16xi32>, vector<16xi32>], vector<16xf32>,
      %mul3A_537 = vector.broadcast %squeeze3A_71 : f32 to vector<16xf32>
      %mul3A_538 = arith.mulf %gather3A_536, %mul3A_537 : vector<16xf32>
      %add3A_539 = arith.addf %add3A_532, %mul3A_538 : vector<16xf32>
      %add3A_540 = arith.constant 1 : i32
      %add3A_541 = vector.broadcast %add3A_540 : i32 to vector<16xi32>
      %add3A_542 = arith.addi %add3A_535, %add3A_541 : vector<16xi32>
      %gather3A_543 = tpu.vector_load_idx %arg7[%add3A_357, %add3A_542] : memref<208x64xf32, #tpu.memory_space<vmem>>[vector<16xi32>, vector<16xi32>], vector<16xf32>,
      %mul3A_544 = vector.broadcast %squeeze3A_73 : f32 to vector<16xf32>
      %mul3A_545 = arith.mulf %gather3A_543, %mul3A_544 : vector<16xf32>
      %add3A_546 = arith.addf %add3A_539, %mul3A_545 : vector<16xf32>
      %add3A_547 = arith.constant 1 : i32
      %add3A_548 = vector.broadcast %add3A_547 : i32 to vector<16xi32>
      %add3A_549 = arith.addi %add3A_542, %add3A_548 : vector<16xi32>
      %gather3A_550 = tpu.vector_load_idx %arg7[%add3A_357, %add3A_549] : memref<208x64xf32, #tpu.memory_space<vmem>>[vector<16xi32>, vector<16xi32>], vector<16xf32>,
      %mul3A_551 = vector.broadcast %squeeze3A_75 : f32 to vector<16xf32>
      %mul3A_552 = arith.mulf %gather3A_550, %mul3A_551 : vector<16xf32>
      %add3A_553 = arith.addf %add3A_546, %mul3A_552 : vector<16xf32>
      %add3A_554 = arith.constant 1 : i32
      %add3A_555 = vector.broadcast %add3A_554 : i32 to vector<16xi32>
      %add3A_556 = arith.addi %add3A_549, %add3A_555 : vector<16xi32>
      %gather3A_557 = tpu.vector_load_idx %arg7[%add3A_357, %add3A_556] : memref<208x64xf32, #tpu.memory_space<vmem>>[vector<16xi32>, vector<16xi32>], vector<16xf32>,
      %mul3A_558 = vector.broadcast %squeeze3A_77 : f32 to vector<16xf32>
      %mul3A_559 = arith.mulf %gather3A_557, %mul3A_558 : vector<16xf32>
      %add3A_560 = arith.addf %add3A_553, %mul3A_559 : vector<16xf32>
      %add3A_561 = arith.constant 1 : i32
      %add3A_562 = vector.broadcast %add3A_561 : i32 to vector<16xi32>
      %add3A_563 = arith.addi %add3A_556, %add3A_562 : vector<16xi32>
      %gather3A_564 = tpu.vector_load_idx %arg7[%add3A_357, %add3A_563] : memref<208x64xf32, #tpu.memory_space<vmem>>[vector<16xi32>, vector<16xi32>], vector<16xf32>,
      %mul3A_565 = vector.broadcast %squeeze3A_79 : f32 to vector<16xf32>
      %mul3A_566 = arith.mulf %gather3A_564, %mul3A_565 : vector<16xf32>
      %add3A_567 = arith.addf %add3A_560, %mul3A_566 : vector<16xf32>
      %add3A_568 = arith.constant 1 : i32
      %add3A_569 = vector.broadcast %add3A_568 : i32 to vector<16xi32>
      %add3A_570 = arith.addi %add3A_563, %add3A_569 : vector<16xi32>
      %gather3A_571 = tpu.vector_load_idx %arg7[%add3A_357, %add3A_570] : memref<208x64xf32, #tpu.memory_space<vmem>>[vector<16xi32>, vector<16xi32>], vector<16xf32>,
      %mul3A_572 = vector.broadcast %squeeze3A_81 : f32 to vector<16xf32>
      %mul3A_573 = arith.mulf %gather3A_571, %mul3A_572 : vector<16xf32>
      %add3A_574 = arith.addf %add3A_567, %mul3A_573 : vector<16xf32>
      %add3A_575 = arith.constant 1 : i32
      %add3A_576 = vector.broadcast %add3A_575 : i32 to vector<16xi32>
      %add3A_577 = arith.addi %add3A_570, %add3A_576 : vector<16xi32>
      %gather3A_578 = tpu.vector_load_idx %arg7[%add3A_357, %add3A_577] : memref<208x64xf32, #tpu.memory_space<vmem>>[vector<16xi32>, vector<16xi32>], vector<16xf32>,
      %mul3A_579 = vector.broadcast %squeeze3A_83 : f32 to vector<16xf32>
      %mul3A_580 = arith.mulf %gather3A_578, %mul3A_579 : vector<16xf32>
      %add3A_581 = arith.addf %add3A_574, %mul3A_580 : vector<16xf32>
      %add3A_582 = arith.constant 1 : i32
      %add3A_583 = vector.broadcast %add3A_582 : i32 to vector<16xi32>
      %add3A_584 = arith.addi %add3A_577, %add3A_583 : vector<16xi32>
      %gather3A_585 = tpu.vector_load_idx %arg7[%add3A_357, %add3A_584] : memref<208x64xf32, #tpu.memory_space<vmem>>[vector<16xi32>, vector<16xi32>], vector<16xf32>,
      %mul3A_586 = vector.broadcast %squeeze3A_87 : f32 to vector<16xf32>
      %mul3A_587 = arith.mulf %gather3A_585, %mul3A_586 : vector<16xf32>
      %add3A_588 = arith.addf %add3A_581, %mul3A_587 : vector<16xf32>
      %add3A_589 = arith.constant 1 : i32
      %add3A_590 = vector.broadcast %add3A_589 : i32 to vector<16xi32>
      %add3A_591 = arith.addi %add3A_584, %add3A_590 : vector<16xi32>
      %gather3A_592 = tpu.vector_load_idx %arg7[%add3A_357, %add3A_591] : memref<208x64xf32, #tpu.memory_space<vmem>>[vector<16xi32>, vector<16xi32>], vector<16xf32>,
      %mul3A_593 = vector.broadcast %squeeze3A_89 : f32 to vector<16xf32>
      %mul3A_594 = arith.mulf %gather3A_592, %mul3A_593 : vector<16xf32>
      %add3A_595 = arith.addf %add3A_588, %mul3A_594 : vector<16xf32>
      %add3A_596 = arith.constant 1 : i32
      %add3A_597 = vector.broadcast %add3A_596 : i32 to vector<16xi32>
      %add3A_598 = arith.addi %add3A_591, %add3A_597 : vector<16xi32>
      %gather3A_599 = tpu.vector_load_idx %arg7[%add3A_357, %add3A_598] : memref<208x64xf32, #tpu.memory_space<vmem>>[vector<16xi32>, vector<16xi32>], vector<16xf32>,
      %mul3A_600 = vector.broadcast %squeeze3A_91 : f32 to vector<16xf32>
      %mul3A_601 = arith.mulf %gather3A_599, %mul3A_600 : vector<16xf32>
      %add3A_602 = arith.addf %add3A_595, %mul3A_601 : vector<16xf32>
      %add3A_603 = arith.constant 1 : i32
      %add3A_604 = vector.broadcast %add3A_603 : i32 to vector<16xi32>
      %add3A_605 = arith.addi %add3A_598, %add3A_604 : vector<16xi32>
      %gather3A_606 = tpu.vector_load_idx %arg7[%add3A_357, %add3A_605] : memref<208x64xf32, #tpu.memory_space<vmem>>[vector<16xi32>, vector<16xi32>], vector<16xf32>,
      %mul3A_607 = vector.broadcast %squeeze3A_93 : f32 to vector<16xf32>
      %mul3A_608 = arith.mulf %gather3A_606, %mul3A_607 : vector<16xf32>
      %add3A_609 = arith.addf %add3A_602, %mul3A_608 : vector<16xf32>
      %add3A_610 = arith.constant 1 : i32
      %add3A_611 = vector.broadcast %add3A_610 : i32 to vector<16xi32>
      %add3A_612 = arith.addi %add3A_605, %add3A_611 : vector<16xi32>
      %gather3A_613 = tpu.vector_load_idx %arg7[%add3A_357, %add3A_612] : memref<208x64xf32, #tpu.memory_space<vmem>>[vector<16xi32>, vector<16xi32>], vector<16xf32>,
      %mul3A_614 = vector.broadcast %squeeze3A_95 : f32 to vector<16xf32>
      %mul3A_615 = arith.mulf %gather3A_613, %mul3A_614 : vector<16xf32>
      %add3A_616 = arith.addf %add3A_609, %mul3A_615 : vector<16xf32>
      %add3A_617 = arith.constant 1 : i32
      %add3A_618 = vector.broadcast %add3A_617 : i32 to vector<16xi32>
      %add3A_619 = arith.addi %add3A_612, %add3A_618 : vector<16xi32>
      %gather3A_620 = tpu.vector_load_idx %arg7[%add3A_357, %add3A_619] : memref<208x64xf32, #tpu.memory_space<vmem>>[vector<16xi32>, vector<16xi32>], vector<16xf32>,
      %mul3A_621 = vector.broadcast %squeeze3A_97 : f32 to vector<16xf32>
      %mul3A_622 = arith.mulf %gather3A_620, %mul3A_621 : vector<16xf32>
      %add3A_623 = arith.addf %add3A_616, %mul3A_622 : vector<16xf32>
      %add3A_624 = arith.constant 1 : i32
      %add3A_625 = vector.broadcast %add3A_624 : i32 to vector<16xi32>
      %add3A_626 = arith.addi %add3A_619, %add3A_625 : vector<16xi32>
      %gather3A_627 = tpu.vector_load_idx %arg7[%add3A_357, %add3A_626] : memref<208x64xf32, #tpu.memory_space<vmem>>[vector<16xi32>, vector<16xi32>], vector<16xf32>,
      %mul3A_628 = vector.broadcast %squeeze3A_99 : f32 to vector<16xf32>
      %mul3A_629 = arith.mulf %gather3A_627, %mul3A_628 : vector<16xf32>
      %add3A_630 = arith.addf %add3A_623, %mul3A_629 : vector<16xf32>
      %add3A_631 = arith.constant 1 : i32
      %add3A_632 = vector.broadcast %add3A_631 : i32 to vector<16xi32>
      %add3A_633 = arith.addi %add3A_626, %add3A_632 : vector<16xi32>
      %gather3A_634 = tpu.vector_load_idx %arg7[%add3A_357, %add3A_633] : memref<208x64xf32, #tpu.memory_space<vmem>>[vector<16xi32>, vector<16xi32>], vector<16xf32>,
      %mul3A_635 = vector.broadcast %squeeze3A_101 : f32 to vector<16xf32>
      %mul3A_636 = arith.mulf %gather3A_634, %mul3A_635 : vector<16xf32>
      %add3A_637 = arith.addf %add3A_630, %mul3A_636 : vector<16xf32>
      %add3A_638 = arith.constant 1 : i32
      %add3A_639 = vector.broadcast %add3A_638 : i32 to vector<16xi32>
      %add3A_640 = arith.addi %add3A_633, %add3A_639 : vector<16xi32>
      %gather3A_641 = tpu.vector_load_idx %arg7[%add3A_357, %add3A_640] : memref<208x64xf32, #tpu.memory_space<vmem>>[vector<16xi32>, vector<16xi32>], vector<16xf32>,
      %mul3A_642 = vector.broadcast %squeeze3A_103 : f32 to vector<16xf32>
      %mul3A_643 = arith.mulf %gather3A_641, %mul3A_642 : vector<16xf32>
      %add3A_644 = arith.addf %add3A_637, %mul3A_643 : vector<16xf32>
      %add3A_645 = arith.constant 1 : i32
      %add3A_646 = vector.broadcast %add3A_645 : i32 to vector<16xi32>
      %add3A_647 = arith.addi %add3A_640, %add3A_646 : vector<16xi32>
      %gather3A_648 = tpu.vector_load_idx %arg7[%add3A_357, %add3A_647] : memref<208x64xf32, #tpu.memory_space<vmem>>[vector<16xi32>, vector<16xi32>], vector<16xf32>,
      %mul3A_649 = vector.broadcast %squeeze3A_105 : f32 to vector<16xf32>
      %mul3A_650 = arith.mulf %gather3A_648, %mul3A_649 : vector<16xf32>
      %add3A_651 = arith.addf %add3A_644, %mul3A_650 : vector<16xf32>
      %add3A_652 = arith.constant 1 : i32
      %add3A_653 = vector.broadcast %add3A_652 : i32 to vector<16xi32>
      %add3A_654 = arith.addi %add3A_647, %add3A_653 : vector<16xi32>
      %gather3A_655 = tpu.vector_load_idx %arg7[%add3A_357, %add3A_654] : memref<208x64xf32, #tpu.memory_space<vmem>>[vector<16xi32>, vector<16xi32>], vector<16xf32>,
      %mul3A_656 = vector.broadcast %squeeze3A_107 : f32 to vector<16xf32>
      %mul3A_657 = arith.mulf %gather3A_655, %mul3A_656 : vector<16xf32>
      %add3A_658 = arith.addf %add3A_651, %mul3A_657 : vector<16xf32>
      %add3A_659 = arith.constant 1 : i32
      %add3A_660 = vector.broadcast %add3A_659 : i32 to vector<16xi32>
      %add3A_661 = arith.addi %add3A_654, %add3A_660 : vector<16xi32>
      %gather3A_662 = tpu.vector_load_idx %arg7[%add3A_357, %add3A_661] : memref<208x64xf32, #tpu.memory_space<vmem>>[vector<16xi32>, vector<16xi32>], vector<16xf32>,
      %mul3A_663 = vector.broadcast %squeeze3A_109 : f32 to vector<16xf32>
      %mul3A_664 = arith.mulf %gather3A_662, %mul3A_663 : vector<16xf32>
      %add3A_665 = arith.addf %add3A_658, %mul3A_664 : vector<16xf32>
      %add3A_666 = arith.constant 1 : i32
      %add3A_667 = vector.broadcast %add3A_666 : i32 to vector<16xi32>
      %add3A_668 = arith.addi %add3A_661, %add3A_667 : vector<16xi32>
      %gather3A_669 = tpu.vector_load_idx %arg7[%add3A_357, %add3A_668] : memref<208x64xf32, #tpu.memory_space<vmem>>[vector<16xi32>, vector<16xi32>], vector<16xf32>,
      %mul3A_670 = vector.broadcast %squeeze3A_111 : f32 to vector<16xf32>
      %mul3A_671 = arith.mulf %gather3A_669, %mul3A_670 : vector<16xf32>
      %add3A_672 = arith.addf %add3A_665, %mul3A_671 : vector<16xf32>
      %add3A_673 = arith.constant 1 : i32
      %add3A_674 = vector.broadcast %add3A_673 : i32 to vector<16xi32>
      %add3A_675 = arith.addi %add3A_668, %add3A_674 : vector<16xi32>
      %gather3A_676 = tpu.vector_load_idx %arg7[%add3A_357, %add3A_675] : memref<208x64xf32, #tpu.memory_space<vmem>>[vector<16xi32>, vector<16xi32>], vector<16xf32>,
      %mul3A_677 = vector.broadcast %squeeze3A_113 : f32 to vector<16xf32>
      %mul3A_678 = arith.mulf %gather3A_676, %mul3A_677 : vector<16xf32>
      %add3A_679 = arith.addf %add3A_672, %mul3A_678 : vector<16xf32>
      %add3A_680 = arith.constant 1 : i32
      %add3A_681 = vector.broadcast %add3A_680 : i32 to vector<16xi32>
      %add3A_682 = arith.addi %add3A_675, %add3A_681 : vector<16xi32>
      %gather3A_683 = tpu.vector_load_idx %arg7[%add3A_357, %add3A_682] : memref<208x64xf32, #tpu.memory_space<vmem>>[vector<16xi32>, vector<16xi32>], vector<16xf32>,
      %mul3A_684 = vector.broadcast %squeeze3A_115 : f32 to vector<16xf32>
      %mul3A_685 = arith.mulf %gather3A_683, %mul3A_684 : vector<16xf32>
      %add3A_686 = arith.addf %add3A_679, %mul3A_685 : vector<16xf32>
      %add3A_687 = arith.constant 1 : i32
      %add3A_688 = vector.broadcast %add3A_687 : i32 to vector<16xi32>
      %add3A_689 = arith.addi %add3A_682, %add3A_688 : vector<16xi32>
      %gather3A_690 = tpu.vector_load_idx %arg7[%add3A_357, %add3A_689] : memref<208x64xf32, #tpu.memory_space<vmem>>[vector<16xi32>, vector<16xi32>], vector<16xf32>,
      %mul3A_691 = vector.broadcast %squeeze3A_117 : f32 to vector<16xf32>
      %mul3A_692 = arith.mulf %gather3A_690, %mul3A_691 : vector<16xf32>
      %add3A_693 = arith.addf %add3A_686, %mul3A_692 : vector<16xf32>
      %add3A_694 = arith.constant 1 : i32
      %add3A_695 = vector.broadcast %add3A_694 : i32 to vector<16xi32>
      %add3A_696 = arith.addi %add3A_689, %add3A_695 : vector<16xi32>
      %gather3A_697 = tpu.vector_load_idx %arg7[%add3A_357, %add3A_696] : memref<208x64xf32, #tpu.memory_space<vmem>>[vector<16xi32>, vector<16xi32>], vector<16xf32>,
      %mul3A_698 = vector.broadcast %squeeze3A_121 : f32 to vector<16xf32>
      %mul3A_699 = arith.mulf %gather3A_697, %mul3A_698 : vector<16xf32>
      %add3A_700 = arith.addf %add3A_693, %mul3A_699 : vector<16xf32>
      %add3A_701 = arith.constant 1 : i32
      %add3A_702 = vector.broadcast %add3A_701 : i32 to vector<16xi32>
      %add3A_703 = arith.addi %add3A_696, %add3A_702 : vector<16xi32>
      %gather3A_704 = tpu.vector_load_idx %arg7[%add3A_357, %add3A_703] : memref<208x64xf32, #tpu.memory_space<vmem>>[vector<16xi32>, vector<16xi32>], vector<16xf32>,
      %mul3A_705 = vector.broadcast %squeeze3A_123 : f32 to vector<16xf32>
      %mul3A_706 = arith.mulf %gather3A_704, %mul3A_705 : vector<16xf32>
      %add3A_707 = arith.addf %add3A_700, %mul3A_706 : vector<16xf32>
      %add3A_708 = arith.constant 1 : i32
      %add3A_709 = vector.broadcast %add3A_708 : i32 to vector<16xi32>
      %add3A_710 = arith.addi %add3A_703, %add3A_709 : vector<16xi32>
      %gather3A_711 = tpu.vector_load_idx %arg7[%add3A_357, %add3A_710] : memref<208x64xf32, #tpu.memory_space<vmem>>[vector<16xi32>, vector<16xi32>], vector<16xf32>,
      %mul3A_712 = vector.broadcast %squeeze3A_125 : f32 to vector<16xf32>
      %mul3A_713 = arith.mulf %gather3A_711, %mul3A_712 : vector<16xf32>
      %add3A_714 = arith.addf %add3A_707, %mul3A_713 : vector<16xf32>
      %add3A_715 = arith.constant 1 : i32
      %add3A_716 = vector.broadcast %add3A_715 : i32 to vector<16xi32>
      %add3A_717 = arith.addi %add3A_710, %add3A_716 : vector<16xi32>
      %gather3A_718 = tpu.vector_load_idx %arg7[%add3A_357, %add3A_717] : memref<208x64xf32, #tpu.memory_space<vmem>>[vector<16xi32>, vector<16xi32>], vector<16xf32>,
      %mul3A_719 = vector.broadcast %squeeze3A_127 : f32 to vector<16xf32>
      %mul3A_720 = arith.mulf %gather3A_718, %mul3A_719 : vector<16xf32>
      %add3A_721 = arith.addf %add3A_714, %mul3A_720 : vector<16xf32>
      %add3A_722 = arith.constant 1 : i32
      %add3A_723 = vector.broadcast %add3A_722 : i32 to vector<16xi32>
      %add3A_724 = arith.addi %add3A_717, %add3A_723 : vector<16xi32>
      %gather3A_725 = tpu.vector_load_idx %arg7[%add3A_357, %add3A_724] : memref<208x64xf32, #tpu.memory_space<vmem>>[vector<16xi32>, vector<16xi32>], vector<16xf32>,
      %mul3A_726 = vector.broadcast %squeeze3A_129 : f32 to vector<16xf32>
      %mul3A_727 = arith.mulf %gather3A_725, %mul3A_726 : vector<16xf32>
      %add3A_728 = arith.addf %add3A_721, %mul3A_727 : vector<16xf32>
      %add3A_729 = arith.constant 1 : i32
      %add3A_730 = vector.broadcast %add3A_729 : i32 to vector<16xi32>
      %add3A_731 = arith.addi %add3A_724, %add3A_730 : vector<16xi32>
      %gather3A_732 = tpu.vector_load_idx %arg7[%add3A_357, %add3A_731] : memref<208x64xf32, #tpu.memory_space<vmem>>[vector<16xi32>, vector<16xi32>], vector<16xf32>,
      %mul3A_733 = vector.broadcast %squeeze3A_131 : f32 to vector<16xf32>
      %mul3A_734 = arith.mulf %gather3A_732, %mul3A_733 : vector<16xf32>
      %add3A_735 = arith.addf %add3A_728, %mul3A_734 : vector<16xf32>
      %add3A_736 = arith.constant 1 : i32
      %add3A_737 = vector.broadcast %add3A_736 : i32 to vector<16xi32>
      %add3A_738 = arith.addi %add3A_731, %add3A_737 : vector<16xi32>
      %gather3A_739 = tpu.vector_load_idx %arg7[%add3A_357, %add3A_738] : memref<208x64xf32, #tpu.memory_space<vmem>>[vector<16xi32>, vector<16xi32>], vector<16xf32>,
      %mul3A_740 = vector.broadcast %squeeze3A_133 : f32 to vector<16xf32>
      %mul3A_741 = arith.mulf %gather3A_739, %mul3A_740 : vector<16xf32>
      %add3A_742 = arith.addf %add3A_735, %mul3A_741 : vector<16xf32>
      %add3A_743 = arith.constant 1 : i32
      %add3A_744 = vector.broadcast %add3A_743 : i32 to vector<16xi32>
      %add3A_745 = arith.addi %add3A_738, %add3A_744 : vector<16xi32>
      %gather3A_746 = tpu.vector_load_idx %arg7[%add3A_357, %add3A_745] : memref<208x64xf32, #tpu.memory_space<vmem>>[vector<16xi32>, vector<16xi32>], vector<16xf32>,
      %mul3A_747 = vector.broadcast %squeeze3A_135 : f32 to vector<16xf32>
      %mul3A_748 = arith.mulf %gather3A_746, %mul3A_747 : vector<16xf32>
      %add3A_749 = arith.addf %add3A_742, %mul3A_748 : vector<16xf32>
      %add3A_750 = arith.constant 1 : i32
      %add3A_751 = vector.broadcast %add3A_750 : i32 to vector<16xi32>
      %add3A_752 = arith.addi %add3A_745, %add3A_751 : vector<16xi32>
      %gather3A_753 = tpu.vector_load_idx %arg7[%add3A_357, %add3A_752] : memref<208x64xf32, #tpu.memory_space<vmem>>[vector<16xi32>, vector<16xi32>], vector<16xf32>,
      %mul3A_754 = vector.broadcast %squeeze3A_137 : f32 to vector<16xf32>
      %mul3A_755 = arith.mulf %gather3A_753, %mul3A_754 : vector<16xf32>
      %add3A_756 = arith.addf %add3A_749, %mul3A_755 : vector<16xf32>
      %add3A_757 = arith.constant 1 : i32
      %add3A_758 = vector.broadcast %add3A_757 : i32 to vector<16xi32>
      %add3A_759 = arith.addi %add3A_752, %add3A_758 : vector<16xi32>
      %gather3A_760 = tpu.vector_load_idx %arg7[%add3A_357, %add3A_759] : memref<208x64xf32, #tpu.memory_space<vmem>>[vector<16xi32>, vector<16xi32>], vector<16xf32>,
      %mul3A_761 = vector.broadcast %squeeze3A_139 : f32 to vector<16xf32>
      %mul3A_762 = arith.mulf %gather3A_760, %mul3A_761 : vector<16xf32>
      %add3A_763 = arith.addf %add3A_756, %mul3A_762 : vector<16xf32>
      %add3A_764 = arith.constant 1 : i32
      %add3A_765 = vector.broadcast %add3A_764 : i32 to vector<16xi32>
      %add3A_766 = arith.addi %add3A_759, %add3A_765 : vector<16xi32>
      %gather3A_767 = tpu.vector_load_idx %arg7[%add3A_357, %add3A_766] : memref<208x64xf32, #tpu.memory_space<vmem>>[vector<16xi32>, vector<16xi32>], vector<16xf32>,
      %mul3A_768 = vector.broadcast %squeeze3A_141 : f32 to vector<16xf32>
      %mul3A_769 = arith.mulf %gather3A_767, %mul3A_768 : vector<16xf32>
      %add3A_770 = arith.addf %add3A_763, %mul3A_769 : vector<16xf32>
      %add3A_771 = arith.constant 1 : i32
      %add3A_772 = vector.broadcast %add3A_771 : i32 to vector<16xi32>
      %add3A_773 = arith.addi %add3A_766, %add3A_772 : vector<16xi32>
      %gather3A_774 = tpu.vector_load_idx %arg7[%add3A_357, %add3A_773] : memref<208x64xf32, #tpu.memory_space<vmem>>[vector<16xi32>, vector<16xi32>], vector<16xf32>,
      %mul3A_775 = vector.broadcast %squeeze3A_143 : f32 to vector<16xf32>
      %mul3A_776 = arith.mulf %gather3A_774, %mul3A_775 : vector<16xf32>
      %add3A_777 = arith.addf %add3A_770, %mul3A_776 : vector<16xf32>
      %add3A_778 = arith.constant 1 : i32
      %add3A_779 = vector.broadcast %add3A_778 : i32 to vector<16xi32>
      %add3A_780 = arith.addi %add3A_773, %add3A_779 : vector<16xi32>
      %gather3A_781 = tpu.vector_load_idx %arg7[%add3A_357, %add3A_780] : memref<208x64xf32, #tpu.memory_space<vmem>>[vector<16xi32>, vector<16xi32>], vector<16xf32>,
      %mul3A_782 = vector.broadcast %squeeze3A_145 : f32 to vector<16xf32>
      %mul3A_783 = arith.mulf %gather3A_781, %mul3A_782 : vector<16xf32>
      %add3A_784 = arith.addf %add3A_777, %mul3A_783 : vector<16xf32>
      %add3A_785 = arith.constant 1 : i32
      %add3A_786 = vector.broadcast %add3A_785 : i32 to vector<16xi32>
      %add3A_787 = arith.addi %add3A_780, %add3A_786 : vector<16xi32>
      %gather3A_788 = tpu.vector_load_idx %arg7[%add3A_357, %add3A_787] : memref<208x64xf32, #tpu.memory_space<vmem>>[vector<16xi32>, vector<16xi32>], vector<16xf32>,
      %mul3A_789 = vector.broadcast %squeeze3A_147 : f32 to vector<16xf32>
      %mul3A_790 = arith.mulf %gather3A_788, %mul3A_789 : vector<16xf32>
      %add3A_791 = arith.addf %add3A_784, %mul3A_790 : vector<16xf32>
      %add3A_792 = arith.constant 1 : i32
      %add3A_793 = vector.broadcast %add3A_792 : i32 to vector<16xi32>
      %add3A_794 = arith.addi %add3A_787, %add3A_793 : vector<16xi32>
      %gather3A_795 = tpu.vector_load_idx %arg7[%add3A_357, %add3A_794] : memref<208x64xf32, #tpu.memory_space<vmem>>[vector<16xi32>, vector<16xi32>], vector<16xf32>,
      %mul3A_796 = vector.broadcast %squeeze3A_149 : f32 to vector<16xf32>
      %mul3A_797 = arith.mulf %gather3A_795, %mul3A_796 : vector<16xf32>
      %add3A_798 = arith.addf %add3A_791, %mul3A_797 : vector<16xf32>
      %add3A_799 = arith.constant 1 : i32
      %add3A_800 = vector.broadcast %add3A_799 : i32 to vector<16xi32>
      %add3A_801 = arith.addi %add3A_794, %add3A_800 : vector<16xi32>
      %gather3A_802 = tpu.vector_load_idx %arg7[%add3A_357, %add3A_801] : memref<208x64xf32, #tpu.memory_space<vmem>>[vector<16xi32>, vector<16xi32>], vector<16xf32>,
      %mul3A_803 = vector.broadcast %squeeze3A_151 : f32 to vector<16xf32>
      %mul3A_804 = arith.mulf %gather3A_802, %mul3A_803 : vector<16xf32>
      %add3A_805 = arith.addf %add3A_798, %mul3A_804 : vector<16xf32>
      %mul3A_806 = arith.constant 16 : i32
      %mul3A_807 = arith.muli %while3A_352, %mul3A_806 : i32
      %add3A_808 = arith.constant 31200 : i32
      %add3A_809 = arith.addi %add3A_808, %mul3A_807 : i32
      %swap3A_810 = arith.index_cast %add3A_809 : i32 to index
      %swap3A_811 = tpu.vector_load %arg10[%swap3A_810] {strides = array<i32>} : memref<31312xf32, #tpu.memory_space<vmem>>, vector<16xf32>,
      tpu.vector_store %arg10[%swap3A_810], %add3A_805 {strides = array<i32>} : memref<31312xf32, #tpu.memory_space<vmem>>, vector<16xf32>,
      %while3A_812 = arith.constant 0 : i32
      scf.yield %while3A_812 : i32
    }
    %broadcast_in_dim3A = arith.constant -3.000000e+38 : f32
    %broadcast_in_dim3A_192 = vector.broadcast %broadcast_in_dim3A : f32 to vector<16xf32>
    %while3A_193 = arith.constant 0 : i32
    %while3A_194 = arith.subi %select_n3A_7, %while3A_193 : i32
    %while3A_195 = arith.addi %while3A_193, %while3A_194 : i32
    %while3A_196 = arith.constant 1 : i32
    %while3A_197 = arith.divsi %while3A_194, %while3A_196 : i32
    %while3A_198 = arith.muli %while3A_197, %while3A_196 : i32
    %while3A_199 = arith.addi %while3A_193, %while3A_198 : i32
    %while3A_200 = arith.constant 1 : i32
    %while3A_201 = scf.for %while3A_352 = %while3A_193 to %while3A_199 step %while3A_200 iter_args(%while3A_353 = %broadcast_in_dim3A_192) -> (vector<16xf32>)  : i32 {
      %mul3A_354 = arith.constant 16 : i32
      %mul3A_355 = arith.muli %while3A_352, %mul3A_354 : i32
      %get3A_356 = arith.index_cast %mul3A_355 : i32 to index
      %get3A_357 = tpu.vector_load %arg10[%get3A_356] {strides = array<i32>} : memref<31312xf32, #tpu.memory_space<vmem>>, vector<16xf32>,
      %max3A = arith.maximumf %while3A_353, %get3A_357 : vector<16xf32>
      scf.yield %max3A : vector<16xf32>
    }
    %while3A_202 = arith.constant 1 : i32
    %while3A_203 = scf.for %while3A_352 = %while3A_199 to %while3A_195 step %while3A_202 iter_args(%while3A_353 = %while3A_201) -> (vector<16xf32>)  : i32 {
      %mul3A_354 = arith.constant 16 : i32
      %mul3A_355 = arith.muli %while3A_352, %mul3A_354 : i32
      %get3A_356 = arith.index_cast %mul3A_355 : i32 to index
      %get3A_357 = tpu.vector_load %arg10[%get3A_356] {strides = array<i32>} : memref<31312xf32, #tpu.memory_space<vmem>>, vector<16xf32>,
      %max3A = arith.maximumf %while3A_353, %get3A_357 : vector<16xf32>
      scf.yield %max3A : vector<16xf32>
    }
    %reduce_max3A = arith.constant true
    %reduce_max3A_204 = vector.broadcast %reduce_max3A : i1 to vector<16xi1>
    %reduce_max3A_205 = tpu.scan <max>, %while3A_203 masked %reduce_max3A_204 : vector<16xf32>, vector<16xi1> -> vector<16xf32>
    %reduce_max3A_206 = vector.extract %reduce_max3A_205[15] : f32 from vector<16xf32>
    %broadcast_in_dim3A_207 = arith.constant 0.000000e+00 : f32
    %broadcast_in_dim3A_208 = vector.broadcast %broadcast_in_dim3A_207 : f32 to vector<16xf32>
    %broadcast_in_dim3A_209 = arith.constant 2000000000 : i32
    %broadcast_in_dim3A_210 = vector.broadcast %broadcast_in_dim3A_209 : i32 to vector<16xi32>
    %while3A_211 = arith.constant 2000000000 : i32
    %while3A_212 = arith.constant 0 : i32
    %while3A_213 = arith.subi %select_n3A_7, %while3A_212 : i32
    %while3A_214 = arith.addi %while3A_212, %while3A_213 : i32
    %while3A_215 = arith.constant 1 : i32
    %while3A_216 = arith.divsi %while3A_213, %while3A_215 : i32
    %while3A_217 = arith.muli %while3A_216, %while3A_215 : i32
    %while3A_218 = arith.addi %while3A_212, %while3A_217 : i32
    %while3A_219 = arith.constant 1 : i32
    %while3A_220:2 = scf.for %while3A_352 = %while3A_212 to %while3A_218 step %while3A_219 iter_args(%while3A_353 = %broadcast_in_dim3A_208, %while3A_354 = %broadcast_in_dim3A_210) -> (vector<16xf32>, vector<16xi32>)  : i32 {
      %mul3A_355 = arith.constant 16 : i32
      %mul3A_356 = arith.muli %while3A_352, %mul3A_355 : i32
      %get3A_357 = arith.index_cast %mul3A_356 : i32 to index
      %get3A_358 = tpu.vector_load %arg10[%get3A_357] {strides = array<i32>} : memref<31312xf32, #tpu.memory_space<vmem>>, vector<16xf32>,
      %sub3A = vector.broadcast %reduce_max3A_206 : f32 to vector<16xf32>
      %sub3A_359 = arith.subf %get3A_358, %sub3A : vector<16xf32>
      %exp3A = math.exp %sub3A_359 : vector<16xf32>
      %add3A_360 = arith.addf %while3A_353, %exp3A : vector<16xf32>
      %ge3A = vector.broadcast %reduce_max3A_206 : f32 to vector<16xf32>
      %ge3A_361 = arith.cmpf oge, %get3A_358, %ge3A : vector<16xf32>
      %mul3A_362 = arith.constant 16 : i32
      %mul3A_363 = arith.muli %while3A_352, %mul3A_362 : i32
      %add3A_364 = arith.addi %mul3A_2, %mul3A_363 : i32
      %add3A_365 = vector.broadcast %add3A_364 : i32 to vector<16xi32>
      %add3A_366 = arith.addi %add3A_365, %iota3A : vector<16xi32>
      %broadcast_in_dim3A_367 = vector.broadcast %while3A_211 : i32 to vector<16xi32>
      %select_n3A_368 = arith.select %ge3A_361, %add3A_366, %broadcast_in_dim3A_367 : vector<16xi1>, vector<16xi32>
      %min3A = arith.minsi %while3A_354, %select_n3A_368 : vector<16xi32>
      scf.yield %add3A_360, %min3A : vector<16xf32>, vector<16xi32>
    }
    %while3A_221 = arith.constant 1 : i32
    %while3A_222:2 = scf.for %while3A_352 = %while3A_218 to %while3A_214 step %while3A_221 iter_args(%while3A_353 = %while3A_220#0, %while3A_354 = %while3A_220#1) -> (vector<16xf32>, vector<16xi32>)  : i32 {
      %mul3A_355 = arith.constant 16 : i32
      %mul3A_356 = arith.muli %while3A_352, %mul3A_355 : i32
      %get3A_357 = arith.index_cast %mul3A_356 : i32 to index
      %get3A_358 = tpu.vector_load %arg10[%get3A_357] {strides = array<i32>} : memref<31312xf32, #tpu.memory_space<vmem>>, vector<16xf32>,
      %sub3A = vector.broadcast %reduce_max3A_206 : f32 to vector<16xf32>
      %sub3A_359 = arith.subf %get3A_358, %sub3A : vector<16xf32>
      %exp3A = math.exp %sub3A_359 : vector<16xf32>
      %add3A_360 = arith.addf %while3A_353, %exp3A : vector<16xf32>
      %ge3A = vector.broadcast %reduce_max3A_206 : f32 to vector<16xf32>
      %ge3A_361 = arith.cmpf oge, %get3A_358, %ge3A : vector<16xf32>
      %mul3A_362 = arith.constant 16 : i32
      %mul3A_363 = arith.muli %while3A_352, %mul3A_362 : i32
      %add3A_364 = arith.addi %mul3A_2, %mul3A_363 : i32
      %add3A_365 = vector.broadcast %add3A_364 : i32 to vector<16xi32>
      %add3A_366 = arith.addi %add3A_365, %iota3A : vector<16xi32>
      %broadcast_in_dim3A_367 = vector.broadcast %while3A_211 : i32 to vector<16xi32>
      %select_n3A_368 = arith.select %ge3A_361, %add3A_366, %broadcast_in_dim3A_367 : vector<16xi1>, vector<16xi32>
      %min3A = arith.minsi %while3A_354, %select_n3A_368 : vector<16xi32>
      scf.yield %add3A_360, %min3A : vector<16xf32>, vector<16xi32>
    }
    %reduce_sum3A = arith.constant true
    %reduce_sum3A_223 = vector.broadcast %reduce_sum3A : i1 to vector<16xi1>
    %reduce_sum3A_224 = tpu.scan <sum>, %while3A_222#0 masked %reduce_sum3A_223 : vector<16xf32>, vector<16xi1> -> vector<16xf32>
    %reduce_sum3A_225 = vector.extract %reduce_sum3A_224[15] : f32 from vector<16xf32>
    %reduce_min3A = arith.constant true
    %reduce_min3A_226 = vector.broadcast %reduce_min3A : i1 to vector<16xi1>
    %reduce_min3A_227 = arith.constant -2147483648 : i32
    %reduce_min3A_228 = vector.broadcast %reduce_min3A_227 : i32 to vector<16xi32>
    %reduce_min3A_229 = arith.xori %while3A_222#1, %reduce_min3A_228 : vector<16xi32>
    %reduce_min3A_230 = tpu.scan <min>, %reduce_min3A_229 masked %reduce_min3A_226 : vector<16xi32>, vector<16xi1> -> vector<16xi32>
    %reduce_min3A_231 = arith.xori %reduce_min3A_230, %reduce_min3A_228 : vector<16xi32>
    %reduce_min3A_232 = vector.extract %reduce_min3A_231[15] : i32 from vector<16xi32>
    %broadcast_in_dim3A_233 = vector.broadcast %reduce_max3A_206 : f32 to vector<16xf32>
    %swap3A = arith.constant 0 : i32
    %swap3A_234 = arith.index_cast %swap3A : i32 to index
    %swap3A_235 = arith.constant 0 : index
    %swap3A_236 = tpu.vector_load %arg11[%swap3A_234, %swap3A_235] {strides = array<i32>} : memref<8x16xf32, #tpu.memory_space<vmem>>, vector<16xf32>,
    tpu.vector_store %arg11[%swap3A_234, %swap3A_235], %broadcast_in_dim3A_233 {strides = array<i32>} : memref<8x16xf32, #tpu.memory_space<vmem>>, vector<16xf32>,
    %broadcast_in_dim3A_237 = vector.broadcast %reduce_max3A_206 : f32 to vector<16xf32>
    %swap3A_238 = arith.constant 1 : i32
    %swap3A_239 = arith.index_cast %swap3A_238 : i32 to index
    %swap3A_240 = arith.constant 0 : index
    %swap3A_241 = tpu.vector_load %arg11[%swap3A_239, %swap3A_240] {strides = array<i32>} : memref<8x16xf32, #tpu.memory_space<vmem>>, vector<16xf32>,
    tpu.vector_store %arg11[%swap3A_239, %swap3A_240], %broadcast_in_dim3A_237 {strides = array<i32>} : memref<8x16xf32, #tpu.memory_space<vmem>>, vector<16xf32>,
    %broadcast_in_dim3A_242 = vector.broadcast %reduce_max3A_206 : f32 to vector<16xf32>
    %swap3A_243 = arith.constant 2 : i32
    %swap3A_244 = arith.index_cast %swap3A_243 : i32 to index
    %swap3A_245 = arith.constant 0 : index
    %swap3A_246 = tpu.vector_load %arg11[%swap3A_244, %swap3A_245] {strides = array<i32>} : memref<8x16xf32, #tpu.memory_space<vmem>>, vector<16xf32>,
    tpu.vector_store %arg11[%swap3A_244, %swap3A_245], %broadcast_in_dim3A_242 {strides = array<i32>} : memref<8x16xf32, #tpu.memory_space<vmem>>, vector<16xf32>,
    %broadcast_in_dim3A_247 = vector.broadcast %reduce_max3A_206 : f32 to vector<16xf32>
    %swap3A_248 = arith.constant 3 : i32
    %swap3A_249 = arith.index_cast %swap3A_248 : i32 to index
    %swap3A_250 = arith.constant 0 : index
    %swap3A_251 = tpu.vector_load %arg11[%swap3A_249, %swap3A_250] {strides = array<i32>} : memref<8x16xf32, #tpu.memory_space<vmem>>, vector<16xf32>,
    tpu.vector_store %arg11[%swap3A_249, %swap3A_250], %broadcast_in_dim3A_247 {strides = array<i32>} : memref<8x16xf32, #tpu.memory_space<vmem>>, vector<16xf32>,
    %broadcast_in_dim3A_252 = vector.broadcast %reduce_max3A_206 : f32 to vector<16xf32>
    %swap3A_253 = arith.constant 4 : i32
    %swap3A_254 = arith.index_cast %swap3A_253 : i32 to index
    %swap3A_255 = arith.constant 0 : index
    %swap3A_256 = tpu.vector_load %arg11[%swap3A_254, %swap3A_255] {strides = array<i32>} : memref<8x16xf32, #tpu.memory_space<vmem>>, vector<16xf32>,
    tpu.vector_store %arg11[%swap3A_254, %swap3A_255], %broadcast_in_dim3A_252 {strides = array<i32>} : memref<8x16xf32, #tpu.memory_space<vmem>>, vector<16xf32>,
    %broadcast_in_dim3A_257 = vector.broadcast %reduce_max3A_206 : f32 to vector<16xf32>
    %swap3A_258 = arith.constant 5 : i32
    %swap3A_259 = arith.index_cast %swap3A_258 : i32 to index
    %swap3A_260 = arith.constant 0 : index
    %swap3A_261 = tpu.vector_load %arg11[%swap3A_259, %swap3A_260] {strides = array<i32>} : memref<8x16xf32, #tpu.memory_space<vmem>>, vector<16xf32>,
    tpu.vector_store %arg11[%swap3A_259, %swap3A_260], %broadcast_in_dim3A_257 {strides = array<i32>} : memref<8x16xf32, #tpu.memory_space<vmem>>, vector<16xf32>,
    %broadcast_in_dim3A_262 = vector.broadcast %reduce_max3A_206 : f32 to vector<16xf32>
    %swap3A_263 = arith.constant 6 : i32
    %swap3A_264 = arith.index_cast %swap3A_263 : i32 to index
    %swap3A_265 = arith.constant 0 : index
    %swap3A_266 = tpu.vector_load %arg11[%swap3A_264, %swap3A_265] {strides = array<i32>} : memref<8x16xf32, #tpu.memory_space<vmem>>, vector<16xf32>,
    tpu.vector_store %arg11[%swap3A_264, %swap3A_265], %broadcast_in_dim3A_262 {strides = array<i32>} : memref<8x16xf32, #tpu.memory_space<vmem>>, vector<16xf32>,
    %broadcast_in_dim3A_267 = vector.broadcast %reduce_max3A_206 : f32 to vector<16xf32>
    %swap3A_268 = arith.constant 7 : i32
    %swap3A_269 = arith.index_cast %swap3A_268 : i32 to index
    %swap3A_270 = arith.constant 0 : index
    %swap3A_271 = tpu.vector_load %arg11[%swap3A_269, %swap3A_270] {strides = array<i32>} : memref<8x16xf32, #tpu.memory_space<vmem>>, vector<16xf32>,
    tpu.vector_store %arg11[%swap3A_269, %swap3A_270], %broadcast_in_dim3A_267 {strides = array<i32>} : memref<8x16xf32, #tpu.memory_space<vmem>>, vector<16xf32>,
    "tpu.region"() ({
      %run_scoped3A = tpu.sem_alloc : memref<!tpu.dma_semaphore, #tpu.memory_space<semaphore_mem>>
      %dma_start3A_352 = arith.constant 0 : i32
      %dma_start3A_353 = arith.constant 0 : i32
      %dma_start3A_354 = tpu.memref_slice %arg4[%add3A, %dma_start3A_352, %dma_start3A_353] : memref<32x8x16xf32, #tpu.memory_space<hbm>> -> memref<1x8x16xf32, #tpu.memory_space<hbm>>
      %dma_start3A_355 = tpu.memref_squeeze %dma_start3A_354 : memref<1x8x16xf32, #tpu.memory_space<hbm>> -> memref<8x16xf32, #tpu.memory_space<hbm>>
      %dma_start3A_356 = arith.constant 0 : i32
      %dma_start3A_357 = arith.constant 0 : i32
      %dma_start3A_358 = tpu.memref_slice %arg4[%add3A, %dma_start3A_356, %dma_start3A_357] : memref<32x8x16xf32, #tpu.memory_space<hbm>> -> memref<1x8x16xf32, #tpu.memory_space<hbm>>
      %dma_start3A_359 = tpu.memref_squeeze %dma_start3A_358 : memref<1x8x16xf32, #tpu.memory_space<hbm>> -> memref<8x16xf32, #tpu.memory_space<hbm>>
      tpu.enqueue_dma source(%arg11 : memref<8x16xf32, #tpu.memory_space<vmem>>) target(%dma_start3A_359 : memref<8x16xf32, #tpu.memory_space<hbm>>) target_semaphore(%run_scoped3A : memref<!tpu.dma_semaphore, #tpu.memory_space<semaphore_mem>>)
      %dma_wait3A_360 = arith.constant 0 : i32
      %dma_wait3A_361 = arith.constant 0 : i32
      %dma_wait3A_362 = tpu.memref_slice %arg4[%add3A, %dma_wait3A_360, %dma_wait3A_361] : memref<32x8x16xf32, #tpu.memory_space<hbm>> -> memref<1x8x16xf32, #tpu.memory_space<hbm>>
      %dma_wait3A_363 = tpu.memref_squeeze %dma_wait3A_362 : memref<1x8x16xf32, #tpu.memory_space<hbm>> -> memref<8x16xf32, #tpu.memory_space<hbm>>
      %dma_wait3A_364 = arith.constant 0 : i32
      %dma_wait3A_365 = arith.constant 0 : i32
      %dma_wait3A_366 = tpu.memref_slice %arg4[%add3A, %dma_wait3A_364, %dma_wait3A_365] : memref<32x8x16xf32, #tpu.memory_space<hbm>> -> memref<1x8x16xf32, #tpu.memory_space<hbm>>
      %dma_wait3A_367 = tpu.memref_squeeze %dma_wait3A_366 : memref<1x8x16xf32, #tpu.memory_space<hbm>> -> memref<8x16xf32, #tpu.memory_space<hbm>>
      tpu.wait_dma2 semaphore(%run_scoped3A : memref<!tpu.dma_semaphore, #tpu.memory_space<semaphore_mem>>) src(%arg11 : memref<8x16xf32, #tpu.memory_space<vmem>>) dst(%dma_wait3A_367 : memref<8x16xf32, #tpu.memory_space<hbm>>)
      tpu.yield
    }) : () -> ()
    %broadcast_in_dim3A_272 = vector.broadcast %reduce_sum3A_225 : f32 to vector<16xf32>
    %swap3A_273 = arith.constant 0 : i32
    %swap3A_274 = arith.index_cast %swap3A_273 : i32 to index
    %swap3A_275 = arith.constant 0 : index
    %swap3A_276 = tpu.vector_load %arg11[%swap3A_274, %swap3A_275] {strides = array<i32>} : memref<8x16xf32, #tpu.memory_space<vmem>>, vector<16xf32>,
    tpu.vector_store %arg11[%swap3A_274, %swap3A_275], %broadcast_in_dim3A_272 {strides = array<i32>} : memref<8x16xf32, #tpu.memory_space<vmem>>, vector<16xf32>,
    %broadcast_in_dim3A_277 = vector.broadcast %reduce_sum3A_225 : f32 to vector<16xf32>
    %swap3A_278 = arith.constant 1 : i32
    %swap3A_279 = arith.index_cast %swap3A_278 : i32 to index
    %swap3A_280 = arith.constant 0 : index
    %swap3A_281 = tpu.vector_load %arg11[%swap3A_279, %swap3A_280] {strides = array<i32>} : memref<8x16xf32, #tpu.memory_space<vmem>>, vector<16xf32>,
    tpu.vector_store %arg11[%swap3A_279, %swap3A_280], %broadcast_in_dim3A_277 {strides = array<i32>} : memref<8x16xf32, #tpu.memory_space<vmem>>, vector<16xf32>,
    %broadcast_in_dim3A_282 = vector.broadcast %reduce_sum3A_225 : f32 to vector<16xf32>
    %swap3A_283 = arith.constant 2 : i32
    %swap3A_284 = arith.index_cast %swap3A_283 : i32 to index
    %swap3A_285 = arith.constant 0 : index
    %swap3A_286 = tpu.vector_load %arg11[%swap3A_284, %swap3A_285] {strides = array<i32>} : memref<8x16xf32, #tpu.memory_space<vmem>>, vector<16xf32>,
    tpu.vector_store %arg11[%swap3A_284, %swap3A_285], %broadcast_in_dim3A_282 {strides = array<i32>} : memref<8x16xf32, #tpu.memory_space<vmem>>, vector<16xf32>,
    %broadcast_in_dim3A_287 = vector.broadcast %reduce_sum3A_225 : f32 to vector<16xf32>
    %swap3A_288 = arith.constant 3 : i32
    %swap3A_289 = arith.index_cast %swap3A_288 : i32 to index
    %swap3A_290 = arith.constant 0 : index
    %swap3A_291 = tpu.vector_load %arg11[%swap3A_289, %swap3A_290] {strides = array<i32>} : memref<8x16xf32, #tpu.memory_space<vmem>>, vector<16xf32>,
    tpu.vector_store %arg11[%swap3A_289, %swap3A_290], %broadcast_in_dim3A_287 {strides = array<i32>} : memref<8x16xf32, #tpu.memory_space<vmem>>, vector<16xf32>,
    %broadcast_in_dim3A_292 = vector.broadcast %reduce_sum3A_225 : f32 to vector<16xf32>
    %swap3A_293 = arith.constant 4 : i32
    %swap3A_294 = arith.index_cast %swap3A_293 : i32 to index
    %swap3A_295 = arith.constant 0 : index
    %swap3A_296 = tpu.vector_load %arg11[%swap3A_294, %swap3A_295] {strides = array<i32>} : memref<8x16xf32, #tpu.memory_space<vmem>>, vector<16xf32>,
    tpu.vector_store %arg11[%swap3A_294, %swap3A_295], %broadcast_in_dim3A_292 {strides = array<i32>} : memref<8x16xf32, #tpu.memory_space<vmem>>, vector<16xf32>,
    %broadcast_in_dim3A_297 = vector.broadcast %reduce_sum3A_225 : f32 to vector<16xf32>
    %swap3A_298 = arith.constant 5 : i32
    %swap3A_299 = arith.index_cast %swap3A_298 : i32 to index
    %swap3A_300 = arith.constant 0 : index
    %swap3A_301 = tpu.vector_load %arg11[%swap3A_299, %swap3A_300] {strides = array<i32>} : memref<8x16xf32, #tpu.memory_space<vmem>>, vector<16xf32>,
    tpu.vector_store %arg11[%swap3A_299, %swap3A_300], %broadcast_in_dim3A_297 {strides = array<i32>} : memref<8x16xf32, #tpu.memory_space<vmem>>, vector<16xf32>,
    %broadcast_in_dim3A_302 = vector.broadcast %reduce_sum3A_225 : f32 to vector<16xf32>
    %swap3A_303 = arith.constant 6 : i32
    %swap3A_304 = arith.index_cast %swap3A_303 : i32 to index
    %swap3A_305 = arith.constant 0 : index
    %swap3A_306 = tpu.vector_load %arg11[%swap3A_304, %swap3A_305] {strides = array<i32>} : memref<8x16xf32, #tpu.memory_space<vmem>>, vector<16xf32>,
    tpu.vector_store %arg11[%swap3A_304, %swap3A_305], %broadcast_in_dim3A_302 {strides = array<i32>} : memref<8x16xf32, #tpu.memory_space<vmem>>, vector<16xf32>,
    %broadcast_in_dim3A_307 = vector.broadcast %reduce_sum3A_225 : f32 to vector<16xf32>
    %swap3A_308 = arith.constant 7 : i32
    %swap3A_309 = arith.index_cast %swap3A_308 : i32 to index
    %swap3A_310 = arith.constant 0 : index
    %swap3A_311 = tpu.vector_load %arg11[%swap3A_309, %swap3A_310] {strides = array<i32>} : memref<8x16xf32, #tpu.memory_space<vmem>>, vector<16xf32>,
    tpu.vector_store %arg11[%swap3A_309, %swap3A_310], %broadcast_in_dim3A_307 {strides = array<i32>} : memref<8x16xf32, #tpu.memory_space<vmem>>, vector<16xf32>,
    "tpu.region"() ({
      %run_scoped3A = tpu.sem_alloc : memref<!tpu.dma_semaphore, #tpu.memory_space<semaphore_mem>>
      %dma_start3A_352 = arith.constant 0 : i32
      %dma_start3A_353 = arith.constant 0 : i32
      %dma_start3A_354 = tpu.memref_slice %arg5[%add3A, %dma_start3A_352, %dma_start3A_353] : memref<32x8x16xf32, #tpu.memory_space<hbm>> -> memref<1x8x16xf32, #tpu.memory_space<hbm>>
      %dma_start3A_355 = tpu.memref_squeeze %dma_start3A_354 : memref<1x8x16xf32, #tpu.memory_space<hbm>> -> memref<8x16xf32, #tpu.memory_space<hbm>>
      %dma_start3A_356 = arith.constant 0 : i32
      %dma_start3A_357 = arith.constant 0 : i32
      %dma_start3A_358 = tpu.memref_slice %arg5[%add3A, %dma_start3A_356, %dma_start3A_357] : memref<32x8x16xf32, #tpu.memory_space<hbm>> -> memref<1x8x16xf32, #tpu.memory_space<hbm>>
      %dma_start3A_359 = tpu.memref_squeeze %dma_start3A_358 : memref<1x8x16xf32, #tpu.memory_space<hbm>> -> memref<8x16xf32, #tpu.memory_space<hbm>>
      tpu.enqueue_dma source(%arg11 : memref<8x16xf32, #tpu.memory_space<vmem>>) target(%dma_start3A_359 : memref<8x16xf32, #tpu.memory_space<hbm>>) target_semaphore(%run_scoped3A : memref<!tpu.dma_semaphore, #tpu.memory_space<semaphore_mem>>)
      %dma_wait3A_360 = arith.constant 0 : i32
      %dma_wait3A_361 = arith.constant 0 : i32
      %dma_wait3A_362 = tpu.memref_slice %arg5[%add3A, %dma_wait3A_360, %dma_wait3A_361] : memref<32x8x16xf32, #tpu.memory_space<hbm>> -> memref<1x8x16xf32, #tpu.memory_space<hbm>>
      %dma_wait3A_363 = tpu.memref_squeeze %dma_wait3A_362 : memref<1x8x16xf32, #tpu.memory_space<hbm>> -> memref<8x16xf32, #tpu.memory_space<hbm>>
      %dma_wait3A_364 = arith.constant 0 : i32
      %dma_wait3A_365 = arith.constant 0 : i32
      %dma_wait3A_366 = tpu.memref_slice %arg5[%add3A, %dma_wait3A_364, %dma_wait3A_365] : memref<32x8x16xf32, #tpu.memory_space<hbm>> -> memref<1x8x16xf32, #tpu.memory_space<hbm>>
      %dma_wait3A_367 = tpu.memref_squeeze %dma_wait3A_366 : memref<1x8x16xf32, #tpu.memory_space<hbm>> -> memref<8x16xf32, #tpu.memory_space<hbm>>
      tpu.wait_dma2 semaphore(%run_scoped3A : memref<!tpu.dma_semaphore, #tpu.memory_space<semaphore_mem>>) src(%arg11 : memref<8x16xf32, #tpu.memory_space<vmem>>) dst(%dma_wait3A_367 : memref<8x16xf32, #tpu.memory_space<hbm>>)
      tpu.yield
    }) : () -> ()
    %broadcast_in_dim3A_312 = vector.broadcast %reduce_min3A_232 : i32 to vector<16xi32>
    %swap3A_313 = arith.constant 0 : i32
    %swap3A_314 = arith.index_cast %swap3A_313 : i32 to index
    %swap3A_315 = arith.constant 0 : index
    %swap3A_316 = tpu.vector_load %arg12[%swap3A_314, %swap3A_315] {strides = array<i32>} : memref<8x16xi32, #tpu.memory_space<vmem>>, vector<16xi32>,
    tpu.vector_store %arg12[%swap3A_314, %swap3A_315], %broadcast_in_dim3A_312 {strides = array<i32>} : memref<8x16xi32, #tpu.memory_space<vmem>>, vector<16xi32>,
    %broadcast_in_dim3A_317 = vector.broadcast %reduce_min3A_232 : i32 to vector<16xi32>
    %swap3A_318 = arith.constant 1 : i32
    %swap3A_319 = arith.index_cast %swap3A_318 : i32 to index
    %swap3A_320 = arith.constant 0 : index
    %swap3A_321 = tpu.vector_load %arg12[%swap3A_319, %swap3A_320] {strides = array<i32>} : memref<8x16xi32, #tpu.memory_space<vmem>>, vector<16xi32>,
    tpu.vector_store %arg12[%swap3A_319, %swap3A_320], %broadcast_in_dim3A_317 {strides = array<i32>} : memref<8x16xi32, #tpu.memory_space<vmem>>, vector<16xi32>,
    %broadcast_in_dim3A_322 = vector.broadcast %reduce_min3A_232 : i32 to vector<16xi32>
    %swap3A_323 = arith.constant 2 : i32
    %swap3A_324 = arith.index_cast %swap3A_323 : i32 to index
    %swap3A_325 = arith.constant 0 : index
    %swap3A_326 = tpu.vector_load %arg12[%swap3A_324, %swap3A_325] {strides = array<i32>} : memref<8x16xi32, #tpu.memory_space<vmem>>, vector<16xi32>,
    tpu.vector_store %arg12[%swap3A_324, %swap3A_325], %broadcast_in_dim3A_322 {strides = array<i32>} : memref<8x16xi32, #tpu.memory_space<vmem>>, vector<16xi32>,
    %broadcast_in_dim3A_327 = vector.broadcast %reduce_min3A_232 : i32 to vector<16xi32>
    %swap3A_328 = arith.constant 3 : i32
    %swap3A_329 = arith.index_cast %swap3A_328 : i32 to index
    %swap3A_330 = arith.constant 0 : index
    %swap3A_331 = tpu.vector_load %arg12[%swap3A_329, %swap3A_330] {strides = array<i32>} : memref<8x16xi32, #tpu.memory_space<vmem>>, vector<16xi32>,
    tpu.vector_store %arg12[%swap3A_329, %swap3A_330], %broadcast_in_dim3A_327 {strides = array<i32>} : memref<8x16xi32, #tpu.memory_space<vmem>>, vector<16xi32>,
    %broadcast_in_dim3A_332 = vector.broadcast %reduce_min3A_232 : i32 to vector<16xi32>
    %swap3A_333 = arith.constant 4 : i32
    %swap3A_334 = arith.index_cast %swap3A_333 : i32 to index
    %swap3A_335 = arith.constant 0 : index
    %swap3A_336 = tpu.vector_load %arg12[%swap3A_334, %swap3A_335] {strides = array<i32>} : memref<8x16xi32, #tpu.memory_space<vmem>>, vector<16xi32>,
    tpu.vector_store %arg12[%swap3A_334, %swap3A_335], %broadcast_in_dim3A_332 {strides = array<i32>} : memref<8x16xi32, #tpu.memory_space<vmem>>, vector<16xi32>,
    %broadcast_in_dim3A_337 = vector.broadcast %reduce_min3A_232 : i32 to vector<16xi32>
    %swap3A_338 = arith.constant 5 : i32
    %swap3A_339 = arith.index_cast %swap3A_338 : i32 to index
    %swap3A_340 = arith.constant 0 : index
    %swap3A_341 = tpu.vector_load %arg12[%swap3A_339, %swap3A_340] {strides = array<i32>} : memref<8x16xi32, #tpu.memory_space<vmem>>, vector<16xi32>,
    tpu.vector_store %arg12[%swap3A_339, %swap3A_340], %broadcast_in_dim3A_337 {strides = array<i32>} : memref<8x16xi32, #tpu.memory_space<vmem>>, vector<16xi32>,
    %broadcast_in_dim3A_342 = vector.broadcast %reduce_min3A_232 : i32 to vector<16xi32>
    %swap3A_343 = arith.constant 6 : i32
    %swap3A_344 = arith.index_cast %swap3A_343 : i32 to index
    %swap3A_345 = arith.constant 0 : index
    %swap3A_346 = tpu.vector_load %arg12[%swap3A_344, %swap3A_345] {strides = array<i32>} : memref<8x16xi32, #tpu.memory_space<vmem>>, vector<16xi32>,
    tpu.vector_store %arg12[%swap3A_344, %swap3A_345], %broadcast_in_dim3A_342 {strides = array<i32>} : memref<8x16xi32, #tpu.memory_space<vmem>>, vector<16xi32>,
    %broadcast_in_dim3A_347 = vector.broadcast %reduce_min3A_232 : i32 to vector<16xi32>
    %swap3A_348 = arith.constant 7 : i32
    %swap3A_349 = arith.index_cast %swap3A_348 : i32 to index
    %swap3A_350 = arith.constant 0 : index
    %swap3A_351 = tpu.vector_load %arg12[%swap3A_349, %swap3A_350] {strides = array<i32>} : memref<8x16xi32, #tpu.memory_space<vmem>>, vector<16xi32>,
    tpu.vector_store %arg12[%swap3A_349, %swap3A_350], %broadcast_in_dim3A_347 {strides = array<i32>} : memref<8x16xi32, #tpu.memory_space<vmem>>, vector<16xi32>,
    "tpu.region"() ({
      %run_scoped3A = tpu.sem_alloc : memref<!tpu.dma_semaphore, #tpu.memory_space<semaphore_mem>>
      %dma_start3A_352 = arith.constant 0 : i32
      %dma_start3A_353 = arith.constant 0 : i32
      %dma_start3A_354 = tpu.memref_slice %arg6[%add3A, %dma_start3A_352, %dma_start3A_353] : memref<32x8x16xi32, #tpu.memory_space<hbm>> -> memref<1x8x16xi32, #tpu.memory_space<hbm>>
      %dma_start3A_355 = tpu.memref_squeeze %dma_start3A_354 : memref<1x8x16xi32, #tpu.memory_space<hbm>> -> memref<8x16xi32, #tpu.memory_space<hbm>>
      %dma_start3A_356 = arith.constant 0 : i32
      %dma_start3A_357 = arith.constant 0 : i32
      %dma_start3A_358 = tpu.memref_slice %arg6[%add3A, %dma_start3A_356, %dma_start3A_357] : memref<32x8x16xi32, #tpu.memory_space<hbm>> -> memref<1x8x16xi32, #tpu.memory_space<hbm>>
      %dma_start3A_359 = tpu.memref_squeeze %dma_start3A_358 : memref<1x8x16xi32, #tpu.memory_space<hbm>> -> memref<8x16xi32, #tpu.memory_space<hbm>>
      tpu.enqueue_dma source(%arg12 : memref<8x16xi32, #tpu.memory_space<vmem>>) target(%dma_start3A_359 : memref<8x16xi32, #tpu.memory_space<hbm>>) target_semaphore(%run_scoped3A : memref<!tpu.dma_semaphore, #tpu.memory_space<semaphore_mem>>)
      %dma_wait3A_360 = arith.constant 0 : i32
      %dma_wait3A_361 = arith.constant 0 : i32
      %dma_wait3A_362 = tpu.memref_slice %arg6[%add3A, %dma_wait3A_360, %dma_wait3A_361] : memref<32x8x16xi32, #tpu.memory_space<hbm>> -> memref<1x8x16xi32, #tpu.memory_space<hbm>>
      %dma_wait3A_363 = tpu.memref_squeeze %dma_wait3A_362 : memref<1x8x16xi32, #tpu.memory_space<hbm>> -> memref<8x16xi32, #tpu.memory_space<hbm>>
      %dma_wait3A_364 = arith.constant 0 : i32
      %dma_wait3A_365 = arith.constant 0 : i32
      %dma_wait3A_366 = tpu.memref_slice %arg6[%add3A, %dma_wait3A_364, %dma_wait3A_365] : memref<32x8x16xi32, #tpu.memory_space<hbm>> -> memref<1x8x16xi32, #tpu.memory_space<hbm>>
      %dma_wait3A_367 = tpu.memref_squeeze %dma_wait3A_366 : memref<1x8x16xi32, #tpu.memory_space<hbm>> -> memref<8x16xi32, #tpu.memory_space<hbm>>
      tpu.wait_dma2 semaphore(%run_scoped3A : memref<!tpu.dma_semaphore, #tpu.memory_space<semaphore_mem>>) src(%arg12 : memref<8x16xi32, #tpu.memory_space<vmem>>) dst(%dma_wait3A_367 : memref<8x16xi32, #tpu.memory_space<hbm>>)
      tpu.yield
    }) : () -> ()
    return
  }
}

module attributes {stable_mosaic.version = 14 : i64} {
  func.func @_g_body(%arg0: i32, %arg1: memref<16xi32, #tpu.memory_space<smem>>, %arg2: memref<8x64xf32, #tpu.memory_space<vmem>>, %arg3: memref<1x1xf32, #tpu.memory_space<smem>>, %arg4: memref<1x64xf32, #tpu.memory_space<vmem>>) attributes {dimension_semantics = [#tpu.dimension_semantics<arbitrary>], iteration_bounds = array<i64: 1>, scalar_prefetch = 1 : i64, scratch_operands = 0 : i64, tpu.core_type = #tpu.core_type<tc>, window_params = [{transform_indices = @transform_0, window_bounds = array<i64: 8, 64>}, {transform_indices = @transform_1, window_bounds = array<i64: 1, 1>}, {pipeline_mode = #tpu.pipeline_mode<synchronous>, transform_indices = @transform_2, window_bounds = array<i64: 1, 64>}]} {
    %get3A = arith.constant 0 : index
    %get3A_0 = memref.load %arg1[%get3A] : memref<16xi32, #tpu.memory_space<smem>>
    %jit3A = arith.constant 8 : i32
    %eq3A = arith.constant 0 : i32
    %eq3A_1 = arith.cmpi eq, %jit3A, %eq3A : i32
    %jit3A_2 = arith.constant 1 : i32
    %select_n3A = arith.select %eq3A_1, %jit3A_2, %jit3A : i32
    %rem3A = arith.remsi %get3A_0, %select_n3A : i32
    %ne3A = arith.constant 0 : i32
    %ne3A_3 = arith.cmpi ne, %rem3A, %ne3A : i32
    %lt3A = arith.constant 0 : i32
    %lt3A_4 = arith.cmpi slt, %rem3A, %lt3A : i32
    %lt3A_5 = arith.constant 0 : i32
    %lt3A_6 = arith.cmpi slt, %select_n3A, %lt3A_5 : i32
    %ne3A_7 = arith.xori %lt3A_4, %lt3A_6 : i1
    %and3A = arith.andi %ne3A_7, %ne3A_3 : i1
    %add3A = arith.addi %rem3A, %select_n3A : i32
    %select_n3A_8 = arith.select %and3A, %add3A, %rem3A : i32
    %iota3A = tpu.iota {dimensions = array<i32: 0>} : vector<8x64xi32>
    %eq3A_9 = vector.broadcast %select_n3A_8 : i32 to vector<8x64xi32>
    %eq3A_10 = arith.cmpi eq, %iota3A, %eq3A_9 : vector<8x64xi32>
    %get3A_11 = arith.constant 0 : index
    %get3A_12 = arith.constant 0 : index
    %get3A_13 = vector.load %arg2[%get3A_11, %get3A_12] : memref<8x64xf32, #tpu.memory_space<vmem>>, vector<8x64xf32>
    %jit3A_14 = arith.constant 0.000000e+00 : f32
    %broadcast_in_dim3A = vector.broadcast %jit3A_14 : f32 to vector<8x64xf32>
    %select_n3A_15 = arith.select %eq3A_10, %get3A_13, %broadcast_in_dim3A : vector<8x64xi1>, vector<8x64xf32>
    %reduce_sum3A = arith.constant dense<0.000000e+00> : vector<64xf32>
    %reduce_sum3A_16 = vector.multi_reduction <add>, %select_n3A_15, %reduce_sum3A [0] : vector<8x64xf32> to vector<64xf32>
    %broadcast_in_dim3A_17 = vector.shape_cast %reduce_sum3A_16 : vector<64xf32> to vector<1x64xf32>
    %get3A_18 = arith.constant 0 : index
    %get3A_19 = arith.constant 0 : index
    %get3A_20 = memref.load %arg3[%get3A_18, %get3A_19] : memref<1x1xf32, #tpu.memory_space<smem>>
    %mul3A = vector.broadcast %get3A_20 : f32 to vector<1x64xf32>
    %mul3A_21 = arith.mulf %broadcast_in_dim3A_17, %mul3A : vector<1x64xf32>
    %swap3A = arith.constant 0 : index
    %swap3A_22 = arith.constant 0 : index
    %swap3A_23 = vector.load %arg4[%swap3A, %swap3A_22] : memref<1x64xf32, #tpu.memory_space<vmem>>, vector<1x64xf32>
    tpu.vector_store %arg4[%swap3A, %swap3A_22], %mul3A_21 {strides = array<i32>} : memref<1x64xf32, #tpu.memory_space<vmem>>, vector<1x64xf32>,
    return
  }
  func.func @transform_0(%arg0: i32, %arg1: memref<16xi32, #tpu.memory_space<smem>>) -> (i32, i32) {
    %get3A = arith.constant 0 : index
    %get3A_0 = memref.load %arg1[%get3A] : memref<16xi32, #tpu.memory_space<smem>>
    %jit3A = arith.constant 8 : i32
    %div3A = arith.divsi %get3A_0, %jit3A : i32
    %sign3A = arith.constant 0 : i32
    %sign3A_1 = arith.cmpi sgt, %get3A_0, %sign3A : i32
    %sign3A_2 = arith.extui %sign3A_1 : i1 to i32
    %sign3A_3 = arith.constant 0 : i32
    %sign3A_4 = arith.cmpi slt, %get3A_0, %sign3A_3 : i32
    %sign3A_5 = arith.extui %sign3A_4 : i1 to i32
    %sign3A_6 = arith.subi %sign3A_2, %sign3A_5 : i32
    %sign3A_7 = arith.constant 0 : i32
    %sign3A_8 = arith.cmpi sgt, %jit3A, %sign3A_7 : i32
    %sign3A_9 = arith.extui %sign3A_8 : i1 to i32
    %sign3A_10 = arith.constant 0 : i32
    %sign3A_11 = arith.cmpi slt, %jit3A, %sign3A_10 : i32
    %sign3A_12 = arith.extui %sign3A_11 : i1 to i32
    %sign3A_13 = arith.subi %sign3A_9, %sign3A_12 : i32
    %ne3A = arith.cmpi ne, %sign3A_6, %sign3A_13 : i32
    %rem3A = arith.remsi %get3A_0, %jit3A : i32
    %ne3A_14 = arith.constant 0 : i32
    %ne3A_15 = arith.cmpi ne, %rem3A, %ne3A_14 : i32
    %and3A = arith.andi %ne3A, %ne3A_15 : i1
    %sub3A = arith.constant 1 : i32
    %sub3A_16 = arith.subi %div3A, %sub3A : i32
    %select_n3A = arith.select %and3A, %sub3A_16, %div3A : i32
    %c0_i32 = arith.constant 0 : i32
    %c0_i32_17 = arith.constant 0 : i32
    return %select_n3A, %c0_i32 : i32, i32
  }
  func.func @transform_1(%arg0: i32, %arg1: memref<16xi32, #tpu.memory_space<smem>>) -> (i32, i32) {
    %c0_i32 = arith.constant 0 : i32
    %c0_i32_0 = arith.constant 0 : i32
    %c0_i32_1 = arith.constant 0 : i32
    return %c0_i32, %c0_i32_0 : i32, i32
  }
  func.func @transform_2(%arg0: i32, %arg1: memref<16xi32, #tpu.memory_space<smem>>) -> (i32, i32) {
    %c0_i32 = arith.constant 0 : i32
    %c0_i32_0 = arith.constant 0 : i32
    %c0_i32_1 = arith.constant 0 : i32
    return %c0_i32, %c0_i32_0 : i32, i32
  }
}

module attributes {stable_mosaic.version = 14 : i64} {
  func.func @_comb_body(%arg0: memref<32x8x16xf32, #tpu.memory_space<vmem>>, %arg1: memref<32x8x16xf32, #tpu.memory_space<vmem>>, %arg2: memref<32x8x16xi32, #tpu.memory_space<vmem>>, %arg3: memref<1x16xi32, #tpu.memory_space<vmem>>, %arg4: memref<1x1xf32, #tpu.memory_space<vmem>>) attributes {dimension_semantics = [], scalar_prefetch = 0 : i64, scratch_operands = 0 : i64, tpu.core_type = #tpu.core_type<tc>} {
    %get3A = arith.constant 0 : index
    %get3A_0 = arith.constant 0 : index
    %get3A_1 = arith.constant 0 : index
    %get3A_2 = vector.load %arg0[%get3A, %get3A_0, %get3A_1] : memref<32x8x16xf32, #tpu.memory_space<vmem>>, vector<32x8x16xf32>
    %reshape3A = vector.shape_cast %get3A_2 : vector<32x8x16xf32> to vector<256x16xf32>
    %get3A_3 = arith.constant 0 : index
    %get3A_4 = arith.constant 0 : index
    %get3A_5 = arith.constant 0 : index
    %get3A_6 = vector.load %arg1[%get3A_3, %get3A_4, %get3A_5] : memref<32x8x16xf32, #tpu.memory_space<vmem>>, vector<32x8x16xf32>
    %reshape3A_7 = vector.shape_cast %get3A_6 : vector<32x8x16xf32> to vector<256x16xf32>
    %get3A_8 = arith.constant 0 : index
    %get3A_9 = arith.constant 0 : index
    %get3A_10 = arith.constant 0 : index
    %get3A_11 = vector.load %arg2[%get3A_8, %get3A_9, %get3A_10] : memref<32x8x16xi32, #tpu.memory_space<vmem>>, vector<32x8x16xi32>
    %reshape3A_12 = vector.shape_cast %get3A_11 : vector<32x8x16xi32> to vector<256x16xi32>
    %reduce_max3A = vector.shape_cast %reshape3A : vector<256x16xf32> to vector<1x256x16xf32>
    %reduce_max3A_13 = arith.constant dense<0xFF800000> : vector<1xf32>
    %reduce_max3A_14 = vector.multi_reduction <maximumf>, %reduce_max3A, %reduce_max3A_13 [1, 2] : vector<1x256x16xf32> to vector<1xf32>
    %reduce_max3A_15 = vector.shape_cast %reduce_max3A_14 : vector<1xf32> to vector<1x1x1xf32>
    %reduce_max3A_16 = vector.extract %reduce_max3A_15[0, 0, 0] : f32 from vector<1x1x1xf32>
    %broadcast_in_dim3A = vector.broadcast %reduce_max3A_16 : f32 to vector<1x1xf32>
    %sub3A = vector.broadcast %broadcast_in_dim3A : vector<1x1xf32> to vector<256x16xf32>
    %sub3A_17 = arith.subf %reshape3A, %sub3A : vector<256x16xf32>
    %exp3A = math.exp %sub3A_17 : vector<256x16xf32>
    %mul3A = arith.mulf %reshape3A_7, %exp3A : vector<256x16xf32>
    %reduce_sum3A = vector.shape_cast %mul3A : vector<256x16xf32> to vector<1x256x16xf32>
    %reduce_sum3A_18 = arith.constant dense<0.000000e+00> : vector<1xf32>
    %reduce_sum3A_19 = vector.multi_reduction <add>, %reduce_sum3A, %reduce_sum3A_18 [1, 2] : vector<1x256x16xf32> to vector<1xf32>
    %reduce_sum3A_20 = vector.shape_cast %reduce_sum3A_19 : vector<1xf32> to vector<1x1x1xf32>
    %reduce_sum3A_21 = vector.extract %reduce_sum3A_20[0, 0, 0] : f32 from vector<1x1x1xf32>
    %broadcast_in_dim3A_22 = vector.broadcast %reduce_sum3A_21 : f32 to vector<1x1xf32>
    %div3A = arith.constant 1.280000e+02 : f32
    %div3A_23 = vector.broadcast %div3A : f32 to vector<1x1xf32>
    %div3A_24 = arith.divf %broadcast_in_dim3A_22, %div3A_23 : vector<1x1xf32>
    %ge3A = vector.broadcast %broadcast_in_dim3A : vector<1x1xf32> to vector<256x16xf32>
    %ge3A_25 = arith.cmpf oge, %reshape3A, %ge3A : vector<256x16xf32>
    %jit3A = arith.constant 2000000000 : i32
    %broadcast_in_dim3A_26 = vector.broadcast %jit3A : i32 to vector<256x16xi32>
    %select_n3A = arith.select %ge3A_25, %reshape3A_12, %broadcast_in_dim3A_26 : vector<256x16xi1>, vector<256x16xi32>
    %reduce_min3A = vector.shape_cast %select_n3A : vector<256x16xi32> to vector<1x256x16xi32>
    %reduce_min3A_27 = arith.constant dense<2147483647> : vector<1xi32>
    %reduce_min3A_28 = vector.multi_reduction <minsi>, %reduce_min3A, %reduce_min3A_27 [1, 2] : vector<1x256x16xi32> to vector<1xi32>
    %reduce_min3A_29 = vector.shape_cast %reduce_min3A_28 : vector<1xi32> to vector<1x1x1xi32>
    %reduce_min3A_30 = vector.extract %reduce_min3A_29[0, 0, 0] : i32 from vector<1x1x1xi32>
    %broadcast_in_dim3A_31 = vector.broadcast %reduce_min3A_30 : i32 to vector<1x1xi32>
    %broadcast_in_dim3A_32 = vector.shape_cast %broadcast_in_dim3A_31 : vector<1x1xi32> to vector<1x1xi32>
    %broadcast_in_dim3A_33 = vector.broadcast %broadcast_in_dim3A_32 : vector<1x1xi32> to vector<1x16xi32>
    %swap3A = arith.constant 0 : index
    %swap3A_34 = arith.constant 0 : index
    %swap3A_35 = vector.load %arg3[%swap3A, %swap3A_34] : memref<1x16xi32, #tpu.memory_space<vmem>>, vector<1x16xi32>
    tpu.vector_store %arg3[%swap3A, %swap3A_34], %broadcast_in_dim3A_33 {strides = array<i32>} : memref<1x16xi32, #tpu.memory_space<vmem>>, vector<1x16xi32>,
    %div3A_36 = arith.constant 1.000000e+00 : f32
    %div3A_37 = vector.broadcast %div3A_36 : f32 to vector<1x1xf32>
    %div3A_38 = arith.divf %div3A_37, %div3A_24 : vector<1x1xf32>
    %swap3A_39 = arith.constant 0 : index
    %swap3A_40 = arith.constant 0 : index
    %swap3A_41 = vector.load %arg4[%swap3A_39, %swap3A_40] : memref<1x1xf32, #tpu.memory_space<vmem>>, vector<1x1xf32>
    tpu.vector_store %arg4[%swap3A_39, %swap3A_40], %div3A_38 {strides = array<i32>} : memref<1x1xf32, #tpu.memory_space<vmem>>, vector<1x1xf32>,
    return
  }
}

</mosaic_0001>

<sc_bundles>
// kernel: kernel.5.cloned.1.call-start
scs
__scs_entry_jumppad:
0x0: {  	(pc) =	sbr.rel $0x88, $3  }
0x1: {  	(tag) =	ssettag $0x0;
	lr =	simm.s32 $0x1  }
0x2: {  	[smem:$0x3F9E] =	sst lr;
	_ =	strace $0xD0000000  }
0x3: {  	_ = 	snop  }
0x4: {  	_ = 	snop  }
0x5: {  	_ = 	snop  }
0x6: {  	_ = 	snop  }
0x7: {  	_ = 	snop  }
__scs_overlays_trampoline_lowered:
0x8: {  	[smem:$0x3FAD] =	sst s0  }
0x9: {  	[smem:$0x3FAE] =	sst s1  }
0xa: {  	[smem:$0x3FAF] =	sst s2  }
0xb: {  	[smem:$0x3FB0] =	sst s3  }
0xc: {  	[smem:$0x3FB1] =	sst s4  }
0xd: {  	[smem:$0x3FB2] =	sst s5  }
0xe: {  	[smem:$0x3FB3] =	sst s6  }
0xf: {  	[smem:$0x3FB4] =	sst s7  }
0x10: {  	[smem:$0x3FB5] =	sst s8  }
0x11: {  	[smem:$0x3FB6] =	sst s9;
	s0 =	simm.s32 @!p0 $0x0  }
0x12: {  	s1 =	sld [smem:$0x3F9C];
	s0 =	simm.s32 @p0 $0x1  }
0x13: {  	[smem:$0x3FB7] =	sst s0;
	s0 =	simm.s32 @!p1 $0x0  }
0x14: {  	s2 =	sld [smem:$0x3F9B];
	s0 =	simm.s32 @p1 $0x1  }
0x15: {  	[smem:$0x3FB8] =	sst s0;
	s0 =	simm.s32 @!p2 $0x0  }
0x16: {  	s3 =	sld [smem:$0x3FDB];
	s0 =	simm.s32 @p2 $0x1  }
0x17: {  	s4 =	simm.s32 $0x1BF5;
	[smem:$0x3FBA] =	sst s0  }
0x18: {  	s0 =	sld [smem:$0x3F9D];
	_ =	swait.ge [sflag:s4], $0x0  }
0x19: {  	s7 =	sld [smem:$0x3F9E]  }
0x1a: {  	s8 =	sadd.s32 $0xFFFFE003, lr  }
0x1b: {  	s9 =	sadd.s32 $0xFFFFFEF7, lr;
	s5 =	simm.s32 $0xFFFFFFFF;
	p2 =	slt.u32 s8, $0xFFFFF086  }
0x1c: {  	p1 =	slt.u32 s9, $0xF7A;
	s5 =	simm.s32 @!p2 $0x0  }
0x1d: {  	s5 =	simm.s32 @p1 $0x1;
	p0 =	seq.s32 s7, s2  }
0x1e: {  	s7 =	smul.u32 @!p0 $0xF7A, s2;
	p2 =	seq.s32 @!p0 s5, $0x0  }
0x1f: {  	s9 =	smul.u32 $0xF7A, s1;
	s8 =	simm.s32 @!p0 $0x1BF5;
	p2 =	por !p2, p0  }
0x20: {  	[sflag:s8] =	ssyncset.s32 @!p0 $0xFFFFF086;
	s6 =	sadd.s32 @!p0 s3, s7;
	s7 =	simm.s32 @!p0 $0x108  }
0x21: {  	s3 =	sadd.s32 s3, s9;
	s6 =	sadd.s32 @!p0 $0x88, s6;
	s7 =	simm.s32 @p2 $0x1082  }
0x22: {  	[simem:s7], [sflag:s8] =	dma.local @!p0 [hbm:s6], $0xF7A  }
0x23: {  	s9 =	sor.u32 $0xD0000000, s2;
	s6 =	simm.s32 $0x108;
	_ =	swait.ge @!p0 [sflag:s8], $0x0  }
0x24: {  	s3 =	sadd.s32 $0x88, s3;
	s6 =	simm.s32 @!p1 $0x1082;
	[sflag:s4] =	ssyncset.s32 $0xFFFFF086  }
0x25: {  	[simem:s6], [sflag:s4] =	dma.local [hbm:s3], $0xF7A  }
0x26: {  	[smem:$0x3F9E] =	sst s1;
	(tag) =	ssettag s2;
	_ =	strace s9  }
0x27: {  	s1 =	sld [smem:$0x3FAE]  }
0x28: {  	s2 =	sld [smem:$0x3FAF]  }
0x29: {  	s4 =	sld [smem:$0x3FB1]  }
0x2a: {  	p0 =	seq.s32 s5, $0x0;
	s5 =	sld [smem:$0x3FB2]  }
0x2b: {  	s6 =	sld [smem:$0x3FB3]  }
0x2c: {  	s7 =	sld [smem:$0x3FB4]  }
0x2d: {  	s3 =	simm.s32 $0x108;
	s8 =	sld [smem:$0x3FB5]  }
0x2e: {  	s3 =	simm.s32 @!p0 $0x1082;
	s9 =	sld [smem:$0x3FB6]  }
0x2f: {  	lr =	sadd.s32 s0, s3;
	s0 =	sld [smem:$0x3FAD]  }
0x30: {  	s3 =	sld [smem:$0x3FB0]  }
0x31: {  	[smem:$0x3FB9] =	sst s10  }
0x32: {  	s10 =	sld [smem:$0x3FB7];
	_ =	sdelay $0x3  }
0x33: {  	p0 =	seq.s32 s10, $0x1;
	s10 =	sld [smem:$0x3FB9];
	_ =	sdelay $0x3  }
0x34: {  	[smem:$0x3FB9] =	sst s10  }
0x35: {  	s10 =	sld [smem:$0x3FB8];
	_ =	sdelay $0x3  }
0x36: {  	p1 =	seq.s32 s10, $0x1;
	s10 =	sld [smem:$0x3FB9];
	_ =	sdelay $0x3  }
0x37: {  	[smem:$0x3FB9] =	sst s10  }
0x38: {  	s10 =	sld [smem:$0x3FBA]  }
0x39: {  	_ = 	snop;
	(pc) =	sbr.ind lr, $3  }
0x3a: {  	_ = 	snop  }
0x3b: {  	_ = 	snop  }
0x3c: {  	p2 =	seq.s32 s10, $0x1;
	s10 =	sld [smem:$0x3FB9]  }
0x3d: {  	_ =	shalt  }
0x3e: {  	_ =	shalt  }
0x3f: {  	_ =	shalt  }
0x40: {  	_ =	shalt  }
0x41: {  	_ =	shalt  }
0x42: {  	_ =	shalt  }
0x43: {  	_ =	shalt  }
0x44: {  	_ =	shalt  }
0x45: {  	_ =	shalt  }
0x46: {  	_ =	shalt  }
0x47: {  	_ =	shalt  }
0x48: {  	_ =	shalt  }
0x49: {  	_ =	shalt  }
0x4a: {  	_ =	shalt  }
0x4b: {  	_ =	shalt  }
0x4c: {  	_ =	shalt  }
0x4d: {  	_ =	shalt  }
0x4e: {  	_ =	shalt  }
0x4f: {  	_ =	shalt  }
0x50: {  	_ =	shalt  }
0x51: {  	_ =	shalt  }
0x52: {  	_ =	shalt  }
0x53: {  	_ =	shalt  }
0x54: {  	_ =	shalt  }
0x55: {  	_ =	shalt  }
0x56: {  	_ =	shalt  }
0x57: {  	_ =	shalt  }
0x58: {  	_ =	shalt  }
0x59: {  	_ =	shalt  }
0x5a: {  	_ =	shalt  }
0x5b: {  	_ =	shalt  }
0x5c: {  	_ =	shalt  }
0x5d: {  	_ =	shalt  }
0x5e: {  	_ =	shalt  }
0x5f: {  	_ =	shalt  }
0x60: {  	_ =	shalt  }
0x61: {  	_ =	shalt  }
0x62: {  	_ =	shalt  }
0x63: {  	_ =	shalt  }
0x64: {  	_ =	shalt  }
0x65: {  	_ =	shalt  }
0x66: {  	_ =	shalt  }
0x67: {  	_ =	shalt  }
0x68: {  	_ =	shalt  }
0x69: {  	_ =	shalt  }
0x6a: {  	_ =	shalt  }
0x6b: {  	_ =	shalt  }
0x6c: {  	_ =	shalt  }
0x6d: {  	_ =	shalt  }
0x6e: {  	_ =	shalt  }
0x6f: {  	_ =	shalt  }
0x70: {  	_ =	shalt  }
0x71: {  	_ =	shalt  }
0x72: {  	_ =	shalt  }
0x73: {  	_ =	shalt  }
0x74: {  	_ =	shalt  }
0x75: {  	_ =	shalt  }
0x76: {  	_ =	shalt  }
0x77: {  	_ =	shalt  }
0x78: {  	_ =	shalt  }
0x79: {  	_ =	shalt  }
0x7a: {  	_ =	shalt  }
0x7b: {  	_ =	shalt  }
0x7c: {  	_ =	shalt  }
0x7d: {  	_ =	shalt  }
0x7e: {  	_ =	shalt  }
0x7f: {  	_ =	shalt  }
0x80: {  	_ =	shalt  }
0x81: {  	_ =	shalt  }
0x82: {  	_ =	shalt  }
0x83: {  	_ =	shalt  }
0x84: {  	_ =	shalt  }
0x85: {  	_ =	shalt  }
0x86: {  	_ =	shalt  }
0x87: {  	_ =	shalt  }
.Lfunc_end0:
.L_simem_size_0:
called_computation_lowered:
.L_overlay_start_0:
0x88: {  	s2 =	sld [smem:$0x3FD9]  }
0x89: {  	s3 =	sld [smem:$0x3FFE];
	_ =	sdelay $0x1  }
0x8a: {  	s1 =	srdreg.scid  }
0x8b: {  	s0 =	sand.u32 $0x1, s1  }
0x8c: {  	s17 =	sshll.u32 s0, $0xA;
	s2 =	sadd.s32 s3, s2  }
0x8d: {  	s2 =	sadd.s32 s2, s17  }
0x8e: {  	[smem:$0x3FC5] =	sst s2  }
0x8f: {  	_ = 	snop  }
0x90: {  	s2 =	sld [smem:$0x3FC9];
	(tm) =	ssettm $0x1  }
0x91: {  	s18 =	sld [smem:$0x3FFB];
	_ =	sdelay $0x3  }
0x92: {  	_ =	strace s18  }
0x93: {  	s3 =	sld [smem:$0x3FFC];
	_ =	sdelay $0x3  }
0x94: {  	_ =	strace s3  }
0x95: {  	s3 =	sld [smem:$0x3FFD];
	_ =	sdelay $0x3  }
0x96: {  	_ =	strace s3  }
0x97: {  	_ =	strace $0x8FFFFFFF  }
0x98: {  	s19 =	sld [smem:$0x3FDB];
	_ =	sdelay $0x1  }
0x99: {  	s4 =	simm.s32 $_scs_section_size  }
0x9a: {  	s5 =	simm.s32 $_size__tile_overlayer_lowered;
	s6 =	simm.s32 $_tile_overlayer_lowered  }
0x9b: {  	s22 =	simm.s32 $0x1BFF;
	s21 =	sshll.u32 s6, $0x1;
	s3 =	sadd.s32 s4, s19  }
0x9c: {  	s7 =	simm.s32 $0x0;
	s20 =	sshll.u32 s5, $0x1;
	s5 =	sadd.s32 s21, s3  }
0x9d: {  	[timem:s7], [sflag:s22] =	dma.local [hbm:s5], s20  }
0x9e: {  	_ =	swait.ge [sflag:s22], s20  }
0x9f: {  	s4 =	ssub.s32 $0x0, s20;
	[sflag:s22] =	ssyncset.done $0x0  }
0xa0: {  	[sflag:s22] =	ssyncadd.s32 s4;
	_ =	sdelay $0x1  }
0xa1: {  	s23 =	simm.s32 $0x1B8B  }
0xa2: {  	_ =	swait.ge [sflag:s23], $0x1  }
0xa3: {  	[sflag:s23] =	ssyncset.done $0x0  }
0xa4: {  	s25 =	simm.s32 $0x1B8E;
	s24 =	sld [smem:$0x3FFE];
	[sflag:s23] =	ssyncadd.s32 $0xFFFFFFFF  }
0xa5: {  	s26 =	simm.s32 $execute0_lowered;
	[smem:$0x3FD2] =	sst s25  }
0xa6: {  	s5 =	sshll.u32 s26, $0x1;
	_ =	strace $0x80000046;
	[dreg:$0x1] =	wrdreg $0xFFFFFFFF  }
0xa7: {  	s28 =	simm.s32 $_size_execute0_lowered;
	s3 =	sadd.s32 s3, s5;
	[dreg:$0x0] =	wrdreg $0x0  }
0xa8: {  	s5 =	sshll.u32 s28, $0x1;
	[dreg:$0x2] =	wrdreg s3  }
0xa9: {  	[dreg:$0x3] =	wrdreg s5  }
0xaa: {  	[dreg:$0x4] =	wrdreg $0xC0  }
0xab: {  	_ =	task [dreg:s7], $0x5FFFF  }
0xac: {  	[dreg:$0x1] =	wrdreg $0xFFFFFFFF  }
0xad: {  	[dreg:$0x0] =	wrdreg $0x60  }
0xae: {  	[dreg:$0x2] =	wrdreg s24  }
0xaf: {  	[dreg:$0x3] =	wrdreg s2  }
0xb0: {  	[dreg:$0x4] =	wrdreg $0x9  }
0xb1: {  	_ =	task.clear_ibuf [dreg:s7], $0x5FFFF;
	_ =	strace $0x90000046  }
0xb2: {  	s29 =	simm.s32 $0x9;
	_ =	strace $0x80000048  }
0xb3: {  	_ =	swait.ge [sflag:s29], $0x1  }
0xb4: {  	[sflag:s29] =	ssyncadd.s32 $0xFFFFFFFF  }
0xb5: {  	_ =	strace $0x90000048  }
0xb6: {  	_ =	sfence  }
0xb7: {  	s30 =	sld [smem:$0x0];
	_ =	sdelay $0x2  }
0xb8: {  	s31 =	sshll.u32 s1, $0xD;
	s1 =	sshrl.u32 s1, $0x2  }
0xb9: {  	s3 =	sand.u32 $0x4000, s31;
	s1 =	sadd.s32 s1, s30  }
0xba: {  	s0 =	sor.u32 s3, s0;
	s1 =	sshll.u32 s1, $0x11  }
0xbb: {  	s0 =	sor.u32 s1, s0  }
0xbc: {  	s0 =	sadd.s32 $0x8F2B, s0  }
0xbd: {  	[sflag:s0] =	ssyncadd.remote.s32 $0x1  }
0xbe: {  	_ =	sfence.sel $0xFFFF  }
0xbf: {  	[dreg:$0x0] =	wrdreg $0xFFFFFFFF;
	(pc) =	sbr.abs _section_cstart, $3  }
0xc0: {  	[dreg:$0x1] =	wrdreg $0xFFFFFFFF  }
0xc1: {  	_ =	task.clear_ibuf [dreg:s7], $0x2FFFF;
	_ =	strace $0x9FFFFFFF  }
0xc2: {  	(tm) =	ssettm $0x7FFFFFFF  }
0xc3: {  	_ =	shalt  }
tec
execute0_lowered:
.L_overlay_start_1:
0x0: {  	(tag) =	ssettag $0x1  }
0x1: {  	s5 =	rddreg [dreg:$0x0]  }
0x2: {  	s2 =	rddreg [dreg:$0x1]  }
0x3: {  	s3 =	simm.s32 $0x0;
	s4 =	srdreg.scid;
	s1 =	stileid.u32  }
0x4: {  	s18 =	simm.s32 $0x3;
	s19 =	simm.s32 $0x6800;
	s20 =	simm.s32 $0x1  }
0x5: {  	s21 =	simm.s32 $0x2;
	s22 =	simm.s32 $0x14B00;
	s23 =	simm.s32 $0x4  }
0x6: {  	s24 =	simm.s32 $0x14F00;
	s25 =	simm.s32 $0x0;
	[smem:$0x7FF] =	sst s3  }
0x7: {  	s11 =	sand.u32 $0x1, s4;
	s29 =	sshll.u32 s1, $0x1;
	s16 =	smul.u32 $0xF420, s1  }
0x8: {  	s4 =	sadd.s32 $0x1000, s5;
	s7 =	sor.u32 s11, s29;
	s17 =	smul.u32 $0x7A10, s11  }
0x9: {  	_ =	strace $0x80000047;
	s6 =	ssub.s32 $0x2, s11;
	s30 =	smul.u32 $0x3D0800, s7  }
0xa: {  	s8 =	sshll.u32 s7, $0x7;
	s9 =	sshrl.u32 s6, $0x1;
	s31 =	smul.u32 $0x7A10, s7  }
0xb: {  	p0 =	seq.s32 s7, $0x1F;
	s12 =	smul.u32 $0x7A100, s7;
	s14 =	sadd.s32 s8, s5  }
0xc: {  	s15 =	ssub.s32 s6, s9;
	s5 =	simm.s32 $0x70;
	s6 =	simm.s32 $0x7A5  }
0xd: {  	s16 =	sadd.s32 s17, s16;
	s17 =	simm.s32 $0xD000;
	s5 =	simm.s32 @!p0 $0x30  }
0xe: {  	s8 =	sshrl.u32 s30, $0x3;
	s6 =	simm.s32 @!p0 $0x7A1;
	s9 =	sadd.s32 $0x270, s31  }
0xf: {  	s11 =	sadd.s32 s4, s12;
	s12 =	sadd.s32 $0xF43400, s14;
	s13 =	sadd.s32 $0xF44400, s14  }
0x10: {  	v0 =	vlaneseq.u32;
	s14 =	sadd.s32 $0xF45400, s14;
	s15 =	smax.u32 s15, $0x1;
	s10 =	sadd.s32 s4, s8  }
0x11: {  	v10 =	vmul.u32 $0x80, v0;
	s8 =	sadd.s32 $0x1A0, s31;
	s7 =	sadd.s32 $0xD00, s10;
	s10 =	sadd.s32 $0x79E00, s10  }
.LBB2_1:
0x12: {  	[tilespmem:s17], [sflag:$0x3] =	stream.linear.gather [hbm4b:s2+s3], $0x80, $0x38;
	[tilespmem:$0x15300] =	vst v63  }
0x13: {  	_ =	swait.ge [sflag:s18], $0x80  }
0x14: {  	[sflag:s18] =	ssyncset.done $0x0  }
0x15: {  	[sflag:s18] =	ssyncadd.s32 $0xFFFFFF80  }
0x16: {  	[tilespmem:s3], [sflag:$0x1] =	stream.linear.gather [hbm4b:s11+s3], $0x6800, $0x38;
	[tilespmem:$0x15300] =	vst v63  }
0x17: {  	_ = 	snop  }
0x18: {  	[tilespmem:s19], [sflag:$0x2] =	stream.linear.gather [hbm4b:s7+s3], $0x6800, $0x38;
	[tilespmem:$0x15300] =	vst v63  }
0x19: {  	v0 =	vld [tilespmem:$0xD000];
	_ =	sdelay $0x4  }
0x1a: {  	v1 =	vbroadcast v0, $0x1  }
0x1b: {  	v58 =	vbroadcast v0, $0x2  }
0x1c: {  	v59 =	vbroadcast v0, $0x3;
	[tilespmem:$0x1FC40] =	vst v1  }
0x1d: {  	v60 =	vbroadcast v0, $0x4;
	[tilespmem:$0x1FC50] =	vst v58  }
0x1e: {  	v61 =	vbroadcast v0, $0x5;
	[tilespmem:$0x1FC60] =	vst v59  }
0x1f: {  	v2 =	vbroadcast v0, $0x6;
	[tilespmem:$0x1FC70] =	vst v60  }
0x20: {  	v63 =	vbroadcast v0, $0x7;
	[tilespmem:$0x1FC80] =	vst v61  }
0x21: {  	v4 =	vbroadcast v0, $0x8;
	[tilespmem:$0x1FC90] =	vst v2  }
0x22: {  	v5 =	vbroadcast v0, $0x9;
	[tilespmem:$0x1FCA0] =	vst v63  }
0x23: {  	v6 =	vbroadcast v0, $0xA;
	[tilespmem:$0x1FCB0] =	vst v4  }
0x24: {  	v62 =	vld [tilespmem:$0xD010];
	v7 =	vbroadcast v0, $0xB;
	[tilespmem:$0x1FCC0] =	vst v5  }
0x25: {  	v16 =	vbroadcast v0, $0xC;
	[tilespmem:$0x1FCD0] =	vst v6  }
0x26: {  	v17 =	vbroadcast v0, $0xD;
	[tilespmem:$0x1FCE0] =	vst v7  }
0x27: {  	v18 =	vbroadcast v0, $0xE;
	[tilespmem:$0x1FCF0] =	vst v16  }
0x28: {  	v13 =	vbroadcast v0, $0x0;
	v0 =	vbroadcast v0, $0xF;
	[tilespmem:$0x1FD00] =	vst v17  }
0x29: {  	v19 =	vbroadcast v62, $0x0;
	[tilespmem:$0x1FD10] =	vst v18  }
0x2a: {  	v20 =	vbroadcast v62, $0x1;
	[tilespmem:$0x1FD20] =	vst v0  }
0x2b: {  	v21 =	vbroadcast v62, $0x2;
	[tilespmem:$0x1FD30] =	vst v19  }
0x2c: {  	v22 =	vbroadcast v62, $0x3;
	[tilespmem:$0x1FD40] =	vst v20  }
0x2d: {  	v23 =	vbroadcast v62, $0x4;
	[tilespmem:$0x1FD50] =	vst v21  }
0x2e: {  	v32 =	vbroadcast v62, $0x5;
	[tilespmem:$0x1FD60] =	vst v22  }
0x2f: {  	v34 =	vbroadcast v62, $0x6;
	[tilespmem:$0x1FD70] =	vst v23  }
0x30: {  	v35 =	vbroadcast v62, $0x7;
	[tilespmem:$0x1FD80] =	vst v32  }
0x31: {  	v36 =	vbroadcast v62, $0x8;
	[tilespmem:$0x1FD90] =	vst v34  }
0x32: {  	v37 =	vbroadcast v62, $0x9;
	[tilespmem:$0x1FDA0] =	vst v35  }
0x33: {  	v33 =	vld [tilespmem:$0xD020];
	v38 =	vbroadcast v62, $0xA;
	[tilespmem:$0x1FDB0] =	vst v36  }
0x34: {  	v39 =	vbroadcast v62, $0xB;
	[tilespmem:$0x1FDC0] =	vst v37  }
0x35: {  	v40 =	vbroadcast v62, $0xC;
	[tilespmem:$0x1FDD0] =	vst v38  }
0x36: {  	v41 =	vbroadcast v62, $0xD;
	[tilespmem:$0x1FDE0] =	vst v39  }
0x37: {  	v42 =	vbroadcast v62, $0xE;
	[tilespmem:$0x1FDF0] =	vst v40  }
0x38: {  	v43 =	vbroadcast v33, $0x0;
	[tilespmem:$0x1FE00] =	vst v41  }
0x39: {  	v44 =	vbroadcast v33, $0x1;
	[tilespmem:$0x1FE10] =	vst v42  }
0x3a: {  	v45 =	vbroadcast v33, $0x2;
	[tilespmem:$0x1FE30] =	vst v43  }
0x3b: {  	v46 =	vbroadcast v33, $0x3;
	[tilespmem:$0x1FE40] =	vst v44  }
0x3c: {  	v47 =	vbroadcast v33, $0x4;
	[tilespmem:$0x1FE50] =	vst v45  }
0x3d: {  	v48 =	vbroadcast v33, $0x5;
	[tilespmem:$0x1FE60] =	vst v46  }
0x3e: {  	v50 =	vbroadcast v33, $0x6;
	[tilespmem:$0x1FE70] =	vst v47  }
0x3f: {  	v51 =	vbroadcast v33, $0x7;
	[tilespmem:$0x1FE80] =	vst v48  }
0x40: {  	v52 =	vbroadcast v33, $0x8;
	[tilespmem:$0x1FE90] =	vst v50  }
0x41: {  	v49 =	vld [tilespmem:$0xD030];
	v53 =	vbroadcast v33, $0x9;
	[tilespmem:$0x1FEA0] =	vst v51  }
0x42: {  	v54 =	vbroadcast v33, $0xA;
	[tilespmem:$0x1FEB0] =	vst v52  }
0x43: {  	v55 =	vbroadcast v33, $0xB;
	[tilespmem:$0x1FEC0] =	vst v53  }
0x44: {  	v56 =	vbroadcast v33, $0xC;
	[tilespmem:$0x1FED0] =	vst v54  }
0x45: {  	v57 =	vbroadcast v33, $0xD;
	[tilespmem:$0x1FEE0] =	vst v55  }
0x46: {  	v14 =	vbroadcast v49, $0x4;
	[tilespmem:$0x1FEF0] =	vst v56  }
0x47: {  	v29 =	vbroadcast v49, $0x9;
	[tilespmem:$0x1FF00] =	vst v57  }
0x48: {  	v25 =	vbroadcast v49, $0x5;
	[tilespmem:$0x1FF80] =	vst v14  }
0x49: {  	v26 =	vbroadcast v49, $0x6;
	[tilespmem:$0x1FF90] =	vst v29  }
0x4a: {  	v27 =	vbroadcast v49, $0x7;
	[tilespmem:$0x1FFA0] =	vst v25  }
0x4b: {  	v28 =	vbroadcast v49, $0x8;
	[tilespmem:$0x1FFC0] =	vst v26  }
0x4c: {  	v31 =	vbroadcast v49, $0xB;
	[tilespmem:$0x1FFD0] =	vst v27  }
0x4d: {  	v1 =	vbroadcast v62, $0xF;
	[tilespmem:$0x1FFE0] =	vst v28  }
0x4e: {  	v58 =	vbroadcast v33, $0xE;
	[tilespmem:$0x1FFF0] =	vst v31  }
0x4f: {  	v0 =	vbroadcast v33, $0xF;
	[tilespmem:$0x1FE20] =	vst v1  }
0x50: {  	v59 =	vbroadcast v49, $0x0;
	[tilespmem:$0x1FF10] =	vst v58  }
0x51: {  	v60 =	vbroadcast v49, $0x1;
	[tilespmem:$0x1FF20] =	vst v0  }
0x52: {  	v61 =	vbroadcast v49, $0x2;
	[tilespmem:$0x1FF30] =	vst v59  }
0x53: {  	v62 =	vbroadcast v49, $0x3;
	[tilespmem:$0x1FF40] =	vst v60  }
0x54: {  	v63 =	vbroadcast v49, $0xF;
	[tilespmem:$0x1FF50] =	vst v61  }
0x55: {  	v35 =	vbroadcast v49, $0xE;
	[tilespmem:$0x1FF60] =	vst v62  }
0x56: {  	v30 =	vbroadcast v49, $0xA;
	[tilespmem:$0x1FF70] =	vst v63  }
0x57: {  	s26 =	simm.s32 $0xD080;
	s28 =	simm.s32 $0xD150;
	s29 =	simm.s32 $0x0;
	v32 =	vbroadcast v49, $0xC;
	v33 =	vbroadcast v49, $0xD;
	[tilespmem:$0x1FFB0] =	vst v35  }
.LBB2_2:
0x58: {  	s30 =	simm.s32 $0x0  }
0x59: {  	v2 =	vmov s30  }
0x5a: {  	v2 =	vshll.u32 v2, $0x7  }
0x5b: {  	v2 =	vor.u32 v10, v2;
	_ =	sdelay $0x1  }
0x5c: {  	_ =	swait.ge [sflag:s20], $0x6800;
	v3 =	vor.u32 $0x1, v2  }
0x5d: {  	[sflag:s20] =	ssyncset.done $0x0  }
0x5e: {  	[sflag:s20] =	ssyncadd.s32 $0xFFFF9800;
	v4 =	vor.u32 $0x2, v2  }
0x5f: {  	v5 =	vld.idx.msk [tilespmem:v2+s3+$0x0], $0xffff  }
0x60: {  	v16 =	vld [tilespmem:$0x1FC40];
	v0 =	vor.u32 $0x3, v2  }
0x61: {  	v3 =	vld.idx.msk [tilespmem:v3+s3+$0x0], $0xffff  }
0x62: {  	v17 =	vld [tilespmem:$0x1FC50];
	v6 =	vor.u32 $0x4, v2  }
0x63: {  	v4 =	vld.idx.msk [tilespmem:v4+s3+$0x0], $0xffff  }
0x64: {  	v18 =	vld [tilespmem:$0x1FC60];
	v7 =	vor.u32 $0x5, v2;
	v5 =	vmul.f32 v5, v13  }
0x65: {  	v0 =	vld.idx.msk [tilespmem:v0+s3+$0x0], $0xffff  }
0x66: {  	v19 =	vld [tilespmem:$0x1FC70];
	v1 =	vor.u32 $0x6, v2;
	v3 =	vmul.f32 v3, v16;
	v5 =	vadd.f32 $0.0e+00, v5  }
0x67: {  	v6 =	vld.idx.msk [tilespmem:v6+s3+$0x0], $0xffff  }
0x68: {  	v21 =	vld [tilespmem:$0x1FC80];
	v8 =	vor.u32 $0x8, v2;
	v4 =	vmul.f32 v4, v17;
	v3 =	vadd.f32 v3, v5  }
0x69: {  	v7 =	vld.idx.msk [tilespmem:v7+s3+$0x0], $0xffff  }
0x6a: {  	v23 =	vld [tilespmem:$0x1FC90];
	v5 =	vor.u32 $0x7, v2;
	v4 =	vadd.f32 v4, v3;
	v3 =	vmul.f32 v0, v18  }
0x6b: {  	v9 =	vor.u32 $0x9, v2;
	v0 =	vld.idx.msk [tilespmem:v1+s3+$0x0], $0xffff  }
0x6c: {  	v4 =	vadd.f32 v3, v4;
	v3 =	vmul.f32 v6, v19  }
0x6d: {  	v6 =	vld.idx.msk [tilespmem:v8+s3+$0x0], $0xffff  }
0x6e: {  	v8 =	vld [tilespmem:$0x1FCA0];
	v4 =	vadd.f32 v3, v4;
	v3 =	vmul.f32 v7, v21  }
0x6f: {  	v1 =	vld.idx.msk [tilespmem:v5+s3+$0x0], $0xffff  }
0x70: {  	v4 =	vadd.f32 v3, v4;
	v3 =	vmul.f32 v0, v23;
	v0 =	vld.idx.msk [tilespmem:v9+s3+$0x0], $0xffff  }
0x71: {  	v9 =	vld [tilespmem:$0x1FCB0]  }
0x72: {  	v5 =	vor.u32 $0xA, v2  }
0x73: {  	v11 =	vld [tilespmem:$0x1FCC0];
	v12 =	vor.u32 $0xC, v2  }
0x74: {  	v4 =	vadd.f32 v3, v4;
	v3 =	vmul.f32 v1, v8  }
0x75: {  	v7 =	vor.u32 $0xB, v2  }
0x76: {  	v4 =	vadd.f32 v3, v4;
	v3 =	vmul.f32 v6, v9  }
0x77: {  	v1 =	vld.idx.msk [tilespmem:v5+s3+$0x0], $0xffff  }
0x78: {  	v4 =	vadd.f32 v3, v4;
	v3 =	vmul.f32 v0, v11;
	v0 =	vld.idx.msk [tilespmem:v12+s3+$0x0], $0xffff  }
0x79: {  	v12 =	vld [tilespmem:$0x1FCD0]  }
0x7a: {  	v6 =	vld.idx.msk [tilespmem:v7+s3+$0x0], $0xffff  }
0x7b: {  	v7 =	vld [tilespmem:$0x1FCE0]  }
0x7c: {  	v5 =	vor.u32 $0xD, v2  }
0x7d: {  	v22 =	vld [tilespmem:$0x1FCF0];
	v20 =	vor.u32 $0xF, v2  }
0x7e: {  	v4 =	vadd.f32 v3, v4;
	v3 =	vmul.f32 v1, v12  }
0x7f: {  	v15 =	vor.u32 $0xE, v2  }
0x80: {  	v4 =	vadd.f32 v3, v4;
	v3 =	vmul.f32 v6, v7  }
0x81: {  	v1 =	vld.idx.msk [tilespmem:v5+s3+$0x0], $0xffff  }
0x82: {  	v4 =	vadd.f32 v3, v4;
	v3 =	vmul.f32 v0, v22;
	v0 =	vld.idx.msk [tilespmem:v20+s3+$0x0], $0xffff  }
0x83: {  	v20 =	vld [tilespmem:$0x1FD00]  }
0x84: {  	v15 =	vld.idx.msk [tilespmem:v15+s3+$0x0], $0xffff  }
0x85: {  	v24 =	vor.u32 $0x11, v2;
	v6 =	vld [tilespmem:$0x1FD10];
	_ =	sdelay $0x1  }
0x86: {  	v5 =	vor.u32 $0x10, v2  }
0x87: {  	v4 =	vadd.f32 v3, v4;
	v3 =	vmul.f32 v1, v20;
	_ =	sdelay $0x1  }
0x88: {  	v4 =	vadd.f32 v3, v4;
	v3 =	vmul.f32 v15, v6;
	v15 =	vld.idx.msk [tilespmem:v24+s3+$0x0], $0xffff  }
0x89: {  	v24 =	vld [tilespmem:$0x1FD20]  }
0x8a: {  	v36 =	vor.u32 $0x12, v2;
	v34 =	vld.idx.msk [tilespmem:v5+s3+$0x0], $0xffff  }
0x8b: {  	v1 =	vld [tilespmem:$0x1FD30]  }
0x8c: {  	v5 =	vor.u32 $0x13, v2  }
0x8d: {  	v42 =	vld [tilespmem:$0x1FD40]  }
0x8e: {  	v43 =	vld [tilespmem:$0x1FD50];
	v37 =	vor.u32 $0x14, v2;
	v4 =	vadd.f32 v3, v4;
	v3 =	vmul.f32 v0, v24  }
0x8f: {  	v0 =	vld.idx.msk [tilespmem:v36+s3+$0x0], $0xffff  }
0x90: {  	v44 =	vld [tilespmem:$0x1FD60];
	v47 =	vor.u32 $0x15, v2;
	v4 =	vadd.f32 v3, v4;
	v3 =	vmul.f32 v34, v1  }
0x91: {  	v48 =	vld.idx.msk [tilespmem:v5+s3+$0x0], $0xffff;
	v5 =	vor.u32 $0x16, v2  }
0x92: {  	v45 =	vld [tilespmem:$0x1FD70];
	v4 =	vadd.f32 v3, v4;
	v3 =	vmul.f32 v15, v42  }
0x93: {  	v15 =	vld.idx.msk [tilespmem:v37+s3+$0x0], $0xffff  }
0x94: {  	v46 =	vld [tilespmem:$0x1FD80];
	v49 =	vor.u32 $0x17, v2;
	v4 =	vadd.f32 v3, v4;
	v3 =	vmul.f32 v0, v43  }
0x95: {  	v0 =	vld.idx.msk [tilespmem:v47+s3+$0x0], $0xffff  }
0x96: {  	v50 =	vor.u32 $0x18, v2;
	v51 =	vld.idx.msk [tilespmem:v5+s3+$0x0], $0xffff;
	v4 =	vadd.f32 v3, v4;
	v3 =	vmul.f32 v48, v44  }
0x97: {  	v5 =	vor.u32 $0x19, v2;
	v47 =	vld [tilespmem:$0x1FD90]  }
0x98: {  	v48 =	vld [tilespmem:$0x1FDA0];
	v4 =	vadd.f32 v3, v4;
	v3 =	vmul.f32 v15, v45  }
0x99: {  	v15 =	vld.idx.msk [tilespmem:v49+s3+$0x0], $0xffff  }
0x9a: {  	v52 =	vor.u32 $0x1A, v2;
	v49 =	vld [tilespmem:$0x1FDB0];
	v4 =	vadd.f32 v3, v4;
	v3 =	vmul.f32 v0, v46  }
0x9b: {  	v0 =	vld.idx.msk [tilespmem:v50+s3+$0x0], $0xffff  }
0x9c: {  	v53 =	vor.u32 $0x1B, v2;
	v54 =	vld.idx.msk [tilespmem:v5+s3+$0x0], $0xffff;
	v4 =	vadd.f32 v3, v4;
	v3 =	vmul.f32 v51, v47  }
0x9d: {  	v5 =	vor.u32 $0x1C, v2;
	v50 =	vld [tilespmem:$0x1FDC0]  }
0x9e: {  	v51 =	vld [tilespmem:$0x1FDD0];
	v4 =	vadd.f32 v3, v4;
	v3 =	vmul.f32 v15, v48  }
0x9f: {  	v15 =	vld.idx.msk [tilespmem:v52+s3+$0x0], $0xffff  }
0xa0: {  	v55 =	vor.u32 $0x1D, v2;
	v52 =	vld [tilespmem:$0x1FDE0];
	v4 =	vadd.f32 v3, v4;
	v3 =	vmul.f32 v0, v49  }
0xa1: {  	v0 =	vld.idx.msk [tilespmem:v53+s3+$0x0], $0xffff  }
0xa2: {  	v56 =	vor.u32 $0x1E, v2;
	v57 =	vld.idx.msk [tilespmem:v5+s3+$0x0], $0xffff;
	v4 =	vadd.f32 v3, v4;
	v3 =	vmul.f32 v54, v50  }
0xa3: {  	v5 =	vor.u32 $0x1F, v2;
	v53 =	vld [tilespmem:$0x1FDF0]  }
0xa4: {  	v54 =	vld [tilespmem:$0x1FE00];
	v4 =	vadd.f32 v3, v4;
	v3 =	vmul.f32 v15, v51  }
0xa5: {  	v15 =	vld.idx.msk [tilespmem:v55+s3+$0x0], $0xffff  }
0xa6: {  	v58 =	vor.u32 $0x20, v2;
	v55 =	vld [tilespmem:$0x1FE10];
	v4 =	vadd.f32 v3, v4;
	v3 =	vmul.f32 v0, v52  }
0xa7: {  	v0 =	vld.idx.msk [tilespmem:v56+s3+$0x0], $0xffff  }
0xa8: {  	v59 =	vor.u32 $0x21, v2;
	v60 =	vld.idx.msk [tilespmem:v5+s3+$0x0], $0xffff;
	v4 =	vadd.f32 v3, v4;
	v3 =	vmul.f32 v57, v53  }
0xa9: {  	v5 =	vor.u32 $0x22, v2;
	v56 =	vld [tilespmem:$0x1FE20]  }
0xaa: {  	v57 =	vld [tilespmem:$0x1FE30];
	v4 =	vadd.f32 v3, v4;
	v3 =	vmul.f32 v15, v54  }
0xab: {  	v15 =	vld.idx.msk [tilespmem:v58+s3+$0x0], $0xffff  }
0xac: {  	v61 =	vor.u32 $0x23, v2;
	v58 =	vld [tilespmem:$0x1FE40];
	v4 =	vadd.f32 v3, v4;
	v3 =	vmul.f32 v0, v55  }
0xad: {  	v0 =	vld.idx.msk [tilespmem:v59+s3+$0x0], $0xffff  }
0xae: {  	v62 =	vor.u32 $0x24, v2;
	v63 =	vld.idx.msk [tilespmem:v5+s3+$0x0], $0xffff;
	v4 =	vadd.f32 v3, v4;
	v3 =	vmul.f32 v60, v56  }
0xaf: {  	v5 =	vor.u32 $0x25, v2;
	v59 =	vld [tilespmem:$0x1FE50]  }
0xb0: {  	v60 =	vld [tilespmem:$0x1FE60];
	v4 =	vadd.f32 v3, v4;
	v3 =	vmul.f32 v15, v57  }
0xb1: {  	v15 =	vld.idx.msk [tilespmem:v61+s3+$0x0], $0xffff  }
0xb2: {  	v40 =	vor.u32 $0x26, v2;
	v61 =	vld [tilespmem:$0x1FE70];
	v4 =	vadd.f32 v3, v4;
	v3 =	vmul.f32 v0, v58  }
0xb3: {  	v0 =	vld.idx.msk [tilespmem:v62+s3+$0x0], $0xffff  }
0xb4: {  	v41 =	vld.idx.msk [tilespmem:v5+s3+$0x0], $0xffff;
	v4 =	vadd.f32 v3, v4;
	v3 =	vmul.f32 v63, v59  }
0xb5: {  	v62 =	vld [tilespmem:$0x1FE80]  }
0xb6: {  	v36 =	vor.u32 $0x27, v2;
	v63 =	vld [tilespmem:$0x1FE90];
	v4 =	vadd.f32 v3, v4;
	v3 =	vmul.f32 v15, v60  }
0xb7: {  	v15 =	vld.idx.msk [tilespmem:v40+s3+$0x0], $0xffff  }
0xb8: {  	v4 =	vadd.f32 v3, v4;
	v3 =	vmul.f32 v0, v61;
	_ =	sdelay $0x1  }
0xb9: {  	v4 =	vadd.f32 v3, v4;
	v3 =	vmul.f32 v41, v62  }
0xba: {  	v5 =	vor.u32 $0x28, v2;
	v0 =	vld.idx.msk [tilespmem:v36+s3+$0x0], $0xffff  }
0xbb: {  	v4 =	vadd.f32 v3, v4;
	v3 =	vmul.f32 v15, v63;
	v15 =	vld [tilespmem:$0x1FEA0];
	_ =	sdelay $0x3  }
0xbc: {  	v34 =	vld.idx.msk [tilespmem:v5+s3+$0x0], $0xffff;
	v40 =	vor.u32 $0x29, v2  }
0xbd: {  	v4 =	vadd.f32 v3, v4;
	v3 =	vmul.f32 v0, v15;
	v0 =	vld [tilespmem:$0x1FEB0];
	_ =	sdelay $0x3  }
0xbe: {  	v38 =	vor.u32 $0x2A, v2;
	v36 =	vld.idx.msk [tilespmem:v40+s3+$0x0], $0xffff  }
0xbf: {  	v4 =	vadd.f32 v3, v4;
	v3 =	vmul.f32 v34, v0;
	v0 =	vld [tilespmem:$0x1FEC0];
	_ =	sdelay $0x3  }
0xc0: {  	v37 =	vld.idx.msk [tilespmem:v38+s3+$0x0], $0xffff;
	v5 =	vor.u32 $0x2B, v2  }
0xc1: {  	v4 =	vadd.f32 v3, v4;
	v3 =	vmul.f32 v36, v0;
	v0 =	vld [tilespmem:$0x1FED0];
	_ =	sdelay $0x3  }
0xc2: {  	v39 =	vor.u32 $0x2C, v2;
	v34 =	vld.idx.msk [tilespmem:v5+s3+$0x0], $0xffff  }
0xc3: {  	v4 =	vadd.f32 v3, v4;
	v3 =	vmul.f32 v37, v0;
	v0 =	vld [tilespmem:$0x1FEE0];
	_ =	sdelay $0x3  }
0xc4: {  	v38 =	vor.u32 $0x2D, v2;
	v36 =	vld.idx.msk [tilespmem:v39+s3+$0x0], $0xffff  }
0xc5: {  	v4 =	vadd.f32 v3, v4;
	v3 =	vmul.f32 v34, v0;
	v0 =	vld [tilespmem:$0x1FEF0];
	_ =	sdelay $0x3  }
0xc6: {  	v5 =	vor.u32 $0x2E, v2;
	v37 =	vld.idx.msk [tilespmem:v38+s3+$0x0], $0xffff  }
0xc7: {  	v4 =	vadd.f32 v3, v4;
	v3 =	vmul.f32 v36, v0;
	v0 =	vld [tilespmem:$0x1FF00];
	_ =	sdelay $0x3  }
0xc8: {  	v39 =	vor.u32 $0x2F, v2;
	v34 =	vld.idx.msk [tilespmem:v5+s3+$0x0], $0xffff  }
0xc9: {  	v4 =	vadd.f32 v3, v4;
	v3 =	vmul.f32 v37, v0;
	v0 =	vld [tilespmem:$0x1FF10];
	_ =	sdelay $0x3  }
0xca: {  	v38 =	vor.u32 $0x30, v2;
	v36 =	vld.idx.msk [tilespmem:v39+s3+$0x0], $0xffff  }
0xcb: {  	v4 =	vadd.f32 v3, v4;
	v3 =	vmul.f32 v34, v0;
	v0 =	vld [tilespmem:$0x1FF20];
	_ =	sdelay $0x3  }
0xcc: {  	v5 =	vor.u32 $0x31, v2;
	v37 =	vld.idx.msk [tilespmem:v38+s3+$0x0], $0xffff  }
0xcd: {  	v4 =	vadd.f32 v3, v4;
	v3 =	vmul.f32 v36, v0;
	v0 =	vld [tilespmem:$0x1FF30];
	_ =	sdelay $0x3  }
0xce: {  	v39 =	vor.u32 $0x32, v2;
	v34 =	vld.idx.msk [tilespmem:v5+s3+$0x0], $0xffff  }
0xcf: {  	v4 =	vadd.f32 v3, v4;
	v3 =	vmul.f32 v37, v0;
	v0 =	vld [tilespmem:$0x1FF40];
	_ =	sdelay $0x3  }
0xd0: {  	v38 =	vor.u32 $0x33, v2;
	v36 =	vld.idx.msk [tilespmem:v39+s3+$0x0], $0xffff  }
0xd1: {  	v4 =	vadd.f32 v3, v4;
	v3 =	vmul.f32 v34, v0;
	v0 =	vld [tilespmem:$0x1FF50];
	_ =	sdelay $0x1  }
0xd2: {  	v5 =	vor.u32 $0x34, v2;
	_ =	sdelay $0x1  }
0xd3: {  	v39 =	vor.u32 $0x35, v2;
	v37 =	vld.idx.msk [tilespmem:v38+s3+$0x0], $0xffff  }
0xd4: {  	v4 =	vadd.f32 v3, v4;
	v3 =	vmul.f32 v36, v0;
	v0 =	vld [tilespmem:$0x1FF60]  }
0xd5: {  	v38 =	vor.u32 $0x36, v2  }
0xd6: {  	v34 =	vld.idx.msk [tilespmem:v5+s3+$0x0], $0xffff  }
0xd7: {  	v5 =	vor.u32 $0x37, v2  }
0xd8: {  	v36 =	vld.idx.msk [tilespmem:v39+s3+$0x0], $0xffff  }
0xd9: {  	v39 =	vor.u32 $0x38, v2;
	v4 =	vadd.f32 v3, v4;
	v3 =	vmul.f32 v37, v0  }
0xda: {  	v0 =	vld.idx.msk [tilespmem:v38+s3+$0x0], $0xffff  }
0xdb: {  	v41 =	vor.u32 $0x39, v2;
	v4 =	vadd.f32 v3, v4;
	v3 =	vmul.f32 v34, v14  }
0xdc: {  	v14 =	vld.idx.msk [tilespmem:v5+s3+$0x0], $0xffff  }
0xdd: {  	v5 =	vor.u32 $0x3A, v2;
	v4 =	vadd.f32 v3, v4;
	v3 =	vmul.f32 v36, v25  }
0xde: {  	v25 =	vld.idx.msk [tilespmem:v39+s3+$0x0], $0xffff  }
0xdf: {  	v39 =	vor.u32 $0x3B, v2;
	v4 =	vadd.f32 v3, v4;
	v3 =	vmul.f32 v0, v26  }
0xe0: {  	v0 =	vld.idx.msk [tilespmem:v41+s3+$0x0], $0xffff  }
0xe1: {  	v26 =	vor.u32 $0x3C, v2;
	v4 =	vadd.f32 v3, v4;
	v3 =	vmul.f32 v14, v27  }
0xe2: {  	v14 =	vld.idx.msk [tilespmem:v5+s3+$0x0], $0xffff  }
0xe3: {  	v27 =	vor.u32 $0x3D, v2;
	v4 =	vadd.f32 v3, v4;
	v3 =	vmul.f32 v25, v28  }
0xe4: {  	v25 =	vld.idx.msk [tilespmem:v39+s3+$0x0], $0xffff  }
0xe5: {  	v4 =	vadd.f32 v3, v4;
	v3 =	vmul.f32 v0, v29  }
0xe6: {  	v0 =	vld.idx.msk [tilespmem:v26+s3+$0x0], $0xffff  }
0xe7: {  	v3 =	vadd.f32 v3, v4;
	v4 =	vmul.f32 v14, v30  }
0xe8: {  	v5 =	vor.u32 $0x3E, v2;
	v26 =	vor.u32 $0x3F, v2;
	v2 =	vld.idx.msk [tilespmem:v27+s3+$0x0], $0xffff  }
0xe9: {  	v3 =	vadd.f32 v4, v3;
	v4 =	vmul.f32 v25, v31;
	_ =	sdelay $0x1  }
0xea: {  	v3 =	vadd.f32 v4, v3;
	v4 =	vmul.f32 v0, v32;
	_ =	sdelay $0x1  }
0xeb: {  	s30 =	simm.s32 $0x10;
	v5 =	vld.idx.msk [tilespmem:v5+s3+$0x0], $0xffff;
	v2 =	vmul.f32 v2, v33;
	v3 =	vadd.f32 v4, v3  }
0xec: {  	v25 =	vld.idx.msk [tilespmem:v26+s3+$0x0], $0xffff;
	v4 =	vmov s30  }
0xed: {  	v3 =	vadd.f32 v2, v3;
	v2 =	vshll.u32 v4, $0x7;
	v4 =	vld [tilespmem:$0x1FF70];
	_ =	sdelay $0x2  }
0xee: {  	v5 =	vmul.f32 v5, v35;
	_ =	sdelay $0x1  }
0xef: {  	v2 =	vor.u32 v10, v2;
	v3 =	vadd.f32 v5, v3;
	v0 =	vmovc v4;
	v4 =	vmul.f32 v25, v4;
	_ =	sdelay $0x1  }
0xf0: {  	v5 =	vor.u32 $0x1, v2;
	v3 =	vadd.f32 v4, v3;
	_ =	sdelay $0x1  }
0xf1: {  	v4 =	vor.u32 $0x2, v2;
	[tilespmem:s26+$0x0] =	vst v3  }
0xf2: {  	v3 =	vld.idx.msk [tilespmem:v2+s3+$0x0], $0xffff  }
0xf3: {  	v25 =	vor.u32 $0x3, v2  }
0xf4: {  	v5 =	vld.idx.msk [tilespmem:v5+s3+$0x0], $0xffff  }
0xf5: {  	v26 =	vor.u32 $0x4, v2  }
0xf6: {  	v4 =	vld.idx.msk [tilespmem:v4+s3+$0x0], $0xffff  }
0xf7: {  	v27 =	vor.u32 $0x5, v2;
	v3 =	vmul.f32 v3, v13  }
0xf8: {  	v28 =	vld.idx.msk [tilespmem:v25+s3+$0x0], $0xffff  }
0xf9: {  	v29 =	vor.u32 $0x6, v2;
	v5 =	vmul.f32 v5, v16;
	v3 =	vadd.f32 $0.0e+00, v3  }
0xfa: {  	v25 =	vmov v16;
	v16 =	vld.idx.msk [tilespmem:v26+s3+$0x0], $0xffff  }
0xfb: {  	v4 =	vmul.f32 v4, v17;
	v3 =	vadd.f32 v5, v3;
	v5 =	vor.u32 $0x7, v2  }
0xfc: {  	v26 =	vmov v17;
	v17 =	vld.idx.msk [tilespmem:v27+s3+$0x0], $0xffff  }
0xfd: {  	v31 =	vor.u32 $0x8, v2;
	v4 =	vadd.f32 v4, v3;
	v3 =	vmul.f32 v28, v18  }
0xfe: {  	v27 =	vmov v18;
	v18 =	vld.idx.msk [tilespmem:v29+s3+$0x0], $0xffff  }
0xff: {  	v40 =	vor.u32 $0x9, v2;
	v4 =	vadd.f32 v3, v4;
	v3 =	vmul.f32 v16, v19  }
0x100: {  	v16 =	vld.idx.msk [tilespmem:v5+s3+$0x0], $0xffff  }
0x101: {  	v5 =	vor.u32 $0xA, v2;
	v4 =	vadd.f32 v3, v4;
	v3 =	vmul.f32 v17, v21  }
0x102: {  	v17 =	vld.idx.msk [tilespmem:v31+s3+$0x0], $0xffff  }
0x103: {  	v28 =	vmovc v19;
	v19 =	vor.u32 $0xB, v2;
	v4 =	vadd.f32 v3, v4;
	v3 =	vmul.f32 v18, v23  }
0x104: {  	v18 =	vld.idx.msk [tilespmem:v40+s3+$0x0], $0xffff  }
0x105: {  	v41 =	vor.u32 $0xC, v2;
	v4 =	vadd.f32 v3, v4;
	v3 =	vmul.f32 v16, v8  }
0x106: {  	v16 =	vld.idx.msk [tilespmem:v5+s3+$0x0], $0xffff  }
0x107: {  	v5 =	vor.u32 $0xD, v2;
	v4 =	vadd.f32 v3, v4;
	v3 =	vmul.f32 v17, v9  }
0x108: {  	v29 =	vmovc v21;
	v21 =	vmovc v30;
	v30 =	vmov v23;
	v23 =	vmov v32;
	v32 =	vmov v9;
	v9 =	vld.idx.msk [tilespmem:v19+s3+$0x0], $0xffff  }
0x109: {  	v17 =	vor.u32 $0xE, v2;
	v4 =	vadd.f32 v3, v4;
	v3 =	vmul.f32 v18, v11  }
0x10a: {  	v31 =	vmov v8;
	v8 =	vmov v33;
	v33 =	vmov v11;
	v11 =	vld.idx.msk [tilespmem:v41+s3+$0x0], $0xffff  }
0x10b: {  	v18 =	vor.u32 $0xF, v2;
	v4 =	vadd.f32 v3, v4;
	v3 =	vmul.f32 v16, v12  }
0x10c: {  	v34 =	vmov v12;
	v12 =	vld.idx.msk [tilespmem:v5+s3+$0x0], $0xffff  }
0x10d: {  	v5 =	vor.u32 $0x10, v2;
	v4 =	vadd.f32 v3, v4;
	v3 =	vmul.f32 v9, v7  }
0x10e: {  	v14 =	vmov v35;
	v35 =	vmov v7;
	v7 =	vld.idx.msk [tilespmem:v17+s3+$0x0], $0xffff  }
0x10f: {  	v16 =	vor.u32 $0x11, v2;
	v4 =	vadd.f32 v3, v4;
	v3 =	vmul.f32 v11, v22  }
0x110: {  	v9 =	vld.idx.msk [tilespmem:v18+s3+$0x0], $0xffff  }
0x111: {  	v17 =	vor.u32 $0x12, v2;
	v4 =	vadd.f32 v3, v4;
	v3 =	vmul.f32 v12, v20  }
0x112: {  	v11 =	vld.idx.msk [tilespmem:v5+s3+$0x0], $0xffff  }
0x113: {  	v5 =	vor.u32 $0x13, v2;
	v4 =	vadd.f32 v3, v4;
	v3 =	vmul.f32 v7, v6  }
0x114: {  	v38 =	vmov v6;
	v6 =	vld.idx.msk [tilespmem:v16+s3+$0x0], $0xffff  }
0x115: {  	v12 =	vor.u32 $0x14, v2;
	v4 =	vadd.f32 v3, v4;
	v3 =	vmul.f32 v9, v24  }
0x116: {  	v7 =	vld.idx.msk [tilespmem:v17+s3+$0x0], $0xffff  }
0x117: {  	v9 =	vor.u32 $0x15, v2;
	v4 =	vadd.f32 v3, v4;
	v3 =	vmul.f32 v11, v1  }
0x118: {  	v40 =	vmov v1;
	v1 =	vld.idx.msk [tilespmem:v5+s3+$0x0], $0xffff  }
0x119: {  	v5 =	vor.u32 $0x16, v2;
	v4 =	vadd.f32 v3, v4;
	v3 =	vmul.f32 v6, v42  }
0x11a: {  	v6 =	vld.idx.msk [tilespmem:v12+s3+$0x0], $0xffff  }
0x11b: {  	v11 =	vor.u32 $0x17, v2;
	v4 =	vadd.f32 v3, v4;
	v3 =	vmul.f32 v7, v43  }
0x11c: {  	v7 =	vld.idx.msk [tilespmem:v9+s3+$0x0], $0xffff  }
0x11d: {  	v9 =	vor.u32 $0x18, v2;
	v4 =	vadd.f32 v3, v4;
	v3 =	vmul.f32 v1, v44  }
0x11e: {  	v1 =	vld.idx.msk [tilespmem:v5+s3+$0x0], $0xffff  }
0x11f: {  	v5 =	vor.u32 $0x19, v2;
	v4 =	vadd.f32 v3, v4;
	v3 =	vmul.f32 v6, v45  }
0x120: {  	v6 =	vld.idx.msk [tilespmem:v11+s3+$0x0], $0xffff  }
0x121: {  	v11 =	vor.u32 $0x1A, v2;
	v4 =	vadd.f32 v3, v4;
	v3 =	vmul.f32 v7, v46  }
0x122: {  	v7 =	vld.idx.msk [tilespmem:v9+s3+$0x0], $0xffff  }
0x123: {  	v9 =	vor.u32 $0x1B, v2;
	v4 =	vadd.f32 v3, v4;
	v3 =	vmul.f32 v1, v47  }
0x124: {  	v1 =	vld.idx.msk [tilespmem:v5+s3+$0x0], $0xffff  }
0x125: {  	v5 =	vor.u32 $0x1C, v2;
	v4 =	vadd.f32 v3, v4;
	v3 =	vmul.f32 v6, v48  }
0x126: {  	v6 =	vld.idx.msk [tilespmem:v11+s3+$0x0], $0xffff  }
0x127: {  	v11 =	vor.u32 $0x1D, v2;
	v4 =	vadd.f32 v3, v4;
	v3 =	vmul.f32 v7, v49  }
0x128: {  	v7 =	vld.idx.msk [tilespmem:v9+s3+$0x0], $0xffff  }
0x129: {  	v9 =	vor.u32 $0x1E, v2;
	v4 =	vadd.f32 v3, v4;
	v3 =	vmul.f32 v1, v50  }
0x12a: {  	v1 =	vld.idx.msk [tilespmem:v5+s3+$0x0], $0xffff  }
0x12b: {  	v5 =	vor.u32 $0x1F, v2;
	v4 =	vadd.f32 v3, v4;
	v3 =	vmul.f32 v6, v51  }
0x12c: {  	v6 =	vld.idx.msk [tilespmem:v11+s3+$0x0], $0xffff  }
0x12d: {  	v11 =	vor.u32 $0x20, v2;
	v4 =	vadd.f32 v3, v4;
	v3 =	vmul.f32 v7, v52  }
0x12e: {  	v7 =	vld.idx.msk [tilespmem:v9+s3+$0x0], $0xffff  }
0x12f: {  	v9 =	vor.u32 $0x21, v2;
	v4 =	vadd.f32 v3, v4;
	v3 =	vmul.f32 v1, v53  }
0x130: {  	v1 =	vld.idx.msk [tilespmem:v5+s3+$0x0], $0xffff  }
0x131: {  	v5 =	vor.u32 $0x22, v2;
	v4 =	vadd.f32 v3, v4;
	v3 =	vmul.f32 v6, v54  }
0x132: {  	v6 =	vld.idx.msk [tilespmem:v11+s3+$0x0], $0xffff  }
0x133: {  	v11 =	vor.u32 $0x23, v2;
	v4 =	vadd.f32 v3, v4;
	v3 =	vmul.f32 v7, v55  }
0x134: {  	v7 =	vld.idx.msk [tilespmem:v9+s3+$0x0], $0xffff  }
0x135: {  	v9 =	vor.u32 $0x24, v2;
	v4 =	vadd.f32 v3, v4;
	v3 =	vmul.f32 v1, v56  }
0x136: {  	v1 =	vld.idx.msk [tilespmem:v5+s3+$0x0], $0xffff  }
0x137: {  	v5 =	vor.u32 $0x25, v2;
	v4 =	vadd.f32 v3, v4;
	v3 =	vmul.f32 v6, v57  }
0x138: {  	v6 =	vld.idx.msk [tilespmem:v11+s3+$0x0], $0xffff  }
0x139: {  	v11 =	vor.u32 $0x26, v2;
	v4 =	vadd.f32 v3, v4;
	v3 =	vmul.f32 v7, v58  }
0x13a: {  	v7 =	vld.idx.msk [tilespmem:v9+s3+$0x0], $0xffff  }
0x13b: {  	v9 =	vor.u32 $0x27, v2;
	v4 =	vadd.f32 v3, v4;
	v3 =	vmul.f32 v1, v59  }
0x13c: {  	v1 =	vld.idx.msk [tilespmem:v5+s3+$0x0], $0xffff;
	v5 =	vor.u32 $0x28, v2  }
0x13d: {  	v4 =	vadd.f32 v3, v4;
	v3 =	vmul.f32 v6, v60  }
0x13e: {  	v6 =	vld.idx.msk [tilespmem:v11+s3+$0x0], $0xffff  }
0x13f: {  	v4 =	vadd.f32 v3, v4;
	v3 =	vmul.f32 v7, v61  }
0x140: {  	v7 =	vld.idx.msk [tilespmem:v9+s3+$0x0], $0xffff  }
0x141: {  	v11 =	vor.u32 $0x29, v2;
	v9 =	vld.idx.msk [tilespmem:v5+s3+$0x0], $0xffff;
	v4 =	vadd.f32 v3, v4;
	v3 =	vmul.f32 v1, v62  }
0x142: {  	v1 =	vld [tilespmem:$0x1FEB0]  }
0x143: {  	v4 =	vadd.f32 v3, v4;
	v3 =	vmul.f32 v6, v63;
	_ =	sdelay $0x1  }
0x144: {  	v4 =	vadd.f32 v3, v4;
	v3 =	vmul.f32 v7, v15  }
0x145: {  	v12 =	vor.u32 $0x2A, v2;
	v6 =	vld.idx.msk [tilespmem:v11+s3+$0x0], $0xffff  }
0x146: {  	v41 =	vmovc v42;
	v42 =	vmov v43;
	v4 =	vadd.f32 v3, v4;
	v3 =	vmul.f32 v9, v1;
	v1 =	vld [tilespmem:$0x1FEC0]  }
0x147: {  	v43 =	vmovc v44;
	v44 =	vmovc v45;
	v45 =	vmov v46;
	v46 =	vmov v47;
	v47 =	vmov v48  }
0x148: {  	v48 =	vmovc v49;
	v49 =	vmovc v50;
	v50 =	vmov v51;
	v51 =	vmov v52;
	v52 =	vmov v53  }
0x149: {  	v53 =	vmovc v54;
	v54 =	vmovc v55;
	v55 =	vmov v56;
	v56 =	vmov v57;
	v57 =	vmov v58  }
0x14a: {  	v58 =	vmovc v59;
	v59 =	vmovc v60;
	v60 =	vmov v61;
	v61 =	vmov v62;
	v5 =	vor.u32 $0x2B, v2;
	v7 =	vld.idx.msk [tilespmem:v12+s3+$0x0], $0xffff  }
0x14b: {  	v62 =	vmovc v63;
	v63 =	vmovc v15;
	v4 =	vadd.f32 v3, v4;
	v15 =	vmov v1;
	v3 =	vmul.f32 v6, v1;
	v1 =	vld [tilespmem:$0x1FED0];
	_ =	sdelay $0x3  }
0x14c: {  	v11 =	vor.u32 $0x2C, v2;
	v9 =	vld.idx.msk [tilespmem:v5+s3+$0x0], $0xffff  }
0x14d: {  	v4 =	vadd.f32 v3, v4;
	v3 =	vmul.f32 v7, v1;
	v1 =	vld [tilespmem:$0x1FEE0];
	_ =	sdelay $0x3  }
0x14e: {  	v12 =	vor.u32 $0x2D, v2;
	v6 =	vld.idx.msk [tilespmem:v11+s3+$0x0], $0xffff  }
0x14f: {  	v4 =	vadd.f32 v3, v4;
	v3 =	vmul.f32 v9, v1;
	v1 =	vld [tilespmem:$0x1FEF0];
	_ =	sdelay $0x3  }
0x150: {  	v5 =	vor.u32 $0x2E, v2;
	v7 =	vld.idx.msk [tilespmem:v12+s3+$0x0], $0xffff  }
0x151: {  	v4 =	vadd.f32 v3, v4;
	v3 =	vmul.f32 v6, v1;
	v1 =	vld [tilespmem:$0x1FF00];
	_ =	sdelay $0x3  }
0x152: {  	v11 =	vor.u32 $0x2F, v2;
	v9 =	vld.idx.msk [tilespmem:v5+s3+$0x0], $0xffff  }
0x153: {  	v4 =	vadd.f32 v3, v4;
	v3 =	vmul.f32 v7, v1;
	v1 =	vld [tilespmem:$0x1FF10];
	_ =	sdelay $0x3  }
0x154: {  	v12 =	vor.u32 $0x30, v2;
	v6 =	vld.idx.msk [tilespmem:v11+s3+$0x0], $0xffff  }
0x155: {  	v4 =	vadd.f32 v3, v4;
	v3 =	vmul.f32 v9, v1;
	v1 =	vld [tilespmem:$0x1FF20];
	_ =	sdelay $0x3  }
0x156: {  	v5 =	vor.u32 $0x31, v2;
	v7 =	vld.idx.msk [tilespmem:v12+s3+$0x0], $0xffff  }
0x157: {  	v4 =	vadd.f32 v3, v4;
	v3 =	vmul.f32 v6, v1;
	v1 =	vld [tilespmem:$0x1FF30];
	_ =	sdelay $0x3  }
0x158: {  	v11 =	vor.u32 $0x32, v2;
	v9 =	vld.idx.msk [tilespmem:v5+s3+$0x0], $0xffff  }
0x159: {  	v4 =	vadd.f32 v3, v4;
	v3 =	vmul.f32 v7, v1;
	v1 =	vld [tilespmem:$0x1FF40];
	_ =	sdelay $0x3  }
0x15a: {  	v12 =	vor.u32 $0x33, v2;
	v6 =	vld.idx.msk [tilespmem:v11+s3+$0x0], $0xffff  }
0x15b: {  	v4 =	vadd.f32 v3, v4;
	v3 =	vmul.f32 v9, v1;
	v1 =	vld [tilespmem:$0x1FF50];
	_ =	sdelay $0x3  }
0x15c: {  	v7 =	vld.idx.msk [tilespmem:v12+s3+$0x0], $0xffff  }
0x15d: {  	v4 =	vadd.f32 v3, v4;
	v3 =	vmul.f32 v6, v1;
	v1 =	vld [tilespmem:$0x1FF60]  }
0x15e: {  	v5 =	vor.u32 $0x34, v2;
	_ =	sdelay $0x2  }
0x15f: {  	v11 =	vor.u32 $0x35, v2  }
0x160: {  	v4 =	vadd.f32 v3, v4;
	v3 =	vmul.f32 v7, v1  }
0x161: {  	v12 =	vor.u32 $0x36, v2;
	v9 =	vld.idx.msk [tilespmem:v5+s3+$0x0], $0xffff  }
0x162: {  	v4 =	vadd.f32 v3, v4;
	v3 =	vld [tilespmem:$0x1FF80]  }
0x163: {  	v16 =	vld [tilespmem:$0x1FFA0];
	v5 =	vor.u32 $0x37, v2  }
0x164: {  	v6 =	vld.idx.msk [tilespmem:v11+s3+$0x0], $0xffff  }
0x165: {  	v17 =	vld [tilespmem:$0x1FFC0];
	v11 =	vor.u32 $0x38, v2  }
0x166: {  	v7 =	vld.idx.msk [tilespmem:v12+s3+$0x0], $0xffff  }
0x167: {  	v18 =	vld [tilespmem:$0x1FFD0];
	v12 =	vor.u32 $0x39, v2;
	v1 =	vmov v3;
	v3 =	vmul.f32 v9, v3  }
0x168: {  	v9 =	vld.idx.msk [tilespmem:v5+s3+$0x0], $0xffff  }
0x169: {  	v19 =	vld [tilespmem:$0x1FFE0];
	v5 =	vor.u32 $0x3A, v2;
	v4 =	vadd.f32 v3, v4;
	v3 =	vmul.f32 v6, v16  }
0x16a: {  	v6 =	vld.idx.msk [tilespmem:v11+s3+$0x0], $0xffff  }
0x16b: {  	v37 =	vmovc v20;
	v20 =	vld [tilespmem:$0x1FF90];
	v11 =	vor.u32 $0x3B, v2;
	v4 =	vadd.f32 v3, v4;
	v3 =	vmul.f32 v7, v17  }
0x16c: {  	v7 =	vld.idx.msk [tilespmem:v12+s3+$0x0], $0xffff  }
0x16d: {  	v12 =	vor.u32 $0x3C, v2;
	v4 =	vadd.f32 v3, v4;
	v3 =	vmul.f32 v9, v18  }
0x16e: {  	v9 =	vld.idx.msk [tilespmem:v5+s3+$0x0], $0xffff  }
0x16f: {  	v36 =	vmovc v22;
	v22 =	vld [tilespmem:$0x1FFF0];
	v5 =	vor.u32 $0x3D, v2;
	v4 =	vadd.f32 v3, v4;
	v3 =	vmul.f32 v6, v19  }
0x170: {  	v6 =	vld.idx.msk [tilespmem:v11+s3+$0x0], $0xffff  }
0x171: {  	v11 =	vor.u32 $0x3E, v2;
	v4 =	vadd.f32 v3, v4;
	v3 =	vmul.f32 v7, v20  }
0x172: {  	v7 =	vld.idx.msk [tilespmem:v12+s3+$0x0], $0xffff  }
0x173: {  	v3 =	vadd.f32 v3, v4;
	v4 =	vmul.f32 v9, v21  }
0x174: {  	v5 =	vld.idx.msk [tilespmem:v5+s3+$0x0], $0xffff  }
0x175: {  	v3 =	vadd.f32 v4, v3;
	v4 =	vmul.f32 v6, v22  }
0x176: {  	v2 =	vor.u32 $0x3F, v2;
	v6 =	vld.idx.msk [tilespmem:v11+s3+$0x0], $0xffff  }
0x177: {  	v3 =	vadd.f32 v4, v3;
	v4 =	vmul.f32 v7, v23;
	_ =	sdelay $0x1  }
0x178: {  	v5 =	vmul.f32 v5, v8;
	v4 =	vadd.f32 v4, v3  }
0x179: {  	s30 =	simm.s32 $0x20  }
0x17a: {  	s31 =	simm.s32 $0x30;
	v39 =	vmovc v24;
	v24 =	vmovc v8;
	v3 =	vld.idx.msk [tilespmem:v2+s3+$0x0], $0xffff;
	v2 =	vmov s30;
	s30 =	smov.u32 s26;
	v4 =	vadd.f32 v5, v4;
	v5 =	vmul.f32 v6, v14  }
.LBB2_3:
0x17b: {  	_ =	sdelay $0x2  }
0x17c: {  	v2 =	vshll.u32 v2, $0x7  }
0x17d: {  	v2 =	vor.u32 v10, v2;
	v4 =	vadd.f32 v5, v4;
	v3 =	vmul.f32 v3, v0;
	_ =	sdelay $0x1  }
0x17e: {  	v5 =	vor.u32 $0x1, v2;
	v3 =	vadd.f32 v3, v4  }
0x17f: {  	s30 =	sadd.s32 $0x10, s30  }
0x180: {  	v4 =	vor.u32 $0x2, v2;
	[tilespmem:s30+$0x0] =	vst v3  }
0x181: {  	v3 =	vld.idx.msk [tilespmem:v2+s3+$0x0], $0xffff  }
0x182: {  	v6 =	vor.u32 $0x3, v2  }
0x183: {  	v5 =	vld.idx.msk [tilespmem:v5+s3+$0x0], $0xffff  }
0x184: {  	v7 =	vor.u32 $0x4, v2  }
0x185: {  	v4 =	vld.idx.msk [tilespmem:v4+s3+$0x0], $0xffff  }
0x186: {  	v8 =	vor.u32 $0x5, v2;
	v3 =	vmul.f32 v3, v13  }
0x187: {  	v6 =	vld.idx.msk [tilespmem:v6+s3+$0x0], $0xffff  }
0x188: {  	v9 =	vor.u32 $0x6, v2;
	v5 =	vmul.f32 v5, v25;
	v3 =	vadd.f32 $0.0e+00, v3  }
0x189: {  	v7 =	vld.idx.msk [tilespmem:v7+s3+$0x0], $0xffff  }
0x18a: {  	v12 =	vmovc v10;
	v10 =	vor.u32 $0x7, v2;
	v4 =	vmul.f32 v4, v26;
	v3 =	vadd.f32 v5, v3  }
0x18b: {  	v5 =	vld.idx.msk [tilespmem:v8+s3+$0x0], $0xffff  }
0x18c: {  	v8 =	vor.u32 $0x8, v2;
	v3 =	vadd.f32 v4, v3;
	v4 =	vmul.f32 v6, v27  }
0x18d: {  	v6 =	vld.idx.msk [tilespmem:v9+s3+$0x0], $0xffff  }
0x18e: {  	v9 =	vor.u32 $0x9, v2;
	v3 =	vadd.f32 v4, v3;
	v4 =	vmul.f32 v7, v28  }
0x18f: {  	v7 =	vld.idx.msk [tilespmem:v10+s3+$0x0], $0xffff  }
0x190: {  	v10 =	vor.u32 $0xA, v2;
	v3 =	vadd.f32 v4, v3;
	v4 =	vmul.f32 v5, v29  }
0x191: {  	v5 =	vld.idx.msk [tilespmem:v8+s3+$0x0], $0xffff  }
0x192: {  	v8 =	vor.u32 $0xB, v2;
	v3 =	vadd.f32 v4, v3;
	v4 =	vmul.f32 v6, v30  }
0x193: {  	v6 =	vld.idx.msk [tilespmem:v9+s3+$0x0], $0xffff  }
0x194: {  	v9 =	vor.u32 $0xC, v2;
	v3 =	vadd.f32 v4, v3;
	v4 =	vmul.f32 v7, v31  }
0x195: {  	v7 =	vld.idx.msk [tilespmem:v10+s3+$0x0], $0xffff  }
0x196: {  	v10 =	vor.u32 $0xD, v2;
	v3 =	vadd.f32 v4, v3;
	v4 =	vmul.f32 v5, v32  }
0x197: {  	v5 =	vld.idx.msk [tilespmem:v8+s3+$0x0], $0xffff  }
0x198: {  	v8 =	vor.u32 $0xE, v2;
	v3 =	vadd.f32 v4, v3;
	v4 =	vmul.f32 v6, v33  }
0x199: {  	v6 =	vld.idx.msk [tilespmem:v9+s3+$0x0], $0xffff  }
0x19a: {  	v9 =	vor.u32 $0xF, v2;
	v3 =	vadd.f32 v4, v3;
	v4 =	vmul.f32 v7, v34  }
0x19b: {  	v7 =	vld.idx.msk [tilespmem:v10+s3+$0x0], $0xffff  }
0x19c: {  	v10 =	vor.u32 $0x10, v2;
	v3 =	vadd.f32 v4, v3;
	v4 =	vmul.f32 v5, v35  }
0x19d: {  	v5 =	vld.idx.msk [tilespmem:v8+s3+$0x0], $0xffff  }
0x19e: {  	v8 =	vor.u32 $0x11, v2;
	v3 =	vadd.f32 v4, v3;
	v4 =	vmul.f32 v6, v36  }
0x19f: {  	v6 =	vld.idx.msk [tilespmem:v9+s3+$0x0], $0xffff  }
0x1a0: {  	v9 =	vor.u32 $0x12, v2;
	v3 =	vadd.f32 v4, v3;
	v4 =	vmul.f32 v7, v37  }
0x1a1: {  	v7 =	vld.idx.msk [tilespmem:v10+s3+$0x0], $0xffff  }
0x1a2: {  	v10 =	vor.u32 $0x13, v2;
	v3 =	vadd.f32 v4, v3;
	v4 =	vmul.f32 v5, v38  }
0x1a3: {  	v5 =	vld.idx.msk [tilespmem:v8+s3+$0x0], $0xffff  }
0x1a4: {  	v8 =	vor.u32 $0x14, v2;
	v3 =	vadd.f32 v4, v3;
	v4 =	vmul.f32 v6, v39  }
0x1a5: {  	v6 =	vld.idx.msk [tilespmem:v9+s3+$0x0], $0xffff  }
0x1a6: {  	v9 =	vor.u32 $0x15, v2;
	v3 =	vadd.f32 v4, v3;
	v4 =	vmul.f32 v7, v40  }
0x1a7: {  	v7 =	vld.idx.msk [tilespmem:v10+s3+$0x0], $0xffff  }
0x1a8: {  	v10 =	vor.u32 $0x16, v2;
	v3 =	vadd.f32 v4, v3;
	v4 =	vmul.f32 v5, v41  }
0x1a9: {  	v5 =	vld.idx.msk [tilespmem:v8+s3+$0x0], $0xffff  }
0x1aa: {  	v8 =	vor.u32 $0x17, v2;
	v3 =	vadd.f32 v4, v3;
	v4 =	vmul.f32 v6, v42  }
0x1ab: {  	v6 =	vld.idx.msk [tilespmem:v9+s3+$0x0], $0xffff  }
0x1ac: {  	v9 =	vor.u32 $0x18, v2;
	v3 =	vadd.f32 v4, v3;
	v4 =	vmul.f32 v7, v43  }
0x1ad: {  	v7 =	vld.idx.msk [tilespmem:v10+s3+$0x0], $0xffff  }
0x1ae: {  	v10 =	vor.u32 $0x19, v2;
	v3 =	vadd.f32 v4, v3;
	v4 =	vmul.f32 v5, v44  }
0x1af: {  	v5 =	vld.idx.msk [tilespmem:v8+s3+$0x0], $0xffff  }
0x1b0: {  	v8 =	vor.u32 $0x1A, v2;
	v3 =	vadd.f32 v4, v3;
	v4 =	vmul.f32 v6, v45  }
0x1b1: {  	v6 =	vld.idx.msk [tilespmem:v9+s3+$0x0], $0xffff  }
0x1b2: {  	v9 =	vor.u32 $0x1B, v2;
	v3 =	vadd.f32 v4, v3;
	v4 =	vmul.f32 v7, v46  }
0x1b3: {  	v7 =	vld.idx.msk [tilespmem:v10+s3+$0x0], $0xffff  }
0x1b4: {  	v10 =	vor.u32 $0x1C, v2;
	v3 =	vadd.f32 v4, v3;
	v4 =	vmul.f32 v5, v47  }
0x1b5: {  	v5 =	vld.idx.msk [tilespmem:v8+s3+$0x0], $0xffff  }
0x1b6: {  	v8 =	vor.u32 $0x1D, v2;
	v3 =	vadd.f32 v4, v3;
	v4 =	vmul.f32 v6, v48  }
0x1b7: {  	v6 =	vld.idx.msk [tilespmem:v9+s3+$0x0], $0xffff  }
0x1b8: {  	v9 =	vor.u32 $0x1E, v2;
	v3 =	vadd.f32 v4, v3;
	v4 =	vmul.f32 v7, v49  }
0x1b9: {  	v7 =	vld.idx.msk [tilespmem:v10+s3+$0x0], $0xffff  }
0x1ba: {  	v10 =	vor.u32 $0x1F, v2;
	v3 =	vadd.f32 v4, v3;
	v4 =	vmul.f32 v5, v50  }
0x1bb: {  	v5 =	vld.idx.msk [tilespmem:v8+s3+$0x0], $0xffff  }
0x1bc: {  	v8 =	vor.u32 $0x20, v2;
	v3 =	vadd.f32 v4, v3;
	v4 =	vmul.f32 v6, v51  }
0x1bd: {  	v6 =	vld.idx.msk [tilespmem:v9+s3+$0x0], $0xffff  }
0x1be: {  	v9 =	vor.u32 $0x21, v2;
	v3 =	vadd.f32 v4, v3;
	v4 =	vmul.f32 v7, v52  }
0x1bf: {  	v7 =	vld.idx.msk [tilespmem:v10+s3+$0x0], $0xffff  }
0x1c0: {  	v10 =	vor.u32 $0x22, v2;
	v3 =	vadd.f32 v4, v3;
	v4 =	vmul.f32 v5, v53  }
0x1c1: {  	v5 =	vld.idx.msk [tilespmem:v8+s3+$0x0], $0xffff  }
0x1c2: {  	v8 =	vor.u32 $0x23, v2;
	v3 =	vadd.f32 v4, v3;
	v4 =	vmul.f32 v6, v54  }
0x1c3: {  	v6 =	vld.idx.msk [tilespmem:v9+s3+$0x0], $0xffff  }
0x1c4: {  	v9 =	vor.u32 $0x24, v2;
	v3 =	vadd.f32 v4, v3;
	v4 =	vmul.f32 v7, v55  }
0x1c5: {  	v7 =	vld.idx.msk [tilespmem:v10+s3+$0x0], $0xffff  }
0x1c6: {  	v10 =	vor.u32 $0x25, v2;
	v3 =	vadd.f32 v4, v3;
	v4 =	vmul.f32 v5, v56  }
0x1c7: {  	v5 =	vld.idx.msk [tilespmem:v8+s3+$0x0], $0xffff  }
0x1c8: {  	v8 =	vor.u32 $0x26, v2;
	v3 =	vadd.f32 v4, v3;
	v4 =	vmul.f32 v6, v57  }
0x1c9: {  	v6 =	vld.idx.msk [tilespmem:v9+s3+$0x0], $0xffff  }
0x1ca: {  	v9 =	vor.u32 $0x27, v2;
	v3 =	vadd.f32 v4, v3;
	v4 =	vmul.f32 v7, v58  }
0x1cb: {  	v7 =	vld.idx.msk [tilespmem:v10+s3+$0x0], $0xffff  }
0x1cc: {  	v3 =	vadd.f32 v4, v3;
	v4 =	vmul.f32 v5, v59  }
0x1cd: {  	v5 =	vld.idx.msk [tilespmem:v8+s3+$0x0], $0xffff  }
0x1ce: {  	v3 =	vadd.f32 v4, v3;
	v4 =	vmul.f32 v6, v60  }
0x1cf: {  	v6 =	vld.idx.msk [tilespmem:v9+s3+$0x0], $0xffff  }
0x1d0: {  	v10 =	vor.u32 $0x28, v2;
	v3 =	vadd.f32 v4, v3;
	v4 =	vmul.f32 v7, v61;
	_ =	sdelay $0x1  }
0x1d1: {  	v3 =	vadd.f32 v4, v3;
	v4 =	vmul.f32 v5, v62  }
0x1d2: {  	v8 =	vor.u32 $0x29, v2  }
0x1d3: {  	v3 =	vadd.f32 v4, v3;
	v4 =	vmul.f32 v6, v63  }
0x1d4: {  	v7 =	vld.idx.msk [tilespmem:v10+s3+$0x0], $0xffff  }
0x1d5: {  	v3 =	vadd.f32 v4, v3;
	v4 =	vld [tilespmem:$0x1FEB0];
	_ =	sdelay $0x1  }
0x1d6: {  	v5 =	vld.idx.msk [tilespmem:v8+s3+$0x0], $0xffff  }
0x1d7: {  	v9 =	vor.u32 $0x2A, v2;
	_ =	sdelay $0x1  }
0x1d8: {  	v4 =	vmul.f32 v7, v4;
	_ =	sdelay $0x1  }
0x1d9: {  	v3 =	vadd.f32 v4, v3;
	v4 =	vmul.f32 v5, v15  }
0x1da: {  	v6 =	vld.idx.msk [tilespmem:v9+s3+$0x0], $0xffff  }
0x1db: {  	v3 =	vadd.f32 v4, v3;
	v4 =	vld [tilespmem:$0x1FED0]  }
0x1dc: {  	v10 =	vor.u32 $0x2B, v2;
	_ =	sdelay $0x3  }
0x1dd: {  	v4 =	vmul.f32 v6, v4  }
0x1de: {  	v7 =	vld.idx.msk [tilespmem:v10+s3+$0x0], $0xffff  }
0x1df: {  	v3 =	vadd.f32 v4, v3;
	v4 =	vld [tilespmem:$0x1FEE0]  }
0x1e0: {  	v8 =	vor.u32 $0x2C, v2;
	_ =	sdelay $0x3  }
0x1e1: {  	v4 =	vmul.f32 v7, v4  }
0x1e2: {  	v5 =	vld.idx.msk [tilespmem:v8+s3+$0x0], $0xffff  }
0x1e3: {  	v3 =	vadd.f32 v4, v3;
	v4 =	vld [tilespmem:$0x1FEF0]  }
0x1e4: {  	v9 =	vor.u32 $0x2D, v2;
	_ =	sdelay $0x3  }
0x1e5: {  	v4 =	vmul.f32 v5, v4  }
0x1e6: {  	v6 =	vld.idx.msk [tilespmem:v9+s3+$0x0], $0xffff  }
0x1e7: {  	v3 =	vadd.f32 v4, v3;
	v4 =	vld [tilespmem:$0x1FF00]  }
0x1e8: {  	v10 =	vor.u32 $0x2E, v2;
	_ =	sdelay $0x3  }
0x1e9: {  	v4 =	vmul.f32 v6, v4  }
0x1ea: {  	v7 =	vld.idx.msk [tilespmem:v10+s3+$0x0], $0xffff  }
0x1eb: {  	v3 =	vadd.f32 v4, v3;
	v4 =	vld [tilespmem:$0x1FF10]  }
0x1ec: {  	v8 =	vor.u32 $0x2F, v2;
	_ =	sdelay $0x3  }
0x1ed: {  	v4 =	vmul.f32 v7, v4  }
0x1ee: {  	v5 =	vld.idx.msk [tilespmem:v8+s3+$0x0], $0xffff  }
0x1ef: {  	v3 =	vadd.f32 v4, v3;
	v4 =	vld [tilespmem:$0x1FF20]  }
0x1f0: {  	v9 =	vor.u32 $0x30, v2;
	_ =	sdelay $0x3  }
0x1f1: {  	v4 =	vmul.f32 v5, v4  }
0x1f2: {  	v6 =	vld.idx.msk [tilespmem:v9+s3+$0x0], $0xffff  }
0x1f3: {  	v3 =	vadd.f32 v4, v3;
	v4 =	vld [tilespmem:$0x1FF30]  }
0x1f4: {  	v10 =	vor.u32 $0x31, v2;
	_ =	sdelay $0x3  }
0x1f5: {  	v4 =	vmul.f32 v6, v4  }
0x1f6: {  	v7 =	vld.idx.msk [tilespmem:v10+s3+$0x0], $0xffff  }
0x1f7: {  	v3 =	vadd.f32 v4, v3;
	v4 =	vld [tilespmem:$0x1FF40]  }
0x1f8: {  	v8 =	vor.u32 $0x32, v2;
	_ =	sdelay $0x3  }
0x1f9: {  	v4 =	vmul.f32 v7, v4  }
0x1fa: {  	v5 =	vld.idx.msk [tilespmem:v8+s3+$0x0], $0xffff  }
0x1fb: {  	v3 =	vadd.f32 v4, v3;
	v4 =	vld [tilespmem:$0x1FF50]  }
0x1fc: {  	v9 =	vor.u32 $0x33, v2;
	_ =	sdelay $0x2  }
0x1fd: {  	v10 =	vor.u32 $0x34, v2  }
0x1fe: {  	v4 =	vmul.f32 v5, v4  }
0x1ff: {  	v8 =	vor.u32 $0x35, v2;
	v6 =	vld.idx.msk [tilespmem:v9+s3+$0x0], $0xffff  }
0x200: {  	v3 =	vadd.f32 v4, v3;
	v4 =	vld [tilespmem:$0x1FF60]  }
0x201: {  	v9 =	vor.u32 $0x36, v2  }
0x202: {  	v7 =	vld.idx.msk [tilespmem:v10+s3+$0x0], $0xffff  }
0x203: {  	v10 =	vor.u32 $0x37, v2  }
0x204: {  	v5 =	vld.idx.msk [tilespmem:v8+s3+$0x0], $0xffff  }
0x205: {  	v8 =	vor.u32 $0x38, v2;
	v4 =	vmul.f32 v6, v4  }
0x206: {  	v6 =	vld.idx.msk [tilespmem:v9+s3+$0x0], $0xffff  }
0x207: {  	v9 =	vor.u32 $0x39, v2;
	v3 =	vadd.f32 v4, v3;
	v4 =	vmul.f32 v7, v1  }
0x208: {  	v7 =	vld.idx.msk [tilespmem:v10+s3+$0x0], $0xffff  }
0x209: {  	v10 =	vor.u32 $0x3A, v2;
	v3 =	vadd.f32 v4, v3;
	v4 =	vmul.f32 v5, v16  }
0x20a: {  	v5 =	vld.idx.msk [tilespmem:v8+s3+$0x0], $0xffff  }
0x20b: {  	v8 =	vor.u32 $0x3B, v2;
	v3 =	vadd.f32 v4, v3;
	v4 =	vmul.f32 v6, v17  }
0x20c: {  	v6 =	vld.idx.msk [tilespmem:v9+s3+$0x0], $0xffff  }
0x20d: {  	v9 =	vor.u32 $0x3C, v2;
	v3 =	vadd.f32 v4, v3;
	v4 =	vmul.f32 v7, v18  }
0x20e: {  	v7 =	vld.idx.msk [tilespmem:v10+s3+$0x0], $0xffff  }
0x20f: {  	v10 =	vor.u32 $0x3D, v2;
	v3 =	vadd.f32 v4, v3;
	v4 =	vmul.f32 v5, v19  }
0x210: {  	v5 =	vld.idx.msk [tilespmem:v8+s3+$0x0], $0xffff  }
0x211: {  	v8 =	vor.u32 $0x3E, v2;
	v3 =	vadd.f32 v4, v3;
	v4 =	vmul.f32 v6, v20  }
0x212: {  	v6 =	vld.idx.msk [tilespmem:v9+s3+$0x0], $0xffff  }
0x213: {  	v3 =	vadd.f32 v4, v3;
	v4 =	vmul.f32 v7, v21  }
0x214: {  	v7 =	vld.idx.msk [tilespmem:v10+s3+$0x0], $0xffff  }
0x215: {  	v3 =	vadd.f32 v4, v3;
	v4 =	vmul.f32 v5, v22  }
0x216: {  	p0 =	sne.s32 s31, $0xC0;
	v2 =	vor.u32 $0x3F, v2;
	v5 =	vld.idx.msk [tilespmem:v8+s3+$0x0], $0xffff  }
.Ltmp0:
0x217: {  	v6 =	vmul.f32 v6, v23;
	v4 =	vadd.f32 v4, v3;
	(pc) =	sbr.rel @p0 .LBB2_3-.Ltmp0, $3  }
0x218: {  	_ = 	snop  }
0x219: {  	v4 =	vadd.f32 v6, v4;
	v6 =	vmul.f32 v7, v24;
	_ =	sdelay $0x1  }
0x21a: {  	v10 =	vmovc v12;
	v3 =	vld.idx.msk [tilespmem:v2+s3+$0x0], $0xffff;
	v2 =	vmov s31;
	s31 =	sadd.s32 $0x10, s31;
	v5 =	vmul.f32 v5, v14;
	v4 =	vadd.f32 v6, v4  }
0x21b: {  	_ =	sdelay $0x2  }
0x21c: {  	v2 =	vshll.u32 v2, $0x7  }
0x21d: {  	v2 =	vor.u32 v10, v2;
	v4 =	vadd.f32 v5, v4;
	v3 =	vmul.f32 v3, v0;
	_ =	sdelay $0x1  }
0x21e: {  	v5 =	vor.u32 $0x1, v2;
	v3 =	vadd.f32 v3, v4  }
0x21f: {  	s30 =	sadd.s32 $0x10, s30  }
0x220: {  	v4 =	vor.u32 $0x2, v2;
	[tilespmem:s30+$0x0] =	vst v3  }
0x221: {  	v3 =	vld.idx.msk [tilespmem:v2+s3+$0x0], $0xffff;
	_ =	sdelay $0x1  }
0x222: {  	v5 =	vld.idx.msk [tilespmem:v5+s3+$0x0], $0xffff;
	_ =	sdelay $0x1  }
0x223: {  	v9 =	vld.idx.msk [tilespmem:v4+s3+$0x0], $0xffff  }
0x224: {  	v3 =	vmul.f32 v3, v13  }
0x225: {  	v4 =	vor.u32 $0x6, v2  }
0x226: {  	[tilespmem:$0x1F540] =	vst v4;
	v5 =	vmul.f32 v5, v25;
	v4 =	vadd.f32 $0.0e+00, v3;
	_ =	sdelay $0x1  }
0x227: {  	v5 =	vadd.f32 v5, v4;
	v4 =	vmul.f32 v9, v26  }
0x228: {  	v3 =	vor.u32 $0x7, v2  }
0x229: {  	[tilespmem:$0x1F550] =	vst v3;
	v3 =	vadd.f32 v4, v5;
	v4 =	vld [tilespmem:$0x1F540];
	_ =	sdelay $0x6  }
0x22a: {  	v6 =	vor.u32 $0x3, v2  }
0x22b: {  	v4 =	vld.idx.msk [tilespmem:v4+s3+$0x0], $0xffff;
	_ =	sdelay $0x1  }
0x22c: {  	v7 =	vor.u32 $0x4, v2;
	_ =	sdelay $0x1  }
0x22d: {  	v6 =	vld.idx.msk [tilespmem:v6+s3+$0x0], $0xffff  }
0x22e: {  	[tilespmem:$0x1F560] =	vst v4;
	v4 =	vld [tilespmem:$0x1F550];
	_ =	sdelay $0x1  }
0x22f: {  	v8 =	vor.u32 $0x5, v2;
	v7 =	vld.idx.msk [tilespmem:v7+s3+$0x0], $0xffff;
	_ =	sdelay $0x1  }
0x230: {  	v9 =	vor.u32 $0x8, v2  }
0x231: {  	v6 =	vmul.f32 v6, v27;
	_ =	sdelay $0x1  }
0x232: {  	v8 =	vld.idx.msk [tilespmem:v8+s3+$0x0], $0xffff;
	v7 =	vmul.f32 v7, v28;
	v3 =	vadd.f32 v6, v3  }
0x233: {  	v5 =	vld.idx.msk [tilespmem:v4+s3+$0x0], $0xffff  }
0x234: {  	v4 =	vadd.f32 v7, v3;
	v3 =	vld.idx.msk [tilespmem:v9+s3+$0x0], $0xffff;
	_ =	sdelay $0x1  }
0x235: {  	v9 =	vld [tilespmem:$0x1F560];
	_ =	sdelay $0x1  }
0x236: {  	v8 =	vmul.f32 v8, v29  }
0x237: {  	[tilespmem:$0x1F570] =	vst v3  }
0x238: {  	v3 =	vadd.f32 v8, v4;
	v4 =	vld [tilespmem:$0x1F570]  }
0x239: {  	v9 =	vmul.f32 v9, v30  }
0x23a: {  	v6 =	vor.u32 $0x9, v2  }
0x23b: {  	v5 =	vmul.f32 v5, v31;
	v3 =	vadd.f32 v9, v3;
	_ =	sdelay $0x1  }
0x23c: {  	v7 =	vor.u32 $0xA, v2;
	v5 =	vadd.f32 v5, v3;
	v4 =	vmul.f32 v4, v32  }
0x23d: {  	v3 =	vor.u32 $0xD, v2  }
0x23e: {  	v6 =	vld.idx.msk [tilespmem:v6+s3+$0x0], $0xffff;
	[tilespmem:$0x1F580] =	vst v3;
	v3 =	vadd.f32 v4, v5;
	v4 =	vor.u32 $0xE, v2  }
0x23f: {  	[tilespmem:$0x1F590] =	vst v4;
	v4 =	vld [tilespmem:$0x1F580];
	_ =	sdelay $0x1  }
0x240: {  	v7 =	vld.idx.msk [tilespmem:v7+s3+$0x0], $0xffff;
	_ =	sdelay $0x2  }
0x241: {  	v6 =	vmul.f32 v6, v33;
	_ =	sdelay $0x1  }
0x242: {  	v7 =	vmul.f32 v7, v34;
	v3 =	vadd.f32 v6, v3  }
0x243: {  	v5 =	vld.idx.msk [tilespmem:v4+s3+$0x0], $0xffff  }
0x244: {  	v4 =	vadd.f32 v7, v3;
	v3 =	vld [tilespmem:$0x1F590];
	_ =	sdelay $0x1  }
0x245: {  	v8 =	vor.u32 $0xB, v2;
	_ =	sdelay $0x2  }
0x246: {  	v9 =	vor.u32 $0xC, v2;
	_ =	sdelay $0x1  }
0x247: {  	v8 =	vld.idx.msk [tilespmem:v8+s3+$0x0], $0xffff  }
0x248: {  	v3 =	vld.idx.msk [tilespmem:v3+s3+$0x0], $0xffff;
	_ =	sdelay $0x1  }
0x249: {  	v9 =	vld.idx.msk [tilespmem:v9+s3+$0x0], $0xffff;
	_ =	sdelay $0x1  }
0x24a: {  	v8 =	vmul.f32 v8, v35  }
0x24b: {  	[tilespmem:$0x1F5A0] =	vst v3  }
0x24c: {  	v3 =	vadd.f32 v8, v4;
	v4 =	vld [tilespmem:$0x1F5A0]  }
0x24d: {  	v9 =	vmul.f32 v9, v36  }
0x24e: {  	v6 =	vor.u32 $0xF, v2  }
0x24f: {  	v5 =	vmul.f32 v5, v37;
	v3 =	vadd.f32 v9, v3;
	_ =	sdelay $0x1  }
0x250: {  	v7 =	vor.u32 $0x10, v2;
	v5 =	vadd.f32 v5, v3;
	v4 =	vmul.f32 v4, v38  }
0x251: {  	v3 =	vor.u32 $0x13, v2  }
0x252: {  	v6 =	vld.idx.msk [tilespmem:v6+s3+$0x0], $0xffff;
	[tilespmem:$0x1F5B0] =	vst v3;
	v3 =	vadd.f32 v4, v5;
	v4 =	vor.u32 $0x14, v2  }
0x253: {  	[tilespmem:$0x1F5C0] =	vst v4;
	v4 =	vld [tilespmem:$0x1F5B0];
	_ =	sdelay $0x1  }
0x254: {  	v7 =	vld.idx.msk [tilespmem:v7+s3+$0x0], $0xffff;
	_ =	sdelay $0x2  }
0x255: {  	v6 =	vmul.f32 v6, v39;
	_ =	sdelay $0x1  }
0x256: {  	v7 =	vmul.f32 v7, v40;
	v3 =	vadd.f32 v6, v3  }
0x257: {  	v5 =	vld.idx.msk [tilespmem:v4+s3+$0x0], $0xffff  }
0x258: {  	v4 =	vadd.f32 v7, v3;
	v3 =	vld [tilespmem:$0x1F5C0];
	_ =	sdelay $0x1  }
0x259: {  	v8 =	vor.u32 $0x11, v2;
	_ =	sdelay $0x3  }
0x25a: {  	v9 =	vor.u32 $0x12, v2  }
0x25b: {  	v8 =	vld.idx.msk [tilespmem:v8+s3+$0x0], $0xffff  }
0x25c: {  	v3 =	vld.idx.msk [tilespmem:v3+s3+$0x0], $0xffff  }
0x25d: {  	v6 =	vor.u32 $0x15, v2;
	_ =	sdelay $0x1  }
0x25e: {  	v9 =	vld.idx.msk [tilespmem:v9+s3+$0x0], $0xffff;
	_ =	sdelay $0x1  }
0x25f: {  	v8 =	vmul.f32 v8, v41;
	[tilespmem:$0x1F5D0] =	vst v3  }
0x260: {  	v6 =	vld.idx.msk [tilespmem:v6+s3+$0x0], $0xffff  }
0x261: {  	v3 =	vadd.f32 v8, v4;
	v4 =	vld [tilespmem:$0x1F5D0]  }
0x262: {  	v9 =	vmul.f32 v9, v42;
	_ =	sdelay $0x1  }
0x263: {  	v5 =	vmul.f32 v5, v43;
	v3 =	vadd.f32 v9, v3;
	_ =	sdelay $0x1  }
0x264: {  	v7 =	vor.u32 $0x16, v2;
	v5 =	vadd.f32 v5, v3;
	v4 =	vmul.f32 v4, v44  }
0x265: {  	v3 =	vor.u32 $0x19, v2  }
0x266: {  	[tilespmem:$0x1F5E0] =	vst v3;
	v3 =	vadd.f32 v4, v5;
	v4 =	vor.u32 $0x1A, v2  }
0x267: {  	[tilespmem:$0x1F5F0] =	vst v4;
	v4 =	vld [tilespmem:$0x1F5E0];
	_ =	sdelay $0x1  }
0x268: {  	v7 =	vld.idx.msk [tilespmem:v7+s3+$0x0], $0xffff;
	_ =	sdelay $0x2  }
0x269: {  	v6 =	vmul.f32 v6, v45;
	_ =	sdelay $0x1  }
0x26a: {  	v7 =	vmul.f32 v7, v46;
	v3 =	vadd.f32 v6, v3  }
0x26b: {  	v5 =	vld.idx.msk [tilespmem:v4+s3+$0x0], $0xffff  }
0x26c: {  	v4 =	vadd.f32 v7, v3;
	v3 =	vld [tilespmem:$0x1F5F0];
	_ =	sdelay $0x1  }
0x26d: {  	v8 =	vor.u32 $0x17, v2;
	_ =	sdelay $0x2  }
0x26e: {  	v9 =	vor.u32 $0x18, v2;
	_ =	sdelay $0x1  }
0x26f: {  	v8 =	vld.idx.msk [tilespmem:v8+s3+$0x0], $0xffff  }
0x270: {  	v3 =	vld.idx.msk [tilespmem:v3+s3+$0x0], $0xffff;
	_ =	sdelay $0x1  }
0x271: {  	v9 =	vld.idx.msk [tilespmem:v9+s3+$0x0], $0xffff;
	_ =	sdelay $0x1  }
0x272: {  	v8 =	vmul.f32 v8, v47  }
0x273: {  	[tilespmem:$0x1F600] =	vst v3  }
0x274: {  	v3 =	vadd.f32 v8, v4;
	v4 =	vld [tilespmem:$0x1F600]  }
0x275: {  	v9 =	vmul.f32 v9, v48  }
0x276: {  	v6 =	vor.u32 $0x1B, v2  }
0x277: {  	v5 =	vmul.f32 v5, v49;
	v3 =	vadd.f32 v9, v3;
	_ =	sdelay $0x1  }
0x278: {  	v7 =	vor.u32 $0x1C, v2;
	v5 =	vadd.f32 v5, v3;
	v4 =	vmul.f32 v4, v50  }
0x279: {  	v3 =	vor.u32 $0x1F, v2  }
0x27a: {  	v6 =	vld.idx.msk [tilespmem:v6+s3+$0x0], $0xffff;
	[tilespmem:$0x1F610] =	vst v3;
	v3 =	vadd.f32 v4, v5;
	v4 =	vor.u32 $0x20, v2  }
0x27b: {  	[tilespmem:$0x1F620] =	vst v4;
	v4 =	vld [tilespmem:$0x1F610];
	_ =	sdelay $0x1  }
0x27c: {  	v7 =	vld.idx.msk [tilespmem:v7+s3+$0x0], $0xffff;
	_ =	sdelay $0x2  }
0x27d: {  	v6 =	vmul.f32 v6, v51;
	_ =	sdelay $0x1  }
0x27e: {  	v7 =	vmul.f32 v7, v52;
	v3 =	vadd.f32 v6, v3  }
0x27f: {  	v5 =	vld.idx.msk [tilespmem:v4+s3+$0x0], $0xffff  }
0x280: {  	v4 =	vadd.f32 v7, v3;
	v3 =	vld [tilespmem:$0x1F620];
	_ =	sdelay $0x1  }
0x281: {  	v8 =	vor.u32 $0x1D, v2;
	_ =	sdelay $0x2  }
0x282: {  	v9 =	vor.u32 $0x1E, v2;
	_ =	sdelay $0x1  }
0x283: {  	v8 =	vld.idx.msk [tilespmem:v8+s3+$0x0], $0xffff  }
0x284: {  	v3 =	vld.idx.msk [tilespmem:v3+s3+$0x0], $0xffff;
	_ =	sdelay $0x1  }
0x285: {  	v9 =	vld.idx.msk [tilespmem:v9+s3+$0x0], $0xffff;
	_ =	sdelay $0x1  }
0x286: {  	v8 =	vmul.f32 v8, v53  }
0x287: {  	[tilespmem:$0x1F630] =	vst v3  }
0x288: {  	v3 =	vadd.f32 v8, v4;
	v4 =	vld [tilespmem:$0x1F630]  }
0x289: {  	v9 =	vmul.f32 v9, v54  }
0x28a: {  	v6 =	vor.u32 $0x21, v2  }
0x28b: {  	v5 =	vmul.f32 v5, v55;
	v3 =	vadd.f32 v9, v3;
	_ =	sdelay $0x1  }
0x28c: {  	v7 =	vor.u32 $0x22, v2;
	v5 =	vadd.f32 v5, v3;
	v4 =	vmul.f32 v4, v56  }
0x28d: {  	v3 =	vor.u32 $0x25, v2  }
0x28e: {  	v6 =	vld.idx.msk [tilespmem:v6+s3+$0x0], $0xffff;
	[tilespmem:$0x1F640] =	vst v3;
	v3 =	vadd.f32 v4, v5;
	v4 =	vor.u32 $0x26, v2  }
0x28f: {  	[tilespmem:$0x1F650] =	vst v4;
	v4 =	vld [tilespmem:$0x1F640];
	_ =	sdelay $0x1  }
0x290: {  	v7 =	vld.idx.msk [tilespmem:v7+s3+$0x0], $0xffff;
	_ =	sdelay $0x2  }
0x291: {  	v6 =	vmul.f32 v6, v57;
	_ =	sdelay $0x1  }
0x292: {  	v7 =	vmul.f32 v7, v58;
	v3 =	vadd.f32 v6, v3  }
0x293: {  	v5 =	vld.idx.msk [tilespmem:v4+s3+$0x0], $0xffff  }
0x294: {  	v4 =	vadd.f32 v7, v3;
	v3 =	vld [tilespmem:$0x1F650];
	_ =	sdelay $0x1  }
0x295: {  	v8 =	vor.u32 $0x23, v2;
	_ =	sdelay $0x2  }
0x296: {  	v9 =	vor.u32 $0x24, v2;
	_ =	sdelay $0x1  }
0x297: {  	v8 =	vld.idx.msk [tilespmem:v8+s3+$0x0], $0xffff  }
0x298: {  	v3 =	vld.idx.msk [tilespmem:v3+s3+$0x0], $0xffff;
	_ =	sdelay $0x1  }
0x299: {  	v9 =	vld.idx.msk [tilespmem:v9+s3+$0x0], $0xffff;
	_ =	sdelay $0x1  }
0x29a: {  	v8 =	vmul.f32 v8, v59  }
0x29b: {  	[tilespmem:$0x1F660] =	vst v3  }
0x29c: {  	v3 =	vadd.f32 v8, v4;
	v4 =	vld [tilespmem:$0x1F660]  }
0x29d: {  	v9 =	vmul.f32 v9, v60  }
0x29e: {  	v7 =	vor.u32 $0x28, v2  }
0x29f: {  	v5 =	vmul.f32 v5, v61;
	v3 =	vadd.f32 v9, v3;
	_ =	sdelay $0x1  }
0x2a0: {  	v5 =	vadd.f32 v5, v3;
	v4 =	vmul.f32 v4, v62  }
0x2a1: {  	v3 =	vor.u32 $0x2B, v2  }
0x2a2: {  	v6 =	vor.u32 $0x27, v2;
	v7 =	vld.idx.msk [tilespmem:v7+s3+$0x0], $0xffff;
	[tilespmem:$0x1F670] =	vst v3;
	v3 =	vadd.f32 v4, v5;
	v4 =	vor.u32 $0x2C, v2  }
0x2a3: {  	[tilespmem:$0x1F680] =	vst v4;
	v4 =	vld [tilespmem:$0x1FEB0];
	_ =	sdelay $0x3  }
0x2a4: {  	v6 =	vld.idx.msk [tilespmem:v6+s3+$0x0], $0xffff  }
0x2a5: {  	v7 =	vmul.f32 v7, v4;
	v4 =	vld [tilespmem:$0x1F670];
	_ =	sdelay $0x4  }
0x2a6: {  	v6 =	vmul.f32 v6, v63;
	_ =	sdelay $0x1  }
0x2a7: {  	v3 =	vadd.f32 v6, v3  }
0x2a8: {  	v5 =	vld.idx.msk [tilespmem:v4+s3+$0x0], $0xffff  }
0x2a9: {  	v4 =	vadd.f32 v7, v3;
	v3 =	vld [tilespmem:$0x1F680]  }
0x2aa: {  	v8 =	vor.u32 $0x29, v2;
	_ =	sdelay $0x4  }
0x2ab: {  	v8 =	vld.idx.msk [tilespmem:v8+s3+$0x0], $0xffff  }
0x2ac: {  	v9 =	vor.u32 $0x2A, v2  }
0x2ad: {  	v3 =	vld.idx.msk [tilespmem:v3+s3+$0x0], $0xffff;
	_ =	sdelay $0x2  }
0x2ae: {  	v8 =	vmul.f32 v8, v15  }
0x2af: {  	v9 =	vld.idx.msk [tilespmem:v9+s3+$0x0], $0xffff  }
0x2b0: {  	[tilespmem:$0x1F690] =	vst v3;
	v3 =	vadd.f32 v8, v4;
	v4 =	vld [tilespmem:$0x1FED0];
	_ =	sdelay $0x4  }
0x2b1: {  	v9 =	vmul.f32 v9, v4;
	v4 =	vld [tilespmem:$0x1FEE0];
	_ =	sdelay $0x4  }
0x2b2: {  	v3 =	vadd.f32 v9, v3;
	v5 =	vmul.f32 v5, v4;
	_ =	sdelay $0x1  }
0x2b3: {  	v4 =	vld [tilespmem:$0x1F690];
	v5 =	vadd.f32 v5, v3;
	v3 =	vor.u32 $0x31, v2  }
0x2b4: {  	[tilespmem:$0x1F6A0] =	vst v3;
	v3 =	vld [tilespmem:$0x1FEF0];
	_ =	sdelay $0x1  }
0x2b5: {  	v6 =	vor.u32 $0x2D, v2;
	_ =	sdelay $0x2  }
0x2b6: {  	v4 =	vmul.f32 v4, v3;
	_ =	sdelay $0x1  }
0x2b7: {  	v6 =	vld.idx.msk [tilespmem:v6+s3+$0x0], $0xffff;
	v7 =	vor.u32 $0x2E, v2;
	v3 =	vadd.f32 v4, v5;
	v4 =	vor.u32 $0x32, v2  }
0x2b8: {  	[tilespmem:$0x1F6B0] =	vst v4;
	v4 =	vld [tilespmem:$0x1FF00];
	_ =	sdelay $0x3  }
0x2b9: {  	v7 =	vld.idx.msk [tilespmem:v7+s3+$0x0], $0xffff  }
0x2ba: {  	v6 =	vmul.f32 v6, v4;
	v4 =	vld [tilespmem:$0x1FF10];
	_ =	sdelay $0x4  }
0x2bb: {  	v7 =	vmul.f32 v7, v4;
	v4 =	vld [tilespmem:$0x1F6A0];
	_ =	sdelay $0x1  }
0x2bc: {  	v8 =	vor.u32 $0x2F, v2;
	_ =	sdelay $0x4  }
0x2bd: {  	v8 =	vld.idx.msk [tilespmem:v8+s3+$0x0], $0xffff;
	v3 =	vadd.f32 v6, v3  }
0x2be: {  	v5 =	vld.idx.msk [tilespmem:v4+s3+$0x0], $0xffff  }
0x2bf: {  	v4 =	vadd.f32 v7, v3;
	v3 =	vld [tilespmem:$0x1FF20];
	_ =	sdelay $0x4  }
0x2c0: {  	v8 =	vmul.f32 v8, v3;
	v3 =	vld [tilespmem:$0x1F6B0];
	_ =	sdelay $0x6  }
0x2c1: {  	v9 =	vor.u32 $0x30, v2  }
0x2c2: {  	v3 =	vld.idx.msk [tilespmem:v3+s3+$0x0], $0xffff;
	_ =	sdelay $0x3  }
0x2c3: {  	v9 =	vld.idx.msk [tilespmem:v9+s3+$0x0], $0xffff  }
0x2c4: {  	[tilespmem:$0x1F6C0] =	vst v3;
	v3 =	vadd.f32 v8, v4;
	v4 =	vld [tilespmem:$0x1FF30];
	_ =	sdelay $0x4  }
0x2c5: {  	v9 =	vmul.f32 v9, v4;
	v4 =	vld [tilespmem:$0x1FF40];
	_ =	sdelay $0x4  }
0x2c6: {  	v3 =	vadd.f32 v9, v3;
	v5 =	vmul.f32 v5, v4;
	_ =	sdelay $0x1  }
0x2c7: {  	v4 =	vld [tilespmem:$0x1F6C0];
	v5 =	vadd.f32 v5, v3;
	v3 =	vor.u32 $0x37, v2  }
0x2c8: {  	[tilespmem:$0x1F6D0] =	vst v3;
	v3 =	vld [tilespmem:$0x1FF50]  }
0x2c9: {  	v6 =	vor.u32 $0x33, v2;
	_ =	sdelay $0x3  }
0x2ca: {  	v4 =	vmul.f32 v4, v3  }
0x2cb: {  	v6 =	vld.idx.msk [tilespmem:v6+s3+$0x0], $0xffff  }
0x2cc: {  	v3 =	vadd.f32 v4, v5;
	v5 =	vld [tilespmem:$0x1FF60];
	_ =	sdelay $0x1  }
0x2cd: {  	v7 =	vor.u32 $0x34, v2;
	_ =	sdelay $0x1  }
0x2ce: {  	v8 =	vor.u32 $0x35, v2  }
0x2cf: {  	v6 =	vmul.f32 v6, v5;
	v5 =	vld [tilespmem:$0x1F6D0]  }
0x2d0: {  	v9 =	vor.u32 $0x36, v2  }
0x2d1: {  	v7 =	vld.idx.msk [tilespmem:v7+s3+$0x0], $0xffff;
	_ =	sdelay $0x1  }
0x2d2: {  	v8 =	vld.idx.msk [tilespmem:v8+s3+$0x0], $0xffff  }
0x2d3: {  	v4 =	vor.u32 $0x38, v2  }
0x2d4: {  	v9 =	vld.idx.msk [tilespmem:v9+s3+$0x0], $0xffff  }
0x2d5: {  	v7 =	vmul.f32 v7, v1;
	v3 =	vadd.f32 v6, v3;
	v6 =	vor.u32 $0x39, v2  }
0x2d6: {  	v5 =	vld.idx.msk [tilespmem:v5+s3+$0x0], $0xffff  }
0x2d7: {  	v8 =	vmul.f32 v8, v16;
	v3 =	vadd.f32 v7, v3;
	v7 =	vor.u32 $0x3A, v2  }
0x2d8: {  	v4 =	vld.idx.msk [tilespmem:v4+s3+$0x0], $0xffff  }
0x2d9: {  	v9 =	vmul.f32 v9, v17;
	v3 =	vadd.f32 v8, v3;
	v8 =	vor.u32 $0x3B, v2  }
0x2da: {  	v6 =	vld.idx.msk [tilespmem:v6+s3+$0x0], $0xffff  }
0x2db: {  	v3 =	vadd.f32 v9, v3;
	v9 =	vor.u32 $0x3C, v2;
	v5 =	vmul.f32 v5, v18  }
0x2dc: {  	v7 =	vld.idx.msk [tilespmem:v7+s3+$0x0], $0xffff  }
0x2dd: {  	v4 =	vmul.f32 v4, v19;
	v3 =	vadd.f32 v5, v3;
	v5 =	vor.u32 $0x3D, v2  }
0x2de: {  	v8 =	vld.idx.msk [tilespmem:v8+s3+$0x0], $0xffff  }
0x2df: {  	v6 =	vmul.f32 v6, v20;
	v3 =	vadd.f32 v4, v3;
	v4 =	vor.u32 $0x3E, v2  }
0x2e0: {  	v9 =	vld.idx.msk [tilespmem:v9+s3+$0x0], $0xffff  }
0x2e1: {  	v3 =	vadd.f32 v6, v3;
	v6 =	vmul.f32 v7, v21  }
0x2e2: {  	v5 =	vld.idx.msk [tilespmem:v5+s3+$0x0], $0xffff  }
0x2e3: {  	v3 =	vadd.f32 v6, v3;
	v6 =	vmul.f32 v8, v22  }
0x2e4: {  	v4 =	vld.idx.msk [tilespmem:v4+s3+$0x0], $0xffff  }
0x2e5: {  	v2 =	vor.u32 $0x3F, v2;
	v3 =	vadd.f32 v6, v3;
	v6 =	vmul.f32 v9, v23;
	_ =	sdelay $0x1  }
0x2e6: {  	v3 =	vadd.f32 v6, v3;
	v5 =	vmul.f32 v5, v24;
	_ =	sdelay $0x1  }
0x2e7: {  	v3 =	vadd.f32 v5, v3;
	v4 =	vmul.f32 v4, v14  }
0x2e8: {  	v2 =	vld.idx.msk [tilespmem:v2+s3+$0x0], $0xffff  }
0x2e9: {  	v3 =	vadd.f32 v4, v3;
	v4 =	vld [tilespmem:$0x1FF70];
	_ =	sdelay $0x4  }
0x2ea: {  	p0 =	seq.s32 s29, $0x4A;
	v2 =	vmul.f32 v2, v4  }
0x2eb: {  	s0 =	simm.s32 $0x0;
	s31 =	smul.u32 @!p0 $0x1A0, s29  }
0x2ec: {  	v4 =	vmov s0;
	v2 =	vadd.f32 v2, v3  }
0x2ed: {  	s30 =	sadd.s32 $0x10, s30;
	s0 =	sadd.s32 @!p0 s31, s8;
	v3 =	vshll.u32 v4, $0x7  }
0x2ee: {  	s0 =	sshll.u32 @!p0 s0, $0x4;
	[tilespmem:s30+$0x0] =	vst v2;
	v2 =	vor.u32 v10, v3  }
0x2ef: {  	s0 =	sadd.s32 @!p0 s4, s0;
	s30 =	simm.s32 @!p0 $0x0;
	v6 =	vor.u32 $0x3, v2  }
0x2f0: {  	[tilespmem:s30], [sflag:$0x1] =	stream.linear.gather @!p0 [hbm4b:s0+s30], $0x6800, $0x38;
	[tilespmem:$0x15300] =	vst v63  }
0x2f1: {  	_ =	swait.ge [sflag:s21], $0x6800  }
0x2f2: {  	[sflag:s21] =	ssyncset.done $0x0  }
0x2f3: {  	v3 =	vor.u32 $0x1, v2;
	[sflag:s21] =	ssyncadd.s32 $0xFFFF9800  }
0x2f4: {  	v6 =	vld.idx.msk [tilespmem:v6+s19+$0x0], $0xffff;
	_ =	sdelay $0x3  }
0x2f5: {  	v3 =	vld.idx.msk [tilespmem:v3+s19+$0x0], $0xffff  }
0x2f6: {  	v7 =	vor.u32 $0x4, v2;
	[tilespmem:$0x1F6E0] =	vst v6;
	v6 =	vld [tilespmem:$0x1FC40];
	_ =	sdelay $0x3  }
0x2f7: {  	v4 =	vor.u32 $0x2, v2  }
0x2f8: {  	v3 =	vmul.f32 v3, v6;
	v6 =	vld.idx.msk [tilespmem:v7+s19+$0x0], $0xffff;
	_ =	sdelay $0x2  }
0x2f9: {  	v5 =	vld.idx.msk [tilespmem:v2+s19+$0x0], $0xffff  }
0x2fa: {  	v4 =	vld.idx.msk [tilespmem:v4+s19+$0x0], $0xffff  }
0x2fb: {  	v8 =	vor.u32 $0x5, v2;
	[tilespmem:$0x1F6F0] =	vst v6;
	v6 =	vld [tilespmem:$0x1FC50];
	_ =	sdelay $0x3  }
0x2fc: {  	v5 =	vmul.f32 v5, v13  }
0x2fd: {  	v4 =	vmul.f32 v4, v6;
	v6 =	vld.idx.msk [tilespmem:v8+s19+$0x0], $0xffff  }
0x2fe: {  	v5 =	vadd.f32 $0.0e+00, v5;
	_ =	sdelay $0x1  }
0x2ff: {  	v3 =	vadd.f32 v3, v5;
	v5 =	vor.u32 $0x7, v2  }
0x300: {  	v7 =	vld [tilespmem:$0x1F6E0]  }
0x301: {  	[tilespmem:$0x1F700] =	vst v6;
	v6 =	vld [tilespmem:$0x1FC60];
	_ =	sdelay $0x2  }
0x302: {  	v5 =	vld.idx.msk [tilespmem:v5+s19+$0x0], $0xffff  }
0x303: {  	v8 =	vld [tilespmem:$0x1F6F0];
	v3 =	vadd.f32 v4, v3;
	v4 =	vor.u32 $0x8, v2  }
0x304: {  	v6 =	vmul.f32 v7, v6;
	v7 =	vld [tilespmem:$0x1FC70];
	_ =	sdelay $0x2  }
0x305: {  	v9 =	vor.u32 $0x6, v2;
	[tilespmem:$0x1F710] =	vst v5;
	v5 =	vld [tilespmem:$0x1FC80]  }
0x306: {  	v4 =	vld.idx.msk [tilespmem:v4+s19+$0x0], $0xffff;
	v3 =	vadd.f32 v6, v3;
	v6 =	vor.u32 $0x9, v2  }
0x307: {  	v7 =	vmul.f32 v8, v7;
	v8 =	vld [tilespmem:$0x1F700];
	_ =	sdelay $0x2  }
0x308: {  	v9 =	vld.idx.msk [tilespmem:v9+s19+$0x0], $0xffff  }
0x309: {  	[tilespmem:$0x1F720] =	vst v4;
	v4 =	vld.idx.msk [tilespmem:v6+s19+$0x0], $0xffff  }
0x30a: {  	v8 =	vmul.f32 v8, v5;
	v5 =	vld [tilespmem:$0x1FC90];
	_ =	sdelay $0x3  }
0x30b: {  	[tilespmem:$0x1F730] =	vst v4;
	v4 =	vld [tilespmem:$0x1F710]  }
0x30c: {  	v3 =	vadd.f32 v7, v3;
	v7 =	vor.u32 $0xA, v2;
	v9 =	vmul.f32 v9, v5;
	v5 =	vld [tilespmem:$0x1FCA0];
	_ =	sdelay $0x4  }
0x30d: {  	v5 =	vmul.f32 v4, v5;
	v4 =	vld.idx.msk [tilespmem:v7+s19+$0x0], $0xffff;
	_ =	sdelay $0x3  }
0x30e: {  	v6 =	vld [tilespmem:$0x1F720]  }
0x30f: {  	v3 =	vadd.f32 v8, v3;
	v8 =	vor.u32 $0xB, v2;
	[tilespmem:$0x1F740] =	vst v4;
	v4 =	vld [tilespmem:$0x1FCB0];
	_ =	sdelay $0x4  }
0x310: {  	v4 =	vmul.f32 v6, v4;
	v6 =	vld.idx.msk [tilespmem:v8+s19+$0x0], $0xffff  }
0x311: {  	v3 =	vadd.f32 v9, v3;
	_ =	sdelay $0x1  }
0x312: {  	v3 =	vadd.f32 v5, v3;
	v5 =	vor.u32 $0xD, v2  }
0x313: {  	v7 =	vld [tilespmem:$0x1F730]  }
0x314: {  	[tilespmem:$0x1F750] =	vst v6;
	v6 =	vld [tilespmem:$0x1FCC0];
	_ =	sdelay $0x2  }
0x315: {  	v5 =	vld.idx.msk [tilespmem:v5+s19+$0x0], $0xffff  }
0x316: {  	v8 =	vld [tilespmem:$0x1F740];
	v3 =	vadd.f32 v4, v3;
	v4 =	vor.u32 $0xE, v2  }
0x317: {  	v6 =	vmul.f32 v7, v6;
	v7 =	vld [tilespmem:$0x1FCD0];
	_ =	sdelay $0x2  }
0x318: {  	v9 =	vor.u32 $0xC, v2;
	[tilespmem:$0x1F760] =	vst v5;
	v5 =	vld [tilespmem:$0x1FCE0]  }
0x319: {  	v4 =	vld.idx.msk [tilespmem:v4+s19+$0x0], $0xffff;
	v3 =	vadd.f32 v6, v3;
	v6 =	vor.u32 $0xF, v2  }
0x31a: {  	v7 =	vmul.f32 v8, v7;
	v8 =	vld [tilespmem:$0x1F750];
	_ =	sdelay $0x2  }
0x31b: {  	v9 =	vld.idx.msk [tilespmem:v9+s19+$0x0], $0xffff  }
0x31c: {  	[tilespmem:$0x1F770] =	vst v4;
	v4 =	vld.idx.msk [tilespmem:v6+s19+$0x0], $0xffff  }
0x31d: {  	v8 =	vmul.f32 v8, v5;
	v5 =	vld [tilespmem:$0x1FCF0];
	_ =	sdelay $0x3  }
0x31e: {  	[tilespmem:$0x1F780] =	vst v4;
	v4 =	vld [tilespmem:$0x1F760]  }
0x31f: {  	v3 =	vadd.f32 v7, v3;
	v7 =	vor.u32 $0x10, v2;
	v9 =	vmul.f32 v9, v5;
	v5 =	vld [tilespmem:$0x1FD00];
	_ =	sdelay $0x4  }
0x320: {  	v5 =	vmul.f32 v4, v5;
	v4 =	vld.idx.msk [tilespmem:v7+s19+$0x0], $0xffff;
	_ =	sdelay $0x3  }
0x321: {  	v6 =	vld [tilespmem:$0x1F770]  }
0x322: {  	v3 =	vadd.f32 v8, v3;
	v8 =	vor.u32 $0x11, v2;
	[tilespmem:$0x1F790] =	vst v4;
	v4 =	vld [tilespmem:$0x1FD10];
	_ =	sdelay $0x4  }
0x323: {  	v4 =	vmul.f32 v6, v4;
	v6 =	vld.idx.msk [tilespmem:v8+s19+$0x0], $0xffff  }
0x324: {  	v3 =	vadd.f32 v9, v3;
	_ =	sdelay $0x1  }
0x325: {  	v3 =	vadd.f32 v5, v3;
	v5 =	vor.u32 $0x13, v2  }
0x326: {  	v7 =	vld [tilespmem:$0x1F780]  }
0x327: {  	[tilespmem:$0x1F7A0] =	vst v6;
	v6 =	vld [tilespmem:$0x1FD20];
	_ =	sdelay $0x2  }
0x328: {  	v5 =	vld.idx.msk [tilespmem:v5+s19+$0x0], $0xffff  }
0x329: {  	v8 =	vld [tilespmem:$0x1F790];
	v3 =	vadd.f32 v4, v3;
	v4 =	vor.u32 $0x14, v2  }
0x32a: {  	v6 =	vmul.f32 v7, v6;
	v7 =	vld [tilespmem:$0x1FD30];
	_ =	sdelay $0x2  }
0x32b: {  	v9 =	vor.u32 $0x12, v2;
	[tilespmem:$0x1F7B0] =	vst v5;
	v5 =	vld [tilespmem:$0x1FD40]  }
0x32c: {  	v4 =	vld.idx.msk [tilespmem:v4+s19+$0x0], $0xffff;
	v3 =	vadd.f32 v6, v3;
	v6 =	vor.u32 $0x15, v2  }
0x32d: {  	v7 =	vmul.f32 v8, v7;
	v8 =	vld [tilespmem:$0x1F7A0];
	_ =	sdelay $0x2  }
0x32e: {  	v9 =	vld.idx.msk [tilespmem:v9+s19+$0x0], $0xffff  }
0x32f: {  	[tilespmem:$0x1F7C0] =	vst v4;
	v4 =	vld.idx.msk [tilespmem:v6+s19+$0x0], $0xffff  }
0x330: {  	v8 =	vmul.f32 v8, v5;
	v5 =	vld [tilespmem:$0x1FD50];
	_ =	sdelay $0x3  }
0x331: {  	[tilespmem:$0x1F7D0] =	vst v4;
	v4 =	vld [tilespmem:$0x1F7B0]  }
0x332: {  	v3 =	vadd.f32 v7, v3;
	v7 =	vor.u32 $0x16, v2;
	v9 =	vmul.f32 v9, v5;
	v5 =	vld [tilespmem:$0x1FD60];
	_ =	sdelay $0x4  }
0x333: {  	v5 =	vmul.f32 v4, v5;
	v4 =	vld.idx.msk [tilespmem:v7+s19+$0x0], $0xffff;
	_ =	sdelay $0x3  }
0x334: {  	v6 =	vld [tilespmem:$0x1F7C0]  }
0x335: {  	v3 =	vadd.f32 v8, v3;
	v8 =	vor.u32 $0x17, v2;
	[tilespmem:$0x1F7E0] =	vst v4;
	v4 =	vld [tilespmem:$0x1FD70];
	_ =	sdelay $0x4  }
0x336: {  	v4 =	vmul.f32 v6, v4;
	v6 =	vld.idx.msk [tilespmem:v8+s19+$0x0], $0xffff  }
0x337: {  	v3 =	vadd.f32 v9, v3;
	_ =	sdelay $0x1  }
0x338: {  	v3 =	vadd.f32 v5, v3;
	v5 =	vor.u32 $0x19, v2  }
0x339: {  	v7 =	vld [tilespmem:$0x1F7D0]  }
0x33a: {  	[tilespmem:$0x1F7F0] =	vst v6;
	v6 =	vld [tilespmem:$0x1FD80];
	_ =	sdelay $0x2  }
0x33b: {  	v5 =	vld.idx.msk [tilespmem:v5+s19+$0x0], $0xffff  }
0x33c: {  	v8 =	vld [tilespmem:$0x1F7E0];
	v3 =	vadd.f32 v4, v3;
	v4 =	vor.u32 $0x1A, v2  }
0x33d: {  	v6 =	vmul.f32 v7, v6;
	v7 =	vld [tilespmem:$0x1FD90];
	_ =	sdelay $0x2  }
0x33e: {  	v9 =	vor.u32 $0x18, v2;
	[tilespmem:$0x1F800] =	vst v5;
	v5 =	vld [tilespmem:$0x1FDA0]  }
0x33f: {  	v4 =	vld.idx.msk [tilespmem:v4+s19+$0x0], $0xffff;
	v3 =	vadd.f32 v6, v3;
	v6 =	vor.u32 $0x1B, v2  }
0x340: {  	v7 =	vmul.f32 v8, v7;
	v8 =	vld [tilespmem:$0x1F7F0];
	_ =	sdelay $0x2  }
0x341: {  	v9 =	vld.idx.msk [tilespmem:v9+s19+$0x0], $0xffff  }
0x342: {  	[tilespmem:$0x1F810] =	vst v4;
	v4 =	vld.idx.msk [tilespmem:v6+s19+$0x0], $0xffff  }
0x343: {  	v8 =	vmul.f32 v8, v5;
	v5 =	vld [tilespmem:$0x1FDB0];
	_ =	sdelay $0x3  }
0x344: {  	[tilespmem:$0x1F820] =	vst v4;
	v4 =	vld [tilespmem:$0x1F800]  }
0x345: {  	v3 =	vadd.f32 v7, v3;
	v7 =	vor.u32 $0x1C, v2;
	v9 =	vmul.f32 v9, v5;
	v5 =	vld [tilespmem:$0x1FDC0];
	_ =	sdelay $0x4  }
0x346: {  	v5 =	vmul.f32 v4, v5;
	v4 =	vld.idx.msk [tilespmem:v7+s19+$0x0], $0xffff;
	_ =	sdelay $0x3  }
0x347: {  	v6 =	vld [tilespmem:$0x1F810]  }
0x348: {  	v3 =	vadd.f32 v8, v3;
	v8 =	vor.u32 $0x1D, v2;
	[tilespmem:$0x1F830] =	vst v4;
	v4 =	vld [tilespmem:$0x1FDD0];
	_ =	sdelay $0x4  }
0x349: {  	v4 =	vmul.f32 v6, v4;
	v6 =	vld.idx.msk [tilespmem:v8+s19+$0x0], $0xffff  }
0x34a: {  	v3 =	vadd.f32 v9, v3;
	_ =	sdelay $0x1  }
0x34b: {  	v3 =	vadd.f32 v5, v3;
	v5 =	vor.u32 $0x1F, v2  }
0x34c: {  	v7 =	vld [tilespmem:$0x1F820]  }
0x34d: {  	[tilespmem:$0x1F840] =	vst v6;
	v6 =	vld [tilespmem:$0x1FDE0];
	_ =	sdelay $0x2  }
0x34e: {  	v5 =	vld.idx.msk [tilespmem:v5+s19+$0x0], $0xffff  }
0x34f: {  	v8 =	vld [tilespmem:$0x1F830];
	v3 =	vadd.f32 v4, v3;
	v4 =	vor.u32 $0x20, v2  }
0x350: {  	v6 =	vmul.f32 v7, v6;
	v7 =	vld [tilespmem:$0x1FDF0];
	_ =	sdelay $0x2  }
0x351: {  	v9 =	vor.u32 $0x1E, v2;
	[tilespmem:$0x1F850] =	vst v5;
	v5 =	vld [tilespmem:$0x1FE00]  }
0x352: {  	v4 =	vld.idx.msk [tilespmem:v4+s19+$0x0], $0xffff;
	v3 =	vadd.f32 v6, v3;
	v6 =	vor.u32 $0x21, v2  }
0x353: {  	v7 =	vmul.f32 v8, v7;
	v8 =	vld [tilespmem:$0x1F840];
	_ =	sdelay $0x2  }
0x354: {  	v9 =	vld.idx.msk [tilespmem:v9+s19+$0x0], $0xffff  }
0x355: {  	[tilespmem:$0x1F860] =	vst v4;
	v4 =	vld.idx.msk [tilespmem:v6+s19+$0x0], $0xffff  }
0x356: {  	v8 =	vmul.f32 v8, v5;
	v5 =	vld [tilespmem:$0x1FE10];
	_ =	sdelay $0x3  }
0x357: {  	[tilespmem:$0x1F870] =	vst v4;
	v4 =	vld [tilespmem:$0x1F850]  }
0x358: {  	v3 =	vadd.f32 v7, v3;
	v7 =	vor.u32 $0x22, v2;
	v9 =	vmul.f32 v9, v5;
	v5 =	vld [tilespmem:$0x1FE20];
	_ =	sdelay $0x4  }
0x359: {  	v5 =	vmul.f32 v4, v5;
	v4 =	vld.idx.msk [tilespmem:v7+s19+$0x0], $0xffff;
	_ =	sdelay $0x3  }
0x35a: {  	v6 =	vld [tilespmem:$0x1F860]  }
0x35b: {  	v3 =	vadd.f32 v8, v3;
	v8 =	vor.u32 $0x23, v2;
	[tilespmem:$0x1F880] =	vst v4;
	v4 =	vld [tilespmem:$0x1FE30];
	_ =	sdelay $0x4  }
0x35c: {  	v4 =	vmul.f32 v6, v4;
	v6 =	vld.idx.msk [tilespmem:v8+s19+$0x0], $0xffff  }
0x35d: {  	v3 =	vadd.f32 v9, v3;
	_ =	sdelay $0x1  }
0x35e: {  	v3 =	vadd.f32 v5, v3;
	v5 =	vor.u32 $0x25, v2  }
0x35f: {  	v7 =	vld [tilespmem:$0x1F870]  }
0x360: {  	[tilespmem:$0x1F890] =	vst v6;
	v6 =	vld [tilespmem:$0x1FE40];
	_ =	sdelay $0x2  }
0x361: {  	v5 =	vld.idx.msk [tilespmem:v5+s19+$0x0], $0xffff  }
0x362: {  	v8 =	vld [tilespmem:$0x1F880];
	v3 =	vadd.f32 v4, v3;
	v4 =	vor.u32 $0x26, v2  }
0x363: {  	v6 =	vmul.f32 v7, v6;
	v7 =	vld [tilespmem:$0x1FE50];
	_ =	sdelay $0x2  }
0x364: {  	v9 =	vor.u32 $0x24, v2;
	[tilespmem:$0x1F8A0] =	vst v5;
	v5 =	vld [tilespmem:$0x1FE60]  }
0x365: {  	v4 =	vld.idx.msk [tilespmem:v4+s19+$0x0], $0xffff;
	v3 =	vadd.f32 v6, v3;
	v6 =	vor.u32 $0x27, v2  }
0x366: {  	v7 =	vmul.f32 v8, v7;
	v8 =	vld [tilespmem:$0x1F890];
	_ =	sdelay $0x2  }
0x367: {  	v9 =	vld.idx.msk [tilespmem:v9+s19+$0x0], $0xffff  }
0x368: {  	[tilespmem:$0x1F8B0] =	vst v4;
	v4 =	vld.idx.msk [tilespmem:v6+s19+$0x0], $0xffff  }
0x369: {  	v8 =	vmul.f32 v8, v5;
	v5 =	vld [tilespmem:$0x1FE70];
	_ =	sdelay $0x3  }
0x36a: {  	[tilespmem:$0x1F8C0] =	vst v4;
	v4 =	vld [tilespmem:$0x1F8A0]  }
0x36b: {  	v3 =	vadd.f32 v7, v3;
	v7 =	vor.u32 $0x28, v2;
	v9 =	vmul.f32 v9, v5;
	v5 =	vld [tilespmem:$0x1FE80];
	_ =	sdelay $0x4  }
0x36c: {  	v5 =	vmul.f32 v4, v5;
	v4 =	vld.idx.msk [tilespmem:v7+s19+$0x0], $0xffff;
	_ =	sdelay $0x3  }
0x36d: {  	v6 =	vld [tilespmem:$0x1F8B0]  }
0x36e: {  	v3 =	vadd.f32 v8, v3;
	v8 =	vor.u32 $0x29, v2;
	[tilespmem:$0x1F8D0] =	vst v4;
	v4 =	vld [tilespmem:$0x1FE90];
	_ =	sdelay $0x4  }
0x36f: {  	v4 =	vmul.f32 v6, v4;
	v6 =	vld.idx.msk [tilespmem:v8+s19+$0x0], $0xffff  }
0x370: {  	v3 =	vadd.f32 v9, v3;
	_ =	sdelay $0x1  }
0x371: {  	v3 =	vadd.f32 v5, v3;
	v5 =	vor.u32 $0x2B, v2  }
0x372: {  	v7 =	vld [tilespmem:$0x1F8C0]  }
0x373: {  	[tilespmem:$0x1F8E0] =	vst v6;
	v6 =	vld [tilespmem:$0x1FEA0];
	_ =	sdelay $0x2  }
0x374: {  	v5 =	vld.idx.msk [tilespmem:v5+s19+$0x0], $0xffff  }
0x375: {  	v8 =	vld [tilespmem:$0x1F8D0];
	v3 =	vadd.f32 v4, v3;
	v4 =	vor.u32 $0x2C, v2  }
0x376: {  	v6 =	vmul.f32 v7, v6;
	v7 =	vld [tilespmem:$0x1FEB0];
	_ =	sdelay $0x2  }
0x377: {  	v9 =	vor.u32 $0x2A, v2;
	[tilespmem:$0x1F8F0] =	vst v5;
	v5 =	vld [tilespmem:$0x1FEC0]  }
0x378: {  	v4 =	vld.idx.msk [tilespmem:v4+s19+$0x0], $0xffff;
	v3 =	vadd.f32 v6, v3;
	v6 =	vor.u32 $0x2D, v2  }
0x379: {  	v7 =	vmul.f32 v8, v7;
	v8 =	vld [tilespmem:$0x1F8E0];
	_ =	sdelay $0x2  }
0x37a: {  	v9 =	vld.idx.msk [tilespmem:v9+s19+$0x0], $0xffff  }
0x37b: {  	[tilespmem:$0x1F900] =	vst v4;
	v4 =	vld.idx.msk [tilespmem:v6+s19+$0x0], $0xffff  }
0x37c: {  	v8 =	vmul.f32 v8, v5;
	v5 =	vld [tilespmem:$0x1FED0];
	_ =	sdelay $0x3  }
0x37d: {  	[tilespmem:$0x1F910] =	vst v4;
	v4 =	vld [tilespmem:$0x1F8F0]  }
0x37e: {  	v3 =	vadd.f32 v7, v3;
	v7 =	vor.u32 $0x2E, v2;
	v9 =	vmul.f32 v9, v5;
	v5 =	vld [tilespmem:$0x1FEE0];
	_ =	sdelay $0x4  }
0x37f: {  	v5 =	vmul.f32 v4, v5;
	v4 =	vld.idx.msk [tilespmem:v7+s19+$0x0], $0xffff;
	_ =	sdelay $0x3  }
0x380: {  	v6 =	vld [tilespmem:$0x1F900]  }
0x381: {  	v3 =	vadd.f32 v8, v3;
	v8 =	vor.u32 $0x2F, v2;
	[tilespmem:$0x1F920] =	vst v4;
	v4 =	vld [tilespmem:$0x1FEF0];
	_ =	sdelay $0x4  }
0x382: {  	v4 =	vmul.f32 v6, v4;
	v6 =	vld.idx.msk [tilespmem:v8+s19+$0x0], $0xffff  }
0x383: {  	v3 =	vadd.f32 v9, v3;
	_ =	sdelay $0x1  }
0x384: {  	v3 =	vadd.f32 v5, v3;
	v5 =	vor.u32 $0x31, v2  }
0x385: {  	v7 =	vld [tilespmem:$0x1F910]  }
0x386: {  	[tilespmem:$0x1F930] =	vst v6;
	v6 =	vld [tilespmem:$0x1FF00];
	_ =	sdelay $0x2  }
0x387: {  	v5 =	vld.idx.msk [tilespmem:v5+s19+$0x0], $0xffff  }
0x388: {  	v8 =	vld [tilespmem:$0x1F920];
	v3 =	vadd.f32 v4, v3;
	v4 =	vor.u32 $0x32, v2  }
0x389: {  	v6 =	vmul.f32 v7, v6;
	v7 =	vld [tilespmem:$0x1FF10];
	_ =	sdelay $0x2  }
0x38a: {  	v9 =	vor.u32 $0x30, v2;
	[tilespmem:$0x1F940] =	vst v5;
	v5 =	vld [tilespmem:$0x1FF20]  }
0x38b: {  	v4 =	vld.idx.msk [tilespmem:v4+s19+$0x0], $0xffff;
	v3 =	vadd.f32 v6, v3;
	v6 =	vor.u32 $0x33, v2  }
0x38c: {  	v7 =	vmul.f32 v8, v7;
	v8 =	vld [tilespmem:$0x1F930];
	_ =	sdelay $0x2  }
0x38d: {  	v9 =	vld.idx.msk [tilespmem:v9+s19+$0x0], $0xffff  }
0x38e: {  	[tilespmem:$0x1F950] =	vst v4;
	v4 =	vld.idx.msk [tilespmem:v6+s19+$0x0], $0xffff  }
0x38f: {  	v8 =	vmul.f32 v8, v5;
	v5 =	vld [tilespmem:$0x1FF30];
	_ =	sdelay $0x3  }
0x390: {  	[tilespmem:$0x1F960] =	vst v4;
	v4 =	vld [tilespmem:$0x1F940]  }
0x391: {  	v3 =	vadd.f32 v7, v3;
	v7 =	vor.u32 $0x34, v2;
	v9 =	vmul.f32 v9, v5;
	v5 =	vld [tilespmem:$0x1FF40];
	_ =	sdelay $0x4  }
0x392: {  	v5 =	vmul.f32 v4, v5;
	v4 =	vld.idx.msk [tilespmem:v7+s19+$0x0], $0xffff;
	_ =	sdelay $0x3  }
0x393: {  	v6 =	vld [tilespmem:$0x1F950]  }
0x394: {  	v3 =	vadd.f32 v8, v3;
	v8 =	vor.u32 $0x35, v2;
	[tilespmem:$0x1F970] =	vst v4;
	v4 =	vld [tilespmem:$0x1FF50];
	_ =	sdelay $0x4  }
0x395: {  	v4 =	vmul.f32 v6, v4;
	v6 =	vld.idx.msk [tilespmem:v8+s19+$0x0], $0xffff;
	_ =	sdelay $0x3  }
0x396: {  	v7 =	vld [tilespmem:$0x1F960]  }
0x397: {  	[tilespmem:$0x1F980] =	vst v6;
	v6 =	vld [tilespmem:$0x1FF60];
	_ =	sdelay $0x3  }
0x398: {  	v8 =	vld [tilespmem:$0x1F970]  }
0x399: {  	v6 =	vmul.f32 v7, v6;
	v7 =	vld [tilespmem:$0x1FF80];
	_ =	sdelay $0x1  }
0x39a: {  	v3 =	vadd.f32 v9, v3;
	v9 =	vor.u32 $0x36, v2;
	_ =	sdelay $0x1  }
0x39b: {  	v3 =	vadd.f32 v5, v3;
	v5 =	vor.u32 $0x37, v2  }
0x39c: {  	v7 =	vmul.f32 v8, v7;
	v8 =	vld [tilespmem:$0x1F980]  }
0x39d: {  	v3 =	vadd.f32 v4, v3;
	v4 =	vor.u32 $0x38, v2  }
0x39e: {  	v9 =	vld.idx.msk [tilespmem:v9+s19+$0x0], $0xffff  }
0x39f: {  	v3 =	vadd.f32 v6, v3;
	v6 =	vor.u32 $0x39, v2  }
0x3a0: {  	v5 =	vld.idx.msk [tilespmem:v5+s19+$0x0], $0xffff  }
0x3a1: {  	v3 =	vadd.f32 v7, v3;
	v7 =	vor.u32 $0x3A, v2;
	v8 =	vmul.f32 v8, v16  }
0x3a2: {  	v4 =	vld.idx.msk [tilespmem:v4+s19+$0x0], $0xffff  }
0x3a3: {  	v9 =	vmul.f32 v9, v17;
	v3 =	vadd.f32 v8, v3;
	v8 =	vor.u32 $0x3B, v2  }
0x3a4: {  	v6 =	vld.idx.msk [tilespmem:v6+s19+$0x0], $0xffff  }
0x3a5: {  	v5 =	vmul.f32 v5, v18;
	v3 =	vadd.f32 v9, v3;
	v9 =	vor.u32 $0x3C, v2  }
0x3a6: {  	v7 =	vld.idx.msk [tilespmem:v7+s19+$0x0], $0xffff  }
0x3a7: {  	v4 =	vmul.f32 v4, v19;
	v3 =	vadd.f32 v5, v3;
	v5 =	vor.u32 $0x3D, v2  }
0x3a8: {  	v8 =	vld.idx.msk [tilespmem:v8+s19+$0x0], $0xffff  }
0x3a9: {  	v6 =	vmul.f32 v6, v20;
	v3 =	vadd.f32 v4, v3  }
0x3aa: {  	v9 =	vld.idx.msk [tilespmem:v9+s19+$0x0], $0xffff  }
0x3ab: {  	v3 =	vadd.f32 v6, v3;
	v6 =	vmul.f32 v7, v21  }
0x3ac: {  	v4 =	vor.u32 $0x3E, v2;
	v2 =	vor.u32 $0x3F, v2;
	v5 =	vld.idx.msk [tilespmem:v5+s19+$0x0], $0xffff  }
0x3ad: {  	v3 =	vadd.f32 v6, v3;
	v6 =	vmul.f32 v8, v22;
	_ =	sdelay $0x1  }
0x3ae: {  	v3 =	vadd.f32 v6, v3;
	v6 =	vmul.f32 v9, v23;
	_ =	sdelay $0x1  }
0x3af: {  	v7 =	vld.idx.msk [tilespmem:v2+s19+$0x0], $0xffff;
	v2 =	vadd.f32 v6, v3;
	v3 =	vmul.f32 v5, v24  }
0x3b0: {  	v4 =	vld.idx.msk [tilespmem:v4+s19+$0x0], $0xffff  }
0x3b1: {  	v3 =	vadd.f32 v3, v2;
	v2 =	vld [tilespmem:$0x1FFB0];
	_ =	sdelay $0x4  }
0x3b2: {  	v4 =	vmul.f32 v4, v2;
	_ =	sdelay $0x1  }
0x3b3: {  	v3 =	vadd.f32 v4, v3;
	v4 =	vld [tilespmem:$0x1FF70]  }
0x3b4: {  	s0 =	simm.s32 $0x10  }
0x3b5: {  	v5 =	vmov s0  }
0x3b6: {  	v2 =	vshll.u32 v5, $0x7  }
0x3b7: {  	v2 =	vor.u32 v10, v2  }
0x3b8: {  	v6 =	vor.u32 $0x3, v2;
	v4 =	vmul.f32 v7, v4;
	_ =	sdelay $0x1  }
0x3b9: {  	v3 =	vadd.f32 v4, v3;
	_ =	sdelay $0x1  }
0x3ba: {  	v5 =	vor.u32 $0x1, v2;
	[tilespmem:s28+$0x0] =	vst v3  }
0x3bb: {  	v6 =	vld.idx.msk [tilespmem:v6+s19+$0x0], $0xffff;
	_ =	sdelay $0x3  }
0x3bc: {  	v5 =	vld.idx.msk [tilespmem:v5+s19+$0x0], $0xffff  }
0x3bd: {  	v7 =	vor.u32 $0x4, v2;
	[tilespmem:$0x1F990] =	vst v6;
	v6 =	vld [tilespmem:$0x1FC40];
	_ =	sdelay $0x3  }
0x3be: {  	v4 =	vor.u32 $0x2, v2  }
0x3bf: {  	v5 =	vmul.f32 v5, v6;
	v6 =	vld.idx.msk [tilespmem:v7+s19+$0x0], $0xffff;
	_ =	sdelay $0x2  }
0x3c0: {  	v3 =	vld.idx.msk [tilespmem:v2+s19+$0x0], $0xffff  }
0x3c1: {  	v4 =	vld.idx.msk [tilespmem:v4+s19+$0x0], $0xffff  }
0x3c2: {  	v8 =	vor.u32 $0x5, v2;
	[tilespmem:$0x1F9A0] =	vst v6;
	v6 =	vld [tilespmem:$0x1FC50];
	_ =	sdelay $0x3  }
0x3c3: {  	v3 =	vmul.f32 v3, v13  }
0x3c4: {  	v4 =	vmul.f32 v4, v6;
	v6 =	vld.idx.msk [tilespmem:v8+s19+$0x0], $0xffff  }
0x3c5: {  	v3 =	vadd.f32 $0.0e+00, v3;
	_ =	sdelay $0x1  }
0x3c6: {  	v3 =	vadd.f32 v5, v3;
	v5 =	vor.u32 $0x7, v2  }
0x3c7: {  	v7 =	vld [tilespmem:$0x1F990]  }
0x3c8: {  	[tilespmem:$0x1F9B0] =	vst v6;
	v6 =	vld [tilespmem:$0x1FC60];
	_ =	sdelay $0x2  }
0x3c9: {  	v5 =	vld.idx.msk [tilespmem:v5+s19+$0x0], $0xffff  }
0x3ca: {  	v8 =	vld [tilespmem:$0x1F9A0];
	v3 =	vadd.f32 v4, v3;
	v4 =	vor.u32 $0x8, v2  }
0x3cb: {  	v6 =	vmul.f32 v7, v6;
	v7 =	vld [tilespmem:$0x1FC70];
	_ =	sdelay $0x2  }
0x3cc: {  	v9 =	vor.u32 $0x6, v2;
	[tilespmem:$0x1F9C0] =	vst v5;
	v5 =	vld [tilespmem:$0x1FC80]  }
0x3cd: {  	v4 =	vld.idx.msk [tilespmem:v4+s19+$0x0], $0xffff;
	v3 =	vadd.f32 v6, v3;
	v6 =	vor.u32 $0x9, v2  }
0x3ce: {  	v7 =	vmul.f32 v8, v7;
	v8 =	vld [tilespmem:$0x1F9B0];
	_ =	sdelay $0x2  }
0x3cf: {  	v9 =	vld.idx.msk [tilespmem:v9+s19+$0x0], $0xffff  }
0x3d0: {  	[tilespmem:$0x1F9D0] =	vst v4;
	v4 =	vld.idx.msk [tilespmem:v6+s19+$0x0], $0xffff  }
0x3d1: {  	v8 =	vmul.f32 v8, v5;
	v5 =	vld [tilespmem:$0x1FC90];
	_ =	sdelay $0x3  }
0x3d2: {  	[tilespmem:$0x1F9E0] =	vst v4;
	v4 =	vld [tilespmem:$0x1F9C0]  }
0x3d3: {  	v3 =	vadd.f32 v7, v3;
	v7 =	vor.u32 $0xA, v2;
	v9 =	vmul.f32 v9, v5;
	v5 =	vld [tilespmem:$0x1FCA0];
	_ =	sdelay $0x4  }
0x3d4: {  	v5 =	vmul.f32 v4, v5;
	v4 =	vld.idx.msk [tilespmem:v7+s19+$0x0], $0xffff;
	_ =	sdelay $0x3  }
0x3d5: {  	v6 =	vld [tilespmem:$0x1F9D0]  }
0x3d6: {  	v3 =	vadd.f32 v8, v3;
	v8 =	vor.u32 $0xB, v2;
	[tilespmem:$0x1F9F0] =	vst v4;
	v4 =	vld [tilespmem:$0x1FCB0];
	_ =	sdelay $0x4  }
0x3d7: {  	v4 =	vmul.f32 v6, v4;
	v6 =	vld.idx.msk [tilespmem:v8+s19+$0x0], $0xffff  }
0x3d8: {  	v3 =	vadd.f32 v9, v3;
	_ =	sdelay $0x1  }
0x3d9: {  	v3 =	vadd.f32 v5, v3;
	v5 =	vor.u32 $0xD, v2  }
0x3da: {  	v7 =	vld [tilespmem:$0x1F9E0]  }
0x3db: {  	[tilespmem:$0x1FA00] =	vst v6;
	v6 =	vld [tilespmem:$0x1FCC0];
	_ =	sdelay $0x2  }
0x3dc: {  	v5 =	vld.idx.msk [tilespmem:v5+s19+$0x0], $0xffff  }
0x3dd: {  	v8 =	vld [tilespmem:$0x1F9F0];
	v3 =	vadd.f32 v4, v3;
	v4 =	vor.u32 $0xE, v2  }
0x3de: {  	v6 =	vmul.f32 v7, v6;
	v7 =	vld [tilespmem:$0x1FCD0];
	_ =	sdelay $0x2  }
0x3df: {  	v9 =	vor.u32 $0xC, v2;
	[tilespmem:$0x1FA10] =	vst v5;
	v5 =	vld [tilespmem:$0x1FCE0]  }
0x3e0: {  	v4 =	vld.idx.msk [tilespmem:v4+s19+$0x0], $0xffff;
	v3 =	vadd.f32 v6, v3;
	v6 =	vor.u32 $0xF, v2  }
0x3e1: {  	v7 =	vmul.f32 v8, v7;
	v8 =	vld [tilespmem:$0x1FA00];
	_ =	sdelay $0x2  }
0x3e2: {  	v9 =	vld.idx.msk [tilespmem:v9+s19+$0x0], $0xffff  }
0x3e3: {  	[tilespmem:$0x1FA20] =	vst v4;
	v4 =	vld.idx.msk [tilespmem:v6+s19+$0x0], $0xffff  }
0x3e4: {  	v8 =	vmul.f32 v8, v5;
	v5 =	vld [tilespmem:$0x1FCF0];
	_ =	sdelay $0x3  }
0x3e5: {  	[tilespmem:$0x1FA30] =	vst v4;
	v4 =	vld [tilespmem:$0x1FA10]  }
0x3e6: {  	v3 =	vadd.f32 v7, v3;
	v7 =	vor.u32 $0x10, v2;
	v9 =	vmul.f32 v9, v5;
	v5 =	vld [tilespmem:$0x1FD00];
	_ =	sdelay $0x4  }
0x3e7: {  	v5 =	vmul.f32 v4, v5;
	v4 =	vld.idx.msk [tilespmem:v7+s19+$0x0], $0xffff;
	_ =	sdelay $0x3  }
0x3e8: {  	v6 =	vld [tilespmem:$0x1FA20]  }
0x3e9: {  	v3 =	vadd.f32 v8, v3;
	v8 =	vor.u32 $0x11, v2;
	[tilespmem:$0x1FA40] =	vst v4;
	v4 =	vld [tilespmem:$0x1FD10];
	_ =	sdelay $0x4  }
0x3ea: {  	v4 =	vmul.f32 v6, v4;
	v6 =	vld.idx.msk [tilespmem:v8+s19+$0x0], $0xffff  }
0x3eb: {  	v3 =	vadd.f32 v9, v3;
	_ =	sdelay $0x1  }
0x3ec: {  	v3 =	vadd.f32 v5, v3;
	v5 =	vor.u32 $0x13, v2  }
0x3ed: {  	v7 =	vld [tilespmem:$0x1FA30]  }
0x3ee: {  	[tilespmem:$0x1FA50] =	vst v6;
	v6 =	vld [tilespmem:$0x1FD20];
	_ =	sdelay $0x2  }
0x3ef: {  	v5 =	vld.idx.msk [tilespmem:v5+s19+$0x0], $0xffff  }
0x3f0: {  	v8 =	vld [tilespmem:$0x1FA40];
	v3 =	vadd.f32 v4, v3;
	v4 =	vor.u32 $0x14, v2  }
0x3f1: {  	v6 =	vmul.f32 v7, v6;
	v7 =	vld [tilespmem:$0x1FD30];
	_ =	sdelay $0x2  }
0x3f2: {  	v9 =	vor.u32 $0x12, v2;
	[tilespmem:$0x1FA60] =	vst v5;
	v5 =	vld [tilespmem:$0x1FD40]  }
0x3f3: {  	v4 =	vld.idx.msk [tilespmem:v4+s19+$0x0], $0xffff;
	v3 =	vadd.f32 v6, v3;
	v6 =	vor.u32 $0x15, v2  }
0x3f4: {  	v7 =	vmul.f32 v8, v7;
	v8 =	vld [tilespmem:$0x1FA50];
	_ =	sdelay $0x2  }
0x3f5: {  	v9 =	vld.idx.msk [tilespmem:v9+s19+$0x0], $0xffff  }
0x3f6: {  	[tilespmem:$0x1FA70] =	vst v4;
	v4 =	vld.idx.msk [tilespmem:v6+s19+$0x0], $0xffff  }
0x3f7: {  	v8 =	vmul.f32 v8, v5;
	v5 =	vld [tilespmem:$0x1FD50];
	_ =	sdelay $0x3  }
0x3f8: {  	[tilespmem:$0x1FA80] =	vst v4;
	v4 =	vld [tilespmem:$0x1FA60]  }
0x3f9: {  	v3 =	vadd.f32 v7, v3;
	v7 =	vor.u32 $0x16, v2;
	v9 =	vmul.f32 v9, v5;
	v5 =	vld [tilespmem:$0x1FD60];
	_ =	sdelay $0x4  }
0x3fa: {  	v5 =	vmul.f32 v4, v5;
	v4 =	vld.idx.msk [tilespmem:v7+s19+$0x0], $0xffff;
	_ =	sdelay $0x3  }
0x3fb: {  	v6 =	vld [tilespmem:$0x1FA70]  }
0x3fc: {  	v3 =	vadd.f32 v8, v3;
	v8 =	vor.u32 $0x17, v2;
	[tilespmem:$0x1FA90] =	vst v4;
	v4 =	vld [tilespmem:$0x1FD70];
	_ =	sdelay $0x4  }
0x3fd: {  	v4 =	vmul.f32 v6, v4;
	v6 =	vld.idx.msk [tilespmem:v8+s19+$0x0], $0xffff  }
0x3fe: {  	v3 =	vadd.f32 v9, v3;
	_ =	sdelay $0x1  }
0x3ff: {  	v3 =	vadd.f32 v5, v3;
	v5 =	vor.u32 $0x19, v2  }
0x400: {  	v7 =	vld [tilespmem:$0x1FA80]  }
0x401: {  	[tilespmem:$0x1FAA0] =	vst v6;
	v6 =	vld [tilespmem:$0x1FD80];
	_ =	sdelay $0x2  }
0x402: {  	v5 =	vld.idx.msk [tilespmem:v5+s19+$0x0], $0xffff  }
0x403: {  	v8 =	vld [tilespmem:$0x1FA90];
	v3 =	vadd.f32 v4, v3;
	v4 =	vor.u32 $0x1A, v2  }
0x404: {  	v6 =	vmul.f32 v7, v6;
	v7 =	vld [tilespmem:$0x1FD90];
	_ =	sdelay $0x2  }
0x405: {  	v9 =	vor.u32 $0x18, v2;
	[tilespmem:$0x1FAB0] =	vst v5;
	v5 =	vld [tilespmem:$0x1FDA0]  }
0x406: {  	v4 =	vld.idx.msk [tilespmem:v4+s19+$0x0], $0xffff;
	v3 =	vadd.f32 v6, v3;
	v6 =	vor.u32 $0x1B, v2  }
0x407: {  	v7 =	vmul.f32 v8, v7;
	v8 =	vld [tilespmem:$0x1FAA0];
	_ =	sdelay $0x2  }
0x408: {  	v9 =	vld.idx.msk [tilespmem:v9+s19+$0x0], $0xffff  }
0x409: {  	[tilespmem:$0x1FAC0] =	vst v4;
	v4 =	vld.idx.msk [tilespmem:v6+s19+$0x0], $0xffff  }
0x40a: {  	v8 =	vmul.f32 v8, v5;
	v5 =	vld [tilespmem:$0x1FDB0];
	_ =	sdelay $0x3  }
0x40b: {  	[tilespmem:$0x1FAD0] =	vst v4;
	v4 =	vld [tilespmem:$0x1FAB0]  }
0x40c: {  	v3 =	vadd.f32 v7, v3;
	v7 =	vor.u32 $0x1C, v2;
	v9 =	vmul.f32 v9, v5;
	v5 =	vld [tilespmem:$0x1FDC0];
	_ =	sdelay $0x4  }
0x40d: {  	v5 =	vmul.f32 v4, v5;
	v4 =	vld.idx.msk [tilespmem:v7+s19+$0x0], $0xffff;
	_ =	sdelay $0x3  }
0x40e: {  	v6 =	vld [tilespmem:$0x1FAC0]  }
0x40f: {  	v3 =	vadd.f32 v8, v3;
	v8 =	vor.u32 $0x1D, v2;
	[tilespmem:$0x1FAE0] =	vst v4;
	v4 =	vld [tilespmem:$0x1FDD0];
	_ =	sdelay $0x4  }
0x410: {  	v4 =	vmul.f32 v6, v4;
	v6 =	vld.idx.msk [tilespmem:v8+s19+$0x0], $0xffff  }
0x411: {  	v3 =	vadd.f32 v9, v3;
	_ =	sdelay $0x1  }
0x412: {  	v3 =	vadd.f32 v5, v3;
	v5 =	vor.u32 $0x1F, v2  }
0x413: {  	v7 =	vld [tilespmem:$0x1FAD0]  }
0x414: {  	[tilespmem:$0x1FAF0] =	vst v6;
	v6 =	vld [tilespmem:$0x1FDE0];
	_ =	sdelay $0x2  }
0x415: {  	v5 =	vld.idx.msk [tilespmem:v5+s19+$0x0], $0xffff  }
0x416: {  	v8 =	vld [tilespmem:$0x1FAE0];
	v3 =	vadd.f32 v4, v3;
	v4 =	vor.u32 $0x20, v2  }
0x417: {  	v6 =	vmul.f32 v7, v6;
	v7 =	vld [tilespmem:$0x1FDF0];
	_ =	sdelay $0x2  }
0x418: {  	v9 =	vor.u32 $0x1E, v2;
	[tilespmem:$0x1FB00] =	vst v5;
	v5 =	vld [tilespmem:$0x1FE00]  }
0x419: {  	v4 =	vld.idx.msk [tilespmem:v4+s19+$0x0], $0xffff;
	v3 =	vadd.f32 v6, v3;
	v6 =	vor.u32 $0x21, v2  }
0x41a: {  	v7 =	vmul.f32 v8, v7;
	v8 =	vld [tilespmem:$0x1FAF0];
	_ =	sdelay $0x2  }
0x41b: {  	v9 =	vld.idx.msk [tilespmem:v9+s19+$0x0], $0xffff  }
0x41c: {  	[tilespmem:$0x1FB10] =	vst v4;
	v4 =	vld.idx.msk [tilespmem:v6+s19+$0x0], $0xffff  }
0x41d: {  	v8 =	vmul.f32 v8, v5;
	v5 =	vld [tilespmem:$0x1FE10];
	_ =	sdelay $0x3  }
0x41e: {  	[tilespmem:$0x1FB20] =	vst v4;
	v4 =	vld [tilespmem:$0x1FB00]  }
0x41f: {  	v3 =	vadd.f32 v7, v3;
	v7 =	vor.u32 $0x22, v2;
	v9 =	vmul.f32 v9, v5;
	v5 =	vld [tilespmem:$0x1FE20];
	_ =	sdelay $0x4  }
0x420: {  	v5 =	vmul.f32 v4, v5;
	v4 =	vld.idx.msk [tilespmem:v7+s19+$0x0], $0xffff;
	_ =	sdelay $0x3  }
0x421: {  	v6 =	vld [tilespmem:$0x1FB10]  }
0x422: {  	v3 =	vadd.f32 v8, v3;
	v8 =	vor.u32 $0x23, v2;
	[tilespmem:$0x1FB30] =	vst v4;
	v4 =	vld [tilespmem:$0x1FE30];
	_ =	sdelay $0x4  }
0x423: {  	v4 =	vmul.f32 v6, v4;
	v6 =	vld.idx.msk [tilespmem:v8+s19+$0x0], $0xffff  }
0x424: {  	v3 =	vadd.f32 v9, v3;
	_ =	sdelay $0x1  }
0x425: {  	v3 =	vadd.f32 v5, v3;
	v5 =	vor.u32 $0x25, v2  }
0x426: {  	v7 =	vld [tilespmem:$0x1FB20]  }
0x427: {  	[tilespmem:$0x1FB40] =	vst v6;
	v6 =	vld [tilespmem:$0x1FE40];
	_ =	sdelay $0x2  }
0x428: {  	v5 =	vld.idx.msk [tilespmem:v5+s19+$0x0], $0xffff  }
0x429: {  	v8 =	vld [tilespmem:$0x1FB30];
	v3 =	vadd.f32 v4, v3;
	v4 =	vor.u32 $0x26, v2  }
0x42a: {  	v6 =	vmul.f32 v7, v6;
	v7 =	vld [tilespmem:$0x1FE50];
	_ =	sdelay $0x2  }
0x42b: {  	v9 =	vor.u32 $0x24, v2;
	[tilespmem:$0x1FB50] =	vst v5;
	v5 =	vld [tilespmem:$0x1FE60]  }
0x42c: {  	v4 =	vld.idx.msk [tilespmem:v4+s19+$0x0], $0xffff;
	v3 =	vadd.f32 v6, v3;
	v6 =	vor.u32 $0x27, v2  }
0x42d: {  	v7 =	vmul.f32 v8, v7;
	v8 =	vld [tilespmem:$0x1FB40];
	_ =	sdelay $0x2  }
0x42e: {  	v9 =	vld.idx.msk [tilespmem:v9+s19+$0x0], $0xffff  }
0x42f: {  	[tilespmem:$0x1FB60] =	vst v4;
	v4 =	vld.idx.msk [tilespmem:v6+s19+$0x0], $0xffff  }
0x430: {  	v8 =	vmul.f32 v8, v5;
	v5 =	vld [tilespmem:$0x1FE70];
	_ =	sdelay $0x3  }
0x431: {  	[tilespmem:$0x1FB70] =	vst v4;
	v4 =	vld [tilespmem:$0x1FB50]  }
0x432: {  	v3 =	vadd.f32 v7, v3;
	v7 =	vor.u32 $0x28, v2;
	v9 =	vmul.f32 v9, v5;
	v5 =	vld [tilespmem:$0x1FE80];
	_ =	sdelay $0x4  }
0x433: {  	v5 =	vmul.f32 v4, v5;
	v4 =	vld.idx.msk [tilespmem:v7+s19+$0x0], $0xffff;
	_ =	sdelay $0x3  }
0x434: {  	v6 =	vld [tilespmem:$0x1FB60]  }
0x435: {  	v3 =	vadd.f32 v8, v3;
	v8 =	vor.u32 $0x29, v2;
	[tilespmem:$0x1FB80] =	vst v4;
	v4 =	vld [tilespmem:$0x1FE90];
	_ =	sdelay $0x4  }
0x436: {  	v4 =	vmul.f32 v6, v4;
	v6 =	vld.idx.msk [tilespmem:v8+s19+$0x0], $0xffff  }
0x437: {  	v3 =	vadd.f32 v9, v3;
	_ =	sdelay $0x1  }
0x438: {  	v3 =	vadd.f32 v5, v3;
	v5 =	vor.u32 $0x2B, v2  }
0x439: {  	v7 =	vld [tilespmem:$0x1FB70]  }
0x43a: {  	[tilespmem:$0x1FB90] =	vst v6;
	v6 =	vld [tilespmem:$0x1FEA0];
	_ =	sdelay $0x2  }
0x43b: {  	v5 =	vld.idx.msk [tilespmem:v5+s19+$0x0], $0xffff  }
0x43c: {  	v8 =	vld [tilespmem:$0x1FB80];
	v3 =	vadd.f32 v4, v3;
	v4 =	vor.u32 $0x2C, v2  }
0x43d: {  	v6 =	vmul.f32 v7, v6;
	v7 =	vld [tilespmem:$0x1FEB0];
	_ =	sdelay $0x2  }
0x43e: {  	v9 =	vor.u32 $0x2A, v2;
	[tilespmem:$0x1FBA0] =	vst v5;
	v5 =	vld [tilespmem:$0x1FEC0]  }
0x43f: {  	v4 =	vld.idx.msk [tilespmem:v4+s19+$0x0], $0xffff;
	v3 =	vadd.f32 v6, v3;
	v6 =	vor.u32 $0x2D, v2  }
0x440: {  	v7 =	vmul.f32 v8, v7;
	v8 =	vld [tilespmem:$0x1FB90];
	_ =	sdelay $0x2  }
0x441: {  	v9 =	vld.idx.msk [tilespmem:v9+s19+$0x0], $0xffff  }
0x442: {  	[tilespmem:$0x1FBB0] =	vst v4;
	v4 =	vld.idx.msk [tilespmem:v6+s19+$0x0], $0xffff  }
0x443: {  	v8 =	vmul.f32 v8, v5;
	v5 =	vld [tilespmem:$0x1FED0];
	_ =	sdelay $0x3  }
0x444: {  	[tilespmem:$0x1FBC0] =	vst v4;
	v4 =	vld [tilespmem:$0x1FBA0]  }
0x445: {  	v3 =	vadd.f32 v7, v3;
	v7 =	vor.u32 $0x2E, v2;
	v9 =	vmul.f32 v9, v5;
	v5 =	vld [tilespmem:$0x1FEE0];
	_ =	sdelay $0x4  }
0x446: {  	v5 =	vmul.f32 v4, v5;
	v4 =	vld.idx.msk [tilespmem:v7+s19+$0x0], $0xffff;
	_ =	sdelay $0x3  }
0x447: {  	v6 =	vld [tilespmem:$0x1FBB0]  }
0x448: {  	v3 =	vadd.f32 v8, v3;
	v8 =	vor.u32 $0x2F, v2;
	[tilespmem:$0x1FBD0] =	vst v4;
	v4 =	vld [tilespmem:$0x1FEF0];
	_ =	sdelay $0x4  }
0x449: {  	v4 =	vmul.f32 v6, v4;
	v6 =	vld.idx.msk [tilespmem:v8+s19+$0x0], $0xffff  }
0x44a: {  	v3 =	vadd.f32 v9, v3;
	_ =	sdelay $0x1  }
0x44b: {  	v3 =	vadd.f32 v5, v3;
	v5 =	vor.u32 $0x31, v2  }
0x44c: {  	v7 =	vld [tilespmem:$0x1FBC0]  }
0x44d: {  	[tilespmem:$0x1FBE0] =	vst v6;
	v6 =	vld [tilespmem:$0x1FF00];
	_ =	sdelay $0x2  }
0x44e: {  	v5 =	vld.idx.msk [tilespmem:v5+s19+$0x0], $0xffff  }
0x44f: {  	v8 =	vld [tilespmem:$0x1FBD0];
	v3 =	vadd.f32 v4, v3;
	v4 =	vor.u32 $0x32, v2  }
0x450: {  	v6 =	vmul.f32 v7, v6;
	v7 =	vld [tilespmem:$0x1FF10];
	_ =	sdelay $0x2  }
0x451: {  	v9 =	vor.u32 $0x30, v2;
	[tilespmem:$0x1FBF0] =	vst v5;
	v5 =	vld [tilespmem:$0x1FF20]  }
0x452: {  	v4 =	vld.idx.msk [tilespmem:v4+s19+$0x0], $0xffff;
	v3 =	vadd.f32 v6, v3;
	v6 =	vor.u32 $0x33, v2  }
0x453: {  	v7 =	vmul.f32 v8, v7;
	v8 =	vld [tilespmem:$0x1FBE0];
	_ =	sdelay $0x2  }
0x454: {  	v9 =	vld.idx.msk [tilespmem:v9+s19+$0x0], $0xffff  }
0x455: {  	[tilespmem:$0x1FC00] =	vst v4;
	v4 =	vld.idx.msk [tilespmem:v6+s19+$0x0], $0xffff  }
0x456: {  	v8 =	vmul.f32 v8, v5;
	v5 =	vld [tilespmem:$0x1FF30];
	_ =	sdelay $0x3  }
0x457: {  	[tilespmem:$0x1FC10] =	vst v4;
	v4 =	vld [tilespmem:$0x1FBF0]  }
0x458: {  	v3 =	vadd.f32 v7, v3;
	v7 =	vor.u32 $0x34, v2;
	v9 =	vmul.f32 v9, v5;
	v5 =	vld [tilespmem:$0x1FF40];
	_ =	sdelay $0x4  }
0x459: {  	v5 =	vmul.f32 v4, v5;
	v4 =	vld.idx.msk [tilespmem:v7+s19+$0x0], $0xffff;
	_ =	sdelay $0x3  }
0x45a: {  	v6 =	vld [tilespmem:$0x1FC00]  }
0x45b: {  	v3 =	vadd.f32 v8, v3;
	v8 =	vor.u32 $0x35, v2;
	[tilespmem:$0x1FC20] =	vst v4;
	v4 =	vld [tilespmem:$0x1FF50];
	_ =	sdelay $0x4  }
0x45c: {  	v4 =	vmul.f32 v6, v4;
	v6 =	vld.idx.msk [tilespmem:v8+s19+$0x0], $0xffff;
	_ =	sdelay $0x3  }
0x45d: {  	v7 =	vld [tilespmem:$0x1FC10]  }
0x45e: {  	[tilespmem:$0x1FC30] =	vst v6;
	v6 =	vld [tilespmem:$0x1FF60];
	_ =	sdelay $0x3  }
0x45f: {  	v8 =	vld [tilespmem:$0x1FC20]  }
0x460: {  	v6 =	vmul.f32 v7, v6;
	v7 =	vld [tilespmem:$0x1FF80];
	_ =	sdelay $0x1  }
0x461: {  	v3 =	vadd.f32 v9, v3;
	v9 =	vor.u32 $0x36, v2;
	_ =	sdelay $0x1  }
0x462: {  	v3 =	vadd.f32 v5, v3;
	v5 =	vor.u32 $0x37, v2  }
0x463: {  	v7 =	vmul.f32 v8, v7;
	v8 =	vld [tilespmem:$0x1FC30]  }
0x464: {  	v3 =	vadd.f32 v4, v3;
	v4 =	vor.u32 $0x38, v2  }
0x465: {  	v9 =	vld.idx.msk [tilespmem:v9+s19+$0x0], $0xffff  }
0x466: {  	v3 =	vadd.f32 v6, v3;
	v6 =	vor.u32 $0x39, v2  }
0x467: {  	v5 =	vld.idx.msk [tilespmem:v5+s19+$0x0], $0xffff  }
0x468: {  	v3 =	vadd.f32 v7, v3;
	v7 =	vor.u32 $0x3A, v2;
	v8 =	vmul.f32 v8, v16  }
0x469: {  	v4 =	vld.idx.msk [tilespmem:v4+s19+$0x0], $0xffff  }
0x46a: {  	v9 =	vmul.f32 v9, v17;
	v3 =	vadd.f32 v8, v3;
	v8 =	vor.u32 $0x3B, v2  }
0x46b: {  	v6 =	vld.idx.msk [tilespmem:v6+s19+$0x0], $0xffff  }
0x46c: {  	v5 =	vmul.f32 v5, v18;
	v3 =	vadd.f32 v9, v3;
	v9 =	vor.u32 $0x3C, v2  }
0x46d: {  	v7 =	vld.idx.msk [tilespmem:v7+s19+$0x0], $0xffff  }
0x46e: {  	v4 =	vmul.f32 v4, v19;
	v3 =	vadd.f32 v5, v3;
	v5 =	vor.u32 $0x3D, v2  }
0x46f: {  	v8 =	vld.idx.msk [tilespmem:v8+s19+$0x0], $0xffff  }
0x470: {  	v6 =	vmul.f32 v6, v20;
	v3 =	vadd.f32 v4, v3  }
0x471: {  	v4 =	vor.u32 $0x3E, v2;
	v9 =	vld.idx.msk [tilespmem:v9+s19+$0x0], $0xffff  }
0x472: {  	v3 =	vadd.f32 v6, v3;
	v6 =	vmul.f32 v7, v21  }
0x473: {  	v5 =	vld.idx.msk [tilespmem:v5+s19+$0x0], $0xffff  }
0x474: {  	v3 =	vadd.f32 v6, v3;
	v6 =	vmul.f32 v8, v22;
	_ =	sdelay $0x1  }
0x475: {  	v7 =	vld.idx.msk [tilespmem:v4+s19+$0x0], $0xffff;
	v3 =	vadd.f32 v6, v3;
	v4 =	vmul.f32 v9, v23;
	_ =	sdelay $0x1  }
0x476: {  	v4 =	vadd.f32 v4, v3;
	v5 =	vmul.f32 v5, v24;
	_ =	sdelay $0x1  }
0x477: {  	v2 =	vor.u32 $0x3F, v2;
	v4 =	vadd.f32 v5, v4;
	v5 =	vld [tilespmem:$0x1FFB0];
	_ =	sdelay $0x3  }
0x478: {  	s0 =	simm.s32 $0x20  }
0x479: {  	v11 =	vmov v13;
	s31 =	simm.s32 $0x30;
	s30 =	smov.u32 s28;
	v3 =	vld.idx.msk [tilespmem:v2+s19+$0x0], $0xffff;
	v2 =	vmov s0;
	v5 =	vmul.f32 v7, v5  }
.LBB2_5:
0x47a: {  	_ =	sdelay $0x2  }
0x47b: {  	v2 =	vshll.u32 v2, $0x7  }
0x47c: {  	v2 =	vor.u32 v10, v2;
	v4 =	vadd.f32 v5, v4;
	v3 =	vmul.f32 v3, v0;
	_ =	sdelay $0x1  }
0x47d: {  	v5 =	vor.u32 $0x1, v2;
	v3 =	vadd.f32 v3, v4  }
0x47e: {  	s30 =	sadd.s32 $0x10, s30  }
0x47f: {  	v4 =	vor.u32 $0x2, v2;
	[tilespmem:s30+$0x0] =	vst v3  }
0x480: {  	v3 =	vld.idx.msk [tilespmem:v2+s19+$0x0], $0xffff  }
0x481: {  	v6 =	vor.u32 $0x3, v2  }
0x482: {  	v5 =	vld.idx.msk [tilespmem:v5+s19+$0x0], $0xffff  }
0x483: {  	v7 =	vor.u32 $0x4, v2  }
0x484: {  	v4 =	vld.idx.msk [tilespmem:v4+s19+$0x0], $0xffff  }
0x485: {  	v8 =	vor.u32 $0x5, v2;
	v3 =	vmul.f32 v3, v13  }
0x486: {  	v6 =	vld.idx.msk [tilespmem:v6+s19+$0x0], $0xffff  }
0x487: {  	v9 =	vor.u32 $0x6, v2;
	v5 =	vmul.f32 v5, v25;
	v3 =	vadd.f32 $0.0e+00, v3  }
0x488: {  	v7 =	vld.idx.msk [tilespmem:v7+s19+$0x0], $0xffff  }
0x489: {  	v10 =	vor.u32 $0x7, v2;
	v4 =	vmul.f32 v4, v26;
	v3 =	vadd.f32 v5, v3  }
0x48a: {  	v5 =	vld.idx.msk [tilespmem:v8+s19+$0x0], $0xffff  }
0x48b: {  	v8 =	vor.u32 $0x8, v2;
	v3 =	vadd.f32 v4, v3;
	v4 =	vmul.f32 v6, v27  }
0x48c: {  	v6 =	vld.idx.msk [tilespmem:v9+s19+$0x0], $0xffff  }
0x48d: {  	v9 =	vor.u32 $0x9, v2;
	v3 =	vadd.f32 v4, v3;
	v4 =	vmul.f32 v7, v28  }
0x48e: {  	v7 =	vld.idx.msk [tilespmem:v10+s19+$0x0], $0xffff  }
0x48f: {  	v10 =	vor.u32 $0xA, v2;
	v3 =	vadd.f32 v4, v3;
	v4 =	vmul.f32 v5, v29  }
0x490: {  	v5 =	vld.idx.msk [tilespmem:v8+s19+$0x0], $0xffff  }
0x491: {  	v8 =	vor.u32 $0xB, v2;
	v3 =	vadd.f32 v4, v3;
	v4 =	vmul.f32 v6, v30  }
0x492: {  	v6 =	vld.idx.msk [tilespmem:v9+s19+$0x0], $0xffff  }
0x493: {  	v9 =	vor.u32 $0xC, v2;
	v3 =	vadd.f32 v4, v3;
	v4 =	vmul.f32 v7, v31  }
0x494: {  	v7 =	vld.idx.msk [tilespmem:v10+s19+$0x0], $0xffff  }
0x495: {  	v10 =	vor.u32 $0xD, v2;
	v3 =	vadd.f32 v4, v3;
	v4 =	vmul.f32 v5, v32  }
0x496: {  	v5 =	vld.idx.msk [tilespmem:v8+s19+$0x0], $0xffff  }
0x497: {  	v8 =	vor.u32 $0xE, v2;
	v3 =	vadd.f32 v4, v3;
	v4 =	vmul.f32 v6, v33  }
0x498: {  	v6 =	vld.idx.msk [tilespmem:v9+s19+$0x0], $0xffff  }
0x499: {  	v9 =	vor.u32 $0xF, v2;
	v3 =	vadd.f32 v4, v3;
	v4 =	vmul.f32 v7, v34  }
0x49a: {  	v7 =	vld.idx.msk [tilespmem:v10+s19+$0x0], $0xffff  }
0x49b: {  	v10 =	vor.u32 $0x10, v2;
	v3 =	vadd.f32 v4, v3;
	v4 =	vmul.f32 v5, v35  }
0x49c: {  	v5 =	vld.idx.msk [tilespmem:v8+s19+$0x0], $0xffff  }
0x49d: {  	v8 =	vor.u32 $0x11, v2;
	v3 =	vadd.f32 v4, v3;
	v4 =	vmul.f32 v6, v36  }
0x49e: {  	v6 =	vld.idx.msk [tilespmem:v9+s19+$0x0], $0xffff  }
0x49f: {  	v9 =	vor.u32 $0x12, v2;
	v3 =	vadd.f32 v4, v3;
	v4 =	vmul.f32 v7, v37  }
0x4a0: {  	v7 =	vld.idx.msk [tilespmem:v10+s19+$0x0], $0xffff  }
0x4a1: {  	v10 =	vor.u32 $0x13, v2;
	v3 =	vadd.f32 v4, v3;
	v4 =	vmul.f32 v5, v38  }
0x4a2: {  	v5 =	vld.idx.msk [tilespmem:v8+s19+$0x0], $0xffff  }
0x4a3: {  	v8 =	vor.u32 $0x14, v2;
	v3 =	vadd.f32 v4, v3;
	v4 =	vmul.f32 v6, v39  }
0x4a4: {  	v6 =	vld.idx.msk [tilespmem:v9+s19+$0x0], $0xffff  }
0x4a5: {  	v9 =	vor.u32 $0x15, v2;
	v3 =	vadd.f32 v4, v3;
	v4 =	vmul.f32 v7, v40  }
0x4a6: {  	v7 =	vld.idx.msk [tilespmem:v10+s19+$0x0], $0xffff  }
0x4a7: {  	v10 =	vor.u32 $0x16, v2;
	v3 =	vadd.f32 v4, v3;
	v4 =	vmul.f32 v5, v41  }
0x4a8: {  	v5 =	vld.idx.msk [tilespmem:v8+s19+$0x0], $0xffff  }
0x4a9: {  	v8 =	vor.u32 $0x17, v2;
	v3 =	vadd.f32 v4, v3;
	v4 =	vmul.f32 v6, v42  }
0x4aa: {  	v6 =	vld.idx.msk [tilespmem:v9+s19+$0x0], $0xffff  }
0x4ab: {  	v9 =	vor.u32 $0x18, v2;
	v3 =	vadd.f32 v4, v3;
	v4 =	vmul.f32 v7, v43  }
0x4ac: {  	v7 =	vld.idx.msk [tilespmem:v10+s19+$0x0], $0xffff  }
0x4ad: {  	v10 =	vor.u32 $0x19, v2;
	v3 =	vadd.f32 v4, v3;
	v4 =	vmul.f32 v5, v44  }
0x4ae: {  	v5 =	vld.idx.msk [tilespmem:v8+s19+$0x0], $0xffff  }
0x4af: {  	v8 =	vor.u32 $0x1A, v2;
	v3 =	vadd.f32 v4, v3;
	v4 =	vmul.f32 v6, v45  }
0x4b0: {  	v6 =	vld.idx.msk [tilespmem:v9+s19+$0x0], $0xffff  }
0x4b1: {  	v9 =	vor.u32 $0x1B, v2;
	v3 =	vadd.f32 v4, v3;
	v4 =	vmul.f32 v7, v46  }
0x4b2: {  	v7 =	vld.idx.msk [tilespmem:v10+s19+$0x0], $0xffff  }
0x4b3: {  	v10 =	vor.u32 $0x1C, v2;
	v3 =	vadd.f32 v4, v3;
	v4 =	vmul.f32 v5, v47  }
0x4b4: {  	v5 =	vld.idx.msk [tilespmem:v8+s19+$0x0], $0xffff  }
0x4b5: {  	v8 =	vor.u32 $0x1D, v2;
	v3 =	vadd.f32 v4, v3;
	v4 =	vmul.f32 v6, v48  }
0x4b6: {  	v6 =	vld.idx.msk [tilespmem:v9+s19+$0x0], $0xffff  }
0x4b7: {  	v9 =	vor.u32 $0x1E, v2;
	v3 =	vadd.f32 v4, v3;
	v4 =	vmul.f32 v7, v49  }
0x4b8: {  	v7 =	vld.idx.msk [tilespmem:v10+s19+$0x0], $0xffff  }
0x4b9: {  	v10 =	vor.u32 $0x1F, v2;
	v3 =	vadd.f32 v4, v3;
	v4 =	vmul.f32 v5, v50  }
0x4ba: {  	v5 =	vld.idx.msk [tilespmem:v8+s19+$0x0], $0xffff  }
0x4bb: {  	v8 =	vor.u32 $0x20, v2;
	v3 =	vadd.f32 v4, v3;
	v4 =	vmul.f32 v6, v51  }
0x4bc: {  	v6 =	vld.idx.msk [tilespmem:v9+s19+$0x0], $0xffff  }
0x4bd: {  	v9 =	vor.u32 $0x21, v2;
	v3 =	vadd.f32 v4, v3;
	v4 =	vmul.f32 v7, v52  }
0x4be: {  	v7 =	vld.idx.msk [tilespmem:v10+s19+$0x0], $0xffff  }
0x4bf: {  	v10 =	vor.u32 $0x22, v2;
	v3 =	vadd.f32 v4, v3;
	v4 =	vmul.f32 v5, v53  }
0x4c0: {  	v5 =	vld.idx.msk [tilespmem:v8+s19+$0x0], $0xffff  }
0x4c1: {  	v8 =	vor.u32 $0x23, v2;
	v3 =	vadd.f32 v4, v3;
	v4 =	vmul.f32 v6, v54  }
0x4c2: {  	v6 =	vld.idx.msk [tilespmem:v9+s19+$0x0], $0xffff  }
0x4c3: {  	v9 =	vor.u32 $0x24, v2;
	v3 =	vadd.f32 v4, v3;
	v4 =	vmul.f32 v7, v55  }
0x4c4: {  	v7 =	vld.idx.msk [tilespmem:v10+s19+$0x0], $0xffff  }
0x4c5: {  	v10 =	vor.u32 $0x25, v2;
	v3 =	vadd.f32 v4, v3;
	v4 =	vmul.f32 v5, v56  }
0x4c6: {  	v5 =	vld.idx.msk [tilespmem:v8+s19+$0x0], $0xffff  }
0x4c7: {  	v8 =	vor.u32 $0x26, v2;
	v3 =	vadd.f32 v4, v3;
	v4 =	vmul.f32 v6, v57  }
0x4c8: {  	v6 =	vld.idx.msk [tilespmem:v9+s19+$0x0], $0xffff  }
0x4c9: {  	v9 =	vor.u32 $0x27, v2;
	v3 =	vadd.f32 v4, v3;
	v4 =	vmul.f32 v7, v58  }
0x4ca: {  	v7 =	vld.idx.msk [tilespmem:v10+s19+$0x0], $0xffff  }
0x4cb: {  	v3 =	vadd.f32 v4, v3;
	v4 =	vmul.f32 v5, v59  }
0x4cc: {  	v5 =	vld.idx.msk [tilespmem:v8+s19+$0x0], $0xffff  }
0x4cd: {  	v3 =	vadd.f32 v4, v3;
	v4 =	vmul.f32 v6, v60  }
0x4ce: {  	v6 =	vld.idx.msk [tilespmem:v9+s19+$0x0], $0xffff  }
0x4cf: {  	v10 =	vor.u32 $0x28, v2;
	v3 =	vadd.f32 v4, v3;
	v4 =	vmul.f32 v7, v61;
	_ =	sdelay $0x1  }
0x4d0: {  	v3 =	vadd.f32 v4, v3;
	v4 =	vmul.f32 v5, v62  }
0x4d1: {  	v8 =	vor.u32 $0x29, v2  }
0x4d2: {  	v3 =	vadd.f32 v4, v3;
	v4 =	vmul.f32 v6, v63  }
0x4d3: {  	v7 =	vld.idx.msk [tilespmem:v10+s19+$0x0], $0xffff  }
0x4d4: {  	v3 =	vadd.f32 v4, v3;
	v4 =	vld [tilespmem:$0x1FEB0];
	_ =	sdelay $0x1  }
0x4d5: {  	v5 =	vld.idx.msk [tilespmem:v8+s19+$0x0], $0xffff  }
0x4d6: {  	v9 =	vor.u32 $0x2A, v2;
	_ =	sdelay $0x1  }
0x4d7: {  	v4 =	vmul.f32 v7, v4;
	_ =	sdelay $0x1  }
0x4d8: {  	v3 =	vadd.f32 v4, v3;
	v4 =	vmul.f32 v5, v15  }
0x4d9: {  	v6 =	vld.idx.msk [tilespmem:v9+s19+$0x0], $0xffff  }
0x4da: {  	v3 =	vadd.f32 v4, v3;
	v4 =	vld [tilespmem:$0x1FED0]  }
0x4db: {  	v10 =	vor.u32 $0x2B, v2;
	_ =	sdelay $0x3  }
0x4dc: {  	v4 =	vmul.f32 v6, v4  }
0x4dd: {  	v7 =	vld.idx.msk [tilespmem:v10+s19+$0x0], $0xffff  }
0x4de: {  	v3 =	vadd.f32 v4, v3;
	v4 =	vld [tilespmem:$0x1FEE0]  }
0x4df: {  	v8 =	vor.u32 $0x2C, v2;
	_ =	sdelay $0x3  }
0x4e0: {  	v4 =	vmul.f32 v7, v4  }
0x4e1: {  	v5 =	vld.idx.msk [tilespmem:v8+s19+$0x0], $0xffff  }
0x4e2: {  	v3 =	vadd.f32 v4, v3;
	v4 =	vld [tilespmem:$0x1FEF0]  }
0x4e3: {  	v9 =	vor.u32 $0x2D, v2;
	_ =	sdelay $0x3  }
0x4e4: {  	v4 =	vmul.f32 v5, v4  }
0x4e5: {  	v6 =	vld.idx.msk [tilespmem:v9+s19+$0x0], $0xffff  }
0x4e6: {  	v3 =	vadd.f32 v4, v3;
	v4 =	vld [tilespmem:$0x1FF00]  }
0x4e7: {  	v10 =	vor.u32 $0x2E, v2;
	_ =	sdelay $0x3  }
0x4e8: {  	v4 =	vmul.f32 v6, v4  }
0x4e9: {  	v7 =	vld.idx.msk [tilespmem:v10+s19+$0x0], $0xffff  }
0x4ea: {  	v3 =	vadd.f32 v4, v3;
	v4 =	vld [tilespmem:$0x1FF10]  }
0x4eb: {  	v8 =	vor.u32 $0x2F, v2;
	_ =	sdelay $0x3  }
0x4ec: {  	v4 =	vmul.f32 v7, v4  }
0x4ed: {  	v5 =	vld.idx.msk [tilespmem:v8+s19+$0x0], $0xffff  }
0x4ee: {  	v3 =	vadd.f32 v4, v3;
	v4 =	vld [tilespmem:$0x1FF20]  }
0x4ef: {  	v9 =	vor.u32 $0x30, v2;
	_ =	sdelay $0x3  }
0x4f0: {  	v4 =	vmul.f32 v5, v4  }
0x4f1: {  	v6 =	vld.idx.msk [tilespmem:v9+s19+$0x0], $0xffff  }
0x4f2: {  	v3 =	vadd.f32 v4, v3;
	v4 =	vld [tilespmem:$0x1FF30]  }
0x4f3: {  	v10 =	vor.u32 $0x31, v2;
	_ =	sdelay $0x3  }
0x4f4: {  	v4 =	vmul.f32 v6, v4  }
0x4f5: {  	v7 =	vld.idx.msk [tilespmem:v10+s19+$0x0], $0xffff  }
0x4f6: {  	v3 =	vadd.f32 v4, v3;
	v4 =	vld [tilespmem:$0x1FF40]  }
0x4f7: {  	v8 =	vor.u32 $0x32, v2;
	_ =	sdelay $0x3  }
0x4f8: {  	v4 =	vmul.f32 v7, v4  }
0x4f9: {  	v5 =	vld.idx.msk [tilespmem:v8+s19+$0x0], $0xffff  }
0x4fa: {  	v3 =	vadd.f32 v4, v3;
	v4 =	vld [tilespmem:$0x1FF50]  }
0x4fb: {  	v9 =	vor.u32 $0x33, v2;
	_ =	sdelay $0x2  }
0x4fc: {  	v10 =	vor.u32 $0x34, v2  }
0x4fd: {  	v4 =	vmul.f32 v5, v4  }
0x4fe: {  	v8 =	vor.u32 $0x35, v2;
	v6 =	vld.idx.msk [tilespmem:v9+s19+$0x0], $0xffff  }
0x4ff: {  	v3 =	vadd.f32 v4, v3;
	v4 =	vld [tilespmem:$0x1FF60]  }
0x500: {  	v9 =	vor.u32 $0x36, v2  }
0x501: {  	v7 =	vld.idx.msk [tilespmem:v10+s19+$0x0], $0xffff  }
0x502: {  	v10 =	vor.u32 $0x37, v2  }
0x503: {  	v5 =	vld.idx.msk [tilespmem:v8+s19+$0x0], $0xffff  }
0x504: {  	v8 =	vor.u32 $0x38, v2;
	v4 =	vmul.f32 v6, v4  }
0x505: {  	v6 =	vld.idx.msk [tilespmem:v9+s19+$0x0], $0xffff  }
0x506: {  	v9 =	vor.u32 $0x39, v2;
	v3 =	vadd.f32 v4, v3;
	v4 =	vmul.f32 v7, v1  }
0x507: {  	v7 =	vld.idx.msk [tilespmem:v10+s19+$0x0], $0xffff  }
0x508: {  	v10 =	vor.u32 $0x3A, v2;
	v3 =	vadd.f32 v4, v3;
	v4 =	vmul.f32 v5, v16  }
0x509: {  	v5 =	vld.idx.msk [tilespmem:v8+s19+$0x0], $0xffff  }
0x50a: {  	v8 =	vor.u32 $0x3B, v2;
	v3 =	vadd.f32 v4, v3;
	v4 =	vmul.f32 v6, v17  }
0x50b: {  	v6 =	vld.idx.msk [tilespmem:v9+s19+$0x0], $0xffff  }
0x50c: {  	v9 =	vor.u32 $0x3C, v2;
	v3 =	vadd.f32 v4, v3;
	v4 =	vmul.f32 v7, v18  }
0x50d: {  	v7 =	vld.idx.msk [tilespmem:v10+s19+$0x0], $0xffff  }
0x50e: {  	v10 =	vor.u32 $0x3D, v2;
	v3 =	vadd.f32 v4, v3;
	v4 =	vmul.f32 v5, v19  }
0x50f: {  	v5 =	vld.idx.msk [tilespmem:v8+s19+$0x0], $0xffff  }
0x510: {  	v8 =	vor.u32 $0x3E, v2;
	v3 =	vadd.f32 v4, v3;
	v4 =	vmul.f32 v6, v20  }
0x511: {  	v6 =	vld.idx.msk [tilespmem:v9+s19+$0x0], $0xffff  }
0x512: {  	v3 =	vadd.f32 v4, v3;
	v4 =	vmul.f32 v7, v21  }
0x513: {  	v7 =	vld.idx.msk [tilespmem:v10+s19+$0x0], $0xffff  }
0x514: {  	v3 =	vadd.f32 v4, v3;
	v4 =	vmul.f32 v5, v22  }
0x515: {  	p1 =	sne.s32 s31, $0xC0;
	v2 =	vor.u32 $0x3F, v2;
	v5 =	vld.idx.msk [tilespmem:v8+s19+$0x0], $0xffff  }
.Ltmp1:
0x516: {  	v6 =	vmul.f32 v6, v23;
	v4 =	vadd.f32 v4, v3;
	(pc) =	sbr.rel @p1 .LBB2_5-.Ltmp1, $3  }
0x517: {  	_ = 	snop  }
0x518: {  	v4 =	vadd.f32 v6, v4;
	v6 =	vmul.f32 v7, v24;
	_ =	sdelay $0x1  }
0x519: {  	v10 =	vmovc v12;
	v3 =	vld.idx.msk [tilespmem:v2+s19+$0x0], $0xffff;
	v2 =	vmov s31;
	s31 =	sadd.s32 $0x10, s31;
	v5 =	vmul.f32 v5, v14;
	v4 =	vadd.f32 v6, v4  }
0x51a: {  	_ =	sdelay $0x2  }
0x51b: {  	v2 =	vshll.u32 v2, $0x7  }
0x51c: {  	v2 =	vor.u32 v10, v2;
	v4 =	vadd.f32 v5, v4;
	v3 =	vmul.f32 v3, v0;
	_ =	sdelay $0x1  }
0x51d: {  	v5 =	vor.u32 $0x1, v2;
	v3 =	vadd.f32 v3, v4  }
0x51e: {  	s30 =	sadd.s32 $0x10, s30  }
0x51f: {  	v4 =	vor.u32 $0x2, v2;
	[tilespmem:s30+$0x0] =	vst v3  }
0x520: {  	v3 =	vld.idx.msk [tilespmem:v2+s19+$0x0], $0xffff  }
0x521: {  	v6 =	vor.u32 $0x3, v2  }
0x522: {  	v5 =	vld.idx.msk [tilespmem:v5+s19+$0x0], $0xffff  }
0x523: {  	v7 =	vor.u32 $0x4, v2  }
0x524: {  	v4 =	vld.idx.msk [tilespmem:v4+s19+$0x0], $0xffff  }
0x525: {  	v8 =	vor.u32 $0x5, v2;
	v3 =	vmul.f32 v3, v13  }
0x526: {  	v6 =	vld.idx.msk [tilespmem:v6+s19+$0x0], $0xffff  }
0x527: {  	v9 =	vor.u32 $0x6, v2;
	v5 =	vmul.f32 v5, v25;
	v3 =	vadd.f32 $0.0e+00, v3  }
0x528: {  	v7 =	vld.idx.msk [tilespmem:v7+s19+$0x0], $0xffff  }
0x529: {  	v4 =	vmul.f32 v4, v26;
	v3 =	vadd.f32 v5, v3;
	v5 =	vor.u32 $0x7, v2  }
0x52a: {  	v8 =	vld.idx.msk [tilespmem:v8+s19+$0x0], $0xffff  }
0x52b: {  	v6 =	vmul.f32 v6, v27;
	v3 =	vadd.f32 v4, v3;
	v4 =	vor.u32 $0x8, v2  }
0x52c: {  	v9 =	vld.idx.msk [tilespmem:v9+s19+$0x0], $0xffff  }
0x52d: {  	v7 =	vmul.f32 v7, v28;
	v3 =	vadd.f32 v6, v3;
	v6 =	vor.u32 $0x9, v2  }
0x52e: {  	v5 =	vld.idx.msk [tilespmem:v5+s19+$0x0], $0xffff  }
0x52f: {  	v8 =	vmul.f32 v8, v29;
	v3 =	vadd.f32 v7, v3;
	v7 =	vor.u32 $0xA, v2  }
0x530: {  	v4 =	vld.idx.msk [tilespmem:v4+s19+$0x0], $0xffff  }
0x531: {  	v9 =	vmul.f32 v9, v30;
	v3 =	vadd.f32 v8, v3;
	v8 =	vor.u32 $0xB, v2  }
0x532: {  	v6 =	vld.idx.msk [tilespmem:v6+s19+$0x0], $0xffff  }
0x533: {  	v3 =	vadd.f32 v9, v3;
	v9 =	vor.u32 $0xC, v2;
	v5 =	vmul.f32 v5, v31  }
0x534: {  	v7 =	vld.idx.msk [tilespmem:v7+s19+$0x0], $0xffff  }
0x535: {  	v3 =	vadd.f32 v5, v3;
	v5 =	vor.u32 $0xD, v2;
	v4 =	vmul.f32 v4, v32  }
0x536: {  	v8 =	vld.idx.msk [tilespmem:v8+s19+$0x0], $0xffff  }
0x537: {  	v32 =	vor.u32 $0xE, v2;
	v3 =	vadd.f32 v4, v3;
	v6 =	vmul.f32 v6, v33  }
0x538: {  	v9 =	vld.idx.msk [tilespmem:v9+s19+$0x0], $0xffff  }
0x539: {  	v3 =	vadd.f32 v6, v3;
	v6 =	vor.u32 $0xF, v2;
	v7 =	vmul.f32 v7, v34  }
0x53a: {  	v5 =	vld.idx.msk [tilespmem:v5+s19+$0x0], $0xffff  }
0x53b: {  	v3 =	vadd.f32 v7, v3;
	v7 =	vor.u32 $0x10, v2;
	v8 =	vmul.f32 v8, v35  }
0x53c: {  	v4 =	vld.idx.msk [tilespmem:v32+s19+$0x0], $0xffff  }
0x53d: {  	v3 =	vadd.f32 v8, v3;
	v8 =	vor.u32 $0x11, v2;
	v9 =	vmul.f32 v9, v36  }
0x53e: {  	v6 =	vld.idx.msk [tilespmem:v6+s19+$0x0], $0xffff  }
0x53f: {  	v3 =	vadd.f32 v9, v3;
	v9 =	vor.u32 $0x12, v2;
	v5 =	vmul.f32 v5, v37  }
0x540: {  	v7 =	vld.idx.msk [tilespmem:v7+s19+$0x0], $0xffff  }
0x541: {  	v26 =	vmovc v37;
	v37 =	vor.u32 $0x13, v2;
	v4 =	vmul.f32 v4, v38;
	v3 =	vadd.f32 v5, v3  }
0x542: {  	v8 =	vld.idx.msk [tilespmem:v8+s19+$0x0], $0xffff  }
0x543: {  	v27 =	vmovc v38;
	v38 =	vor.u32 $0x14, v2;
	v3 =	vadd.f32 v4, v3;
	v6 =	vmul.f32 v6, v39  }
0x544: {  	v9 =	vld.idx.msk [tilespmem:v9+s19+$0x0], $0xffff  }
0x545: {  	v28 =	vmovc v39;
	v39 =	vor.u32 $0x15, v2;
	v3 =	vadd.f32 v6, v3;
	v7 =	vmul.f32 v7, v40  }
0x546: {  	v5 =	vld.idx.msk [tilespmem:v37+s19+$0x0], $0xffff  }
0x547: {  	v29 =	vmovc v40;
	v40 =	vor.u32 $0x16, v2;
	v3 =	vadd.f32 v7, v3;
	v8 =	vmul.f32 v8, v41  }
0x548: {  	v4 =	vld.idx.msk [tilespmem:v38+s19+$0x0], $0xffff  }
0x549: {  	v3 =	vadd.f32 v8, v3;
	v8 =	vor.u32 $0x17, v2;
	v9 =	vmul.f32 v9, v42  }
0x54a: {  	v6 =	vld.idx.msk [tilespmem:v39+s19+$0x0], $0xffff  }
0x54b: {  	v5 =	vmul.f32 v5, v43;
	v3 =	vadd.f32 v9, v3;
	v9 =	vor.u32 $0x18, v2  }
0x54c: {  	v7 =	vld.idx.msk [tilespmem:v40+s19+$0x0], $0xffff  }
0x54d: {  	v30 =	vmovc v41;
	v41 =	vor.u32 $0x19, v2;
	v4 =	vmul.f32 v4, v44;
	v3 =	vadd.f32 v5, v3  }
0x54e: {  	v8 =	vld.idx.msk [tilespmem:v8+s19+$0x0], $0xffff  }
0x54f: {  	v31 =	vmovc v42;
	v42 =	vor.u32 $0x1A, v2;
	v6 =	vmul.f32 v6, v45;
	v3 =	vadd.f32 v4, v3  }
0x550: {  	v9 =	vld.idx.msk [tilespmem:v9+s19+$0x0], $0xffff  }
0x551: {  	v32 =	vmovc v43;
	v43 =	vor.u32 $0x1B, v2;
	v7 =	vmul.f32 v7, v46;
	v3 =	vadd.f32 v6, v3  }
0x552: {  	v5 =	vld.idx.msk [tilespmem:v41+s19+$0x0], $0xffff  }
0x553: {  	v34 =	vmovc v45;
	v45 =	vmovc v46;
	v46 =	vor.u32 $0x1C, v2;
	v3 =	vadd.f32 v7, v3;
	v8 =	vmul.f32 v8, v47  }
0x554: {  	v4 =	vld.idx.msk [tilespmem:v42+s19+$0x0], $0xffff  }
0x555: {  	v3 =	vadd.f32 v8, v3;
	v8 =	vor.u32 $0x1D, v2;
	v9 =	vmul.f32 v9, v48  }
0x556: {  	v6 =	vld.idx.msk [tilespmem:v43+s19+$0x0], $0xffff  }
0x557: {  	v5 =	vmul.f32 v5, v49;
	v3 =	vadd.f32 v9, v3;
	v9 =	vor.u32 $0x1E, v2  }
0x558: {  	v13 =	vmov v35;
	v7 =	vld.idx.msk [tilespmem:v46+s19+$0x0], $0xffff  }
0x559: {  	v35 =	vmovc v36;
	v36 =	vmovc v47;
	v47 =	vor.u32 $0x1F, v2;
	v4 =	vmul.f32 v4, v50;
	v3 =	vadd.f32 v5, v3  }
0x55a: {  	v8 =	vld.idx.msk [tilespmem:v8+s19+$0x0], $0xffff  }
0x55b: {  	v37 =	vmovc v48;
	v48 =	vor.u32 $0x20, v2;
	v6 =	vmul.f32 v6, v51;
	v3 =	vadd.f32 v4, v3  }
0x55c: {  	v9 =	vld.idx.msk [tilespmem:v9+s19+$0x0], $0xffff  }
0x55d: {  	v38 =	vmovc v49;
	v49 =	vor.u32 $0x21, v2;
	v7 =	vmul.f32 v7, v52;
	v3 =	vadd.f32 v6, v3  }
0x55e: {  	v5 =	vld.idx.msk [tilespmem:v47+s19+$0x0], $0xffff  }
0x55f: {  	v39 =	vmovc v50;
	v50 =	vor.u32 $0x22, v2;
	v3 =	vadd.f32 v7, v3;
	v8 =	vmul.f32 v8, v53  }
0x560: {  	v4 =	vld.idx.msk [tilespmem:v48+s19+$0x0], $0xffff  }
0x561: {  	v3 =	vadd.f32 v8, v3;
	v8 =	vor.u32 $0x23, v2;
	v9 =	vmul.f32 v9, v54  }
0x562: {  	v6 =	vld.idx.msk [tilespmem:v49+s19+$0x0], $0xffff  }
0x563: {  	v5 =	vmul.f32 v5, v55;
	v3 =	vadd.f32 v9, v3  }
0x564: {  	v7 =	vld.idx.msk [tilespmem:v50+s19+$0x0], $0xffff  }
0x565: {  	v4 =	vmul.f32 v4, v56;
	v9 =	vor.u32 $0x24, v2;
	v3 =	vadd.f32 v5, v3  }
0x566: {  	v8 =	vld.idx.msk [tilespmem:v8+s19+$0x0], $0xffff  }
0x567: {  	v6 =	vmul.f32 v6, v57;
	v3 =	vadd.f32 v4, v3  }
0x568: {  	v40 =	vmov v51;
	v51 =	vor.u32 $0x25, v2  }
0x569: {  	v7 =	vmul.f32 v7, v58;
	v3 =	vadd.f32 v6, v3  }
0x56a: {  	v33 =	vmovc v44;
	v44 =	vmov v55;
	v55 =	vmov v56;
	v56 =	vor.u32 $0x26, v2;
	v9 =	vld.idx.msk [tilespmem:v9+s19+$0x0], $0xffff  }
0x56b: {  	v3 =	vadd.f32 v7, v3;
	v8 =	vmul.f32 v8, v59  }
0x56c: {  	v46 =	vmov v57;
	v57 =	vor.u32 $0x27, v2  }
0x56d: {  	v5 =	vld.idx.msk [tilespmem:v51+s19+$0x0], $0xffff;
	v3 =	vadd.f32 v8, v3;
	v8 =	vor.u32 $0x29, v2  }
0x56e: {  	v47 =	vmov v58;
	v58 =	vor.u32 $0x28, v2  }
0x56f: {  	v4 =	vld.idx.msk [tilespmem:v56+s19+$0x0], $0xffff;
	v9 =	vmul.f32 v9, v60  }
0x570: {  	v42 =	vmov v53;
	v53 =	vld [tilespmem:$0x1FEB0]  }
0x571: {  	v6 =	vld.idx.msk [tilespmem:v57+s19+$0x0], $0xffff;
	v3 =	vadd.f32 v9, v3;
	v9 =	vor.u32 $0x2A, v2  }
0x572: {  	v5 =	vmul.f32 v5, v61;
	v8 =	vld.idx.msk [tilespmem:v8+s19+$0x0], $0xffff  }
0x573: {  	v7 =	vld.idx.msk [tilespmem:v58+s19+$0x0], $0xffff  }
0x574: {  	v48 =	vmovc v59;
	v59 =	vor.u32 $0x2B, v2;
	v4 =	vmul.f32 v4, v62;
	v3 =	vadd.f32 v5, v3;
	_ =	sdelay $0x1  }
0x575: {  	v49 =	vmovc v60;
	v60 =	vor.u32 $0x2C, v2;
	v6 =	vmul.f32 v6, v63;
	v3 =	vadd.f32 v4, v3;
	v9 =	vld.idx.msk [tilespmem:v9+s19+$0x0], $0xffff  }
0x576: {  	v43 =	vmov v54;
	v54 =	vmov v15;
	v8 =	vmul.f32 v8, v15;
	v15 =	vld [tilespmem:$0x1FED0]  }
0x577: {  	v50 =	vmovc v61;
	v56 =	vld [tilespmem:$0x1FEE0];
	v61 =	vor.u32 $0x2D, v2;
	v7 =	vmul.f32 v7, v53;
	v3 =	vadd.f32 v6, v3  }
0x578: {  	v5 =	vld.idx.msk [tilespmem:v59+s19+$0x0], $0xffff  }
0x579: {  	v51 =	vmov v62;
	v57 =	vld [tilespmem:$0x1FEF0];
	v62 =	vor.u32 $0x2E, v2;
	v3 =	vadd.f32 v7, v3  }
0x57a: {  	v4 =	vld.idx.msk [tilespmem:v60+s19+$0x0], $0xffff  }
0x57b: {  	v58 =	vld [tilespmem:$0x1FF00];
	v3 =	vadd.f32 v8, v3;
	v8 =	vor.u32 $0x2F, v2;
	v9 =	vmul.f32 v9, v15  }
0x57c: {  	v6 =	vld.idx.msk [tilespmem:v61+s19+$0x0], $0xffff  }
0x57d: {  	v59 =	vld [tilespmem:$0x1FF10];
	v5 =	vmul.f32 v5, v56;
	v3 =	vadd.f32 v9, v3;
	v9 =	vor.u32 $0x30, v2  }
0x57e: {  	v7 =	vld.idx.msk [tilespmem:v62+s19+$0x0], $0xffff  }
0x57f: {  	v41 =	vmovc v52;
	v52 =	vmovc v63;
	v63 =	vor.u32 $0x31, v2;
	v60 =	vld [tilespmem:$0x1FF20];
	v4 =	vmul.f32 v4, v57;
	v3 =	vadd.f32 v5, v3  }
0x580: {  	v8 =	vld.idx.msk [tilespmem:v8+s19+$0x0], $0xffff  }
0x581: {  	v61 =	vld [tilespmem:$0x1FF30];
	v6 =	vmul.f32 v6, v58;
	v3 =	vadd.f32 v4, v3;
	v4 =	vor.u32 $0x32, v2  }
0x582: {  	v9 =	vld.idx.msk [tilespmem:v9+s19+$0x0], $0xffff  }
0x583: {  	v62 =	vld [tilespmem:$0x1FF40];
	v7 =	vmul.f32 v7, v59;
	v3 =	vadd.f32 v6, v3;
	v6 =	vor.u32 $0x33, v2  }
0x584: {  	v5 =	vld.idx.msk [tilespmem:v63+s19+$0x0], $0xffff  }
0x585: {  	v63 =	vld [tilespmem:$0x1FF50];
	v8 =	vmul.f32 v8, v60;
	v3 =	vadd.f32 v7, v3;
	v7 =	vor.u32 $0x34, v2  }
0x586: {  	v4 =	vld.idx.msk [tilespmem:v4+s19+$0x0], $0xffff  }
0x587: {  	v0 =	vld [tilespmem:$0x1FF60];
	v3 =	vadd.f32 v8, v3;
	v8 =	vor.u32 $0x35, v2;
	v9 =	vmul.f32 v9, v61  }
0x588: {  	v6 =	vld.idx.msk [tilespmem:v6+s19+$0x0], $0xffff  }
0x589: {  	v5 =	vmul.f32 v5, v62;
	v3 =	vadd.f32 v9, v3;
	v9 =	vor.u32 $0x36, v2  }
0x58a: {  	v7 =	vld.idx.msk [tilespmem:v7+s19+$0x0], $0xffff  }
0x58b: {  	v3 =	vadd.f32 v5, v3;
	v5 =	vor.u32 $0x37, v2;
	v4 =	vmul.f32 v4, v63  }
0x58c: {  	v8 =	vld.idx.msk [tilespmem:v8+s19+$0x0], $0xffff  }
0x58d: {  	v3 =	vadd.f32 v4, v3;
	v4 =	vor.u32 $0x38, v2;
	v6 =	vmul.f32 v6, v0  }
0x58e: {  	v9 =	vld.idx.msk [tilespmem:v9+s19+$0x0], $0xffff  }
0x58f: {  	v3 =	vadd.f32 v6, v3;
	v6 =	vor.u32 $0x39, v2;
	v7 =	vmul.f32 v7, v1  }
0x590: {  	v5 =	vld.idx.msk [tilespmem:v5+s19+$0x0], $0xffff  }
0x591: {  	v3 =	vadd.f32 v7, v3;
	v7 =	vor.u32 $0x3A, v2;
	v8 =	vmul.f32 v8, v16  }
0x592: {  	v4 =	vld.idx.msk [tilespmem:v4+s19+$0x0], $0xffff  }
0x593: {  	v3 =	vadd.f32 v8, v3;
	v8 =	vor.u32 $0x3B, v2;
	v9 =	vmul.f32 v9, v17  }
0x594: {  	v6 =	vld.idx.msk [tilespmem:v6+s19+$0x0], $0xffff  }
0x595: {  	v3 =	vadd.f32 v9, v3;
	v9 =	vor.u32 $0x3C, v2;
	v5 =	vmul.f32 v5, v18  }
0x596: {  	v7 =	vld.idx.msk [tilespmem:v7+s19+$0x0], $0xffff  }
0x597: {  	v3 =	vadd.f32 v5, v3;
	v5 =	vor.u32 $0x3D, v2;
	v4 =	vmul.f32 v4, v19  }
0x598: {  	v8 =	vld.idx.msk [tilespmem:v8+s19+$0x0], $0xffff  }
0x599: {  	v3 =	vadd.f32 v4, v3;
	v4 =	vor.u32 $0x3E, v2;
	v6 =	vmul.f32 v6, v20  }
0x59a: {  	v9 =	vld.idx.msk [tilespmem:v9+s19+$0x0], $0xffff  }
0x59b: {  	v2 =	vor.u32 $0x3F, v2;
	v3 =	vadd.f32 v6, v3;
	v6 =	vmul.f32 v7, v21  }
0x59c: {  	v5 =	vld.idx.msk [tilespmem:v5+s19+$0x0], $0xffff  }
0x59d: {  	v3 =	vadd.f32 v6, v3;
	v6 =	vmul.f32 v8, v22  }
0x59e: {  	v4 =	vld.idx.msk [tilespmem:v4+s19+$0x0], $0xffff  }
0x59f: {  	v1 =	vld [tilespmem:$0x1FF70];
	v3 =	vadd.f32 v6, v3;
	v6 =	vmul.f32 v9, v23  }
0x5a0: {  	v2 =	vld.idx.msk [tilespmem:v2+s19+$0x0], $0xffff  }
0x5a1: {  	v3 =	vadd.f32 v6, v3;
	v5 =	vmul.f32 v5, v24;
	_ =	sdelay $0x1  }
0x5a2: {  	v3 =	vadd.f32 v5, v3;
	v4 =	vmul.f32 v4, v14;
	_ =	sdelay $0x1  }
.Ltmp2:
0x5a3: {  	v2 =	vmul.f32 v2, v1;
	v3 =	vadd.f32 v4, v3;
	(pc) =	sbr.rel @p0 .LBB2_8-.Ltmp2, $4  }
0x5a4: {  	_ = 	snop  }
0x5a5: {  	v2 =	vadd.f32 v2, v3  }
0x5a6: {  	s0 =	sadd.s32 $0x10, s30;
	v16 =	vmov v17;
	v17 =	vmov v18  }
0x5a7: {  	v18 =	vmovc v19;
	v19 =	vmovc v21;
	v21 =	vmov v22;
	v22 =	vmov v23;
	v23 =	vmov v24;
	[tilespmem:s0+$0x0] =	vst v2  }
0x5a8: {  	s0 =	smul.u32 $0x1A0, s29  }
.Ltmp3:
0x5a9: {  	_ = 	snop;
	(pc) =	sbr.rel .LBB2_2-.Ltmp3, $4  }
0x5aa: {  	s0 =	sadd.s32 s0, s9  }
0x5ab: {  	v35 =	vmov v14;
	s29 =	sadd.s32 $0x1, s29;
	v14 =	vld [tilespmem:$0x1FF80];
	s0 =	sshll.u32 s0, $0x4  }
0x5ac: {  	s26 =	sadd.s32 $0x1A0, s26;
	s28 =	sadd.s32 $0x1A0, s28;
	v13 =	vmov v11;
	v25 =	vld [tilespmem:$0x1FFA0];
	v26 =	vmov v16;
	v27 =	vmov v17;
	s0 =	sadd.s32 s4, s0  }
0x5ad: {  	v28 =	vmovc v18;
	v29 =	vld [tilespmem:$0x1FF90];
	v30 =	vmovc v19;
	v31 =	vmov v21;
	v32 =	vmov v22;
	v33 =	vmov v23;
	[tilespmem:s19], [sflag:$0x2] =	stream.linear.gather [hbm4b:s0+s3], $0x6800, $0x38  }
.LBB2_8:
0x5ae: {  	s0 =	simm.s32 $0x0  }
0x5af: {  	v2 =	vmov s0  }
0x5b0: {  	v2 =	vshll.u32 v2, $0x7  }
0x5b1: {  	v2 =	vor.u32 v10, v2  }
0x5b2: {  	v3 =	vor.u32 $0x1, v2  }
0x5b3: {  	[tilespmem:s0], [sflag:$0x1] =	stream.linear.gather [hbm4b:s10+s0], $0x3800, $0x38;
	[tilespmem:$0x15300] =	vst v63  }
0x5b4: {  	_ =	swait.ge [sflag:s20], $0x3800  }
0x5b5: {  	[sflag:s20] =	ssyncset.done $0x0  }
0x5b6: {  	v24 =	vmov v13;
	v13 =	vmov v1;
	v1 =	vld [tilespmem:$0x1FC40];
	[sflag:s20] =	ssyncadd.s32 $0xFFFFC800;
	v4 =	vor.u32 $0x2, v2  }
0x5b7: {  	v3 =	vld.idx.msk [tilespmem:v3+s3+$0x0], $0xffff;
	_ =	sdelay $0x3  }
0x5b8: {  	v6 =	vor.u32 $0x3, v2;
	v4 =	vld.idx.msk [tilespmem:v4+s3+$0x0], $0xffff  }
0x5b9: {  	v3 =	vmul.f32 v3, v1;
	v1 =	vld [tilespmem:$0x1FC50];
	_ =	sdelay $0x3  }
0x5ba: {  	v7 =	vor.u32 $0x4, v2;
	v6 =	vld.idx.msk [tilespmem:v6+s3+$0x0], $0xffff  }
0x5bb: {  	v4 =	vmul.f32 v4, v1;
	v1 =	vld [tilespmem:$0x1FC60];
	_ =	sdelay $0x2  }
0x5bc: {  	v5 =	vld.idx.msk [tilespmem:v2+s3+$0x0], $0xffff  }
0x5bd: {  	v8 =	vor.u32 $0x5, v2;
	v7 =	vld.idx.msk [tilespmem:v7+s3+$0x0], $0xffff  }
0x5be: {  	v6 =	vmul.f32 v6, v1;
	v1 =	vld [tilespmem:$0x1FC70];
	_ =	sdelay $0x3  }
0x5bf: {  	v9 =	vor.u32 $0x6, v2;
	v8 =	vld.idx.msk [tilespmem:v8+s3+$0x0], $0xffff  }
0x5c0: {  	v5 =	vmul.f32 v5, v11;
	v7 =	vmul.f32 v7, v1;
	v1 =	vld [tilespmem:$0x1FC80];
	_ =	sdelay $0x1  }
0x5c1: {  	v5 =	vadd.f32 $0.0e+00, v5;
	_ =	sdelay $0x1  }
0x5c2: {  	v9 =	vld.idx.msk [tilespmem:v9+s3+$0x0], $0xffff;
	v3 =	vadd.f32 v3, v5;
	v5 =	vor.u32 $0x7, v2  }
0x5c3: {  	v8 =	vmul.f32 v8, v1;
	v1 =	vld [tilespmem:$0x1FC90];
	_ =	sdelay $0x3  }
0x5c4: {  	v3 =	vadd.f32 v4, v3;
	v4 =	vor.u32 $0x8, v2;
	v5 =	vld.idx.msk [tilespmem:v5+s3+$0x0], $0xffff  }
0x5c5: {  	v9 =	vmul.f32 v9, v1;
	v1 =	vld [tilespmem:$0x1FCA0];
	_ =	sdelay $0x3  }
0x5c6: {  	v3 =	vadd.f32 v6, v3;
	v6 =	vor.u32 $0x9, v2;
	v4 =	vld.idx.msk [tilespmem:v4+s3+$0x0], $0xffff  }
0x5c7: {  	v5 =	vmul.f32 v5, v1;
	v1 =	vld [tilespmem:$0x1FCB0];
	_ =	sdelay $0x3  }
0x5c8: {  	v3 =	vadd.f32 v7, v3;
	v7 =	vor.u32 $0xA, v2;
	v6 =	vld.idx.msk [tilespmem:v6+s3+$0x0], $0xffff  }
0x5c9: {  	v4 =	vmul.f32 v4, v1;
	v1 =	vld [tilespmem:$0x1FCC0];
	_ =	sdelay $0x1  }
0x5ca: {  	v3 =	vadd.f32 v8, v3;
	v8 =	vor.u32 $0xB, v2;
	_ =	sdelay $0x1  }
0x5cb: {  	v7 =	vld.idx.msk [tilespmem:v7+s3+$0x0], $0xffff;
	v3 =	vadd.f32 v9, v3;
	v9 =	vor.u32 $0xC, v2  }
0x5cc: {  	v6 =	vmul.f32 v6, v1;
	v1 =	vld [tilespmem:$0x1FCD0]  }
0x5cd: {  	v3 =	vadd.f32 v5, v3;
	v5 =	vor.u32 $0xD, v2  }
0x5ce: {  	v8 =	vld.idx.msk [tilespmem:v8+s3+$0x0], $0xffff  }
0x5cf: {  	v3 =	vadd.f32 v4, v3;
	v4 =	vor.u32 $0xE, v2  }
0x5d0: {  	v9 =	vld.idx.msk [tilespmem:v9+s3+$0x0], $0xffff  }
0x5d1: {  	v3 =	vadd.f32 v6, v3;
	v6 =	vor.u32 $0xF, v2;
	v7 =	vmul.f32 v7, v1  }
0x5d2: {  	v5 =	vld.idx.msk [tilespmem:v5+s3+$0x0], $0xffff  }
0x5d3: {  	v8 =	vmul.f32 v8, v24;
	v3 =	vadd.f32 v7, v3;
	v7 =	vor.u32 $0x10, v2  }
0x5d4: {  	v25 =	vmov v35;
	v4 =	vld.idx.msk [tilespmem:v4+s3+$0x0], $0xffff  }
0x5d5: {  	v9 =	vmul.f32 v9, v25;
	v3 =	vadd.f32 v8, v3;
	v8 =	vor.u32 $0x11, v2  }
0x5d6: {  	v6 =	vld.idx.msk [tilespmem:v6+s3+$0x0], $0xffff  }
0x5d7: {  	v5 =	vmul.f32 v5, v26;
	v3 =	vadd.f32 v9, v3;
	v9 =	vor.u32 $0x12, v2  }
0x5d8: {  	v7 =	vld.idx.msk [tilespmem:v7+s3+$0x0], $0xffff  }
0x5d9: {  	v4 =	vmul.f32 v4, v27;
	v3 =	vadd.f32 v5, v3;
	v5 =	vor.u32 $0x13, v2  }
0x5da: {  	v8 =	vld.idx.msk [tilespmem:v8+s3+$0x0], $0xffff  }
0x5db: {  	v6 =	vmul.f32 v6, v28;
	v3 =	vadd.f32 v4, v3;
	v4 =	vor.u32 $0x14, v2  }
0x5dc: {  	v9 =	vld.idx.msk [tilespmem:v9+s3+$0x0], $0xffff  }
0x5dd: {  	v3 =	vadd.f32 v6, v3;
	v6 =	vor.u32 $0x15, v2;
	v7 =	vmul.f32 v7, v29  }
0x5de: {  	v5 =	vld.idx.msk [tilespmem:v5+s3+$0x0], $0xffff  }
0x5df: {  	v3 =	vadd.f32 v7, v3;
	v7 =	vor.u32 $0x16, v2;
	v8 =	vmul.f32 v8, v30  }
0x5e0: {  	v4 =	vld.idx.msk [tilespmem:v4+s3+$0x0], $0xffff  }
0x5e1: {  	v3 =	vadd.f32 v8, v3;
	v8 =	vor.u32 $0x17, v2;
	v9 =	vmul.f32 v9, v31  }
0x5e2: {  	v6 =	vld.idx.msk [tilespmem:v6+s3+$0x0], $0xffff  }
0x5e3: {  	v3 =	vadd.f32 v9, v3;
	v9 =	vor.u32 $0x18, v2;
	v5 =	vmul.f32 v5, v32  }
0x5e4: {  	v7 =	vld.idx.msk [tilespmem:v7+s3+$0x0], $0xffff  }
0x5e5: {  	v3 =	vadd.f32 v5, v3;
	v5 =	vor.u32 $0x19, v2;
	v4 =	vmul.f32 v4, v33  }
0x5e6: {  	v8 =	vld.idx.msk [tilespmem:v8+s3+$0x0], $0xffff  }
0x5e7: {  	v3 =	vadd.f32 v4, v3;
	v4 =	vor.u32 $0x1A, v2;
	v6 =	vmul.f32 v6, v34  }
0x5e8: {  	v35 =	vmov v45;
	v9 =	vld.idx.msk [tilespmem:v9+s3+$0x0], $0xffff  }
0x5e9: {  	v3 =	vadd.f32 v6, v3;
	v6 =	vor.u32 $0x1B, v2;
	v7 =	vmul.f32 v7, v35  }
0x5ea: {  	v5 =	vld.idx.msk [tilespmem:v5+s3+$0x0], $0xffff  }
0x5eb: {  	v3 =	vadd.f32 v7, v3;
	v7 =	vor.u32 $0x1C, v2;
	v8 =	vmul.f32 v8, v36  }
0x5ec: {  	v4 =	vld.idx.msk [tilespmem:v4+s3+$0x0], $0xffff  }
0x5ed: {  	v3 =	vadd.f32 v8, v3;
	v8 =	vor.u32 $0x1D, v2;
	v9 =	vmul.f32 v9, v37  }
0x5ee: {  	v6 =	vld.idx.msk [tilespmem:v6+s3+$0x0], $0xffff  }
0x5ef: {  	v3 =	vadd.f32 v9, v3;
	v9 =	vor.u32 $0x1E, v2;
	v5 =	vmul.f32 v5, v38  }
0x5f0: {  	v7 =	vld.idx.msk [tilespmem:v7+s3+$0x0], $0xffff  }
0x5f1: {  	v3 =	vadd.f32 v5, v3;
	v5 =	vor.u32 $0x1F, v2;
	v4 =	vmul.f32 v4, v39  }
0x5f2: {  	v8 =	vld.idx.msk [tilespmem:v8+s3+$0x0], $0xffff  }
0x5f3: {  	v3 =	vadd.f32 v4, v3;
	v4 =	vor.u32 $0x20, v2;
	v6 =	vmul.f32 v6, v40  }
0x5f4: {  	v9 =	vld.idx.msk [tilespmem:v9+s3+$0x0], $0xffff  }
0x5f5: {  	v3 =	vadd.f32 v6, v3;
	v6 =	vor.u32 $0x21, v2;
	v7 =	vmul.f32 v7, v41  }
0x5f6: {  	v5 =	vld.idx.msk [tilespmem:v5+s3+$0x0], $0xffff  }
0x5f7: {  	v3 =	vadd.f32 v7, v3;
	v7 =	vor.u32 $0x22, v2;
	v8 =	vmul.f32 v8, v42  }
0x5f8: {  	v4 =	vld.idx.msk [tilespmem:v4+s3+$0x0], $0xffff  }
0x5f9: {  	v3 =	vadd.f32 v8, v3;
	v8 =	vor.u32 $0x23, v2;
	v9 =	vmul.f32 v9, v43  }
0x5fa: {  	v6 =	vld.idx.msk [tilespmem:v6+s3+$0x0], $0xffff  }
0x5fb: {  	v3 =	vadd.f32 v9, v3;
	v9 =	vor.u32 $0x24, v2;
	v5 =	vmul.f32 v5, v44  }
0x5fc: {  	v45 =	vmov v55;
	v7 =	vld.idx.msk [tilespmem:v7+s3+$0x0], $0xffff  }
0x5fd: {  	v3 =	vadd.f32 v5, v3;
	v5 =	vor.u32 $0x25, v2;
	v4 =	vmul.f32 v4, v45  }
0x5fe: {  	v8 =	vld.idx.msk [tilespmem:v8+s3+$0x0], $0xffff  }
0x5ff: {  	v3 =	vadd.f32 v4, v3;
	v4 =	vor.u32 $0x26, v2;
	v6 =	vmul.f32 v6, v46  }
0x600: {  	v9 =	vld.idx.msk [tilespmem:v9+s3+$0x0], $0xffff  }
0x601: {  	v3 =	vadd.f32 v6, v3;
	v6 =	vor.u32 $0x27, v2;
	v7 =	vmul.f32 v7, v47  }
0x602: {  	v5 =	vld.idx.msk [tilespmem:v5+s3+$0x0], $0xffff  }
0x603: {  	v3 =	vadd.f32 v7, v3;
	v7 =	vor.u32 $0x28, v2;
	v8 =	vmul.f32 v8, v48  }
0x604: {  	v4 =	vld.idx.msk [tilespmem:v4+s3+$0x0], $0xffff  }
0x605: {  	v3 =	vadd.f32 v8, v3;
	v8 =	vor.u32 $0x29, v2;
	v9 =	vmul.f32 v9, v49  }
0x606: {  	v6 =	vld.idx.msk [tilespmem:v6+s3+$0x0], $0xffff  }
0x607: {  	v3 =	vadd.f32 v9, v3;
	v9 =	vor.u32 $0x2A, v2;
	v5 =	vmul.f32 v5, v50  }
0x608: {  	v7 =	vld.idx.msk [tilespmem:v7+s3+$0x0], $0xffff  }
0x609: {  	v3 =	vadd.f32 v5, v3;
	v5 =	vor.u32 $0x2B, v2;
	v4 =	vmul.f32 v4, v51  }
0x60a: {  	v8 =	vld.idx.msk [tilespmem:v8+s3+$0x0], $0xffff  }
0x60b: {  	v3 =	vadd.f32 v4, v3;
	v4 =	vor.u32 $0x2C, v2;
	v6 =	vmul.f32 v6, v52  }
0x60c: {  	v9 =	vld.idx.msk [tilespmem:v9+s3+$0x0], $0xffff  }
0x60d: {  	v3 =	vadd.f32 v6, v3;
	v6 =	vor.u32 $0x2D, v2;
	v7 =	vmul.f32 v7, v53  }
0x60e: {  	v5 =	vld.idx.msk [tilespmem:v5+s3+$0x0], $0xffff  }
0x60f: {  	v3 =	vadd.f32 v7, v3;
	v7 =	vor.u32 $0x2E, v2;
	v8 =	vmul.f32 v8, v54  }
0x610: {  	v55 =	vmov v15;
	v4 =	vld.idx.msk [tilespmem:v4+s3+$0x0], $0xffff  }
0x611: {  	v3 =	vadd.f32 v8, v3;
	v8 =	vor.u32 $0x2F, v2;
	v9 =	vmul.f32 v9, v55  }
0x612: {  	v6 =	vld.idx.msk [tilespmem:v6+s3+$0x0], $0xffff  }
0x613: {  	v3 =	vadd.f32 v9, v3;
	v9 =	vor.u32 $0x30, v2;
	v5 =	vmul.f32 v5, v56  }
0x614: {  	v7 =	vld.idx.msk [tilespmem:v7+s3+$0x0], $0xffff  }
0x615: {  	v3 =	vadd.f32 v5, v3;
	v5 =	vor.u32 $0x31, v2;
	v4 =	vmul.f32 v4, v57  }
0x616: {  	v8 =	vld.idx.msk [tilespmem:v8+s3+$0x0], $0xffff  }
0x617: {  	v3 =	vadd.f32 v4, v3;
	v4 =	vor.u32 $0x32, v2;
	v6 =	vmul.f32 v6, v58  }
0x618: {  	v9 =	vld.idx.msk [tilespmem:v9+s3+$0x0], $0xffff  }
0x619: {  	v3 =	vadd.f32 v6, v3;
	v6 =	vor.u32 $0x33, v2;
	v7 =	vmul.f32 v7, v59  }
0x61a: {  	v5 =	vld.idx.msk [tilespmem:v5+s3+$0x0], $0xffff  }
0x61b: {  	v3 =	vadd.f32 v7, v3;
	v7 =	vor.u32 $0x34, v2;
	v8 =	vmul.f32 v8, v60  }
0x61c: {  	v4 =	vld.idx.msk [tilespmem:v4+s3+$0x0], $0xffff  }
0x61d: {  	v3 =	vadd.f32 v8, v3;
	v8 =	vor.u32 $0x35, v2;
	v9 =	vmul.f32 v9, v61  }
0x61e: {  	v6 =	vld.idx.msk [tilespmem:v6+s3+$0x0], $0xffff  }
0x61f: {  	v1 =	vld [tilespmem:$0x1FF80];
	v3 =	vadd.f32 v9, v3;
	v9 =	vor.u32 $0x36, v2;
	v5 =	vmul.f32 v5, v62  }
0x620: {  	v7 =	vld.idx.msk [tilespmem:v7+s3+$0x0], $0xffff  }
0x621: {  	v15 =	vmovc v14;
	v14 =	vld [tilespmem:$0x1FFA0];
	v3 =	vadd.f32 v5, v3;
	v5 =	vor.u32 $0x37, v2;
	v4 =	vmul.f32 v4, v63  }
0x622: {  	v8 =	vld.idx.msk [tilespmem:v8+s3+$0x0], $0xffff  }
0x623: {  	v3 =	vadd.f32 v4, v3;
	v4 =	vor.u32 $0x38, v2;
	v6 =	vmul.f32 v6, v0  }
0x624: {  	v9 =	vld.idx.msk [tilespmem:v9+s3+$0x0], $0xffff  }
0x625: {  	v3 =	vadd.f32 v6, v3;
	v6 =	vor.u32 $0x39, v2;
	v7 =	vmul.f32 v7, v1  }
0x626: {  	v5 =	vld.idx.msk [tilespmem:v5+s3+$0x0], $0xffff  }
0x627: {  	v3 =	vadd.f32 v7, v3;
	v7 =	vor.u32 $0x3A, v2;
	v8 =	vmul.f32 v8, v14  }
0x628: {  	v4 =	vld.idx.msk [tilespmem:v4+s3+$0x0], $0xffff  }
0x629: {  	v20 =	vld [tilespmem:$0x1FF90];
	v3 =	vadd.f32 v8, v3;
	v8 =	vor.u32 $0x3B, v2;
	v9 =	vmul.f32 v9, v16  }
0x62a: {  	v6 =	vld.idx.msk [tilespmem:v6+s3+$0x0], $0xffff  }
0x62b: {  	v3 =	vadd.f32 v9, v3;
	v9 =	vor.u32 $0x3C, v2;
	v5 =	vmul.f32 v5, v17  }
0x62c: {  	v7 =	vld.idx.msk [tilespmem:v7+s3+$0x0], $0xffff  }
0x62d: {  	v3 =	vadd.f32 v5, v3;
	v5 =	vor.u32 $0x3D, v2;
	v4 =	vmul.f32 v4, v18  }
0x62e: {  	v8 =	vld.idx.msk [tilespmem:v8+s3+$0x0], $0xffff  }
0x62f: {  	v3 =	vadd.f32 v4, v3;
	v4 =	vmul.f32 v6, v20  }
0x630: {  	v6 =	vld.idx.msk [tilespmem:v9+s3+$0x0], $0xffff  }
0x631: {  	v3 =	vadd.f32 v4, v3;
	v4 =	vor.u32 $0x3E, v2;
	v7 =	vmul.f32 v7, v19  }
0x632: {  	p1 =	sne.s32 s5, $0x10;
	v9 =	vor.u32 $0x3F, v2;
	v5 =	vld.idx.msk [tilespmem:v5+s3+$0x0], $0xffff  }
.Ltmp4:
0x633: {  	v2 =	vadd.f32 v7, v3;
	v3 =	vmul.f32 v8, v21;
	(pc) =	sbr.rel @!p1 .LBB2_9-.Ltmp4, $4  }
0x634: {  	_ = 	snop  }
0x635: {  	v3 =	vadd.f32 v3, v2;
	v6 =	vmul.f32 v6, v22  }
0x636: {  	v2 =	vld.idx.msk [tilespmem:v4+s3+$0x0], $0xffff  }
0x637: {  	s26 =	simm.s32 $0x14A60;
	s28 =	simm.s32 $0x10;
	p0 =	por $0x0, $0x0;
	v4 =	vadd.f32 v6, v3;
	v3 =	vld.idx.msk [tilespmem:v9+s3+$0x0], $0xffff;
	v5 =	vmul.f32 v5, v23  }
0x638: {  	_ =	sdelay $0x1  }
0x639: {  	v6 =	vmov s28  }
0x63a: {  	v4 =	vadd.f32 v5, v4;
	v5 =	vmul.f32 v2, v15;
	v2 =	vshll.u32 v6, $0x7  }
0x63b: {  	v2 =	vor.u32 v10, v2  }
0x63c: {  	v3 =	vmul.f32 v3, v13;
	v4 =	vadd.f32 v5, v4;
	v6 =	vor.u32 $0x3, v2;
	_ =	sdelay $0x1  }
0x63d: {  	v3 =	vadd.f32 v3, v4;
	_ =	sdelay $0x1  }
0x63e: {  	v5 =	vor.u32 $0x1, v2;
	[tilespmem:s26+$0x0] =	vst v3  }
0x63f: {  	v6 =	vld.idx.msk [tilespmem:v6+s3+$0x0], $0xffff;
	_ =	sdelay $0x3  }
0x640: {  	v5 =	vld.idx.msk [tilespmem:v5+s3+$0x0], $0xffff  }
0x641: {  	v7 =	vor.u32 $0x4, v2;
	[tilespmem:$0x1F4C0] =	vst v6;
	v6 =	vld [tilespmem:$0x1FC40];
	_ =	sdelay $0x3  }
0x642: {  	v4 =	vor.u32 $0x2, v2  }
0x643: {  	v5 =	vmul.f32 v5, v6;
	v6 =	vld.idx.msk [tilespmem:v7+s3+$0x0], $0xffff;
	_ =	sdelay $0x2  }
0x644: {  	v3 =	vld.idx.msk [tilespmem:v2+s3+$0x0], $0xffff  }
0x645: {  	v4 =	vld.idx.msk [tilespmem:v4+s3+$0x0], $0xffff  }
0x646: {  	v8 =	vor.u32 $0x5, v2;
	[tilespmem:$0x1F4D0] =	vst v6;
	v6 =	vld [tilespmem:$0x1FC50];
	_ =	sdelay $0x3  }
0x647: {  	v3 =	vmul.f32 v3, v11  }
0x648: {  	v4 =	vmul.f32 v4, v6;
	v6 =	vld.idx.msk [tilespmem:v8+s3+$0x0], $0xffff  }
0x649: {  	v3 =	vadd.f32 $0.0e+00, v3;
	_ =	sdelay $0x1  }
0x64a: {  	v3 =	vadd.f32 v5, v3;
	v5 =	vor.u32 $0x7, v2  }
0x64b: {  	v7 =	vld [tilespmem:$0x1F4C0]  }
0x64c: {  	[tilespmem:$0x1F4E0] =	vst v6;
	v6 =	vld [tilespmem:$0x1FC60];
	_ =	sdelay $0x2  }
0x64d: {  	v5 =	vld.idx.msk [tilespmem:v5+s3+$0x0], $0xffff  }
0x64e: {  	v8 =	vld [tilespmem:$0x1F4D0];
	v3 =	vadd.f32 v4, v3;
	v4 =	vor.u32 $0x8, v2  }
0x64f: {  	v6 =	vmul.f32 v7, v6;
	v7 =	vld [tilespmem:$0x1FC70];
	_ =	sdelay $0x2  }
0x650: {  	v9 =	vor.u32 $0x6, v2;
	[tilespmem:$0x1F4F0] =	vst v5;
	v5 =	vld [tilespmem:$0x1FC80]  }
0x651: {  	v4 =	vld.idx.msk [tilespmem:v4+s3+$0x0], $0xffff;
	v3 =	vadd.f32 v6, v3;
	v6 =	vor.u32 $0x9, v2  }
0x652: {  	v7 =	vmul.f32 v8, v7;
	v8 =	vld [tilespmem:$0x1F4E0];
	_ =	sdelay $0x2  }
0x653: {  	v9 =	vld.idx.msk [tilespmem:v9+s3+$0x0], $0xffff  }
0x654: {  	[tilespmem:$0x1F500] =	vst v4;
	v4 =	vld.idx.msk [tilespmem:v6+s3+$0x0], $0xffff  }
0x655: {  	v8 =	vmul.f32 v8, v5;
	v5 =	vld [tilespmem:$0x1FC90];
	_ =	sdelay $0x3  }
0x656: {  	[tilespmem:$0x1F510] =	vst v4;
	v4 =	vld [tilespmem:$0x1F4F0]  }
0x657: {  	v3 =	vadd.f32 v7, v3;
	v7 =	vor.u32 $0xA, v2;
	v9 =	vmul.f32 v9, v5;
	v5 =	vld [tilespmem:$0x1FCA0];
	_ =	sdelay $0x4  }
0x658: {  	v5 =	vmul.f32 v4, v5;
	v4 =	vld.idx.msk [tilespmem:v7+s3+$0x0], $0xffff;
	_ =	sdelay $0x3  }
0x659: {  	v6 =	vld [tilespmem:$0x1F500]  }
0x65a: {  	v3 =	vadd.f32 v8, v3;
	v8 =	vor.u32 $0xB, v2;
	[tilespmem:$0x1F520] =	vst v4;
	v4 =	vld [tilespmem:$0x1FCB0];
	_ =	sdelay $0x4  }
0x65b: {  	v4 =	vmul.f32 v6, v4;
	v6 =	vld.idx.msk [tilespmem:v8+s3+$0x0], $0xffff;
	_ =	sdelay $0x3  }
0x65c: {  	v7 =	vld [tilespmem:$0x1F510]  }
0x65d: {  	[tilespmem:$0x1F530] =	vst v6;
	v6 =	vld [tilespmem:$0x1FCC0];
	_ =	sdelay $0x3  }
0x65e: {  	v8 =	vld [tilespmem:$0x1F520]  }
0x65f: {  	v6 =	vmul.f32 v7, v6;
	v7 =	vld [tilespmem:$0x1FCD0];
	_ =	sdelay $0x1  }
0x660: {  	v3 =	vadd.f32 v9, v3;
	v9 =	vor.u32 $0xC, v2;
	_ =	sdelay $0x1  }
0x661: {  	v3 =	vadd.f32 v5, v3;
	v5 =	vor.u32 $0xD, v2  }
0x662: {  	v7 =	vmul.f32 v8, v7;
	v8 =	vld [tilespmem:$0x1F530]  }
0x663: {  	v3 =	vadd.f32 v4, v3;
	v4 =	vor.u32 $0xE, v2  }
0x664: {  	v9 =	vld.idx.msk [tilespmem:v9+s3+$0x0], $0xffff  }
0x665: {  	v3 =	vadd.f32 v6, v3;
	v6 =	vor.u32 $0xF, v2  }
0x666: {  	v5 =	vld.idx.msk [tilespmem:v5+s3+$0x0], $0xffff  }
0x667: {  	v3 =	vadd.f32 v7, v3;
	v7 =	vor.u32 $0x10, v2;
	v8 =	vmul.f32 v8, v24  }
0x668: {  	v4 =	vld.idx.msk [tilespmem:v4+s3+$0x0], $0xffff  }
0x669: {  	v9 =	vmul.f32 v9, v25;
	v3 =	vadd.f32 v8, v3;
	v8 =	vor.u32 $0x11, v2  }
0x66a: {  	v6 =	vld.idx.msk [tilespmem:v6+s3+$0x0], $0xffff  }
0x66b: {  	v5 =	vmul.f32 v5, v26;
	v3 =	vadd.f32 v9, v3;
	v9 =	vor.u32 $0x12, v2  }
0x66c: {  	v7 =	vld.idx.msk [tilespmem:v7+s3+$0x0], $0xffff  }
0x66d: {  	v4 =	vmul.f32 v4, v27;
	v3 =	vadd.f32 v5, v3;
	v5 =	vor.u32 $0x13, v2  }
0x66e: {  	v8 =	vld.idx.msk [tilespmem:v8+s3+$0x0], $0xffff  }
0x66f: {  	v6 =	vmul.f32 v6, v28;
	v3 =	vadd.f32 v4, v3;
	v4 =	vor.u32 $0x14, v2  }
0x670: {  	v9 =	vld.idx.msk [tilespmem:v9+s3+$0x0], $0xffff  }
0x671: {  	v7 =	vmul.f32 v7, v29;
	v3 =	vadd.f32 v6, v3;
	v6 =	vor.u32 $0x15, v2  }
0x672: {  	v5 =	vld.idx.msk [tilespmem:v5+s3+$0x0], $0xffff  }
0x673: {  	v3 =	vadd.f32 v7, v3;
	v7 =	vor.u32 $0x16, v2;
	v8 =	vmul.f32 v8, v30  }
0x674: {  	v4 =	vld.idx.msk [tilespmem:v4+s3+$0x0], $0xffff  }
0x675: {  	v3 =	vadd.f32 v8, v3;
	v8 =	vor.u32 $0x17, v2;
	v9 =	vmul.f32 v9, v31  }
0x676: {  	v6 =	vld.idx.msk [tilespmem:v6+s3+$0x0], $0xffff  }
0x677: {  	v3 =	vadd.f32 v9, v3;
	v9 =	vor.u32 $0x18, v2;
	v5 =	vmul.f32 v5, v32  }
0x678: {  	v7 =	vld.idx.msk [tilespmem:v7+s3+$0x0], $0xffff  }
0x679: {  	v3 =	vadd.f32 v5, v3;
	v5 =	vor.u32 $0x19, v2;
	v4 =	vmul.f32 v4, v33  }
0x67a: {  	v8 =	vld.idx.msk [tilespmem:v8+s3+$0x0], $0xffff  }
0x67b: {  	v3 =	vadd.f32 v4, v3;
	v4 =	vor.u32 $0x1A, v2;
	v6 =	vmul.f32 v6, v34  }
0x67c: {  	v9 =	vld.idx.msk [tilespmem:v9+s3+$0x0], $0xffff  }
0x67d: {  	v3 =	vadd.f32 v6, v3;
	v6 =	vor.u32 $0x1B, v2;
	v7 =	vmul.f32 v7, v35  }
0x67e: {  	v5 =	vld.idx.msk [tilespmem:v5+s3+$0x0], $0xffff  }
0x67f: {  	v3 =	vadd.f32 v7, v3;
	v7 =	vor.u32 $0x1C, v2;
	v8 =	vmul.f32 v8, v36  }
0x680: {  	v4 =	vld.idx.msk [tilespmem:v4+s3+$0x0], $0xffff  }
0x681: {  	v3 =	vadd.f32 v8, v3;
	v8 =	vor.u32 $0x1D, v2;
	v9 =	vmul.f32 v9, v37  }
0x682: {  	v6 =	vld.idx.msk [tilespmem:v6+s3+$0x0], $0xffff  }
0x683: {  	v3 =	vadd.f32 v9, v3;
	v9 =	vor.u32 $0x1E, v2;
	v5 =	vmul.f32 v5, v38  }
0x684: {  	v7 =	vld.idx.msk [tilespmem:v7+s3+$0x0], $0xffff  }
0x685: {  	v3 =	vadd.f32 v5, v3;
	v5 =	vor.u32 $0x1F, v2;
	v4 =	vmul.f32 v4, v39  }
0x686: {  	v8 =	vld.idx.msk [tilespmem:v8+s3+$0x0], $0xffff  }
0x687: {  	v3 =	vadd.f32 v4, v3;
	v4 =	vor.u32 $0x20, v2;
	v6 =	vmul.f32 v6, v40  }
0x688: {  	v9 =	vld.idx.msk [tilespmem:v9+s3+$0x0], $0xffff  }
0x689: {  	v3 =	vadd.f32 v6, v3;
	v6 =	vor.u32 $0x21, v2;
	v7 =	vmul.f32 v7, v41  }
0x68a: {  	v5 =	vld.idx.msk [tilespmem:v5+s3+$0x0], $0xffff  }
0x68b: {  	v3 =	vadd.f32 v7, v3;
	v7 =	vor.u32 $0x22, v2;
	v8 =	vmul.f32 v8, v42  }
0x68c: {  	v4 =	vld.idx.msk [tilespmem:v4+s3+$0x0], $0xffff  }
0x68d: {  	v3 =	vadd.f32 v8, v3;
	v8 =	vor.u32 $0x23, v2;
	v9 =	vmul.f32 v9, v43  }
0x68e: {  	v6 =	vld.idx.msk [tilespmem:v6+s3+$0x0], $0xffff  }
0x68f: {  	v3 =	vadd.f32 v9, v3;
	v9 =	vor.u32 $0x24, v2;
	v5 =	vmul.f32 v5, v44  }
0x690: {  	v7 =	vld.idx.msk [tilespmem:v7+s3+$0x0], $0xffff  }
0x691: {  	v3 =	vadd.f32 v5, v3;
	v5 =	vor.u32 $0x25, v2;
	v4 =	vmul.f32 v4, v45  }
0x692: {  	v8 =	vld.idx.msk [tilespmem:v8+s3+$0x0], $0xffff  }
0x693: {  	v3 =	vadd.f32 v4, v3;
	v4 =	vor.u32 $0x26, v2;
	v6 =	vmul.f32 v6, v46  }
0x694: {  	v9 =	vld.idx.msk [tilespmem:v9+s3+$0x0], $0xffff  }
0x695: {  	v3 =	vadd.f32 v6, v3;
	v6 =	vor.u32 $0x27, v2;
	v7 =	vmul.f32 v7, v47  }
0x696: {  	v5 =	vld.idx.msk [tilespmem:v5+s3+$0x0], $0xffff  }
0x697: {  	v3 =	vadd.f32 v7, v3;
	v7 =	vor.u32 $0x28, v2;
	v8 =	vmul.f32 v8, v48  }
0x698: {  	v4 =	vld.idx.msk [tilespmem:v4+s3+$0x0], $0xffff  }
0x699: {  	v3 =	vadd.f32 v8, v3;
	v8 =	vor.u32 $0x29, v2;
	v9 =	vmul.f32 v9, v49  }
0x69a: {  	v6 =	vld.idx.msk [tilespmem:v6+s3+$0x0], $0xffff  }
0x69b: {  	v3 =	vadd.f32 v9, v3;
	v9 =	vor.u32 $0x2A, v2;
	v5 =	vmul.f32 v5, v50  }
0x69c: {  	v7 =	vld.idx.msk [tilespmem:v7+s3+$0x0], $0xffff  }
0x69d: {  	v3 =	vadd.f32 v5, v3;
	v5 =	vor.u32 $0x2B, v2;
	v4 =	vmul.f32 v4, v51  }
0x69e: {  	v8 =	vld.idx.msk [tilespmem:v8+s3+$0x0], $0xffff  }
0x69f: {  	v3 =	vadd.f32 v4, v3;
	v4 =	vor.u32 $0x2C, v2;
	v6 =	vmul.f32 v6, v52  }
0x6a0: {  	v9 =	vld.idx.msk [tilespmem:v9+s3+$0x0], $0xffff  }
0x6a1: {  	v3 =	vadd.f32 v6, v3;
	v6 =	vor.u32 $0x2D, v2;
	v7 =	vmul.f32 v7, v53  }
0x6a2: {  	v5 =	vld.idx.msk [tilespmem:v5+s3+$0x0], $0xffff  }
0x6a3: {  	v3 =	vadd.f32 v7, v3;
	v7 =	vor.u32 $0x2E, v2;
	v8 =	vmul.f32 v8, v54  }
0x6a4: {  	v4 =	vld.idx.msk [tilespmem:v4+s3+$0x0], $0xffff  }
0x6a5: {  	v3 =	vadd.f32 v8, v3;
	v8 =	vor.u32 $0x2F, v2;
	v9 =	vmul.f32 v9, v55  }
0x6a6: {  	v6 =	vld.idx.msk [tilespmem:v6+s3+$0x0], $0xffff  }
0x6a7: {  	v3 =	vadd.f32 v9, v3;
	v9 =	vor.u32 $0x30, v2;
	v5 =	vmul.f32 v5, v56  }
0x6a8: {  	v7 =	vld.idx.msk [tilespmem:v7+s3+$0x0], $0xffff  }
0x6a9: {  	v3 =	vadd.f32 v5, v3;
	v5 =	vor.u32 $0x31, v2;
	v4 =	vmul.f32 v4, v57  }
0x6aa: {  	v8 =	vld.idx.msk [tilespmem:v8+s3+$0x0], $0xffff  }
0x6ab: {  	v3 =	vadd.f32 v4, v3;
	v4 =	vor.u32 $0x32, v2;
	v6 =	vmul.f32 v6, v58  }
0x6ac: {  	v9 =	vld.idx.msk [tilespmem:v9+s3+$0x0], $0xffff  }
0x6ad: {  	v3 =	vadd.f32 v6, v3;
	v6 =	vor.u32 $0x33, v2;
	v7 =	vmul.f32 v7, v59  }
0x6ae: {  	v5 =	vld.idx.msk [tilespmem:v5+s3+$0x0], $0xffff  }
0x6af: {  	v3 =	vadd.f32 v7, v3;
	v7 =	vor.u32 $0x34, v2;
	v8 =	vmul.f32 v8, v60  }
0x6b0: {  	v4 =	vld.idx.msk [tilespmem:v4+s3+$0x0], $0xffff  }
0x6b1: {  	v3 =	vadd.f32 v8, v3;
	v8 =	vor.u32 $0x35, v2;
	v9 =	vmul.f32 v9, v61  }
0x6b2: {  	v6 =	vld.idx.msk [tilespmem:v6+s3+$0x0], $0xffff  }
0x6b3: {  	v3 =	vadd.f32 v9, v3;
	v9 =	vor.u32 $0x36, v2;
	v5 =	vmul.f32 v5, v62  }
0x6b4: {  	v7 =	vld.idx.msk [tilespmem:v7+s3+$0x0], $0xffff  }
0x6b5: {  	v3 =	vadd.f32 v5, v3;
	v5 =	vor.u32 $0x37, v2;
	v4 =	vmul.f32 v4, v63  }
0x6b6: {  	v8 =	vld.idx.msk [tilespmem:v8+s3+$0x0], $0xffff  }
0x6b7: {  	v3 =	vadd.f32 v4, v3;
	v4 =	vor.u32 $0x38, v2;
	v6 =	vmul.f32 v6, v0  }
0x6b8: {  	v9 =	vld.idx.msk [tilespmem:v9+s3+$0x0], $0xffff  }
0x6b9: {  	v3 =	vadd.f32 v6, v3;
	v6 =	vor.u32 $0x39, v2;
	v7 =	vmul.f32 v7, v1  }
0x6ba: {  	v5 =	vld.idx.msk [tilespmem:v5+s3+$0x0], $0xffff  }
0x6bb: {  	v3 =	vadd.f32 v7, v3;
	v7 =	vor.u32 $0x3A, v2;
	v8 =	vmul.f32 v8, v14  }
0x6bc: {  	v4 =	vld.idx.msk [tilespmem:v4+s3+$0x0], $0xffff  }
0x6bd: {  	v3 =	vadd.f32 v8, v3;
	v8 =	vor.u32 $0x3B, v2;
	v9 =	vmul.f32 v9, v16  }
0x6be: {  	v6 =	vld.idx.msk [tilespmem:v6+s3+$0x0], $0xffff  }
0x6bf: {  	v3 =	vadd.f32 v9, v3;
	v9 =	vor.u32 $0x3C, v2;
	v5 =	vmul.f32 v5, v17  }
0x6c0: {  	v7 =	vld.idx.msk [tilespmem:v7+s3+$0x0], $0xffff  }
0x6c1: {  	v3 =	vadd.f32 v5, v3;
	v5 =	vor.u32 $0x3D, v2;
	v4 =	vmul.f32 v4, v18  }
0x6c2: {  	v8 =	vld.idx.msk [tilespmem:v8+s3+$0x0], $0xffff  }
0x6c3: {  	v3 =	vadd.f32 v4, v3;
	v4 =	vmul.f32 v6, v20  }
0x6c4: {  	v6 =	vld.idx.msk [tilespmem:v9+s3+$0x0], $0xffff  }
0x6c5: {  	v3 =	vadd.f32 v4, v3;
	v4 =	vor.u32 $0x3E, v2;
	v7 =	vmul.f32 v7, v19  }
0x6c6: {  	p1 =	sne.s32 s5, $0x20;
	v9 =	vor.u32 $0x3F, v2;
	v5 =	vld.idx.msk [tilespmem:v5+s3+$0x0], $0xffff  }
.Ltmp5:
0x6c7: {  	v2 =	vadd.f32 v7, v3;
	v3 =	vmul.f32 v8, v21;
	(pc) =	sbr.rel @!p1 .LBB2_11-.Ltmp5, $4  }
0x6c8: {  	_ = 	snop  }
0x6c9: {  	v3 =	vadd.f32 v3, v2;
	v6 =	vmul.f32 v6, v22  }
0x6ca: {  	v2 =	vld.idx.msk [tilespmem:v4+s3+$0x0], $0xffff  }
0x6cb: {  	s29 =	simm.s32 $0x20;
	p0 =	por $0x1, $0x1;
	s28 =	simm.s32 $0x14A60;
	v4 =	vadd.f32 v6, v3;
	v3 =	vld.idx.msk [tilespmem:v9+s3+$0x0], $0xffff;
	v5 =	vmul.f32 v5, v23  }
.LBB2_12:
0x6cc: {  	_ =	sdelay $0x2  }
0x6cd: {  	v6 =	vmov s29;
	v4 =	vadd.f32 v5, v4;
	v5 =	vmul.f32 v2, v15  }
0x6ce: {  	v2 =	vshll.u32 v6, $0x7  }
0x6cf: {  	v3 =	vmul.f32 v3, v13;
	v2 =	vor.u32 v10, v2;
	v4 =	vadd.f32 v5, v4;
	_ =	sdelay $0x1  }
0x6d0: {  	v5 =	vor.u32 $0x1, v2;
	v3 =	vadd.f32 v3, v4  }
0x6d1: {  	s28 =	sadd.s32 $0x10, s28  }
0x6d2: {  	[tilespmem:s28+$0x0] =	vst v3  }
0x6d3: {  	v3 =	vld.idx.msk [tilespmem:v2+s3+$0x0], $0xffff  }
0x6d4: {  	v10 =	vld [tilespmem:$0x1FC40]  }
0x6d5: {  	v5 =	vld.idx.msk [tilespmem:v5+s3+$0x0], $0xffff  }
0x6d6: {  	v4 =	vor.u32 $0x2, v2;
	_ =	sdelay $0x1  }
0x6d7: {  	v3 =	vmul.f32 v3, v11;
	_ =	sdelay $0x1  }
0x6d8: {  	v5 =	vmul.f32 v5, v10;
	v3 =	vadd.f32 $0.0e+00, v3  }
0x6d9: {  	v4 =	vld.idx.msk [tilespmem:v4+s3+$0x0], $0xffff  }
0x6da: {  	v3 =	vadd.f32 v5, v3;
	v5 =	vld [tilespmem:$0x1FC50]  }
0x6db: {  	v6 =	vor.u32 $0x3, v2;
	_ =	sdelay $0x3  }
0x6dc: {  	v4 =	vmul.f32 v4, v5  }
0x6dd: {  	v6 =	vld.idx.msk [tilespmem:v6+s3+$0x0], $0xffff  }
0x6de: {  	v3 =	vadd.f32 v4, v3;
	v4 =	vld [tilespmem:$0x1FC60]  }
0x6df: {  	v7 =	vor.u32 $0x4, v2;
	_ =	sdelay $0x3  }
0x6e0: {  	v4 =	vmul.f32 v6, v4  }
0x6e1: {  	v7 =	vld.idx.msk [tilespmem:v7+s3+$0x0], $0xffff  }
0x6e2: {  	v3 =	vadd.f32 v4, v3;
	v4 =	vld [tilespmem:$0x1FC70]  }
0x6e3: {  	v8 =	vor.u32 $0x5, v2;
	_ =	sdelay $0x3  }
0x6e4: {  	v4 =	vmul.f32 v7, v4  }
0x6e5: {  	v5 =	vld.idx.msk [tilespmem:v8+s3+$0x0], $0xffff  }
0x6e6: {  	v3 =	vadd.f32 v4, v3;
	v4 =	vld [tilespmem:$0x1FC80]  }
0x6e7: {  	v9 =	vor.u32 $0x6, v2;
	_ =	sdelay $0x3  }
0x6e8: {  	v4 =	vmul.f32 v5, v4  }
0x6e9: {  	v6 =	vld.idx.msk [tilespmem:v9+s3+$0x0], $0xffff  }
0x6ea: {  	v3 =	vadd.f32 v4, v3;
	v4 =	vld [tilespmem:$0x1FC90]  }
0x6eb: {  	v10 =	vor.u32 $0x7, v2;
	_ =	sdelay $0x3  }
0x6ec: {  	v4 =	vmul.f32 v6, v4  }
0x6ed: {  	v7 =	vld.idx.msk [tilespmem:v10+s3+$0x0], $0xffff  }
0x6ee: {  	v3 =	vadd.f32 v4, v3;
	v4 =	vld [tilespmem:$0x1FCA0]  }
0x6ef: {  	v8 =	vor.u32 $0x8, v2;
	_ =	sdelay $0x3  }
0x6f0: {  	v4 =	vmul.f32 v7, v4  }
0x6f1: {  	v5 =	vld.idx.msk [tilespmem:v8+s3+$0x0], $0xffff  }
0x6f2: {  	v3 =	vadd.f32 v4, v3;
	v4 =	vld [tilespmem:$0x1FCB0]  }
0x6f3: {  	v9 =	vor.u32 $0x9, v2;
	_ =	sdelay $0x3  }
0x6f4: {  	v4 =	vmul.f32 v5, v4  }
0x6f5: {  	v6 =	vld.idx.msk [tilespmem:v9+s3+$0x0], $0xffff  }
0x6f6: {  	v3 =	vadd.f32 v4, v3;
	v4 =	vld [tilespmem:$0x1FCC0]  }
0x6f7: {  	v10 =	vor.u32 $0xA, v2;
	_ =	sdelay $0x2  }
0x6f8: {  	v8 =	vor.u32 $0xB, v2  }
0x6f9: {  	v4 =	vmul.f32 v6, v4  }
0x6fa: {  	v9 =	vor.u32 $0xC, v2;
	v7 =	vld.idx.msk [tilespmem:v10+s3+$0x0], $0xffff  }
0x6fb: {  	v3 =	vadd.f32 v4, v3;
	v4 =	vld [tilespmem:$0x1FCD0]  }
0x6fc: {  	v10 =	vor.u32 $0xD, v2  }
0x6fd: {  	v5 =	vld.idx.msk [tilespmem:v8+s3+$0x0], $0xffff  }
0x6fe: {  	v8 =	vor.u32 $0xE, v2  }
0x6ff: {  	v6 =	vld.idx.msk [tilespmem:v9+s3+$0x0], $0xffff  }
0x700: {  	v9 =	vor.u32 $0xF, v2;
	v4 =	vmul.f32 v7, v4  }
0x701: {  	v7 =	vld.idx.msk [tilespmem:v10+s3+$0x0], $0xffff  }
0x702: {  	v10 =	vor.u32 $0x10, v2;
	v3 =	vadd.f32 v4, v3;
	v4 =	vmul.f32 v5, v24  }
0x703: {  	v5 =	vld.idx.msk [tilespmem:v8+s3+$0x0], $0xffff  }
0x704: {  	v8 =	vor.u32 $0x11, v2;
	v3 =	vadd.f32 v4, v3;
	v4 =	vmul.f32 v6, v25  }
0x705: {  	v6 =	vld.idx.msk [tilespmem:v9+s3+$0x0], $0xffff  }
0x706: {  	v9 =	vor.u32 $0x12, v2;
	v3 =	vadd.f32 v4, v3;
	v4 =	vmul.f32 v7, v26  }
0x707: {  	v7 =	vld.idx.msk [tilespmem:v10+s3+$0x0], $0xffff  }
0x708: {  	v10 =	vor.u32 $0x13, v2;
	v3 =	vadd.f32 v4, v3;
	v4 =	vmul.f32 v5, v27  }
0x709: {  	v5 =	vld.idx.msk [tilespmem:v8+s3+$0x0], $0xffff  }
0x70a: {  	v8 =	vor.u32 $0x14, v2;
	v3 =	vadd.f32 v4, v3;
	v4 =	vmul.f32 v6, v28  }
0x70b: {  	v6 =	vld.idx.msk [tilespmem:v9+s3+$0x0], $0xffff  }
0x70c: {  	v9 =	vor.u32 $0x15, v2;
	v3 =	vadd.f32 v4, v3;
	v4 =	vmul.f32 v7, v29  }
0x70d: {  	v7 =	vld.idx.msk [tilespmem:v10+s3+$0x0], $0xffff  }
0x70e: {  	v10 =	vor.u32 $0x16, v2;
	v3 =	vadd.f32 v4, v3;
	v4 =	vmul.f32 v5, v30  }
0x70f: {  	v5 =	vld.idx.msk [tilespmem:v8+s3+$0x0], $0xffff  }
0x710: {  	v8 =	vor.u32 $0x17, v2;
	v3 =	vadd.f32 v4, v3;
	v4 =	vmul.f32 v6, v31  }
0x711: {  	v6 =	vld.idx.msk [tilespmem:v9+s3+$0x0], $0xffff  }
0x712: {  	v9 =	vor.u32 $0x18, v2;
	v3 =	vadd.f32 v4, v3;
	v4 =	vmul.f32 v7, v32  }
0x713: {  	v7 =	vld.idx.msk [tilespmem:v10+s3+$0x0], $0xffff  }
0x714: {  	v10 =	vor.u32 $0x19, v2;
	v3 =	vadd.f32 v4, v3;
	v4 =	vmul.f32 v5, v33  }
0x715: {  	v5 =	vld.idx.msk [tilespmem:v8+s3+$0x0], $0xffff  }
0x716: {  	v8 =	vor.u32 $0x1A, v2;
	v3 =	vadd.f32 v4, v3;
	v4 =	vmul.f32 v6, v34  }
0x717: {  	v6 =	vld.idx.msk [tilespmem:v9+s3+$0x0], $0xffff  }
0x718: {  	v9 =	vor.u32 $0x1B, v2;
	v3 =	vadd.f32 v4, v3;
	v4 =	vmul.f32 v7, v35  }
0x719: {  	v7 =	vld.idx.msk [tilespmem:v10+s3+$0x0], $0xffff  }
0x71a: {  	v10 =	vor.u32 $0x1C, v2;
	v3 =	vadd.f32 v4, v3;
	v4 =	vmul.f32 v5, v36  }
0x71b: {  	v5 =	vld.idx.msk [tilespmem:v8+s3+$0x0], $0xffff  }
0x71c: {  	v8 =	vor.u32 $0x1D, v2;
	v3 =	vadd.f32 v4, v3;
	v4 =	vmul.f32 v6, v37  }
0x71d: {  	v6 =	vld.idx.msk [tilespmem:v9+s3+$0x0], $0xffff  }
0x71e: {  	v9 =	vor.u32 $0x1E, v2;
	v3 =	vadd.f32 v4, v3;
	v4 =	vmul.f32 v7, v38  }
0x71f: {  	v7 =	vld.idx.msk [tilespmem:v10+s3+$0x0], $0xffff  }
0x720: {  	v10 =	vor.u32 $0x1F, v2;
	v3 =	vadd.f32 v4, v3;
	v4 =	vmul.f32 v5, v39  }
0x721: {  	v5 =	vld.idx.msk [tilespmem:v8+s3+$0x0], $0xffff  }
0x722: {  	v8 =	vor.u32 $0x20, v2;
	v3 =	vadd.f32 v4, v3;
	v4 =	vmul.f32 v6, v40  }
0x723: {  	v6 =	vld.idx.msk [tilespmem:v9+s3+$0x0], $0xffff  }
0x724: {  	v9 =	vor.u32 $0x21, v2;
	v3 =	vadd.f32 v4, v3;
	v4 =	vmul.f32 v7, v41  }
0x725: {  	v7 =	vld.idx.msk [tilespmem:v10+s3+$0x0], $0xffff  }
0x726: {  	v10 =	vor.u32 $0x22, v2;
	v3 =	vadd.f32 v4, v3;
	v4 =	vmul.f32 v5, v42  }
0x727: {  	v5 =	vld.idx.msk [tilespmem:v8+s3+$0x0], $0xffff  }
0x728: {  	v8 =	vor.u32 $0x23, v2;
	v3 =	vadd.f32 v4, v3;
	v4 =	vmul.f32 v6, v43  }
0x729: {  	v6 =	vld.idx.msk [tilespmem:v9+s3+$0x0], $0xffff  }
0x72a: {  	v9 =	vor.u32 $0x24, v2;
	v3 =	vadd.f32 v4, v3;
	v4 =	vmul.f32 v7, v44  }
0x72b: {  	v7 =	vld.idx.msk [tilespmem:v10+s3+$0x0], $0xffff  }
0x72c: {  	v10 =	vor.u32 $0x25, v2;
	v3 =	vadd.f32 v4, v3;
	v4 =	vmul.f32 v5, v45  }
0x72d: {  	v5 =	vld.idx.msk [tilespmem:v8+s3+$0x0], $0xffff  }
0x72e: {  	v8 =	vor.u32 $0x26, v2;
	v3 =	vadd.f32 v4, v3;
	v4 =	vmul.f32 v6, v46  }
0x72f: {  	v6 =	vld.idx.msk [tilespmem:v9+s3+$0x0], $0xffff  }
0x730: {  	v9 =	vor.u32 $0x27, v2;
	v3 =	vadd.f32 v4, v3;
	v4 =	vmul.f32 v7, v47  }
0x731: {  	v7 =	vld.idx.msk [tilespmem:v10+s3+$0x0], $0xffff  }
0x732: {  	v10 =	vor.u32 $0x28, v2;
	v3 =	vadd.f32 v4, v3;
	v4 =	vmul.f32 v5, v48  }
0x733: {  	v5 =	vld.idx.msk [tilespmem:v8+s3+$0x0], $0xffff  }
0x734: {  	v8 =	vor.u32 $0x29, v2;
	v3 =	vadd.f32 v4, v3;
	v4 =	vmul.f32 v6, v49  }
0x735: {  	v6 =	vld.idx.msk [tilespmem:v9+s3+$0x0], $0xffff  }
0x736: {  	v9 =	vor.u32 $0x2A, v2;
	v3 =	vadd.f32 v4, v3;
	v4 =	vmul.f32 v7, v50  }
0x737: {  	v7 =	vld.idx.msk [tilespmem:v10+s3+$0x0], $0xffff  }
0x738: {  	v10 =	vor.u32 $0x2B, v2;
	v3 =	vadd.f32 v4, v3;
	v4 =	vmul.f32 v5, v51  }
0x739: {  	v5 =	vld.idx.msk [tilespmem:v8+s3+$0x0], $0xffff  }
0x73a: {  	v8 =	vor.u32 $0x2C, v2;
	v3 =	vadd.f32 v4, v3;
	v4 =	vmul.f32 v6, v52  }
0x73b: {  	v6 =	vld.idx.msk [tilespmem:v9+s3+$0x0], $0xffff  }
0x73c: {  	v9 =	vor.u32 $0x2D, v2;
	v3 =	vadd.f32 v4, v3;
	v4 =	vmul.f32 v7, v53  }
0x73d: {  	v7 =	vld.idx.msk [tilespmem:v10+s3+$0x0], $0xffff  }
0x73e: {  	v10 =	vor.u32 $0x2E, v2;
	v3 =	vadd.f32 v4, v3;
	v4 =	vmul.f32 v5, v54  }
0x73f: {  	v5 =	vld.idx.msk [tilespmem:v8+s3+$0x0], $0xffff  }
0x740: {  	v8 =	vor.u32 $0x2F, v2;
	v3 =	vadd.f32 v4, v3;
	v4 =	vmul.f32 v6, v55  }
0x741: {  	v6 =	vld.idx.msk [tilespmem:v9+s3+$0x0], $0xffff  }
0x742: {  	v9 =	vor.u32 $0x30, v2;
	v3 =	vadd.f32 v4, v3;
	v4 =	vmul.f32 v7, v56  }
0x743: {  	v7 =	vld.idx.msk [tilespmem:v10+s3+$0x0], $0xffff  }
0x744: {  	v10 =	vor.u32 $0x31, v2;
	v3 =	vadd.f32 v4, v3;
	v4 =	vmul.f32 v5, v57  }
0x745: {  	v5 =	vld.idx.msk [tilespmem:v8+s3+$0x0], $0xffff  }
0x746: {  	v8 =	vor.u32 $0x32, v2;
	v3 =	vadd.f32 v4, v3;
	v4 =	vmul.f32 v6, v58  }
0x747: {  	v6 =	vld.idx.msk [tilespmem:v9+s3+$0x0], $0xffff  }
0x748: {  	v9 =	vor.u32 $0x33, v2;
	v3 =	vadd.f32 v4, v3;
	v4 =	vmul.f32 v7, v59  }
0x749: {  	v7 =	vld.idx.msk [tilespmem:v10+s3+$0x0], $0xffff  }
0x74a: {  	v10 =	vor.u32 $0x34, v2;
	v3 =	vadd.f32 v4, v3;
	v4 =	vmul.f32 v5, v60  }
0x74b: {  	v5 =	vld.idx.msk [tilespmem:v8+s3+$0x0], $0xffff  }
0x74c: {  	v8 =	vor.u32 $0x35, v2;
	v3 =	vadd.f32 v4, v3;
	v4 =	vmul.f32 v6, v61  }
0x74d: {  	v6 =	vld.idx.msk [tilespmem:v9+s3+$0x0], $0xffff  }
0x74e: {  	v9 =	vor.u32 $0x36, v2;
	v3 =	vadd.f32 v4, v3;
	v4 =	vmul.f32 v7, v62  }
0x74f: {  	v7 =	vld.idx.msk [tilespmem:v10+s3+$0x0], $0xffff  }
0x750: {  	v10 =	vor.u32 $0x37, v2;
	v3 =	vadd.f32 v4, v3;
	v4 =	vmul.f32 v5, v63  }
0x751: {  	v5 =	vld.idx.msk [tilespmem:v8+s3+$0x0], $0xffff  }
0x752: {  	v8 =	vor.u32 $0x38, v2;
	v3 =	vadd.f32 v4, v3;
	v4 =	vmul.f32 v6, v0  }
0x753: {  	v6 =	vld.idx.msk [tilespmem:v9+s3+$0x0], $0xffff  }
0x754: {  	v9 =	vor.u32 $0x39, v2;
	v3 =	vadd.f32 v4, v3;
	v4 =	vmul.f32 v7, v1  }
0x755: {  	v7 =	vld.idx.msk [tilespmem:v10+s3+$0x0], $0xffff  }
0x756: {  	v10 =	vor.u32 $0x3A, v2;
	v3 =	vadd.f32 v4, v3;
	v4 =	vmul.f32 v5, v14  }
0x757: {  	v5 =	vld.idx.msk [tilespmem:v8+s3+$0x0], $0xffff  }
0x758: {  	v8 =	vor.u32 $0x3B, v2;
	v3 =	vadd.f32 v4, v3;
	v4 =	vmul.f32 v6, v16  }
0x759: {  	v6 =	vld.idx.msk [tilespmem:v9+s3+$0x0], $0xffff  }
0x75a: {  	v9 =	vor.u32 $0x3C, v2;
	v3 =	vadd.f32 v4, v3;
	v4 =	vmul.f32 v7, v17  }
0x75b: {  	v7 =	vld.idx.msk [tilespmem:v10+s3+$0x0], $0xffff  }
0x75c: {  	v10 =	vor.u32 $0x3D, v2;
	v3 =	vadd.f32 v4, v3;
	v4 =	vmul.f32 v5, v18  }
0x75d: {  	v5 =	vld.idx.msk [tilespmem:v8+s3+$0x0], $0xffff  }
0x75e: {  	v3 =	vadd.f32 v4, v3;
	v4 =	vmul.f32 v6, v20  }
0x75f: {  	v8 =	vor.u32 $0x3E, v2;
	v6 =	vld.idx.msk [tilespmem:v9+s3+$0x0], $0xffff  }
0x760: {  	s29 =	sadd.s32 $0x10, s29;
	v9 =	vor.u32 $0x3F, v2;
	v2 =	vadd.f32 v4, v3;
	v3 =	vmul.f32 v7, v19  }
0x761: {  	p1 =	sne.s32 s5, s29;
	v7 =	vld.idx.msk [tilespmem:v10+s3+$0x0], $0xffff  }
.Ltmp6:
0x762: {  	v4 =	vmul.f32 v5, v21;
	v3 =	vadd.f32 v3, v2;
	(pc) =	sbr.rel @p1 .LBB2_12-.Ltmp6, $4  }
0x763: {  	_ = 	snop  }
0x764: {  	v5 =	vmul.f32 v6, v22;
	v4 =	vadd.f32 v4, v3  }
0x765: {  	v2 =	vld.idx.msk [tilespmem:v8+s3+$0x0], $0xffff  }
0x766: {  	v10 =	vmov v12;
	v3 =	vld.idx.msk [tilespmem:v9+s3+$0x0], $0xffff;
	v4 =	vadd.f32 v5, v4;
	v5 =	vmul.f32 v7, v23  }
.LBB2_13:
0x767: {  	_ =	sdelay $0x2  }
0x768: {  	v0 =	vadd.f32 v5, v4;
	v1 =	vmul.f32 v2, v15;
	_ =	sdelay $0x1  }
0x769: {  	p4 =	sne.s32 s6, $0x1;
	v0 =	vadd.f32 v1, v0;
	v1 =	vmul.f32 v3, v13  }
.Ltmp7:
0x76a: {  	_ = 	snop;
	(pc) =	sbr.rel @!p4 .LBB2_15-.Ltmp7, $4  }
0x76b: {  	s0 =	sadd.s32 @p0 $0x10, s28;
	v0 =	vadd.f32 v1, v0  }
0x76c: {  	s26 =	smov.u32 @p0 s0  }
0x76d: {  	[tilespmem:s26+$0x0] =	vst v0;
	s26 =	simm.s32 $0xD080  }
0x76e: {  	s28 =	sadd.s32 $0xFFFFFFFF, s6;
	s29 =	simm.s32 $0xD080;
	v14 =	vlaneseq.u32;
	v0 =	vimm.f32 $-3.000000010e+38;
	v1 =	vld [tilespmem:s26+$0x0]  }
.LBB2_14:
0x76f: {  	p0 =	sne.s32 s28, $0x1  }
.Ltmp8:
0x770: {  	_ = 	snop;
	(pc) =	sbr.rel @p0 .LBB2_14-.Ltmp8, $3  }
0x771: {  	_ =	sdelay $0x1  }
0x772: {  	s28 =	sadd.s32 $0xFFFFFFFF, s28;
	s29 =	sadd.s32 $0x10, s29;
	v0 =	vmax.f32 v0, v1  }
0x773: {  	v1 =	vld [tilespmem:s29+$0x0]  }
.LBB2_15:
0x774: {  	_ =	sdelay $0x3  }
0x775: {  	v0 =	vmax.f32 v0, v1  }
0x776: {  	(xrf0) =	vmax.scan.msk.f32 $0xffff, v0;
	_ =	sdelay $0x2  }
.Ltmp9:
0x777: {  	_ = 	snop;
	(pc) =	sbr.rel @!p4 .LBB2_16-.Ltmp9, $3  }
0x778: {  	_ =	sdelay $0x1  }
0x779: {  	s28 =	sadd.s32 $0xFFFFFFFF, s6;
	p0 =	por $0x0, $0x0;
	v0, _, _ =	vpop (xrf0)  }
0x77a: {  	v2 =	vimm.s32 $0x77359400;
	p1 =	por $0x0, $0x0;
	p2 =	por $0x0, $0x0;
	p3 =	por $0x0, $0x0;
	v1 =	vimm.f32 $0.0e+00;
	v0 =	vbroadcast v0, $0xF  }
0x77b: {  	p4 =	sne.s32 s28, $0x1  }
.Ltmp10:
0x77c: {  	_ = 	snop;
	(pc) =	sbr.rel @!p4 .LBB2_18-.Ltmp10, $2  }
0x77d: {  	_ =	sdelay $0x2  }
0x77e: {  	s28 =	sadd.s32 $0xFFFFFFFF, s28;
	v3 =	vld [tilespmem:s26+$0x0];
	p0 =	por $0x1, $0x1  }
0x77f: {  	p4 =	sne.s32 s28, $0x1  }
.Ltmp11:
0x780: {  	_ = 	snop;
	(pc) =	sbr.rel @!p4 .LBB2_20-.Ltmp11, $3  }
0x781: {  	_ =	sdelay $0x1  }
0x782: {  	v5 =	vor.u32 s16, v14;
	s29 =	simm.s32 $0xD090;
	vm0 =	vge.f32 v3, v0  }
0x783: {  	s30 =	sadd.s32 $0xFFFFFFFF, s28;
	p1 =	por $0x1, $0x1;
	v4 =	vsub.f32 v3, v0;
	v3 =	vld [tilespmem:s29+$0x0];
	v9 =	vnsel vm0, $0x77359400, v5  }
0x784: {  	p4 =	sne.s32 s30, $0x1  }
.Ltmp12:
0x785: {  	_ = 	snop;
	(pc) =	sbr.rel @!p4 .LBB2_22-.Ltmp12, $4  }
0x786: {  	_ = 	snop  }
0x787: {  	vm0 =	vlt.s32 v2, v9;
	s28 =	sadd.s32 $0x10, s16;
	v4 =	vmul.f32 $1.442695020e+00, v4  }
0x788: {  	s29 =	simm.s32 $0xD0A0;
	v5 =	vor.u32 s28, v14;
	v8 =	vsel vm0, v2, v9;
	vm1 =	vge.f32 v3, v0  }
0x789: {  	s30 =	sadd.s32 $0xFFFFFFFF, s30;
	p2 =	por $0x1, $0x1;
	(erf) = vpow2.f32 v4;
	v7 =	vsub.f32 v3, v0;
	v3 =	vld [tilespmem:s29+$0x0];
	v10 =	vnsel vm1, $0x77359400, v5  }
0x78a: {  	_ =	sdelay $0x2  }
0x78b: {  	p4 =	sne.s32 s30, $0x1;
	v6 =	vmul.f32 $1.442695020e+00, v7  }
.Ltmp13:
0x78c: {  	_ = 	snop;
	(pc) =	sbr.rel @!p4 .LBB2_24-.Ltmp13, $4  }
0x78d: {  	(erf) = vpow2.f32 v6  }
0x78e: {  	vm0 =	vlt.s32 v8, v10;
	s28 =	sadd.s32 $0x10, s28  }
0x78f: {  	s29 =	simm.s32 $0xD0B0;
	v9 =	vor.u32 s28, v14;
	v4 =	vsub.f32 v3, v0;
	vm15 =	vge.f32 v3, v0  }
0x790: {  	s30 =	sadd.s32 $0xFFFFFFFF, s30;
	p3 =	por $0x1, $0x1;
	v5 =	vsel vm0, v8, v10;
	v6 =	vimm.f32 $0.0e+00;
	v3 =	vld [tilespmem:s29+$0x0];
	v9 =	vnsel vm15, $0x77359400, v9;
	v11 =	vpop (erf)  }
.LBB2_25:
0x791: {  	p4 =	sne.s32 s30, $0x1;
	s30 =	sadd.s32 $0xFFFFFFFF, s30;
	v4 =	vmul.f32 $1.442695020e+00, v4;
	vm0 =	vlt.s32 v5, v9;
	v6 =	vadd.f32 v11, v6  }
.Ltmp14:
0x792: {  	v5 =	vsel vm0, v5, v9;
	(pc) =	sbr.rel @p4 .LBB2_25-.Ltmp14, $4  }
0x793: {  	(erf) = vpow2.f32 v4  }
0x794: {  	s28 =	sadd.s32 $0x10, s28  }
0x795: {  	s29 =	sadd.s32 $0x10, s29;
	v9 =	vor.u32 s28, v14;
	v4 =	vsub.f32 v3, v0;
	vm0 =	vge.f32 v3, v0  }
0x796: {  	v3 =	vld [tilespmem:s29+$0x0];
	v9 =	vnsel vm0, $0x77359400, v9;
	v11 =	vpop (erf)  }
0x797: {  	_ = 	snop  }
.LBB2_27:
0x798: {  	s0 =	sadd.s32 @p0 $0x10, s29  }
0x799: {  	s28 =	sadd.s32 @p1 $0x10, s28;
	s29 =	smov.u32 s16;
	s26 =	smov.u32 @p0 s0  }
0x79a: {  	vm0 =	vlt.s32 @p1 v5, v9;
	v4 =	vmul.f32 @p1 $1.442695020e+00, v4;
	s29 =	smov.u32 @p1 s28;
	v15 =	vld [tilespmem:s26+$0x0]  }
0x79b: {  	v13 =	vsub.f32 @p0 v3, v0;
	vm1 =	vge.f32 @p0 v3, v0;
	v3 =	vor.u32 @p0 s29, v14  }
0x79c: {  	v5 =	vsel @p1 vm0, v5, v9;
	s0 =	sadd.s32 @p0 $0x10, s29;
	s26 =	smov.u32 s16;
	(erf) = vpow2.f32 @p1 v4;
	v3 =	vnsel @p0 vm1, $0x77359400, v3  }
0x79d: {  	v5 =	vpsel p1, v5, v8;
	s26 =	smov.u32 @p0 s0;
	v7 =	vpsel p0, v13, v7;
	v3 =	vpsel p0, v3, v10  }
0x79e: {  	v56 =	vor.u32 s26, v14;
	v4 =	vmul.f32 @p0 $1.442695020e+00, v7;
	vm0 =	vlt.s32 @p0 v5, v3  }
0x79f: {  	v3 =	vsel @p0 vm0, v5, v3;
	vm15 =	vge.f32 v15, v0;
	v58 =	vsub.f32 v15, v0  }
0x7a0: {  	(erf) = vpow2.f32 @p0 v4;
	v57 =	vnsel vm15, $0x77359400, v56;
	v2 =	vpsel p0, v3, v2  }
0x7a1: {  	vm0 =	vlt.s32 v2, v57;
	v3 =	vmul.f32 $1.442695020e+00, v58  }
0x7a2: {  	v4 =	vadd.f32 @p3 v11, v6;
	v2 =	vsel vm0, v2, v57  }
0x7a3: {  	v5 =	vpop @p2 (erf);
	v2 =	vxor.u32 $0x80000000, v2  }
0x7a4: {  	(erf) = vpow2.f32 v3;
	(xrf0) =	vmin.scan.msk.u32 $0xffff, v2;
	v2 =	vpsel p3, v4, v1;
	v4 =	vpsel p2, v5, v0  }
0x7a5: {  	v2 =	vadd.f32 @p2 v4, v2;
	v3 =	vpop @p1 (erf)  }
0x7a6: {  	v3 =	vpsel p1, v3, v0  }
0x7a7: {  	v2 =	vpsel p2, v2, v1  }
0x7a8: {  	v2 =	vadd.f32 @p1 v3, v2  }
0x7a9: {  	v3 =	vpop @p0 (erf)  }
0x7aa: {  	v59, _, _ =	vpop (xrf0);
	v2 =	vpsel p1, v2, v1;
	v3 =	vpsel p0, v3, v0  }
0x7ab: {  	(v2sf) =	vpush v59, $0xF;
	v2 =	vadd.f32 @p0 v3, v2;
	_ =	sdelay $0x1  }
0x7ac: {  	v60 =	vpop (erf);
	v61 =	vpsel p0, v2, v1  }
0x7ad: {  	v1 =	vadd.f32 v60, v61;
	_ =	sdelay $0x1  }
0x7ae: {  	(xrf2) =	vadd.scan.msk.f32 $0xffff, v1  }
0x7af: {  	[tilespmem:$0x14B00] =	vst v0  }
0x7b0: {  	[tilespmem:$0x14B80] =	vst v0  }
0x7b1: {  	[tilespmem:$0x14C00] =	vst v0  }
0x7b2: {  	[tilespmem:$0x14C80] =	vst v0  }
0x7b3: {  	[tilespmem:$0x14D00] =	vst v0  }
0x7b4: {  	[tilespmem:$0x14D80] =	vst v0  }
0x7b5: {  	[tilespmem:$0x14E00] =	vst v0  }
0x7b6: {  	[tilespmem:$0x14E80] =	vst v0  }
0x7b7: {  	[hbm4b:s12+s3] =	stream.linear.scatter [tilespmem:s22], [sflag:$0x4], $0x400, $0x38;
	[tilespmem:$0x15300] =	vst v63  }
0x7b8: {  	s31 =	spop (v2sf);
	v62, _, _ =	vpop (xrf2)  }
0x7b9: {  	_ =	swait.ge [sflag:s23], $0x400  }
0x7ba: {  	v0 =	vbroadcast v62, $0xF;
	[sflag:s23] =	ssyncset.done $0x0  }
0x7bb: {  	[sflag:s23] =	ssyncadd.s32 $0xFFFFFC00  }
0x7bc: {  	[tilespmem:$0x14B00] =	vst v0  }
0x7bd: {  	[tilespmem:$0x14B80] =	vst v0  }
0x7be: {  	[tilespmem:$0x14C00] =	vst v0  }
0x7bf: {  	[tilespmem:$0x14C80] =	vst v0  }
0x7c0: {  	[tilespmem:$0x14D00] =	vst v0  }
0x7c1: {  	[tilespmem:$0x14D80] =	vst v0  }
0x7c2: {  	[tilespmem:$0x14E00] =	vst v0  }
0x7c3: {  	[tilespmem:$0x14E80] =	vst v0  }
0x7c4: {  	[hbm4b:s13+s3] =	stream.linear.scatter [tilespmem:s22], [sflag:$0x4], $0x400, $0x38;
	[tilespmem:$0x15300] =	vst v63  }
0x7c5: {  	_ =	swait.ge [sflag:s23], $0x400  }
0x7c6: {  	s0 =	sxor.u32 $0x80000000, s31;
	[sflag:s23] =	ssyncset.done $0x0  }
0x7c7: {  	v63 =	vmov s0;
	[sflag:s23] =	ssyncadd.s32 $0xFFFFFC00  }
0x7c8: {  	[tilespmem:$0x14F00] =	vst v63  }
0x7c9: {  	[tilespmem:$0x14F80] =	vst v63  }
0x7ca: {  	[tilespmem:$0x15000] =	vst v63  }
0x7cb: {  	[tilespmem:$0x15080] =	vst v63  }
0x7cc: {  	[tilespmem:$0x15100] =	vst v63  }
0x7cd: {  	[tilespmem:$0x15180] =	vst v63  }
0x7ce: {  	s25 =	sadd.s32 $0x1, s25;
	[tilespmem:$0x15200] =	vst v63  }
0x7cf: {  	p0 =	sne.s32 s25, s15;
	[tilespmem:$0x15280] =	vst v63  }
0x7d0: {  	[hbm4b:s14+s3] =	stream.linear.scatter [tilespmem:s24], [sflag:$0x4], $0x400, $0x38;
	[tilespmem:$0x15300] =	vst v63  }
.Ltmp15:
0x7d1: {  	_ = 	snop;
	(pc) =	sbr.rel @p0 .LBB2_1-.Ltmp15, $4  }
.Ltmp16:
0x7d2: {  	_ = 	snop;
	(pc) =	sbr.rel @!p0 .LBB2_28-.Ltmp16, $4  }
0x7d3: {  	_ =	swait.ge [sflag:s23], $0x400  }
0x7d4: {  	[sflag:s23] =	ssyncset.done $0x0  }
0x7d5: {  	v10 =	vmov v12;
	[sflag:s23] =	ssyncadd.s32 $0xFFFFFC00  }
0x7d6: {  	_ = 	snop  }
.LBB2_9:
.Ltmp17:
0x7d7: {  	(pc) =	sbr.rel .LBB2_13-.Ltmp17, $2  }
0x7d8: {  	_ =	sdelay $0x2  }
0x7d9: {  	s28 =	simm.s32 $0x14A60  }
.LBB2_16:
.Ltmp18:
0x7da: {  	(pc) =	sbr.rel .LBB2_27-.Ltmp18, $2  }
0x7db: {  	_ =	sdelay $0x2  }
0x7dc: {  	v5 =	vimm.s32 $0x77359400;
	v6 =	vimm.f32 $0.0e+00;
	s28 =	smov.u32 s16;
	s29 =	simm.s32 $0xD080;
	v8 =	vimm.s32 $0x77359400  }
.LBB2_11:
.Ltmp19:
0x7dd: {  	(pc) =	sbr.rel .LBB2_13-.Ltmp19, $2  }
0x7de: {  	_ =	sdelay $0x2  }
0x7df: {  	s28 =	simm.s32 $0x14A60  }
.LBB2_18:
.Ltmp20:
0x7e0: {  	(pc) =	sbr.rel .LBB2_27-.Ltmp20, $2  }
0x7e1: {  	_ =	sdelay $0x2  }
0x7e2: {  	v5 =	vimm.s32 $0x77359400;
	v6 =	vimm.f32 $0.0e+00;
	s28 =	smov.u32 s16;
	s29 =	simm.s32 $0xD080;
	v8 =	vimm.s32 $0x77359400  }
.LBB2_20:
.Ltmp21:
0x7e3: {  	(pc) =	sbr.rel .LBB2_27-.Ltmp21, $2  }
0x7e4: {  	_ =	sdelay $0x2  }
0x7e5: {  	v5 =	vimm.s32 $0x77359400;
	v6 =	vimm.f32 $0.0e+00;
	s28 =	smov.u32 s16;
	v8 =	vimm.s32 $0x77359400  }
.LBB2_22:
.Ltmp22:
0x7e6: {  	(pc) =	sbr.rel .LBB2_27-.Ltmp22, $2  }
0x7e7: {  	_ =	sdelay $0x2  }
0x7e8: {  	v5 =	vmovc v8;
	v9 =	vmov v10;
	v6 =	vimm.f32 $0.0e+00;
	v4 =	vmov v7  }
.LBB2_24:
.Ltmp23:
0x7e9: {  	(pc) =	sbr.rel .LBB2_27-.Ltmp23, $2  }
0x7ea: {  	_ =	sdelay $0x2  }
0x7eb: {  	v6 =	vimm.f32 $0.0e+00  }
.LBB2_28:
0x7ec: {  	_ =	sfence.sel $0x180000  }
0x7ed: {  	[bflag:$0x0] =	sbarrier.arrive $0xFFFF  }
0x7ee: {  	_ =	strace $0x90000047  }
0x7ef: {  	[bflag:$0x2] =	sbarrier.arrive $0xFFFF  }
0x7f0: {  	p0 =	sne.s32 s1, $0x0;
	s0 =	rddreg [dreg:$0x2]  }
0x7f1: {  	s0 =	sadd.s32 @!p0 $0x100000, s0  }
0x7f2: {  	[sflag:s0] =	ssyncadd.tile.s32 @!p0 $0x1;
	_ =	shalt  }
.Lfunc_end2:
_tile_overlayer_lowered:
.L_overlay_start_2:
0x7f3: {  	(tag) =	ssettag $0x2  }
0x7f4: {  	s0 =	rddreg [dreg:$0x0];
	s2 =	stileid.u32  }
0x7f5: {  	s1 =	rddreg [dreg:$0x1];
	p0 =	sne.s32 s2, $0x0  }
0x7f6: {  	s3 =	rddreg [dreg:$0x2];
	[bflag:$0x3] =	sbarrier.arrive $0xFFFF;
	s2 =	simm.s32 @!p0 $0x1C04  }
0x7f7: {  	[timem:s3], [sflag:s2] =	dma.local @!p0 [hbm:s0], s1  }
0x7f8: {  	s0 =	simm.s32 @!p0 $0x4  }
0x7f9: {  	_ =	swait.ge @!p0 [sflag:s0], s1  }
0x7fa: {  	s1 =	ssub.s32 @!p0 $0x0, s1;
	[sflag:s0] =	ssyncset.done @!p0 $0x0  }
0x7fb: {  	[sflag:s0] =	ssyncadd.s32 @!p0 s1  }
0x7fc: {  	[bflag:$0x3] =	sbarrier.arrive $0xFFFF  }
0x7fd: {  	_ =	shalt  }

</sc_bundles>
